<compile_context>
chip_gen: v7x
topology: tpu7x:2x2x1
jax: 0.10.2.dev20260603
libtpu: 0.0.44.dev20260713+nightly
codegen_flags: <defaults>
</compile_context>

<pallas_src>
import functools

import jax
import jax.numpy as jnp
from jax import lax
from jax.experimental import pallas as pl
from jax.experimental.pallas import tpu as pltpu
from jax.experimental.pallas import tpu_sc as plsc

N = 10000
D = 128
H = 128
ODE_TIME = 1.0

NP = 10240
NPT = NP // 16
NC = 2
NS = 16
L = 16


def _hw_body(x_ref, wint_ref, bin_ref, wgcnt_ref, out_ref):
    h = lax.dot_general(x_ref[...], wint_ref[...], (((1,), (0,)), ((), ())),
                        preferred_element_type=jnp.float32)
    h = jnp.maximum(h + bin_ref[...], 0.0)
    out_ref[...] = lax.dot_general(h, wgcnt_ref[...], (((1,), (0,)), ((), ())),
                                   preferred_element_type=jnp.float32)


def _compute_hw(x, W_inT, b_in2, W_gcnT):
    blk = 128
    grid = NP // blk
    return pl.pallas_call(
        _hw_body,
        grid=(grid,),
        in_specs=[
            pl.BlockSpec((blk, D), lambda b: (b, 0)),
            pl.BlockSpec((D, H), lambda b: (0, 0)),
            pl.BlockSpec((1, H), lambda b: (0, 0)),
            pl.BlockSpec((H, H), lambda b: (0, 0)),
        ],
        out_specs=pl.BlockSpec((blk, H), lambda b: (b, 0)),
        out_shape=jax.ShapeDtypeStruct((NP, H), jnp.float32),
    )(x, W_inT, b_in2, W_gcnT)


def _expm_body(w_ref, out_ref):
    a = w_ref[...] * (ODE_TIME / 16.0)
    eye = jnp.eye(H, dtype=jnp.float32)
    acc = eye + a
    term = a
    for k in range(2, 13):
        term = lax.dot_general(term, a, (((1,), (0,)), ((), ())),
                               preferred_element_type=jnp.float32,
                        precision=lax.Precision.HIGHEST) * (1.0 / k)
        acc = acc + term
    for _ in range(4):
        acc = lax.dot_general(acc, acc, (((1,), (0,)), ((), ())),
                              preferred_element_type=jnp.float32,
                        precision=lax.Precision.HIGHEST)
    out_ref[...] = acc


def _compute_expm(W_ode):
    return pl.pallas_call(
        _expm_body,
        out_shape=jax.ShapeDtypeStruct((H, H), jnp.float32),
    )(W_ode)


def _sc_body(rp_h, cp_h, ew_h, hw_h, z2_h, z1_h, s2_h, degp_h,
             agg_s, dinv_s,
             cblk, rblk, eblk, gbufA, gbufB, dinvb, dbuf, nbuf,
             gsem0, gsem1, ssem0, ssem1, dsem):
    c = lax.axis_index("c")
    s = lax.axis_index("s")
    g = c * NS + s
    nrows = cp_h.shape[0]
    deg_rows = nrows // NS
    agg_rows = nrows // (NC * NS)

    with jax.named_scope("ph_zero"):
        pltpu.sync_copy(z2_h, agg_s.at[pl.ds(s * NPT, NPT)])
        pltpu.sync_copy(z1_h, dinvb)
        plsc.subcore_barrier()

    def deg_outer(t, carry):
        base = s * deg_rows + t * 8
        pltpu.sync_copy(cp_h.at[pl.ds(base, 8)], cblk)
        pltpu.sync_copy(ew_h.at[pl.ds(base, 8)], eblk)
        for j in range(8):
            def deg_vec(k, carry2, _j=j):
                cv = cblk[_j, pl.ds(k * L, L)]
                ev = eblk[_j, pl.ds(k * L, L)]
                plsc.addupdate_scatter(dinvb, [cv], ev)
                return carry2
            lax.fori_loop(0, 128 // L, deg_vec, 0)
        return carry

    with jax.named_scope("ph_deg"):
        lax.fori_loop(0, deg_rows // 8, deg_outer, 0)
        pltpu.sync_copy(dinvb, degp_h.at[g])
        plsc.subcore_barrier()

    descs = [pltpu.async_copy(
        degp_h.at[c * NS + t, pl.ds(s * NPT, NPT)],
        dinvb.at[pl.ds(t * NPT, NPT)], dsem) for t in range(NS)]
    for d in descs:
        d.wait()

    def seg_sum(k, carry):
        acc = dinvb[pl.ds(k * L, L)]
        for t in range(1, NS):
            acc = acc + dinvb[pl.ds(t * NPT + k * L, L)]
        dbuf[pl.ds(k * L, L)] = acc
        return carry

    lax.fori_loop(0, NPT // L, seg_sum, 0)


    def rsqrt_body(k, carry):
        v = dbuf[pl.ds(k * L, L)]
        sq = (v + 1.0) * 0.5
        for _ in range(7):
            sq = (sq + v / sq) * 0.5
        dbuf[pl.ds(k * L, L)] = 1.0 / sq
        return carry

    with jax.named_scope("ph_rsqrt"):
        lax.fori_loop(0, NPT // L, rsqrt_body, 0)
        pltpu.sync_copy(dbuf, dinv_s.at[pl.ds(s * NPT, NPT)])
        plsc.subcore_barrier()
        pltpu.sync_copy(dinv_s, dinvb)

    gbs = (gbufA, gbufB)
    gsems = (gsem0, gsem1)
    ssems = (ssem0, ssem1)

    def agg_outer(t, carry):
        base = g * agg_rows + t * 8
        pltpu.sync_copy(cp_h.at[pl.ds(base, 8)], cblk)
        pltpu.sync_copy(rp_h.at[pl.ds(base, 8)], rblk)
        pltpu.sync_copy(ew_h.at[pl.ds(base, 8)], eblk)

        pltpu.async_copy(hw_h.at[rblk.at[0]], gbs[0], gsems[0])
        for j in range(8):
            p = j % 2
            q = 1 - p
            gb = gbs[p]
            pltpu.make_async_copy(hw_h.at[rblk.at[j]], gb, gsems[p]).wait()
            if j + 1 < 8:
                if j >= 1:
                    pltpu.make_async_copy(
                        gbs[q], agg_s.at[cblk.at[j - 1]], ssems[q]).wait()
                pltpu.async_copy(hw_h.at[rblk.at[j + 1]], gbs[q], gsems[q])

            def norm_body(k, carry3, _j=j):
                rv = rblk[_j, pl.ds(k * L, L)]
                cv = cblk[_j, pl.ds(k * L, L)]
                ev = eblk[_j, pl.ds(k * L, L)]
                dr = plsc.load_gather(dinvb, [rv])
                dc = plsc.load_gather(dinvb, [cv])
                nbuf[pl.ds(k * L, L)] = dr * ev * dc
                return carry3

            lax.fori_loop(0, 128 // L, norm_body, 0)

            def row_body(m, carry3, _gb=gb):
                bm = plsc.load_gather(nbuf, [lax.broadcast(m, (L,))])
                for k in range(H // L):
                    _gb[m, pl.ds(k * L, L)] = _gb[m, pl.ds(k * L, L)] * bm
                return carry3

            lax.fori_loop(0, 128, row_body, 0)
            pltpu.async_copy(gb, agg_s.at[cblk.at[j]], ssems[p], add=True)

        pltpu.make_async_copy(gbs[0], agg_s.at[cblk.at[6]], ssems[0]).wait()
        pltpu.make_async_copy(gbs[1], agg_s.at[cblk.at[7]], ssems[1]).wait()
        return carry

    with jax.named_scope("ph_agg"):
        lax.fori_loop(0, agg_rows // 8, agg_outer, 0)
        plsc.subcore_barrier()

    with jax.named_scope("ph_out"):
        pltpu.sync_copy(agg_s.at[pl.ds(s * NPT, NPT)],
                        s2_h.at[pl.ds(c * NP + s * NPT, NPT)])


def _compute_agg(rp2, cp2, ew2, hw, z2, z1):
    nrows = rp2.shape[0]
    body = functools.partial(_sc_body)
    return pl.kernel(
        body,
        out_type=(jax.ShapeDtypeStruct((NC * NP, H), jnp.float32),
                  jax.ShapeDtypeStruct((NC * NS, NP), jnp.float32)),
        mesh=plsc.VectorSubcoreMesh(core_axis_name="c", subcore_axis_name="s"),
        compiler_params=pltpu.CompilerParams(needs_layout_passes=False),
        scratch_types=[
            pltpu.VMEM_SHARED((NP, H), jnp.float32),
            pltpu.VMEM_SHARED((NP,), jnp.float32),
            pltpu.VMEM((8, 128), jnp.int32),
            pltpu.VMEM((8, 128), jnp.int32),
            pltpu.VMEM((8, 128), jnp.float32),
            pltpu.VMEM((128, H), jnp.float32),
            pltpu.VMEM((128, H), jnp.float32),
            pltpu.VMEM((NP,), jnp.float32),
            pltpu.VMEM((NPT,), jnp.float32),
            pltpu.VMEM((128,), jnp.float32),
            pltpu.SemaphoreType.DMA,
            pltpu.SemaphoreType.DMA,
            pltpu.SemaphoreType.DMA,
            pltpu.SemaphoreType.DMA,
            pltpu.SemaphoreType.DMA,
        ],
    )(rp2, cp2, ew2, hw, z2, z1)


def _out_body(s0_ref, s1_ref, mt_ref, wout_ref, bout_ref, o_ref):
    t = jnp.maximum(s0_ref[...] + s1_ref[...], 0.0)
    u = lax.dot_general(t, mt_ref[...], (((1,), (0,)), ((), ())),
                        preferred_element_type=jnp.float32)
    o_ref[...] = jnp.sum(u * wout_ref[...], axis=1) + bout_ref[0, 0]


def _compute_out(S2, MT, W_out, b_out2):
    blk = 128
    grid = NP // blk
    return pl.pallas_call(
        _out_body,
        grid=(grid,),
        in_specs=[
            pl.BlockSpec((blk, H), lambda b: (b, 0)),
            pl.BlockSpec((blk, H), lambda b, _g=grid: (b + _g, 0)),
            pl.BlockSpec((H, H), lambda b: (0, 0)),
            pl.BlockSpec((1, H), lambda b: (0, 0)),
            pl.BlockSpec(memory_space=pltpu.SMEM),
        ],
        out_specs=pl.BlockSpec((blk,), lambda b: (b,)),
        out_shape=jax.ShapeDtypeStruct((NP,), jnp.float32),
    )(S2, S2, MT, W_out, b_out2)


def kernel(x, edge_index, edge_weight, W_in, b_in, W_gcn, W_ode, W_out, b_out):
    E0 = edge_index.shape[1]
    nrows = -(-(E0 + N) // (128 * 256)) * 256
    EP = nrows * 128
    pad = EP - (E0 + N)

    loop = jnp.arange(N, dtype=jnp.int32)
    zi = jnp.zeros((pad,), jnp.int32)
    rp = jnp.concatenate([edge_index[0].astype(jnp.int32), loop, zi])
    cp = jnp.concatenate([edge_index[1].astype(jnp.int32), loop, zi])
    ew = jnp.concatenate([edge_weight.astype(jnp.float32),
                          jnp.ones((N,), jnp.float32),
                          jnp.zeros((pad,), jnp.float32)])
    rp2 = rp.reshape(nrows, 128)
    cp2 = cp.reshape(nrows, 128)
    ew2 = ew.reshape(nrows, 128)

    z2 = jnp.zeros((NPT, H), jnp.float32)
    z1 = jnp.zeros((NP,), jnp.float32)

    xp = jnp.concatenate([x, jnp.zeros((NP - N, D), jnp.float32)], axis=0)
    hw = _compute_hw(xp, W_in.T, b_in.reshape(1, H), W_gcn.T)
    M = _compute_expm(W_ode)
    S2, _ = _compute_agg(rp2, cp2, ew2, hw, z2, z1)
    out = _compute_out(S2, M.T, W_out, b_out.reshape(1, 1))
    return out[:N]

# --- scband reference (transcript-rebuilt; emitter-appended) ---
"""Pipeline reference for scband-grand-6519760355329 (READ-ONLY COPY).

The authoritative reference and input builder live on the scoring server;
editing this copy changes nothing except your own understanding.
"""

import jax, jax.numpy as jnp
import numpy as np
from jax.scipy.linalg import expm

N = 10000
E = 320000
D = 128
H = 128
ODE_TIME = 1.0


def setup_inputs(seed: int = 0) -> dict:
    key = jax.random.key(seed)
    ks = jax.random.split(key, 10)
    x = jax.random.normal(ks[0], (N, D), dtype=jnp.float32)
    edge_index = jax.random.randint(ks[1], (2, E), 0, N, dtype=jnp.int32)
    edge_weight = jax.random.uniform(ks[2], (E,), dtype=jnp.float32)
    # learned parameters (xavier-ish scaling)
    W_in = jax.random.normal(ks[3], (H, D), dtype=jnp.float32) * float(1.0 / np.sqrt(D))
    b_in = jnp.zeros((H,), dtype=jnp.float32)
    W_gcn = jax.random.normal(ks[4], (H, H), dtype=jnp.float32) * float(1.0 / np.sqrt(H))
    W_ode = jax.random.normal(ks[5], (H, H), dtype=jnp.float32) * float(1.0 / np.sqrt(H))
    W_out = jax.random.normal(ks[6], (1, H), dtype=jnp.float32) * float(1.0 / np.sqrt(H))
    b_out = jnp.zeros((1,), dtype=jnp.float32)
    return {"x": x, "edge_index": edge_index, "edge_weight": edge_weight,
            "W_in": W_in, "b_in": b_in, "W_gcn": W_gcn, "W_ode": W_ode,
            "W_out": W_out, "b_out": b_out}


def gcn_conv(h, edge_index, edge_weight, W_gcn):
    # PyG GCNConv (bias=False): add self loops, symmetric normalization, scatter-add aggregation at target
    row = edge_index[0]
    col = edge_index[1]
    loop = jnp.arange(N, dtype=edge_index.dtype)
    r = jnp.concatenate([row, loop])
    c = jnp.concatenate([col, loop])
    ew = jnp.concatenate([edge_weight, jnp.ones((N,), dtype=edge_weight.dtype)])
    deg = jnp.zeros((N,), dtype=h.dtype).at[c].add(ew)
    dinv = jnp.where(deg > 0, 1.0 / jnp.sqrt(deg), 0.0)
    norm = dinv[r] * ew * dinv[c]
    hw = h @ W_gcn.T
    agg = jnp.zeros_like(hw).at[c].add(norm[:, None] * hw[r])
    return agg


def reference(x, edge_index, edge_weight, W_in, b_in, W_gcn, W_ode, W_out, b_out):
    # dropout inactive (eval mode)
    h = jax.nn.relu(x @ W_in.T + b_in)
    h = jax.nn.relu(gcn_conv(h, edge_index, edge_weight, W_gcn))
    # odeint(dopri5) of linear ODE dX/dt = X @ W_ode.T over t in [0, ODE_TIME];
    # exact solution: X(T) = X(0) @ expm(ODE_TIME * W_ode.T)
    h = h @ expm(ODE_TIME * W_ode.T)
    out = (h @ W_out.T + b_out).squeeze(-1)
    return out

if __name__ == "__main__":
    import jax
    _d = setup_inputs()
    print(jax.jit(kernel)(*tuple(_d.values())))

</pallas_src>

<mosaic_0001>
#map = affine_map<(d0, d1) -> (0, 0)>
#map1 = affine_map<(d0, d1) -> (0)>
module attributes {stable_mosaic.version = 14 : i64} {
  func.func @_sc_body(%arg0: i32, %arg1: i32, %arg2: memref<2816x128xi32, #tpu.memory_space<hbm>>, %arg3: memref<2816x128xi32, #tpu.memory_space<hbm>>, %arg4: memref<2816x128xf32, #tpu.memory_space<hbm>>, %arg5: memref<10240x128xf32, #tpu.memory_space<hbm>>, %arg6: memref<640x128xf32, #tpu.memory_space<hbm>>, %arg7: memref<10240xf32, #tpu.memory_space<hbm>>, %arg8: memref<20480x128xf32, #tpu.memory_space<hbm>>, %arg9: memref<32x10240xf32, #tpu.memory_space<hbm>>, %arg10: memref<10240x128xf32, #tpu.memory_space<vmem_shared>>, %arg11: memref<10240xf32, #tpu.memory_space<vmem_shared>>, %arg12: memref<8x128xi32, #tpu.memory_space<vmem>>, %arg13: memref<8x128xi32, #tpu.memory_space<vmem>>, %arg14: memref<8x128xf32, #tpu.memory_space<vmem>>, %arg15: memref<128x128xf32, #tpu.memory_space<vmem>>, %arg16: memref<128x128xf32, #tpu.memory_space<vmem>>, %arg17: memref<10240xf32, #tpu.memory_space<vmem>>, %arg18: memref<640xf32, #tpu.memory_space<vmem>>, %arg19: memref<128xf32, #tpu.memory_space<vmem>>, %arg20: memref<!tpu.dma_semaphore, #tpu.memory_space<semaphore_mem>>, %arg21: memref<!tpu.dma_semaphore, #tpu.memory_space<semaphore_mem>>, %arg22: memref<!tpu.dma_semaphore, #tpu.memory_space<semaphore_mem>>, %arg23: memref<!tpu.dma_semaphore, #tpu.memory_space<semaphore_mem>>, %arg24: memref<!tpu.dma_semaphore, #tpu.memory_space<semaphore_mem>>) attributes {dimension_semantics = [#tpu.dimension_semantics<core_parallel>, #tpu.dimension_semantics<subcore_parallel>], iteration_bounds = array<i64: 2, 16>, scalar_prefetch = 0 : i64, scratch_operands = 15 : i64, tpu.core_type = #tpu.core_type<sc_vector_subcore>, window_params = [{transform_indices = #map}, {transform_indices = #map}, {transform_indices = #map}, {transform_indices = #map}, {transform_indices = #map}, {transform_indices = #map1}, {transform_indices = #map}, {transform_indices = #map}]} {
    %mul3A = arith.constant 16 : i32
    %mul3A_0 = arith.muli %arg0, %mul3A : i32
    %add3A = arith.addi %mul3A_0, %arg1 : i32
    "tpu.trace_start"() <{level = 10 : i32, message = "ph_zero"}> : () -> ()
    %mul3A_1 = arith.constant 640 : i32
    %mul3A_2 = arith.muli %arg1, %mul3A_1 : i32
    "tpu.region"() ({
      %run_scoped3A = tpu.sem_alloc : memref<!tpu.dma_semaphore, #tpu.memory_space<semaphore_mem>>
      %dma_start3A_388 = arith.constant 0 : i32
      %dma_start3A_389 = tpu.memref_slice %arg10[%mul3A_2, %dma_start3A_388] : memref<10240x128xf32, #tpu.memory_space<vmem_shared>> -> memref<640x128xf32, #tpu.memory_space<vmem_shared>>
      tpu.enqueue_dma source(%arg6 : memref<640x128xf32, #tpu.memory_space<hbm>>) target(%dma_start3A_389 : memref<640x128xf32, #tpu.memory_space<vmem_shared>>) target_semaphore(%run_scoped3A : memref<!tpu.dma_semaphore, #tpu.memory_space<semaphore_mem>>)
      %dma_wait3A_390 = arith.constant 0 : i32
      %dma_wait3A_391 = tpu.memref_slice %arg10[%mul3A_2, %dma_wait3A_390] : memref<10240x128xf32, #tpu.memory_space<vmem_shared>> -> memref<640x128xf32, #tpu.memory_space<vmem_shared>>
      tpu.wait_dma2 semaphore(%run_scoped3A : memref<!tpu.dma_semaphore, #tpu.memory_space<semaphore_mem>>) src(%arg6 : memref<640x128xf32, #tpu.memory_space<hbm>>) dst(%dma_wait3A_391 : memref<640x128xf32, #tpu.memory_space<vmem_shared>>)
      tpu.yield
    }) : () -> ()
    "tpu.region"() ({
      %run_scoped3A = tpu.sem_alloc : memref<!tpu.dma_semaphore, #tpu.memory_space<semaphore_mem>>
      tpu.enqueue_dma source(%arg7 : memref<10240xf32, #tpu.memory_space<hbm>>) target(%arg17 : memref<10240xf32, #tpu.memory_space<vmem>>) target_semaphore(%run_scoped3A : memref<!tpu.dma_semaphore, #tpu.memory_space<semaphore_mem>>)
      tpu.wait_dma2 semaphore(%run_scoped3A : memref<!tpu.dma_semaphore, #tpu.memory_space<semaphore_mem>>) src(%arg7 : memref<10240xf32, #tpu.memory_space<hbm>>) dst(%arg17 : memref<10240xf32, #tpu.memory_space<vmem>>)
      tpu.yield
    }) : () -> ()
    %barrier3A = arith.constant 0 : index
    tpu.barrier barrier_id(%barrier3A)
    "tpu.trace_stop"() : () -> ()
    "tpu.trace_start"() <{level = 10 : i32, message = "ph_deg"}> : () -> ()
    %scan3A = arith.constant 0 : i32
    %scan3A_3 = arith.constant 0 : i32
    %scan3A_4 = arith.constant 22 : i32
    %scan3A_5 = arith.addi %scan3A_3, %scan3A_4 : i32
    %scan3A_6 = arith.constant 1 : i32
    scf.for %scan3A_388 = %scan3A_3 to %scan3A_5 step %scan3A_6  : i32 {
      %mul3A_389 = arith.constant 176 : i32
      %mul3A_390 = arith.muli %arg1, %mul3A_389 : i32
      %mul3A_391 = arith.constant 8 : i32
      %mul3A_392 = arith.muli %scan3A_388, %mul3A_391 : i32
      %add3A_393 = arith.addi %mul3A_390, %mul3A_392 : i32
      "tpu.region"() ({
        %run_scoped3A = tpu.sem_alloc : memref<!tpu.dma_semaphore, #tpu.memory_space<semaphore_mem>>
        %dma_start3A_442 = arith.constant 0 : i32
        %dma_start3A_443 = tpu.memref_slice %arg3[%add3A_393, %dma_start3A_442] : memref<2816x128xi32, #tpu.memory_space<hbm>> -> memref<8x128xi32, #tpu.memory_space<hbm>>
        %dma_start3A_444 = arith.constant 0 : i32
        %dma_start3A_445 = tpu.memref_slice %arg3[%add3A_393, %dma_start3A_444] : memref<2816x128xi32, #tpu.memory_space<hbm>> -> memref<8x128xi32, #tpu.memory_space<hbm>>
        tpu.enqueue_dma source(%dma_start3A_445 : memref<8x128xi32, #tpu.memory_space<hbm>>) target(%arg12 : memref<8x128xi32, #tpu.memory_space<vmem>>) target_semaphore(%run_scoped3A : memref<!tpu.dma_semaphore, #tpu.memory_space<semaphore_mem>>)
        %dma_wait3A_446 = arith.constant 0 : i32
        %dma_wait3A_447 = tpu.memref_slice %arg3[%add3A_393, %dma_wait3A_446] : memref<2816x128xi32, #tpu.memory_space<hbm>> -> memref<8x128xi32, #tpu.memory_space<hbm>>
        %dma_wait3A_448 = arith.constant 0 : i32
        %dma_wait3A_449 = tpu.memref_slice %arg3[%add3A_393, %dma_wait3A_448] : memref<2816x128xi32, #tpu.memory_space<hbm>> -> memref<8x128xi32, #tpu.memory_space<hbm>>
        tpu.wait_dma2 semaphore(%run_scoped3A : memref<!tpu.dma_semaphore, #tpu.memory_space<semaphore_mem>>) src(%dma_wait3A_449 : memref<8x128xi32, #tpu.memory_space<hbm>>) dst(%arg12 : memref<8x128xi32, #tpu.memory_space<vmem>>)
        tpu.yield
      }) : () -> ()
      "tpu.region"() ({
        %run_scoped3A = tpu.sem_alloc : memref<!tpu.dma_semaphore, #tpu.memory_space<semaphore_mem>>
        %dma_start3A_442 = arith.constant 0 : i32
        %dma_start3A_443 = tpu.memref_slice %arg4[%add3A_393, %dma_start3A_442] : memref<2816x128xf32, #tpu.memory_space<hbm>> -> memref<8x128xf32, #tpu.memory_space<hbm>>
        %dma_start3A_444 = arith.constant 0 : i32
        %dma_start3A_445 = tpu.memref_slice %arg4[%add3A_393, %dma_start3A_444] : memref<2816x128xf32, #tpu.memory_space<hbm>> -> memref<8x128xf32, #tpu.memory_space<hbm>>
        tpu.enqueue_dma source(%dma_start3A_445 : memref<8x128xf32, #tpu.memory_space<hbm>>) target(%arg14 : memref<8x128xf32, #tpu.memory_space<vmem>>) target_semaphore(%run_scoped3A : memref<!tpu.dma_semaphore, #tpu.memory_space<semaphore_mem>>)
        %dma_wait3A_446 = arith.constant 0 : i32
        %dma_wait3A_447 = tpu.memref_slice %arg4[%add3A_393, %dma_wait3A_446] : memref<2816x128xf32, #tpu.memory_space<hbm>> -> memref<8x128xf32, #tpu.memory_space<hbm>>
        %dma_wait3A_448 = arith.constant 0 : i32
        %dma_wait3A_449 = tpu.memref_slice %arg4[%add3A_393, %dma_wait3A_448] : memref<2816x128xf32, #tpu.memory_space<hbm>> -> memref<8x128xf32, #tpu.memory_space<hbm>>
        tpu.wait_dma2 semaphore(%run_scoped3A : memref<!tpu.dma_semaphore, #tpu.memory_space<semaphore_mem>>) src(%dma_wait3A_449 : memref<8x128xf32, #tpu.memory_space<hbm>>) dst(%arg14 : memref<8x128xf32, #tpu.memory_space<vmem>>)
        tpu.yield
      }) : () -> ()
      %scan3A_394 = arith.constant 0 : i32
      %scan3A_395 = arith.constant 0 : i32
      %scan3A_396 = arith.constant 8 : i32
      %scan3A_397 = arith.addi %scan3A_395, %scan3A_396 : i32
      %scan3A_398 = arith.constant 1 : i32
      scf.for %scan3A_442 = %scan3A_395 to %scan3A_397 step %scan3A_398  : i32 {
        %mul3A_443 = arith.constant 16 : i32
        %mul3A_444 = arith.muli %scan3A_442, %mul3A_443 : i32
        %get3A = arith.constant 0 : i32
        %get3A_445 = arith.index_cast %get3A : i32 to index
        %get3A_446 = arith.index_cast %mul3A_444 : i32 to index
        %get3A_447 = tpu.vector_load %arg12[%get3A_445, %get3A_446] {strides = array<i32>} : memref<8x128xi32, #tpu.memory_space<vmem>>, vector<16xi32>,
        %mul3A_448 = arith.constant 16 : i32
        %mul3A_449 = arith.muli %scan3A_442, %mul3A_448 : i32
        %get3A_450 = arith.constant 0 : i32
        %get3A_451 = arith.index_cast %get3A_450 : i32 to index
        %get3A_452 = arith.index_cast %mul3A_449 : i32 to index
        %get3A_453 = tpu.vector_load %arg14[%get3A_451, %get3A_452] {strides = array<i32>} : memref<8x128xf32, #tpu.memory_space<vmem>>, vector<16xf32>,
        tpu.vector_store_idx %arg17[%get3A_447], %get3A_453 {add = true} : memref<10240xf32, #tpu.memory_space<vmem>>[vector<16xi32>], vector<16xf32>,
      }
      %scan3A_399 = arith.constant 8 : i32
      %scan3A_400 = arith.constant 0 : i32
      %scan3A_401 = arith.constant 0 : i32
      %scan3A_402 = arith.constant 8 : i32
      %scan3A_403 = arith.addi %scan3A_401, %scan3A_402 : i32
      %scan3A_404 = arith.constant 1 : i32
      scf.for %scan3A_442 = %scan3A_401 to %scan3A_403 step %scan3A_404  : i32 {
        %mul3A_443 = arith.constant 16 : i32
        %mul3A_444 = arith.muli %scan3A_442, %mul3A_443 : i32
        %get3A = arith.constant 1 : i32
        %get3A_445 = arith.index_cast %get3A : i32 to index
        %get3A_446 = arith.index_cast %mul3A_444 : i32 to index
        %get3A_447 = tpu.vector_load %arg12[%get3A_445, %get3A_446] {strides = array<i32>} : memref<8x128xi32, #tpu.memory_space<vmem>>, vector<16xi32>,
        %mul3A_448 = arith.constant 16 : i32
        %mul3A_449 = arith.muli %scan3A_442, %mul3A_448 : i32
        %get3A_450 = arith.constant 1 : i32
        %get3A_451 = arith.index_cast %get3A_450 : i32 to index
        %get3A_452 = arith.index_cast %mul3A_449 : i32 to index
        %get3A_453 = tpu.vector_load %arg14[%get3A_451, %get3A_452] {strides = array<i32>} : memref<8x128xf32, #tpu.memory_space<vmem>>, vector<16xf32>,
        tpu.vector_store_idx %arg17[%get3A_447], %get3A_453 {add = true} : memref<10240xf32, #tpu.memory_space<vmem>>[vector<16xi32>], vector<16xf32>,
      }
      %scan3A_405 = arith.constant 8 : i32
      %scan3A_406 = arith.constant 0 : i32
      %scan3A_407 = arith.constant 0 : i32
      %scan3A_408 = arith.constant 8 : i32
      %scan3A_409 = arith.addi %scan3A_407, %scan3A_408 : i32
      %scan3A_410 = arith.constant 1 : i32
      scf.for %scan3A_442 = %scan3A_407 to %scan3A_409 step %scan3A_410  : i32 {
        %mul3A_443 = arith.constant 16 : i32
        %mul3A_444 = arith.muli %scan3A_442, %mul3A_443 : i32
        %get3A = arith.constant 2 : i32
        %get3A_445 = arith.index_cast %get3A : i32 to index
        %get3A_446 = arith.index_cast %mul3A_444 : i32 to index
        %get3A_447 = tpu.vector_load %arg12[%get3A_445, %get3A_446] {strides = array<i32>} : memref<8x128xi32, #tpu.memory_space<vmem>>, vector<16xi32>,
        %mul3A_448 = arith.constant 16 : i32
        %mul3A_449 = arith.muli %scan3A_442, %mul3A_448 : i32
        %get3A_450 = arith.constant 2 : i32
        %get3A_451 = arith.index_cast %get3A_450 : i32 to index
        %get3A_452 = arith.index_cast %mul3A_449 : i32 to index
        %get3A_453 = tpu.vector_load %arg14[%get3A_451, %get3A_452] {strides = array<i32>} : memref<8x128xf32, #tpu.memory_space<vmem>>, vector<16xf32>,
        tpu.vector_store_idx %arg17[%get3A_447], %get3A_453 {add = true} : memref<10240xf32, #tpu.memory_space<vmem>>[vector<16xi32>], vector<16xf32>,
      }
      %scan3A_411 = arith.constant 8 : i32
      %scan3A_412 = arith.constant 0 : i32
      %scan3A_413 = arith.constant 0 : i32
      %scan3A_414 = arith.constant 8 : i32
      %scan3A_415 = arith.addi %scan3A_413, %scan3A_414 : i32
      %scan3A_416 = arith.constant 1 : i32
      scf.for %scan3A_442 = %scan3A_413 to %scan3A_415 step %scan3A_416  : i32 {
        %mul3A_443 = arith.constant 16 : i32
        %mul3A_444 = arith.muli %scan3A_442, %mul3A_443 : i32
        %get3A = arith.constant 3 : i32
        %get3A_445 = arith.index_cast %get3A : i32 to index
        %get3A_446 = arith.index_cast %mul3A_444 : i32 to index
        %get3A_447 = tpu.vector_load %arg12[%get3A_445, %get3A_446] {strides = array<i32>} : memref<8x128xi32, #tpu.memory_space<vmem>>, vector<16xi32>,
        %mul3A_448 = arith.constant 16 : i32
        %mul3A_449 = arith.muli %scan3A_442, %mul3A_448 : i32
        %get3A_450 = arith.constant 3 : i32
        %get3A_451 = arith.index_cast %get3A_450 : i32 to index
        %get3A_452 = arith.index_cast %mul3A_449 : i32 to index
        %get3A_453 = tpu.vector_load %arg14[%get3A_451, %get3A_452] {strides = array<i32>} : memref<8x128xf32, #tpu.memory_space<vmem>>, vector<16xf32>,
        tpu.vector_store_idx %arg17[%get3A_447], %get3A_453 {add = true} : memref<10240xf32, #tpu.memory_space<vmem>>[vector<16xi32>], vector<16xf32>,
      }
      %scan3A_417 = arith.constant 8 : i32
      %scan3A_418 = arith.constant 0 : i32
      %scan3A_419 = arith.constant 0 : i32
      %scan3A_420 = arith.constant 8 : i32
      %scan3A_421 = arith.addi %scan3A_419, %scan3A_420 : i32
      %scan3A_422 = arith.constant 1 : i32
      scf.for %scan3A_442 = %scan3A_419 to %scan3A_421 step %scan3A_422  : i32 {
        %mul3A_443 = arith.constant 16 : i32
        %mul3A_444 = arith.muli %scan3A_442, %mul3A_443 : i32
        %get3A = arith.constant 4 : i32
        %get3A_445 = arith.index_cast %get3A : i32 to index
        %get3A_446 = arith.index_cast %mul3A_444 : i32 to index
        %get3A_447 = tpu.vector_load %arg12[%get3A_445, %get3A_446] {strides = array<i32>} : memref<8x128xi32, #tpu.memory_space<vmem>>, vector<16xi32>,
        %mul3A_448 = arith.constant 16 : i32
        %mul3A_449 = arith.muli %scan3A_442, %mul3A_448 : i32
        %get3A_450 = arith.constant 4 : i32
        %get3A_451 = arith.index_cast %get3A_450 : i32 to index
        %get3A_452 = arith.index_cast %mul3A_449 : i32 to index
        %get3A_453 = tpu.vector_load %arg14[%get3A_451, %get3A_452] {strides = array<i32>} : memref<8x128xf32, #tpu.memory_space<vmem>>, vector<16xf32>,
        tpu.vector_store_idx %arg17[%get3A_447], %get3A_453 {add = true} : memref<10240xf32, #tpu.memory_space<vmem>>[vector<16xi32>], vector<16xf32>,
      }
      %scan3A_423 = arith.constant 8 : i32
      %scan3A_424 = arith.constant 0 : i32
      %scan3A_425 = arith.constant 0 : i32
      %scan3A_426 = arith.constant 8 : i32
      %scan3A_427 = arith.addi %scan3A_425, %scan3A_426 : i32
      %scan3A_428 = arith.constant 1 : i32
      scf.for %scan3A_442 = %scan3A_425 to %scan3A_427 step %scan3A_428  : i32 {
        %mul3A_443 = arith.constant 16 : i32
        %mul3A_444 = arith.muli %scan3A_442, %mul3A_443 : i32
        %get3A = arith.constant 5 : i32
        %get3A_445 = arith.index_cast %get3A : i32 to index
        %get3A_446 = arith.index_cast %mul3A_444 : i32 to index
        %get3A_447 = tpu.vector_load %arg12[%get3A_445, %get3A_446] {strides = array<i32>} : memref<8x128xi32, #tpu.memory_space<vmem>>, vector<16xi32>,
        %mul3A_448 = arith.constant 16 : i32
        %mul3A_449 = arith.muli %scan3A_442, %mul3A_448 : i32
        %get3A_450 = arith.constant 5 : i32
        %get3A_451 = arith.index_cast %get3A_450 : i32 to index
        %get3A_452 = arith.index_cast %mul3A_449 : i32 to index
        %get3A_453 = tpu.vector_load %arg14[%get3A_451, %get3A_452] {strides = array<i32>} : memref<8x128xf32, #tpu.memory_space<vmem>>, vector<16xf32>,
        tpu.vector_store_idx %arg17[%get3A_447], %get3A_453 {add = true} : memref<10240xf32, #tpu.memory_space<vmem>>[vector<16xi32>], vector<16xf32>,
      }
      %scan3A_429 = arith.constant 8 : i32
      %scan3A_430 = arith.constant 0 : i32
      %scan3A_431 = arith.constant 0 : i32
      %scan3A_432 = arith.constant 8 : i32
      %scan3A_433 = arith.addi %scan3A_431, %scan3A_432 : i32
      %scan3A_434 = arith.constant 1 : i32
      scf.for %scan3A_442 = %scan3A_431 to %scan3A_433 step %scan3A_434  : i32 {
        %mul3A_443 = arith.constant 16 : i32
        %mul3A_444 = arith.muli %scan3A_442, %mul3A_443 : i32
        %get3A = arith.constant 6 : i32
        %get3A_445 = arith.index_cast %get3A : i32 to index
        %get3A_446 = arith.index_cast %mul3A_444 : i32 to index
        %get3A_447 = tpu.vector_load %arg12[%get3A_445, %get3A_446] {strides = array<i32>} : memref<8x128xi32, #tpu.memory_space<vmem>>, vector<16xi32>,
        %mul3A_448 = arith.constant 16 : i32
        %mul3A_449 = arith.muli %scan3A_442, %mul3A_448 : i32
        %get3A_450 = arith.constant 6 : i32
        %get3A_451 = arith.index_cast %get3A_450 : i32 to index
        %get3A_452 = arith.index_cast %mul3A_449 : i32 to index
        %get3A_453 = tpu.vector_load %arg14[%get3A_451, %get3A_452] {strides = array<i32>} : memref<8x128xf32, #tpu.memory_space<vmem>>, vector<16xf32>,
        tpu.vector_store_idx %arg17[%get3A_447], %get3A_453 {add = true} : memref<10240xf32, #tpu.memory_space<vmem>>[vector<16xi32>], vector<16xf32>,
      }
      %scan3A_435 = arith.constant 8 : i32
      %scan3A_436 = arith.constant 0 : i32
      %scan3A_437 = arith.constant 0 : i32
      %scan3A_438 = arith.constant 8 : i32
      %scan3A_439 = arith.addi %scan3A_437, %scan3A_438 : i32
      %scan3A_440 = arith.constant 1 : i32
      scf.for %scan3A_442 = %scan3A_437 to %scan3A_439 step %scan3A_440  : i32 {
        %mul3A_443 = arith.constant 16 : i32
        %mul3A_444 = arith.muli %scan3A_442, %mul3A_443 : i32
        %get3A = arith.constant 7 : i32
        %get3A_445 = arith.index_cast %get3A : i32 to index
        %get3A_446 = arith.index_cast %mul3A_444 : i32 to index
        %get3A_447 = tpu.vector_load %arg12[%get3A_445, %get3A_446] {strides = array<i32>} : memref<8x128xi32, #tpu.memory_space<vmem>>, vector<16xi32>,
        %mul3A_448 = arith.constant 16 : i32
        %mul3A_449 = arith.muli %scan3A_442, %mul3A_448 : i32
        %get3A_450 = arith.constant 7 : i32
        %get3A_451 = arith.index_cast %get3A_450 : i32 to index
        %get3A_452 = arith.index_cast %mul3A_449 : i32 to index
        %get3A_453 = tpu.vector_load %arg14[%get3A_451, %get3A_452] {strides = array<i32>} : memref<8x128xf32, #tpu.memory_space<vmem>>, vector<16xf32>,
        tpu.vector_store_idx %arg17[%get3A_447], %get3A_453 {add = true} : memref<10240xf32, #tpu.memory_space<vmem>>[vector<16xi32>], vector<16xf32>,
      }
      %scan3A_441 = arith.constant 8 : i32
    }
    %scan3A_7 = arith.constant 22 : i32
    "tpu.region"() ({
      %run_scoped3A = tpu.sem_alloc : memref<!tpu.dma_semaphore, #tpu.memory_space<semaphore_mem>>
      %dma_start3A_388 = arith.constant 0 : i32
      %dma_start3A_389 = tpu.memref_slice %arg9[%add3A, %dma_start3A_388] : memref<32x10240xf32, #tpu.memory_space<hbm>> -> memref<1x10240xf32, #tpu.memory_space<hbm>>
      %dma_start3A_390 = tpu.memref_squeeze %dma_start3A_389 : memref<1x10240xf32, #tpu.memory_space<hbm>> -> memref<10240xf32, #tpu.memory_space<hbm>>
      %dma_start3A_391 = arith.constant 0 : i32
      %dma_start3A_392 = tpu.memref_slice %arg9[%add3A, %dma_start3A_391] : memref<32x10240xf32, #tpu.memory_space<hbm>> -> memref<1x10240xf32, #tpu.memory_space<hbm>>
      %dma_start3A_393 = tpu.memref_squeeze %dma_start3A_392 : memref<1x10240xf32, #tpu.memory_space<hbm>> -> memref<10240xf32, #tpu.memory_space<hbm>>
      tpu.enqueue_dma source(%arg17 : memref<10240xf32, #tpu.memory_space<vmem>>) target(%dma_start3A_393 : memref<10240xf32, #tpu.memory_space<hbm>>) target_semaphore(%run_scoped3A : memref<!tpu.dma_semaphore, #tpu.memory_space<semaphore_mem>>)
      %dma_wait3A_394 = arith.constant 0 : i32
      %dma_wait3A_395 = tpu.memref_slice %arg9[%add3A, %dma_wait3A_394] : memref<32x10240xf32, #tpu.memory_space<hbm>> -> memref<1x10240xf32, #tpu.memory_space<hbm>>
      %dma_wait3A_396 = tpu.memref_squeeze %dma_wait3A_395 : memref<1x10240xf32, #tpu.memory_space<hbm>> -> memref<10240xf32, #tpu.memory_space<hbm>>
      %dma_wait3A_397 = arith.constant 0 : i32
      %dma_wait3A_398 = tpu.memref_slice %arg9[%add3A, %dma_wait3A_397] : memref<32x10240xf32, #tpu.memory_space<hbm>> -> memref<1x10240xf32, #tpu.memory_space<hbm>>
      %dma_wait3A_399 = tpu.memref_squeeze %dma_wait3A_398 : memref<1x10240xf32, #tpu.memory_space<hbm>> -> memref<10240xf32, #tpu.memory_space<hbm>>
      tpu.wait_dma2 semaphore(%run_scoped3A : memref<!tpu.dma_semaphore, #tpu.memory_space<semaphore_mem>>) src(%arg17 : memref<10240xf32, #tpu.memory_space<vmem>>) dst(%dma_wait3A_399 : memref<10240xf32, #tpu.memory_space<hbm>>)
      tpu.yield
    }) : () -> ()
    %barrier3A_8 = arith.constant 0 : index
    tpu.barrier barrier_id(%barrier3A_8)
    "tpu.trace_stop"() : () -> ()
    %mul3A_9 = arith.constant 16 : i32
    %mul3A_10 = arith.muli %arg0, %mul3A_9 : i32
    %add3A_11 = arith.constant 0 : i32
    %add3A_12 = arith.addi %mul3A_10, %add3A_11 : i32
    %mul3A_13 = arith.constant 640 : i32
    %mul3A_14 = arith.muli %arg1, %mul3A_13 : i32
    %dma_start3A = arith.constant 0 : i32
    %dma_start3A_15 = tpu.memref_slice %arg17[%dma_start3A] : memref<10240xf32, #tpu.memory_space<vmem>> -> memref<640xf32, #tpu.memory_space<vmem>>
    %dma_start3A_16 = tpu.memref_slice %arg9[%add3A_12, %mul3A_14] : memref<32x10240xf32, #tpu.memory_space<hbm>> -> memref<1x640xf32, #tpu.memory_space<hbm>>
    %dma_start3A_17 = tpu.memref_squeeze %dma_start3A_16 : memref<1x640xf32, #tpu.memory_space<hbm>> -> memref<640xf32, #tpu.memory_space<hbm>>
    %dma_start3A_18 = arith.constant 0 : i32
    %dma_start3A_19 = tpu.memref_slice %arg17[%dma_start3A_18] : memref<10240xf32, #tpu.memory_space<vmem>> -> memref<640xf32, #tpu.memory_space<vmem>>
    %dma_start3A_20 = tpu.memref_slice %arg9[%add3A_12, %mul3A_14] : memref<32x10240xf32, #tpu.memory_space<hbm>> -> memref<1x640xf32, #tpu.memory_space<hbm>>
    %dma_start3A_21 = tpu.memref_squeeze %dma_start3A_20 : memref<1x640xf32, #tpu.memory_space<hbm>> -> memref<640xf32, #tpu.memory_space<hbm>>
    tpu.enqueue_dma source(%dma_start3A_21 : memref<640xf32, #tpu.memory_space<hbm>>) target(%dma_start3A_19 : memref<640xf32, #tpu.memory_space<vmem>>) target_semaphore(%arg24 : memref<!tpu.dma_semaphore, #tpu.memory_space<semaphore_mem>>)
    %mul3A_22 = arith.constant 16 : i32
    %mul3A_23 = arith.muli %arg0, %mul3A_22 : i32
    %add3A_24 = arith.constant 1 : i32
    %add3A_25 = arith.addi %mul3A_23, %add3A_24 : i32
    %mul3A_26 = arith.constant 640 : i32
    %mul3A_27 = arith.muli %arg1, %mul3A_26 : i32
    %dma_start3A_28 = arith.constant 640 : i32
    %dma_start3A_29 = tpu.memref_slice %arg17[%dma_start3A_28] : memref<10240xf32, #tpu.memory_space<vmem>> -> memref<640xf32, #tpu.memory_space<vmem>>
    %dma_start3A_30 = tpu.memref_slice %arg9[%add3A_25, %mul3A_27] : memref<32x10240xf32, #tpu.memory_space<hbm>> -> memref<1x640xf32, #tpu.memory_space<hbm>>
    %dma_start3A_31 = tpu.memref_squeeze %dma_start3A_30 : memref<1x640xf32, #tpu.memory_space<hbm>> -> memref<640xf32, #tpu.memory_space<hbm>>
    %dma_start3A_32 = arith.constant 640 : i32
    %dma_start3A_33 = tpu.memref_slice %arg17[%dma_start3A_32] : memref<10240xf32, #tpu.memory_space<vmem>> -> memref<640xf32, #tpu.memory_space<vmem>>
    %dma_start3A_34 = tpu.memref_slice %arg9[%add3A_25, %mul3A_27] : memref<32x10240xf32, #tpu.memory_space<hbm>> -> memref<1x640xf32, #tpu.memory_space<hbm>>
    %dma_start3A_35 = tpu.memref_squeeze %dma_start3A_34 : memref<1x640xf32, #tpu.memory_space<hbm>> -> memref<640xf32, #tpu.memory_space<hbm>>
    tpu.enqueue_dma source(%dma_start3A_35 : memref<640xf32, #tpu.memory_space<hbm>>) target(%dma_start3A_33 : memref<640xf32, #tpu.memory_space<vmem>>) target_semaphore(%arg24 : memref<!tpu.dma_semaphore, #tpu.memory_space<semaphore_mem>>)
    %mul3A_36 = arith.constant 16 : i32
    %mul3A_37 = arith.muli %arg0, %mul3A_36 : i32
    %add3A_38 = arith.constant 2 : i32
    %add3A_39 = arith.addi %mul3A_37, %add3A_38 : i32
    %mul3A_40 = arith.constant 640 : i32
    %mul3A_41 = arith.muli %arg1, %mul3A_40 : i32
    %dma_start3A_42 = arith.constant 1280 : i32
    %dma_start3A_43 = tpu.memref_slice %arg17[%dma_start3A_42] : memref<10240xf32, #tpu.memory_space<vmem>> -> memref<640xf32, #tpu.memory_space<vmem>>
    %dma_start3A_44 = tpu.memref_slice %arg9[%add3A_39, %mul3A_41] : memref<32x10240xf32, #tpu.memory_space<hbm>> -> memref<1x640xf32, #tpu.memory_space<hbm>>
    %dma_start3A_45 = tpu.memref_squeeze %dma_start3A_44 : memref<1x640xf32, #tpu.memory_space<hbm>> -> memref<640xf32, #tpu.memory_space<hbm>>
    %dma_start3A_46 = arith.constant 1280 : i32
    %dma_start3A_47 = tpu.memref_slice %arg17[%dma_start3A_46] : memref<10240xf32, #tpu.memory_space<vmem>> -> memref<640xf32, #tpu.memory_space<vmem>>
    %dma_start3A_48 = tpu.memref_slice %arg9[%add3A_39, %mul3A_41] : memref<32x10240xf32, #tpu.memory_space<hbm>> -> memref<1x640xf32, #tpu.memory_space<hbm>>
    %dma_start3A_49 = tpu.memref_squeeze %dma_start3A_48 : memref<1x640xf32, #tpu.memory_space<hbm>> -> memref<640xf32, #tpu.memory_space<hbm>>
    tpu.enqueue_dma source(%dma_start3A_49 : memref<640xf32, #tpu.memory_space<hbm>>) target(%dma_start3A_47 : memref<640xf32, #tpu.memory_space<vmem>>) target_semaphore(%arg24 : memref<!tpu.dma_semaphore, #tpu.memory_space<semaphore_mem>>)
    %mul3A_50 = arith.constant 16 : i32
    %mul3A_51 = arith.muli %arg0, %mul3A_50 : i32
    %add3A_52 = arith.constant 3 : i32
    %add3A_53 = arith.addi %mul3A_51, %add3A_52 : i32
    %mul3A_54 = arith.constant 640 : i32
    %mul3A_55 = arith.muli %arg1, %mul3A_54 : i32
    %dma_start3A_56 = arith.constant 1920 : i32
    %dma_start3A_57 = tpu.memref_slice %arg17[%dma_start3A_56] : memref<10240xf32, #tpu.memory_space<vmem>> -> memref<640xf32, #tpu.memory_space<vmem>>
    %dma_start3A_58 = tpu.memref_slice %arg9[%add3A_53, %mul3A_55] : memref<32x10240xf32, #tpu.memory_space<hbm>> -> memref<1x640xf32, #tpu.memory_space<hbm>>
    %dma_start3A_59 = tpu.memref_squeeze %dma_start3A_58 : memref<1x640xf32, #tpu.memory_space<hbm>> -> memref<640xf32, #tpu.memory_space<hbm>>
    %dma_start3A_60 = arith.constant 1920 : i32
    %dma_start3A_61 = tpu.memref_slice %arg17[%dma_start3A_60] : memref<10240xf32, #tpu.memory_space<vmem>> -> memref<640xf32, #tpu.memory_space<vmem>>
    %dma_start3A_62 = tpu.memref_slice %arg9[%add3A_53, %mul3A_55] : memref<32x10240xf32, #tpu.memory_space<hbm>> -> memref<1x640xf32, #tpu.memory_space<hbm>>
    %dma_start3A_63 = tpu.memref_squeeze %dma_start3A_62 : memref<1x640xf32, #tpu.memory_space<hbm>> -> memref<640xf32, #tpu.memory_space<hbm>>
    tpu.enqueue_dma source(%dma_start3A_63 : memref<640xf32, #tpu.memory_space<hbm>>) target(%dma_start3A_61 : memref<640xf32, #tpu.memory_space<vmem>>) target_semaphore(%arg24 : memref<!tpu.dma_semaphore, #tpu.memory_space<semaphore_mem>>)
    %mul3A_64 = arith.constant 16 : i32
    %mul3A_65 = arith.muli %arg0, %mul3A_64 : i32
    %add3A_66 = arith.constant 4 : i32
    %add3A_67 = arith.addi %mul3A_65, %add3A_66 : i32
    %mul3A_68 = arith.constant 640 : i32
    %mul3A_69 = arith.muli %arg1, %mul3A_68 : i32
    %dma_start3A_70 = arith.constant 2560 : i32
    %dma_start3A_71 = tpu.memref_slice %arg17[%dma_start3A_70] : memref<10240xf32, #tpu.memory_space<vmem>> -> memref<640xf32, #tpu.memory_space<vmem>>
    %dma_start3A_72 = tpu.memref_slice %arg9[%add3A_67, %mul3A_69] : memref<32x10240xf32, #tpu.memory_space<hbm>> -> memref<1x640xf32, #tpu.memory_space<hbm>>
    %dma_start3A_73 = tpu.memref_squeeze %dma_start3A_72 : memref<1x640xf32, #tpu.memory_space<hbm>> -> memref<640xf32, #tpu.memory_space<hbm>>
    %dma_start3A_74 = arith.constant 2560 : i32
    %dma_start3A_75 = tpu.memref_slice %arg17[%dma_start3A_74] : memref<10240xf32, #tpu.memory_space<vmem>> -> memref<640xf32, #tpu.memory_space<vmem>>
    %dma_start3A_76 = tpu.memref_slice %arg9[%add3A_67, %mul3A_69] : memref<32x10240xf32, #tpu.memory_space<hbm>> -> memref<1x640xf32, #tpu.memory_space<hbm>>
    %dma_start3A_77 = tpu.memref_squeeze %dma_start3A_76 : memref<1x640xf32, #tpu.memory_space<hbm>> -> memref<640xf32, #tpu.memory_space<hbm>>
    tpu.enqueue_dma source(%dma_start3A_77 : memref<640xf32, #tpu.memory_space<hbm>>) target(%dma_start3A_75 : memref<640xf32, #tpu.memory_space<vmem>>) target_semaphore(%arg24 : memref<!tpu.dma_semaphore, #tpu.memory_space<semaphore_mem>>)
    %mul3A_78 = arith.constant 16 : i32
    %mul3A_79 = arith.muli %arg0, %mul3A_78 : i32
    %add3A_80 = arith.constant 5 : i32
    %add3A_81 = arith.addi %mul3A_79, %add3A_80 : i32
    %mul3A_82 = arith.constant 640 : i32
    %mul3A_83 = arith.muli %arg1, %mul3A_82 : i32
    %dma_start3A_84 = arith.constant 3200 : i32
    %dma_start3A_85 = tpu.memref_slice %arg17[%dma_start3A_84] : memref<10240xf32, #tpu.memory_space<vmem>> -> memref<640xf32, #tpu.memory_space<vmem>>
    %dma_start3A_86 = tpu.memref_slice %arg9[%add3A_81, %mul3A_83] : memref<32x10240xf32, #tpu.memory_space<hbm>> -> memref<1x640xf32, #tpu.memory_space<hbm>>
    %dma_start3A_87 = tpu.memref_squeeze %dma_start3A_86 : memref<1x640xf32, #tpu.memory_space<hbm>> -> memref<640xf32, #tpu.memory_space<hbm>>
    %dma_start3A_88 = arith.constant 3200 : i32
    %dma_start3A_89 = tpu.memref_slice %arg17[%dma_start3A_88] : memref<10240xf32, #tpu.memory_space<vmem>> -> memref<640xf32, #tpu.memory_space<vmem>>
    %dma_start3A_90 = tpu.memref_slice %arg9[%add3A_81, %mul3A_83] : memref<32x10240xf32, #tpu.memory_space<hbm>> -> memref<1x640xf32, #tpu.memory_space<hbm>>
    %dma_start3A_91 = tpu.memref_squeeze %dma_start3A_90 : memref<1x640xf32, #tpu.memory_space<hbm>> -> memref<640xf32, #tpu.memory_space<hbm>>
    tpu.enqueue_dma source(%dma_start3A_91 : memref<640xf32, #tpu.memory_space<hbm>>) target(%dma_start3A_89 : memref<640xf32, #tpu.memory_space<vmem>>) target_semaphore(%arg24 : memref<!tpu.dma_semaphore, #tpu.memory_space<semaphore_mem>>)
    %mul3A_92 = arith.constant 16 : i32
    %mul3A_93 = arith.muli %arg0, %mul3A_92 : i32
    %add3A_94 = arith.constant 6 : i32
    %add3A_95 = arith.addi %mul3A_93, %add3A_94 : i32
    %mul3A_96 = arith.constant 640 : i32
    %mul3A_97 = arith.muli %arg1, %mul3A_96 : i32
    %dma_start3A_98 = arith.constant 3840 : i32
    %dma_start3A_99 = tpu.memref_slice %arg17[%dma_start3A_98] : memref<10240xf32, #tpu.memory_space<vmem>> -> memref<640xf32, #tpu.memory_space<vmem>>
    %dma_start3A_100 = tpu.memref_slice %arg9[%add3A_95, %mul3A_97] : memref<32x10240xf32, #tpu.memory_space<hbm>> -> memref<1x640xf32, #tpu.memory_space<hbm>>
    %dma_start3A_101 = tpu.memref_squeeze %dma_start3A_100 : memref<1x640xf32, #tpu.memory_space<hbm>> -> memref<640xf32, #tpu.memory_space<hbm>>
    %dma_start3A_102 = arith.constant 3840 : i32
    %dma_start3A_103 = tpu.memref_slice %arg17[%dma_start3A_102] : memref<10240xf32, #tpu.memory_space<vmem>> -> memref<640xf32, #tpu.memory_space<vmem>>
    %dma_start3A_104 = tpu.memref_slice %arg9[%add3A_95, %mul3A_97] : memref<32x10240xf32, #tpu.memory_space<hbm>> -> memref<1x640xf32, #tpu.memory_space<hbm>>
    %dma_start3A_105 = tpu.memref_squeeze %dma_start3A_104 : memref<1x640xf32, #tpu.memory_space<hbm>> -> memref<640xf32, #tpu.memory_space<hbm>>
    tpu.enqueue_dma source(%dma_start3A_105 : memref<640xf32, #tpu.memory_space<hbm>>) target(%dma_start3A_103 : memref<640xf32, #tpu.memory_space<vmem>>) target_semaphore(%arg24 : memref<!tpu.dma_semaphore, #tpu.memory_space<semaphore_mem>>)
    %mul3A_106 = arith.constant 16 : i32
    %mul3A_107 = arith.muli %arg0, %mul3A_106 : i32
    %add3A_108 = arith.constant 7 : i32
    %add3A_109 = arith.addi %mul3A_107, %add3A_108 : i32
    %mul3A_110 = arith.constant 640 : i32
    %mul3A_111 = arith.muli %arg1, %mul3A_110 : i32
    %dma_start3A_112 = arith.constant 4480 : i32
    %dma_start3A_113 = tpu.memref_slice %arg17[%dma_start3A_112] : memref<10240xf32, #tpu.memory_space<vmem>> -> memref<640xf32, #tpu.memory_space<vmem>>
    %dma_start3A_114 = tpu.memref_slice %arg9[%add3A_109, %mul3A_111] : memref<32x10240xf32, #tpu.memory_space<hbm>> -> memref<1x640xf32, #tpu.memory_space<hbm>>
    %dma_start3A_115 = tpu.memref_squeeze %dma_start3A_114 : memref<1x640xf32, #tpu.memory_space<hbm>> -> memref<640xf32, #tpu.memory_space<hbm>>
    %dma_start3A_116 = arith.constant 4480 : i32
    %dma_start3A_117 = tpu.memref_slice %arg17[%dma_start3A_116] : memref<10240xf32, #tpu.memory_space<vmem>> -> memref<640xf32, #tpu.memory_space<vmem>>
    %dma_start3A_118 = tpu.memref_slice %arg9[%add3A_109, %mul3A_111] : memref<32x10240xf32, #tpu.memory_space<hbm>> -> memref<1x640xf32, #tpu.memory_space<hbm>>
    %dma_start3A_119 = tpu.memref_squeeze %dma_start3A_118 : memref<1x640xf32, #tpu.memory_space<hbm>> -> memref<640xf32, #tpu.memory_space<hbm>>
    tpu.enqueue_dma source(%dma_start3A_119 : memref<640xf32, #tpu.memory_space<hbm>>) target(%dma_start3A_117 : memref<640xf32, #tpu.memory_space<vmem>>) target_semaphore(%arg24 : memref<!tpu.dma_semaphore, #tpu.memory_space<semaphore_mem>>)
    %mul3A_120 = arith.constant 16 : i32
    %mul3A_121 = arith.muli %arg0, %mul3A_120 : i32
    %add3A_122 = arith.constant 8 : i32
    %add3A_123 = arith.addi %mul3A_121, %add3A_122 : i32
    %mul3A_124 = arith.constant 640 : i32
    %mul3A_125 = arith.muli %arg1, %mul3A_124 : i32
    %dma_start3A_126 = arith.constant 5120 : i32
    %dma_start3A_127 = tpu.memref_slice %arg17[%dma_start3A_126] : memref<10240xf32, #tpu.memory_space<vmem>> -> memref<640xf32, #tpu.memory_space<vmem>>
    %dma_start3A_128 = tpu.memref_slice %arg9[%add3A_123, %mul3A_125] : memref<32x10240xf32, #tpu.memory_space<hbm>> -> memref<1x640xf32, #tpu.memory_space<hbm>>
    %dma_start3A_129 = tpu.memref_squeeze %dma_start3A_128 : memref<1x640xf32, #tpu.memory_space<hbm>> -> memref<640xf32, #tpu.memory_space<hbm>>
    %dma_start3A_130 = arith.constant 5120 : i32
    %dma_start3A_131 = tpu.memref_slice %arg17[%dma_start3A_130] : memref<10240xf32, #tpu.memory_space<vmem>> -> memref<640xf32, #tpu.memory_space<vmem>>
    %dma_start3A_132 = tpu.memref_slice %arg9[%add3A_123, %mul3A_125] : memref<32x10240xf32, #tpu.memory_space<hbm>> -> memref<1x640xf32, #tpu.memory_space<hbm>>
    %dma_start3A_133 = tpu.memref_squeeze %dma_start3A_132 : memref<1x640xf32, #tpu.memory_space<hbm>> -> memref<640xf32, #tpu.memory_space<hbm>>
    tpu.enqueue_dma source(%dma_start3A_133 : memref<640xf32, #tpu.memory_space<hbm>>) target(%dma_start3A_131 : memref<640xf32, #tpu.memory_space<vmem>>) target_semaphore(%arg24 : memref<!tpu.dma_semaphore, #tpu.memory_space<semaphore_mem>>)
    %mul3A_134 = arith.constant 16 : i32
    %mul3A_135 = arith.muli %arg0, %mul3A_134 : i32
    %add3A_136 = arith.constant 9 : i32
    %add3A_137 = arith.addi %mul3A_135, %add3A_136 : i32
    %mul3A_138 = arith.constant 640 : i32
    %mul3A_139 = arith.muli %arg1, %mul3A_138 : i32
    %dma_start3A_140 = arith.constant 5760 : i32
    %dma_start3A_141 = tpu.memref_slice %arg17[%dma_start3A_140] : memref<10240xf32, #tpu.memory_space<vmem>> -> memref<640xf32, #tpu.memory_space<vmem>>
    %dma_start3A_142 = tpu.memref_slice %arg9[%add3A_137, %mul3A_139] : memref<32x10240xf32, #tpu.memory_space<hbm>> -> memref<1x640xf32, #tpu.memory_space<hbm>>
    %dma_start3A_143 = tpu.memref_squeeze %dma_start3A_142 : memref<1x640xf32, #tpu.memory_space<hbm>> -> memref<640xf32, #tpu.memory_space<hbm>>
    %dma_start3A_144 = arith.constant 5760 : i32
    %dma_start3A_145 = tpu.memref_slice %arg17[%dma_start3A_144] : memref<10240xf32, #tpu.memory_space<vmem>> -> memref<640xf32, #tpu.memory_space<vmem>>
    %dma_start3A_146 = tpu.memref_slice %arg9[%add3A_137, %mul3A_139] : memref<32x10240xf32, #tpu.memory_space<hbm>> -> memref<1x640xf32, #tpu.memory_space<hbm>>
    %dma_start3A_147 = tpu.memref_squeeze %dma_start3A_146 : memref<1x640xf32, #tpu.memory_space<hbm>> -> memref<640xf32, #tpu.memory_space<hbm>>
    tpu.enqueue_dma source(%dma_start3A_147 : memref<640xf32, #tpu.memory_space<hbm>>) target(%dma_start3A_145 : memref<640xf32, #tpu.memory_space<vmem>>) target_semaphore(%arg24 : memref<!tpu.dma_semaphore, #tpu.memory_space<semaphore_mem>>)
    %mul3A_148 = arith.constant 16 : i32
    %mul3A_149 = arith.muli %arg0, %mul3A_148 : i32
    %add3A_150 = arith.constant 10 : i32
    %add3A_151 = arith.addi %mul3A_149, %add3A_150 : i32
    %mul3A_152 = arith.constant 640 : i32
    %mul3A_153 = arith.muli %arg1, %mul3A_152 : i32
    %dma_start3A_154 = arith.constant 6400 : i32
    %dma_start3A_155 = tpu.memref_slice %arg17[%dma_start3A_154] : memref<10240xf32, #tpu.memory_space<vmem>> -> memref<640xf32, #tpu.memory_space<vmem>>
    %dma_start3A_156 = tpu.memref_slice %arg9[%add3A_151, %mul3A_153] : memref<32x10240xf32, #tpu.memory_space<hbm>> -> memref<1x640xf32, #tpu.memory_space<hbm>>
    %dma_start3A_157 = tpu.memref_squeeze %dma_start3A_156 : memref<1x640xf32, #tpu.memory_space<hbm>> -> memref<640xf32, #tpu.memory_space<hbm>>
    %dma_start3A_158 = arith.constant 6400 : i32
    %dma_start3A_159 = tpu.memref_slice %arg17[%dma_start3A_158] : memref<10240xf32, #tpu.memory_space<vmem>> -> memref<640xf32, #tpu.memory_space<vmem>>
    %dma_start3A_160 = tpu.memref_slice %arg9[%add3A_151, %mul3A_153] : memref<32x10240xf32, #tpu.memory_space<hbm>> -> memref<1x640xf32, #tpu.memory_space<hbm>>
    %dma_start3A_161 = tpu.memref_squeeze %dma_start3A_160 : memref<1x640xf32, #tpu.memory_space<hbm>> -> memref<640xf32, #tpu.memory_space<hbm>>
    tpu.enqueue_dma source(%dma_start3A_161 : memref<640xf32, #tpu.memory_space<hbm>>) target(%dma_start3A_159 : memref<640xf32, #tpu.memory_space<vmem>>) target_semaphore(%arg24 : memref<!tpu.dma_semaphore, #tpu.memory_space<semaphore_mem>>)
    %mul3A_162 = arith.constant 16 : i32
    %mul3A_163 = arith.muli %arg0, %mul3A_162 : i32
    %add3A_164 = arith.constant 11 : i32
    %add3A_165 = arith.addi %mul3A_163, %add3A_164 : i32
    %mul3A_166 = arith.constant 640 : i32
    %mul3A_167 = arith.muli %arg1, %mul3A_166 : i32
    %dma_start3A_168 = arith.constant 7040 : i32
    %dma_start3A_169 = tpu.memref_slice %arg17[%dma_start3A_168] : memref<10240xf32, #tpu.memory_space<vmem>> -> memref<640xf32, #tpu.memory_space<vmem>>
    %dma_start3A_170 = tpu.memref_slice %arg9[%add3A_165, %mul3A_167] : memref<32x10240xf32, #tpu.memory_space<hbm>> -> memref<1x640xf32, #tpu.memory_space<hbm>>
    %dma_start3A_171 = tpu.memref_squeeze %dma_start3A_170 : memref<1x640xf32, #tpu.memory_space<hbm>> -> memref<640xf32, #tpu.memory_space<hbm>>
    %dma_start3A_172 = arith.constant 7040 : i32
    %dma_start3A_173 = tpu.memref_slice %arg17[%dma_start3A_172] : memref<10240xf32, #tpu.memory_space<vmem>> -> memref<640xf32, #tpu.memory_space<vmem>>
    %dma_start3A_174 = tpu.memref_slice %arg9[%add3A_165, %mul3A_167] : memref<32x10240xf32, #tpu.memory_space<hbm>> -> memref<1x640xf32, #tpu.memory_space<hbm>>
    %dma_start3A_175 = tpu.memref_squeeze %dma_start3A_174 : memref<1x640xf32, #tpu.memory_space<hbm>> -> memref<640xf32, #tpu.memory_space<hbm>>
    tpu.enqueue_dma source(%dma_start3A_175 : memref<640xf32, #tpu.memory_space<hbm>>) target(%dma_start3A_173 : memref<640xf32, #tpu.memory_space<vmem>>) target_semaphore(%arg24 : memref<!tpu.dma_semaphore, #tpu.memory_space<semaphore_mem>>)
    %mul3A_176 = arith.constant 16 : i32
    %mul3A_177 = arith.muli %arg0, %mul3A_176 : i32
    %add3A_178 = arith.constant 12 : i32
    %add3A_179 = arith.addi %mul3A_177, %add3A_178 : i32
    %mul3A_180 = arith.constant 640 : i32
    %mul3A_181 = arith.muli %arg1, %mul3A_180 : i32
    %dma_start3A_182 = arith.constant 7680 : i32
    %dma_start3A_183 = tpu.memref_slice %arg17[%dma_start3A_182] : memref<10240xf32, #tpu.memory_space<vmem>> -> memref<640xf32, #tpu.memory_space<vmem>>
    %dma_start3A_184 = tpu.memref_slice %arg9[%add3A_179, %mul3A_181] : memref<32x10240xf32, #tpu.memory_space<hbm>> -> memref<1x640xf32, #tpu.memory_space<hbm>>
    %dma_start3A_185 = tpu.memref_squeeze %dma_start3A_184 : memref<1x640xf32, #tpu.memory_space<hbm>> -> memref<640xf32, #tpu.memory_space<hbm>>
    %dma_start3A_186 = arith.constant 7680 : i32
    %dma_start3A_187 = tpu.memref_slice %arg17[%dma_start3A_186] : memref<10240xf32, #tpu.memory_space<vmem>> -> memref<640xf32, #tpu.memory_space<vmem>>
    %dma_start3A_188 = tpu.memref_slice %arg9[%add3A_179, %mul3A_181] : memref<32x10240xf32, #tpu.memory_space<hbm>> -> memref<1x640xf32, #tpu.memory_space<hbm>>
    %dma_start3A_189 = tpu.memref_squeeze %dma_start3A_188 : memref<1x640xf32, #tpu.memory_space<hbm>> -> memref<640xf32, #tpu.memory_space<hbm>>
    tpu.enqueue_dma source(%dma_start3A_189 : memref<640xf32, #tpu.memory_space<hbm>>) target(%dma_start3A_187 : memref<640xf32, #tpu.memory_space<vmem>>) target_semaphore(%arg24 : memref<!tpu.dma_semaphore, #tpu.memory_space<semaphore_mem>>)
    %mul3A_190 = arith.constant 16 : i32
    %mul3A_191 = arith.muli %arg0, %mul3A_190 : i32
    %add3A_192 = arith.constant 13 : i32
    %add3A_193 = arith.addi %mul3A_191, %add3A_192 : i32
    %mul3A_194 = arith.constant 640 : i32
    %mul3A_195 = arith.muli %arg1, %mul3A_194 : i32
    %dma_start3A_196 = arith.constant 8320 : i32
    %dma_start3A_197 = tpu.memref_slice %arg17[%dma_start3A_196] : memref<10240xf32, #tpu.memory_space<vmem>> -> memref<640xf32, #tpu.memory_space<vmem>>
    %dma_start3A_198 = tpu.memref_slice %arg9[%add3A_193, %mul3A_195] : memref<32x10240xf32, #tpu.memory_space<hbm>> -> memref<1x640xf32, #tpu.memory_space<hbm>>
    %dma_start3A_199 = tpu.memref_squeeze %dma_start3A_198 : memref<1x640xf32, #tpu.memory_space<hbm>> -> memref<640xf32, #tpu.memory_space<hbm>>
    %dma_start3A_200 = arith.constant 8320 : i32
    %dma_start3A_201 = tpu.memref_slice %arg17[%dma_start3A_200] : memref<10240xf32, #tpu.memory_space<vmem>> -> memref<640xf32, #tpu.memory_space<vmem>>
    %dma_start3A_202 = tpu.memref_slice %arg9[%add3A_193, %mul3A_195] : memref<32x10240xf32, #tpu.memory_space<hbm>> -> memref<1x640xf32, #tpu.memory_space<hbm>>
    %dma_start3A_203 = tpu.memref_squeeze %dma_start3A_202 : memref<1x640xf32, #tpu.memory_space<hbm>> -> memref<640xf32, #tpu.memory_space<hbm>>
    tpu.enqueue_dma source(%dma_start3A_203 : memref<640xf32, #tpu.memory_space<hbm>>) target(%dma_start3A_201 : memref<640xf32, #tpu.memory_space<vmem>>) target_semaphore(%arg24 : memref<!tpu.dma_semaphore, #tpu.memory_space<semaphore_mem>>)
    %mul3A_204 = arith.constant 16 : i32
    %mul3A_205 = arith.muli %arg0, %mul3A_204 : i32
    %add3A_206 = arith.constant 14 : i32
    %add3A_207 = arith.addi %mul3A_205, %add3A_206 : i32
    %mul3A_208 = arith.constant 640 : i32
    %mul3A_209 = arith.muli %arg1, %mul3A_208 : i32
    %dma_start3A_210 = arith.constant 8960 : i32
    %dma_start3A_211 = tpu.memref_slice %arg17[%dma_start3A_210] : memref<10240xf32, #tpu.memory_space<vmem>> -> memref<640xf32, #tpu.memory_space<vmem>>
    %dma_start3A_212 = tpu.memref_slice %arg9[%add3A_207, %mul3A_209] : memref<32x10240xf32, #tpu.memory_space<hbm>> -> memref<1x640xf32, #tpu.memory_space<hbm>>
    %dma_start3A_213 = tpu.memref_squeeze %dma_start3A_212 : memref<1x640xf32, #tpu.memory_space<hbm>> -> memref<640xf32, #tpu.memory_space<hbm>>
    %dma_start3A_214 = arith.constant 8960 : i32
    %dma_start3A_215 = tpu.memref_slice %arg17[%dma_start3A_214] : memref<10240xf32, #tpu.memory_space<vmem>> -> memref<640xf32, #tpu.memory_space<vmem>>
    %dma_start3A_216 = tpu.memref_slice %arg9[%add3A_207, %mul3A_209] : memref<32x10240xf32, #tpu.memory_space<hbm>> -> memref<1x640xf32, #tpu.memory_space<hbm>>
    %dma_start3A_217 = tpu.memref_squeeze %dma_start3A_216 : memref<1x640xf32, #tpu.memory_space<hbm>> -> memref<640xf32, #tpu.memory_space<hbm>>
    tpu.enqueue_dma source(%dma_start3A_217 : memref<640xf32, #tpu.memory_space<hbm>>) target(%dma_start3A_215 : memref<640xf32, #tpu.memory_space<vmem>>) target_semaphore(%arg24 : memref<!tpu.dma_semaphore, #tpu.memory_space<semaphore_mem>>)
    %mul3A_218 = arith.constant 16 : i32
    %mul3A_219 = arith.muli %arg0, %mul3A_218 : i32
    %add3A_220 = arith.constant 15 : i32
    %add3A_221 = arith.addi %mul3A_219, %add3A_220 : i32
    %mul3A_222 = arith.constant 640 : i32
    %mul3A_223 = arith.muli %arg1, %mul3A_222 : i32
    %dma_start3A_224 = arith.constant 9600 : i32
    %dma_start3A_225 = tpu.memref_slice %arg17[%dma_start3A_224] : memref<10240xf32, #tpu.memory_space<vmem>> -> memref<640xf32, #tpu.memory_space<vmem>>
    %dma_start3A_226 = tpu.memref_slice %arg9[%add3A_221, %mul3A_223] : memref<32x10240xf32, #tpu.memory_space<hbm>> -> memref<1x640xf32, #tpu.memory_space<hbm>>
    %dma_start3A_227 = tpu.memref_squeeze %dma_start3A_226 : memref<1x640xf32, #tpu.memory_space<hbm>> -> memref<640xf32, #tpu.memory_space<hbm>>
    %dma_start3A_228 = arith.constant 9600 : i32
    %dma_start3A_229 = tpu.memref_slice %arg17[%dma_start3A_228] : memref<10240xf32, #tpu.memory_space<vmem>> -> memref<640xf32, #tpu.memory_space<vmem>>
    %dma_start3A_230 = tpu.memref_slice %arg9[%add3A_221, %mul3A_223] : memref<32x10240xf32, #tpu.memory_space<hbm>> -> memref<1x640xf32, #tpu.memory_space<hbm>>
    %dma_start3A_231 = tpu.memref_squeeze %dma_start3A_230 : memref<1x640xf32, #tpu.memory_space<hbm>> -> memref<640xf32, #tpu.memory_space<hbm>>
    tpu.enqueue_dma source(%dma_start3A_231 : memref<640xf32, #tpu.memory_space<hbm>>) target(%dma_start3A_229 : memref<640xf32, #tpu.memory_space<vmem>>) target_semaphore(%arg24 : memref<!tpu.dma_semaphore, #tpu.memory_space<semaphore_mem>>)
    %dma_wait3A = arith.constant 0 : i32
    %dma_wait3A_232 = tpu.memref_slice %arg17[%dma_wait3A] : memref<10240xf32, #tpu.memory_space<vmem>> -> memref<640xf32, #tpu.memory_space<vmem>>
    %dma_wait3A_233 = tpu.memref_slice %arg9[%add3A_12, %mul3A_14] : memref<32x10240xf32, #tpu.memory_space<hbm>> -> memref<1x640xf32, #tpu.memory_space<hbm>>
    %dma_wait3A_234 = tpu.memref_squeeze %dma_wait3A_233 : memref<1x640xf32, #tpu.memory_space<hbm>> -> memref<640xf32, #tpu.memory_space<hbm>>
    %dma_wait3A_235 = arith.constant 0 : i32
    %dma_wait3A_236 = tpu.memref_slice %arg17[%dma_wait3A_235] : memref<10240xf32, #tpu.memory_space<vmem>> -> memref<640xf32, #tpu.memory_space<vmem>>
    %dma_wait3A_237 = tpu.memref_slice %arg9[%add3A_12, %mul3A_14] : memref<32x10240xf32, #tpu.memory_space<hbm>> -> memref<1x640xf32, #tpu.memory_space<hbm>>
    %dma_wait3A_238 = tpu.memref_squeeze %dma_wait3A_237 : memref<1x640xf32, #tpu.memory_space<hbm>> -> memref<640xf32, #tpu.memory_space<hbm>>
    tpu.wait_dma2 semaphore(%arg24 : memref<!tpu.dma_semaphore, #tpu.memory_space<semaphore_mem>>) src(%dma_wait3A_238 : memref<640xf32, #tpu.memory_space<hbm>>) dst(%dma_wait3A_236 : memref<640xf32, #tpu.memory_space<vmem>>)
    %dma_wait3A_239 = arith.constant 640 : i32
    %dma_wait3A_240 = tpu.memref_slice %arg17[%dma_wait3A_239] : memref<10240xf32, #tpu.memory_space<vmem>> -> memref<640xf32, #tpu.memory_space<vmem>>
    %dma_wait3A_241 = tpu.memref_slice %arg9[%add3A_25, %mul3A_27] : memref<32x10240xf32, #tpu.memory_space<hbm>> -> memref<1x640xf32, #tpu.memory_space<hbm>>
    %dma_wait3A_242 = tpu.memref_squeeze %dma_wait3A_241 : memref<1x640xf32, #tpu.memory_space<hbm>> -> memref<640xf32, #tpu.memory_space<hbm>>
    %dma_wait3A_243 = arith.constant 640 : i32
    %dma_wait3A_244 = tpu.memref_slice %arg17[%dma_wait3A_243] : memref<10240xf32, #tpu.memory_space<vmem>> -> memref<640xf32, #tpu.memory_space<vmem>>
    %dma_wait3A_245 = tpu.memref_slice %arg9[%add3A_25, %mul3A_27] : memref<32x10240xf32, #tpu.memory_space<hbm>> -> memref<1x640xf32, #tpu.memory_space<hbm>>
    %dma_wait3A_246 = tpu.memref_squeeze %dma_wait3A_245 : memref<1x640xf32, #tpu.memory_space<hbm>> -> memref<640xf32, #tpu.memory_space<hbm>>
    tpu.wait_dma2 semaphore(%arg24 : memref<!tpu.dma_semaphore, #tpu.memory_space<semaphore_mem>>) src(%dma_wait3A_246 : memref<640xf32, #tpu.memory_space<hbm>>) dst(%dma_wait3A_244 : memref<640xf32, #tpu.memory_space<vmem>>)
    %dma_wait3A_247 = arith.constant 1280 : i32
    %dma_wait3A_248 = tpu.memref_slice %arg17[%dma_wait3A_247] : memref<10240xf32, #tpu.memory_space<vmem>> -> memref<640xf32, #tpu.memory_space<vmem>>
    %dma_wait3A_249 = tpu.memref_slice %arg9[%add3A_39, %mul3A_41] : memref<32x10240xf32, #tpu.memory_space<hbm>> -> memref<1x640xf32, #tpu.memory_space<hbm>>
    %dma_wait3A_250 = tpu.memref_squeeze %dma_wait3A_249 : memref<1x640xf32, #tpu.memory_space<hbm>> -> memref<640xf32, #tpu.memory_space<hbm>>
    %dma_wait3A_251 = arith.constant 1280 : i32
    %dma_wait3A_252 = tpu.memref_slice %arg17[%dma_wait3A_251] : memref<10240xf32, #tpu.memory_space<vmem>> -> memref<640xf32, #tpu.memory_space<vmem>>
    %dma_wait3A_253 = tpu.memref_slice %arg9[%add3A_39, %mul3A_41] : memref<32x10240xf32, #tpu.memory_space<hbm>> -> memref<1x640xf32, #tpu.memory_space<hbm>>
    %dma_wait3A_254 = tpu.memref_squeeze %dma_wait3A_253 : memref<1x640xf32, #tpu.memory_space<hbm>> -> memref<640xf32, #tpu.memory_space<hbm>>
    tpu.wait_dma2 semaphore(%arg24 : memref<!tpu.dma_semaphore, #tpu.memory_space<semaphore_mem>>) src(%dma_wait3A_254 : memref<640xf32, #tpu.memory_space<hbm>>) dst(%dma_wait3A_252 : memref<640xf32, #tpu.memory_space<vmem>>)
    %dma_wait3A_255 = arith.constant 1920 : i32
    %dma_wait3A_256 = tpu.memref_slice %arg17[%dma_wait3A_255] : memref<10240xf32, #tpu.memory_space<vmem>> -> memref<640xf32, #tpu.memory_space<vmem>>
    %dma_wait3A_257 = tpu.memref_slice %arg9[%add3A_53, %mul3A_55] : memref<32x10240xf32, #tpu.memory_space<hbm>> -> memref<1x640xf32, #tpu.memory_space<hbm>>
    %dma_wait3A_258 = tpu.memref_squeeze %dma_wait3A_257 : memref<1x640xf32, #tpu.memory_space<hbm>> -> memref<640xf32, #tpu.memory_space<hbm>>
    %dma_wait3A_259 = arith.constant 1920 : i32
    %dma_wait3A_260 = tpu.memref_slice %arg17[%dma_wait3A_259] : memref<10240xf32, #tpu.memory_space<vmem>> -> memref<640xf32, #tpu.memory_space<vmem>>
    %dma_wait3A_261 = tpu.memref_slice %arg9[%add3A_53, %mul3A_55] : memref<32x10240xf32, #tpu.memory_space<hbm>> -> memref<1x640xf32, #tpu.memory_space<hbm>>
    %dma_wait3A_262 = tpu.memref_squeeze %dma_wait3A_261 : memref<1x640xf32, #tpu.memory_space<hbm>> -> memref<640xf32, #tpu.memory_space<hbm>>
    tpu.wait_dma2 semaphore(%arg24 : memref<!tpu.dma_semaphore, #tpu.memory_space<semaphore_mem>>) src(%dma_wait3A_262 : memref<640xf32, #tpu.memory_space<hbm>>) dst(%dma_wait3A_260 : memref<640xf32, #tpu.memory_space<vmem>>)
    %dma_wait3A_263 = arith.constant 2560 : i32
    %dma_wait3A_264 = tpu.memref_slice %arg17[%dma_wait3A_263] : memref<10240xf32, #tpu.memory_space<vmem>> -> memref<640xf32, #tpu.memory_space<vmem>>
    %dma_wait3A_265 = tpu.memref_slice %arg9[%add3A_67, %mul3A_69] : memref<32x10240xf32, #tpu.memory_space<hbm>> -> memref<1x640xf32, #tpu.memory_space<hbm>>
    %dma_wait3A_266 = tpu.memref_squeeze %dma_wait3A_265 : memref<1x640xf32, #tpu.memory_space<hbm>> -> memref<640xf32, #tpu.memory_space<hbm>>
    %dma_wait3A_267 = arith.constant 2560 : i32
    %dma_wait3A_268 = tpu.memref_slice %arg17[%dma_wait3A_267] : memref<10240xf32, #tpu.memory_space<vmem>> -> memref<640xf32, #tpu.memory_space<vmem>>
    %dma_wait3A_269 = tpu.memref_slice %arg9[%add3A_67, %mul3A_69] : memref<32x10240xf32, #tpu.memory_space<hbm>> -> memref<1x640xf32, #tpu.memory_space<hbm>>
    %dma_wait3A_270 = tpu.memref_squeeze %dma_wait3A_269 : memref<1x640xf32, #tpu.memory_space<hbm>> -> memref<640xf32, #tpu.memory_space<hbm>>
    tpu.wait_dma2 semaphore(%arg24 : memref<!tpu.dma_semaphore, #tpu.memory_space<semaphore_mem>>) src(%dma_wait3A_270 : memref<640xf32, #tpu.memory_space<hbm>>) dst(%dma_wait3A_268 : memref<640xf32, #tpu.memory_space<vmem>>)
    %dma_wait3A_271 = arith.constant 3200 : i32
    %dma_wait3A_272 = tpu.memref_slice %arg17[%dma_wait3A_271] : memref<10240xf32, #tpu.memory_space<vmem>> -> memref<640xf32, #tpu.memory_space<vmem>>
    %dma_wait3A_273 = tpu.memref_slice %arg9[%add3A_81, %mul3A_83] : memref<32x10240xf32, #tpu.memory_space<hbm>> -> memref<1x640xf32, #tpu.memory_space<hbm>>
    %dma_wait3A_274 = tpu.memref_squeeze %dma_wait3A_273 : memref<1x640xf32, #tpu.memory_space<hbm>> -> memref<640xf32, #tpu.memory_space<hbm>>
    %dma_wait3A_275 = arith.constant 3200 : i32
    %dma_wait3A_276 = tpu.memref_slice %arg17[%dma_wait3A_275] : memref<10240xf32, #tpu.memory_space<vmem>> -> memref<640xf32, #tpu.memory_space<vmem>>
    %dma_wait3A_277 = tpu.memref_slice %arg9[%add3A_81, %mul3A_83] : memref<32x10240xf32, #tpu.memory_space<hbm>> -> memref<1x640xf32, #tpu.memory_space<hbm>>
    %dma_wait3A_278 = tpu.memref_squeeze %dma_wait3A_277 : memref<1x640xf32, #tpu.memory_space<hbm>> -> memref<640xf32, #tpu.memory_space<hbm>>
    tpu.wait_dma2 semaphore(%arg24 : memref<!tpu.dma_semaphore, #tpu.memory_space<semaphore_mem>>) src(%dma_wait3A_278 : memref<640xf32, #tpu.memory_space<hbm>>) dst(%dma_wait3A_276 : memref<640xf32, #tpu.memory_space<vmem>>)
    %dma_wait3A_279 = arith.constant 3840 : i32
    %dma_wait3A_280 = tpu.memref_slice %arg17[%dma_wait3A_279] : memref<10240xf32, #tpu.memory_space<vmem>> -> memref<640xf32, #tpu.memory_space<vmem>>
    %dma_wait3A_281 = tpu.memref_slice %arg9[%add3A_95, %mul3A_97] : memref<32x10240xf32, #tpu.memory_space<hbm>> -> memref<1x640xf32, #tpu.memory_space<hbm>>
    %dma_wait3A_282 = tpu.memref_squeeze %dma_wait3A_281 : memref<1x640xf32, #tpu.memory_space<hbm>> -> memref<640xf32, #tpu.memory_space<hbm>>
    %dma_wait3A_283 = arith.constant 3840 : i32
    %dma_wait3A_284 = tpu.memref_slice %arg17[%dma_wait3A_283] : memref<10240xf32, #tpu.memory_space<vmem>> -> memref<640xf32, #tpu.memory_space<vmem>>
    %dma_wait3A_285 = tpu.memref_slice %arg9[%add3A_95, %mul3A_97] : memref<32x10240xf32, #tpu.memory_space<hbm>> -> memref<1x640xf32, #tpu.memory_space<hbm>>
    %dma_wait3A_286 = tpu.memref_squeeze %dma_wait3A_285 : memref<1x640xf32, #tpu.memory_space<hbm>> -> memref<640xf32, #tpu.memory_space<hbm>>
    tpu.wait_dma2 semaphore(%arg24 : memref<!tpu.dma_semaphore, #tpu.memory_space<semaphore_mem>>) src(%dma_wait3A_286 : memref<640xf32, #tpu.memory_space<hbm>>) dst(%dma_wait3A_284 : memref<640xf32, #tpu.memory_space<vmem>>)
    %dma_wait3A_287 = arith.constant 4480 : i32
    %dma_wait3A_288 = tpu.memref_slice %arg17[%dma_wait3A_287] : memref<10240xf32, #tpu.memory_space<vmem>> -> memref<640xf32, #tpu.memory_space<vmem>>
    %dma_wait3A_289 = tpu.memref_slice %arg9[%add3A_109, %mul3A_111] : memref<32x10240xf32, #tpu.memory_space<hbm>> -> memref<1x640xf32, #tpu.memory_space<hbm>>
    %dma_wait3A_290 = tpu.memref_squeeze %dma_wait3A_289 : memref<1x640xf32, #tpu.memory_space<hbm>> -> memref<640xf32, #tpu.memory_space<hbm>>
    %dma_wait3A_291 = arith.constant 4480 : i32
    %dma_wait3A_292 = tpu.memref_slice %arg17[%dma_wait3A_291] : memref<10240xf32, #tpu.memory_space<vmem>> -> memref<640xf32, #tpu.memory_space<vmem>>
    %dma_wait3A_293 = tpu.memref_slice %arg9[%add3A_109, %mul3A_111] : memref<32x10240xf32, #tpu.memory_space<hbm>> -> memref<1x640xf32, #tpu.memory_space<hbm>>
    %dma_wait3A_294 = tpu.memref_squeeze %dma_wait3A_293 : memref<1x640xf32, #tpu.memory_space<hbm>> -> memref<640xf32, #tpu.memory_space<hbm>>
    tpu.wait_dma2 semaphore(%arg24 : memref<!tpu.dma_semaphore, #tpu.memory_space<semaphore_mem>>) src(%dma_wait3A_294 : memref<640xf32, #tpu.memory_space<hbm>>) dst(%dma_wait3A_292 : memref<640xf32, #tpu.memory_space<vmem>>)
    %dma_wait3A_295 = arith.constant 5120 : i32
    %dma_wait3A_296 = tpu.memref_slice %arg17[%dma_wait3A_295] : memref<10240xf32, #tpu.memory_space<vmem>> -> memref<640xf32, #tpu.memory_space<vmem>>
    %dma_wait3A_297 = tpu.memref_slice %arg9[%add3A_123, %mul3A_125] : memref<32x10240xf32, #tpu.memory_space<hbm>> -> memref<1x640xf32, #tpu.memory_space<hbm>>
    %dma_wait3A_298 = tpu.memref_squeeze %dma_wait3A_297 : memref<1x640xf32, #tpu.memory_space<hbm>> -> memref<640xf32, #tpu.memory_space<hbm>>
    %dma_wait3A_299 = arith.constant 5120 : i32
    %dma_wait3A_300 = tpu.memref_slice %arg17[%dma_wait3A_299] : memref<10240xf32, #tpu.memory_space<vmem>> -> memref<640xf32, #tpu.memory_space<vmem>>
    %dma_wait3A_301 = tpu.memref_slice %arg9[%add3A_123, %mul3A_125] : memref<32x10240xf32, #tpu.memory_space<hbm>> -> memref<1x640xf32, #tpu.memory_space<hbm>>
    %dma_wait3A_302 = tpu.memref_squeeze %dma_wait3A_301 : memref<1x640xf32, #tpu.memory_space<hbm>> -> memref<640xf32, #tpu.memory_space<hbm>>
    tpu.wait_dma2 semaphore(%arg24 : memref<!tpu.dma_semaphore, #tpu.memory_space<semaphore_mem>>) src(%dma_wait3A_302 : memref<640xf32, #tpu.memory_space<hbm>>) dst(%dma_wait3A_300 : memref<640xf32, #tpu.memory_space<vmem>>)
    %dma_wait3A_303 = arith.constant 5760 : i32
    %dma_wait3A_304 = tpu.memref_slice %arg17[%dma_wait3A_303] : memref<10240xf32, #tpu.memory_space<vmem>> -> memref<640xf32, #tpu.memory_space<vmem>>
    %dma_wait3A_305 = tpu.memref_slice %arg9[%add3A_137, %mul3A_139] : memref<32x10240xf32, #tpu.memory_space<hbm>> -> memref<1x640xf32, #tpu.memory_space<hbm>>
    %dma_wait3A_306 = tpu.memref_squeeze %dma_wait3A_305 : memref<1x640xf32, #tpu.memory_space<hbm>> -> memref<640xf32, #tpu.memory_space<hbm>>
    %dma_wait3A_307 = arith.constant 5760 : i32
    %dma_wait3A_308 = tpu.memref_slice %arg17[%dma_wait3A_307] : memref<10240xf32, #tpu.memory_space<vmem>> -> memref<640xf32, #tpu.memory_space<vmem>>
    %dma_wait3A_309 = tpu.memref_slice %arg9[%add3A_137, %mul3A_139] : memref<32x10240xf32, #tpu.memory_space<hbm>> -> memref<1x640xf32, #tpu.memory_space<hbm>>
    %dma_wait3A_310 = tpu.memref_squeeze %dma_wait3A_309 : memref<1x640xf32, #tpu.memory_space<hbm>> -> memref<640xf32, #tpu.memory_space<hbm>>
    tpu.wait_dma2 semaphore(%arg24 : memref<!tpu.dma_semaphore, #tpu.memory_space<semaphore_mem>>) src(%dma_wait3A_310 : memref<640xf32, #tpu.memory_space<hbm>>) dst(%dma_wait3A_308 : memref<640xf32, #tpu.memory_space<vmem>>)
    %dma_wait3A_311 = arith.constant 6400 : i32
    %dma_wait3A_312 = tpu.memref_slice %arg17[%dma_wait3A_311] : memref<10240xf32, #tpu.memory_space<vmem>> -> memref<640xf32, #tpu.memory_space<vmem>>
    %dma_wait3A_313 = tpu.memref_slice %arg9[%add3A_151, %mul3A_153] : memref<32x10240xf32, #tpu.memory_space<hbm>> -> memref<1x640xf32, #tpu.memory_space<hbm>>
    %dma_wait3A_314 = tpu.memref_squeeze %dma_wait3A_313 : memref<1x640xf32, #tpu.memory_space<hbm>> -> memref<640xf32, #tpu.memory_space<hbm>>
    %dma_wait3A_315 = arith.constant 6400 : i32
    %dma_wait3A_316 = tpu.memref_slice %arg17[%dma_wait3A_315] : memref<10240xf32, #tpu.memory_space<vmem>> -> memref<640xf32, #tpu.memory_space<vmem>>
    %dma_wait3A_317 = tpu.memref_slice %arg9[%add3A_151, %mul3A_153] : memref<32x10240xf32, #tpu.memory_space<hbm>> -> memref<1x640xf32, #tpu.memory_space<hbm>>
    %dma_wait3A_318 = tpu.memref_squeeze %dma_wait3A_317 : memref<1x640xf32, #tpu.memory_space<hbm>> -> memref<640xf32, #tpu.memory_space<hbm>>
    tpu.wait_dma2 semaphore(%arg24 : memref<!tpu.dma_semaphore, #tpu.memory_space<semaphore_mem>>) src(%dma_wait3A_318 : memref<640xf32, #tpu.memory_space<hbm>>) dst(%dma_wait3A_316 : memref<640xf32, #tpu.memory_space<vmem>>)
    %dma_wait3A_319 = arith.constant 7040 : i32
    %dma_wait3A_320 = tpu.memref_slice %arg17[%dma_wait3A_319] : memref<10240xf32, #tpu.memory_space<vmem>> -> memref<640xf32, #tpu.memory_space<vmem>>
    %dma_wait3A_321 = tpu.memref_slice %arg9[%add3A_165, %mul3A_167] : memref<32x10240xf32, #tpu.memory_space<hbm>> -> memref<1x640xf32, #tpu.memory_space<hbm>>
    %dma_wait3A_322 = tpu.memref_squeeze %dma_wait3A_321 : memref<1x640xf32, #tpu.memory_space<hbm>> -> memref<640xf32, #tpu.memory_space<hbm>>
    %dma_wait3A_323 = arith.constant 7040 : i32
    %dma_wait3A_324 = tpu.memref_slice %arg17[%dma_wait3A_323] : memref<10240xf32, #tpu.memory_space<vmem>> -> memref<640xf32, #tpu.memory_space<vmem>>
    %dma_wait3A_325 = tpu.memref_slice %arg9[%add3A_165, %mul3A_167] : memref<32x10240xf32, #tpu.memory_space<hbm>> -> memref<1x640xf32, #tpu.memory_space<hbm>>
    %dma_wait3A_326 = tpu.memref_squeeze %dma_wait3A_325 : memref<1x640xf32, #tpu.memory_space<hbm>> -> memref<640xf32, #tpu.memory_space<hbm>>
    tpu.wait_dma2 semaphore(%arg24 : memref<!tpu.dma_semaphore, #tpu.memory_space<semaphore_mem>>) src(%dma_wait3A_326 : memref<640xf32, #tpu.memory_space<hbm>>) dst(%dma_wait3A_324 : memref<640xf32, #tpu.memory_space<vmem>>)
    %dma_wait3A_327 = arith.constant 7680 : i32
    %dma_wait3A_328 = tpu.memref_slice %arg17[%dma_wait3A_327] : memref<10240xf32, #tpu.memory_space<vmem>> -> memref<640xf32, #tpu.memory_space<vmem>>
    %dma_wait3A_329 = tpu.memref_slice %arg9[%add3A_179, %mul3A_181] : memref<32x10240xf32, #tpu.memory_space<hbm>> -> memref<1x640xf32, #tpu.memory_space<hbm>>
    %dma_wait3A_330 = tpu.memref_squeeze %dma_wait3A_329 : memref<1x640xf32, #tpu.memory_space<hbm>> -> memref<640xf32, #tpu.memory_space<hbm>>
    %dma_wait3A_331 = arith.constant 7680 : i32
    %dma_wait3A_332 = tpu.memref_slice %arg17[%dma_wait3A_331] : memref<10240xf32, #tpu.memory_space<vmem>> -> memref<640xf32, #tpu.memory_space<vmem>>
    %dma_wait3A_333 = tpu.memref_slice %arg9[%add3A_179, %mul3A_181] : memref<32x10240xf32, #tpu.memory_space<hbm>> -> memref<1x640xf32, #tpu.memory_space<hbm>>
    %dma_wait3A_334 = tpu.memref_squeeze %dma_wait3A_333 : memref<1x640xf32, #tpu.memory_space<hbm>> -> memref<640xf32, #tpu.memory_space<hbm>>
    tpu.wait_dma2 semaphore(%arg24 : memref<!tpu.dma_semaphore, #tpu.memory_space<semaphore_mem>>) src(%dma_wait3A_334 : memref<640xf32, #tpu.memory_space<hbm>>) dst(%dma_wait3A_332 : memref<640xf32, #tpu.memory_space<vmem>>)
    %dma_wait3A_335 = arith.constant 8320 : i32
    %dma_wait3A_336 = tpu.memref_slice %arg17[%dma_wait3A_335] : memref<10240xf32, #tpu.memory_space<vmem>> -> memref<640xf32, #tpu.memory_space<vmem>>
    %dma_wait3A_337 = tpu.memref_slice %arg9[%add3A_193, %mul3A_195] : memref<32x10240xf32, #tpu.memory_space<hbm>> -> memref<1x640xf32, #tpu.memory_space<hbm>>
    %dma_wait3A_338 = tpu.memref_squeeze %dma_wait3A_337 : memref<1x640xf32, #tpu.memory_space<hbm>> -> memref<640xf32, #tpu.memory_space<hbm>>
    %dma_wait3A_339 = arith.constant 8320 : i32
    %dma_wait3A_340 = tpu.memref_slice %arg17[%dma_wait3A_339] : memref<10240xf32, #tpu.memory_space<vmem>> -> memref<640xf32, #tpu.memory_space<vmem>>
    %dma_wait3A_341 = tpu.memref_slice %arg9[%add3A_193, %mul3A_195] : memref<32x10240xf32, #tpu.memory_space<hbm>> -> memref<1x640xf32, #tpu.memory_space<hbm>>
    %dma_wait3A_342 = tpu.memref_squeeze %dma_wait3A_341 : memref<1x640xf32, #tpu.memory_space<hbm>> -> memref<640xf32, #tpu.memory_space<hbm>>
    tpu.wait_dma2 semaphore(%arg24 : memref<!tpu.dma_semaphore, #tpu.memory_space<semaphore_mem>>) src(%dma_wait3A_342 : memref<640xf32, #tpu.memory_space<hbm>>) dst(%dma_wait3A_340 : memref<640xf32, #tpu.memory_space<vmem>>)
    %dma_wait3A_343 = arith.constant 8960 : i32
    %dma_wait3A_344 = tpu.memref_slice %arg17[%dma_wait3A_343] : memref<10240xf32, #tpu.memory_space<vmem>> -> memref<640xf32, #tpu.memory_space<vmem>>
    %dma_wait3A_345 = tpu.memref_slice %arg9[%add3A_207, %mul3A_209] : memref<32x10240xf32, #tpu.memory_space<hbm>> -> memref<1x640xf32, #tpu.memory_space<hbm>>
    %dma_wait3A_346 = tpu.memref_squeeze %dma_wait3A_345 : memref<1x640xf32, #tpu.memory_space<hbm>> -> memref<640xf32, #tpu.memory_space<hbm>>
    %dma_wait3A_347 = arith.constant 8960 : i32
    %dma_wait3A_348 = tpu.memref_slice %arg17[%dma_wait3A_347] : memref<10240xf32, #tpu.memory_space<vmem>> -> memref<640xf32, #tpu.memory_space<vmem>>
    %dma_wait3A_349 = tpu.memref_slice %arg9[%add3A_207, %mul3A_209] : memref<32x10240xf32, #tpu.memory_space<hbm>> -> memref<1x640xf32, #tpu.memory_space<hbm>>
    %dma_wait3A_350 = tpu.memref_squeeze %dma_wait3A_349 : memref<1x640xf32, #tpu.memory_space<hbm>> -> memref<640xf32, #tpu.memory_space<hbm>>
    tpu.wait_dma2 semaphore(%arg24 : memref<!tpu.dma_semaphore, #tpu.memory_space<semaphore_mem>>) src(%dma_wait3A_350 : memref<640xf32, #tpu.memory_space<hbm>>) dst(%dma_wait3A_348 : memref<640xf32, #tpu.memory_space<vmem>>)
    %dma_wait3A_351 = arith.constant 9600 : i32
    %dma_wait3A_352 = tpu.memref_slice %arg17[%dma_wait3A_351] : memref<10240xf32, #tpu.memory_space<vmem>> -> memref<640xf32, #tpu.memory_space<vmem>>
    %dma_wait3A_353 = tpu.memref_slice %arg9[%add3A_221, %mul3A_223] : memref<32x10240xf32, #tpu.memory_space<hbm>> -> memref<1x640xf32, #tpu.memory_space<hbm>>
    %dma_wait3A_354 = tpu.memref_squeeze %dma_wait3A_353 : memref<1x640xf32, #tpu.memory_space<hbm>> -> memref<640xf32, #tpu.memory_space<hbm>>
    %dma_wait3A_355 = arith.constant 9600 : i32
    %dma_wait3A_356 = tpu.memref_slice %arg17[%dma_wait3A_355] : memref<10240xf32, #tpu.memory_space<vmem>> -> memref<640xf32, #tpu.memory_space<vmem>>
    %dma_wait3A_357 = tpu.memref_slice %arg9[%add3A_221, %mul3A_223] : memref<32x10240xf32, #tpu.memory_space<hbm>> -> memref<1x640xf32, #tpu.memory_space<hbm>>
    %dma_wait3A_358 = tpu.memref_squeeze %dma_wait3A_357 : memref<1x640xf32, #tpu.memory_space<hbm>> -> memref<640xf32, #tpu.memory_space<hbm>>
    tpu.wait_dma2 semaphore(%arg24 : memref<!tpu.dma_semaphore, #tpu.memory_space<semaphore_mem>>) src(%dma_wait3A_358 : memref<640xf32, #tpu.memory_space<hbm>>) dst(%dma_wait3A_356 : memref<640xf32, #tpu.memory_space<vmem>>)
    %scan3A_359 = arith.constant 0 : i32
    %scan3A_360 = arith.constant 0 : i32
    %scan3A_361 = arith.constant 40 : i32
    %scan3A_362 = arith.addi %scan3A_360, %scan3A_361 : i32
    %scan3A_363 = arith.constant 1 : i32
    scf.for %scan3A_388 = %scan3A_360 to %scan3A_362 step %scan3A_363  : i32 {
      %mul3A_389 = arith.constant 16 : i32
      %mul3A_390 = arith.muli %scan3A_388, %mul3A_389 : i32
      %get3A = arith.index_cast %mul3A_390 : i32 to index
      %get3A_391 = tpu.vector_load %arg17[%get3A] {strides = array<i32>} : memref<10240xf32, #tpu.memory_space<vmem>>, vector<16xf32>,
      %mul3A_392 = arith.constant 16 : i32
      %mul3A_393 = arith.muli %scan3A_388, %mul3A_392 : i32
      %add3A_394 = arith.constant 640 : i32
      %add3A_395 = arith.addi %add3A_394, %mul3A_393 : i32
      %get3A_396 = arith.index_cast %add3A_395 : i32 to index
      %get3A_397 = tpu.vector_load %arg17[%get3A_396] {strides = array<i32>} : memref<10240xf32, #tpu.memory_space<vmem>>, vector<16xf32>,
      %add3A_398 = arith.addf %get3A_391, %get3A_397 : vector<16xf32>
      %mul3A_399 = arith.constant 16 : i32
      %mul3A_400 = arith.muli %scan3A_388, %mul3A_399 : i32
      %add3A_401 = arith.constant 1280 : i32
      %add3A_402 = arith.addi %add3A_401, %mul3A_400 : i32
      %get3A_403 = arith.index_cast %add3A_402 : i32 to index
      %get3A_404 = tpu.vector_load %arg17[%get3A_403] {strides = array<i32>} : memref<10240xf32, #tpu.memory_space<vmem>>, vector<16xf32>,
      %add3A_405 = arith.addf %add3A_398, %get3A_404 : vector<16xf32>
      %mul3A_406 = arith.constant 16 : i32
      %mul3A_407 = arith.muli %scan3A_388, %mul3A_406 : i32
      %add3A_408 = arith.constant 1920 : i32
      %add3A_409 = arith.addi %add3A_408, %mul3A_407 : i32
      %get3A_410 = arith.index_cast %add3A_409 : i32 to index
      %get3A_411 = tpu.vector_load %arg17[%get3A_410] {strides = array<i32>} : memref<10240xf32, #tpu.memory_space<vmem>>, vector<16xf32>,
      %add3A_412 = arith.addf %add3A_405, %get3A_411 : vector<16xf32>
      %mul3A_413 = arith.constant 16 : i32
      %mul3A_414 = arith.muli %scan3A_388, %mul3A_413 : i32
      %add3A_415 = arith.constant 2560 : i32
      %add3A_416 = arith.addi %add3A_415, %mul3A_414 : i32
      %get3A_417 = arith.index_cast %add3A_416 : i32 to index
      %get3A_418 = tpu.vector_load %arg17[%get3A_417] {strides = array<i32>} : memref<10240xf32, #tpu.memory_space<vmem>>, vector<16xf32>,
      %add3A_419 = arith.addf %add3A_412, %get3A_418 : vector<16xf32>
      %mul3A_420 = arith.constant 16 : i32
      %mul3A_421 = arith.muli %scan3A_388, %mul3A_420 : i32
      %add3A_422 = arith.constant 3200 : i32
      %add3A_423 = arith.addi %add3A_422, %mul3A_421 : i32
      %get3A_424 = arith.index_cast %add3A_423 : i32 to index
      %get3A_425 = tpu.vector_load %arg17[%get3A_424] {strides = array<i32>} : memref<10240xf32, #tpu.memory_space<vmem>>, vector<16xf32>,
      %add3A_426 = arith.addf %add3A_419, %get3A_425 : vector<16xf32>
      %mul3A_427 = arith.constant 16 : i32
      %mul3A_428 = arith.muli %scan3A_388, %mul3A_427 : i32
      %add3A_429 = arith.constant 3840 : i32
      %add3A_430 = arith.addi %add3A_429, %mul3A_428 : i32
      %get3A_431 = arith.index_cast %add3A_430 : i32 to index
      %get3A_432 = tpu.vector_load %arg17[%get3A_431] {strides = array<i32>} : memref<10240xf32, #tpu.memory_space<vmem>>, vector<16xf32>,
      %add3A_433 = arith.addf %add3A_426, %get3A_432 : vector<16xf32>
      %mul3A_434 = arith.constant 16 : i32
      %mul3A_435 = arith.muli %scan3A_388, %mul3A_434 : i32
      %add3A_436 = arith.constant 4480 : i32
      %add3A_437 = arith.addi %add3A_436, %mul3A_435 : i32
      %get3A_438 = arith.index_cast %add3A_437 : i32 to index
      %get3A_439 = tpu.vector_load %arg17[%get3A_438] {strides = array<i32>} : memref<10240xf32, #tpu.memory_space<vmem>>, vector<16xf32>,
      %add3A_440 = arith.addf %add3A_433, %get3A_439 : vector<16xf32>
      %mul3A_441 = arith.constant 16 : i32
      %mul3A_442 = arith.muli %scan3A_388, %mul3A_441 : i32
      %add3A_443 = arith.constant 5120 : i32
      %add3A_444 = arith.addi %add3A_443, %mul3A_442 : i32
      %get3A_445 = arith.index_cast %add3A_444 : i32 to index
      %get3A_446 = tpu.vector_load %arg17[%get3A_445] {strides = array<i32>} : memref<10240xf32, #tpu.memory_space<vmem>>, vector<16xf32>,
      %add3A_447 = arith.addf %add3A_440, %get3A_446 : vector<16xf32>
      %mul3A_448 = arith.constant 16 : i32
      %mul3A_449 = arith.muli %scan3A_388, %mul3A_448 : i32
      %add3A_450 = arith.constant 5760 : i32
      %add3A_451 = arith.addi %add3A_450, %mul3A_449 : i32
      %get3A_452 = arith.index_cast %add3A_451 : i32 to index
      %get3A_453 = tpu.vector_load %arg17[%get3A_452] {strides = array<i32>} : memref<10240xf32, #tpu.memory_space<vmem>>, vector<16xf32>,
      %add3A_454 = arith.addf %add3A_447, %get3A_453 : vector<16xf32>
      %mul3A_455 = arith.constant 16 : i32
      %mul3A_456 = arith.muli %scan3A_388, %mul3A_455 : i32
      %add3A_457 = arith.constant 6400 : i32
      %add3A_458 = arith.addi %add3A_457, %mul3A_456 : i32
      %get3A_459 = arith.index_cast %add3A_458 : i32 to index
      %get3A_460 = tpu.vector_load %arg17[%get3A_459] {strides = array<i32>} : memref<10240xf32, #tpu.memory_space<vmem>>, vector<16xf32>,
      %add3A_461 = arith.addf %add3A_454, %get3A_460 : vector<16xf32>
      %mul3A_462 = arith.constant 16 : i32
      %mul3A_463 = arith.muli %scan3A_388, %mul3A_462 : i32
      %add3A_464 = arith.constant 7040 : i32
      %add3A_465 = arith.addi %add3A_464, %mul3A_463 : i32
      %get3A_466 = arith.index_cast %add3A_465 : i32 to index
      %get3A_467 = tpu.vector_load %arg17[%get3A_466] {strides = array<i32>} : memref<10240xf32, #tpu.memory_space<vmem>>, vector<16xf32>,
      %add3A_468 = arith.addf %add3A_461, %get3A_467 : vector<16xf32>
      %mul3A_469 = arith.constant 16 : i32
      %mul3A_470 = arith.muli %scan3A_388, %mul3A_469 : i32
      %add3A_471 = arith.constant 7680 : i32
      %add3A_472 = arith.addi %add3A_471, %mul3A_470 : i32
      %get3A_473 = arith.index_cast %add3A_472 : i32 to index
      %get3A_474 = tpu.vector_load %arg17[%get3A_473] {strides = array<i32>} : memref<10240xf32, #tpu.memory_space<vmem>>, vector<16xf32>,
      %add3A_475 = arith.addf %add3A_468, %get3A_474 : vector<16xf32>
      %mul3A_476 = arith.constant 16 : i32
      %mul3A_477 = arith.muli %scan3A_388, %mul3A_476 : i32
      %add3A_478 = arith.constant 8320 : i32
      %add3A_479 = arith.addi %add3A_478, %mul3A_477 : i32
      %get3A_480 = arith.index_cast %add3A_479 : i32 to index
      %get3A_481 = tpu.vector_load %arg17[%get3A_480] {strides = array<i32>} : memref<10240xf32, #tpu.memory_space<vmem>>, vector<16xf32>,
      %add3A_482 = arith.addf %add3A_475, %get3A_481 : vector<16xf32>
      %mul3A_483 = arith.constant 16 : i32
      %mul3A_484 = arith.muli %scan3A_388, %mul3A_483 : i32
      %add3A_485 = arith.constant 8960 : i32
      %add3A_486 = arith.addi %add3A_485, %mul3A_484 : i32
      %get3A_487 = arith.index_cast %add3A_486 : i32 to index
      %get3A_488 = tpu.vector_load %arg17[%get3A_487] {strides = array<i32>} : memref<10240xf32, #tpu.memory_space<vmem>>, vector<16xf32>,
      %add3A_489 = arith.addf %add3A_482, %get3A_488 : vector<16xf32>
      %mul3A_490 = arith.constant 16 : i32
      %mul3A_491 = arith.muli %scan3A_388, %mul3A_490 : i32
      %add3A_492 = arith.constant 9600 : i32
      %add3A_493 = arith.addi %add3A_492, %mul3A_491 : i32
      %get3A_494 = arith.index_cast %add3A_493 : i32 to index
      %get3A_495 = tpu.vector_load %arg17[%get3A_494] {strides = array<i32>} : memref<10240xf32, #tpu.memory_space<vmem>>, vector<16xf32>,
      %add3A_496 = arith.addf %add3A_489, %get3A_495 : vector<16xf32>
      %mul3A_497 = arith.constant 16 : i32
      %mul3A_498 = arith.muli %scan3A_388, %mul3A_497 : i32
      %swap3A = arith.index_cast %mul3A_498 : i32 to index
      %swap3A_499 = tpu.vector_load %arg18[%swap3A] {strides = array<i32>} : memref<640xf32, #tpu.memory_space<vmem>>, vector<16xf32>,
      tpu.vector_store %arg18[%swap3A], %add3A_496 {strides = array<i32>} : memref<640xf32, #tpu.memory_space<vmem>>, vector<16xf32>,
    }
    %scan3A_364 = arith.constant 40 : i32
    "tpu.trace_start"() <{level = 10 : i32, message = "ph_rsqrt"}> : () -> ()
    %scan3A_365 = arith.constant 0 : i32
    %scan3A_366 = arith.constant 0 : i32
    %scan3A_367 = arith.constant 40 : i32
    %scan3A_368 = arith.addi %scan3A_366, %scan3A_367 : i32
    %scan3A_369 = arith.constant 1 : i32
    scf.for %scan3A_388 = %scan3A_366 to %scan3A_368 step %scan3A_369  : i32 {
      %mul3A_389 = arith.constant 16 : i32
      %mul3A_390 = arith.muli %scan3A_388, %mul3A_389 : i32
      %get3A = arith.index_cast %mul3A_390 : i32 to index
      %get3A_391 = tpu.vector_load %arg18[%get3A] {strides = array<i32>} : memref<640xf32, #tpu.memory_space<vmem>>, vector<16xf32>,
      %add3A_392 = arith.constant 1.000000e+00 : f32
      %add3A_393 = vector.broadcast %add3A_392 : f32 to vector<16xf32>
      %add3A_394 = arith.addf %get3A_391, %add3A_393 : vector<16xf32>
      %mul3A_395 = arith.constant 5.000000e-01 : f32
      %mul3A_396 = vector.broadcast %mul3A_395 : f32 to vector<16xf32>
      %mul3A_397 = arith.mulf %add3A_394, %mul3A_396 : vector<16xf32>
      %div3A = arith.divf %get3A_391, %mul3A_397 : vector<16xf32>
      %add3A_398 = arith.addf %mul3A_397, %div3A : vector<16xf32>
      %mul3A_399 = arith.constant 5.000000e-01 : f32
      %mul3A_400 = vector.broadcast %mul3A_399 : f32 to vector<16xf32>
      %mul3A_401 = arith.mulf %add3A_398, %mul3A_400 : vector<16xf32>
      %div3A_402 = arith.divf %get3A_391, %mul3A_401 : vector<16xf32>
      %add3A_403 = arith.addf %mul3A_401, %div3A_402 : vector<16xf32>
      %mul3A_404 = arith.constant 5.000000e-01 : f32
      %mul3A_405 = vector.broadcast %mul3A_404 : f32 to vector<16xf32>
      %mul3A_406 = arith.mulf %add3A_403, %mul3A_405 : vector<16xf32>
      %div3A_407 = arith.divf %get3A_391, %mul3A_406 : vector<16xf32>
      %add3A_408 = arith.addf %mul3A_406, %div3A_407 : vector<16xf32>
      %mul3A_409 = arith.constant 5.000000e-01 : f32
      %mul3A_410 = vector.broadcast %mul3A_409 : f32 to vector<16xf32>
      %mul3A_411 = arith.mulf %add3A_408, %mul3A_410 : vector<16xf32>
      %div3A_412 = arith.divf %get3A_391, %mul3A_411 : vector<16xf32>
      %add3A_413 = arith.addf %mul3A_411, %div3A_412 : vector<16xf32>
      %mul3A_414 = arith.constant 5.000000e-01 : f32
      %mul3A_415 = vector.broadcast %mul3A_414 : f32 to vector<16xf32>
      %mul3A_416 = arith.mulf %add3A_413, %mul3A_415 : vector<16xf32>
      %div3A_417 = arith.divf %get3A_391, %mul3A_416 : vector<16xf32>
      %add3A_418 = arith.addf %mul3A_416, %div3A_417 : vector<16xf32>
      %mul3A_419 = arith.constant 5.000000e-01 : f32
      %mul3A_420 = vector.broadcast %mul3A_419 : f32 to vector<16xf32>
      %mul3A_421 = arith.mulf %add3A_418, %mul3A_420 : vector<16xf32>
      %div3A_422 = arith.divf %get3A_391, %mul3A_421 : vector<16xf32>
      %add3A_423 = arith.addf %mul3A_421, %div3A_422 : vector<16xf32>
      %mul3A_424 = arith.constant 5.000000e-01 : f32
      %mul3A_425 = vector.broadcast %mul3A_424 : f32 to vector<16xf32>
      %mul3A_426 = arith.mulf %add3A_423, %mul3A_425 : vector<16xf32>
      %div3A_427 = arith.divf %get3A_391, %mul3A_426 : vector<16xf32>
      %add3A_428 = arith.addf %mul3A_426, %div3A_427 : vector<16xf32>
      %mul3A_429 = arith.constant 5.000000e-01 : f32
      %mul3A_430 = vector.broadcast %mul3A_429 : f32 to vector<16xf32>
      %mul3A_431 = arith.mulf %add3A_428, %mul3A_430 : vector<16xf32>
      %div3A_432 = arith.constant 1.000000e+00 : f32
      %div3A_433 = vector.broadcast %div3A_432 : f32 to vector<16xf32>
      %div3A_434 = arith.divf %div3A_433, %mul3A_431 : vector<16xf32>
      %mul3A_435 = arith.constant 16 : i32
      %mul3A_436 = arith.muli %scan3A_388, %mul3A_435 : i32
      %swap3A = arith.index_cast %mul3A_436 : i32 to index
      %swap3A_437 = tpu.vector_load %arg18[%swap3A] {strides = array<i32>} : memref<640xf32, #tpu.memory_space<vmem>>, vector<16xf32>,
      tpu.vector_store %arg18[%swap3A], %div3A_434 {strides = array<i32>} : memref<640xf32, #tpu.memory_space<vmem>>, vector<16xf32>,
    }
    %scan3A_370 = arith.constant 40 : i32
    %mul3A_371 = arith.constant 640 : i32
    %mul3A_372 = arith.muli %arg1, %mul3A_371 : i32
    "tpu.region"() ({
      %run_scoped3A = tpu.sem_alloc : memref<!tpu.dma_semaphore, #tpu.memory_space<semaphore_mem>>
      %dma_start3A_388 = tpu.memref_slice %arg11[%mul3A_372] : memref<10240xf32, #tpu.memory_space<vmem_shared>> -> memref<640xf32, #tpu.memory_space<vmem_shared>>
      %dma_start3A_389 = tpu.memref_slice %arg11[%mul3A_372] : memref<10240xf32, #tpu.memory_space<vmem_shared>> -> memref<640xf32, #tpu.memory_space<vmem_shared>>
      tpu.enqueue_dma source(%arg18 : memref<640xf32, #tpu.memory_space<vmem>>) target(%dma_start3A_389 : memref<640xf32, #tpu.memory_space<vmem_shared>>) target_semaphore(%run_scoped3A : memref<!tpu.dma_semaphore, #tpu.memory_space<semaphore_mem>>)
      %dma_wait3A_390 = tpu.memref_slice %arg11[%mul3A_372] : memref<10240xf32, #tpu.memory_space<vmem_shared>> -> memref<640xf32, #tpu.memory_space<vmem_shared>>
      %dma_wait3A_391 = tpu.memref_slice %arg11[%mul3A_372] : memref<10240xf32, #tpu.memory_space<vmem_shared>> -> memref<640xf32, #tpu.memory_space<vmem_shared>>
      tpu.wait_dma2 semaphore(%run_scoped3A : memref<!tpu.dma_semaphore, #tpu.memory_space<semaphore_mem>>) src(%arg18 : memref<640xf32, #tpu.memory_space<vmem>>) dst(%dma_wait3A_391 : memref<640xf32, #tpu.memory_space<vmem_shared>>)
      tpu.yield
    }) : () -> ()
    %barrier3A_373 = arith.constant 0 : index
    tpu.barrier barrier_id(%barrier3A_373)
    "tpu.region"() ({
      %run_scoped3A = tpu.sem_alloc : memref<!tpu.dma_semaphore, #tpu.memory_space<semaphore_mem>>
      tpu.enqueue_dma source(%arg11 : memref<10240xf32, #tpu.memory_space<vmem_shared>>) target(%arg17 : memref<10240xf32, #tpu.memory_space<vmem>>) target_semaphore(%run_scoped3A : memref<!tpu.dma_semaphore, #tpu.memory_space<semaphore_mem>>)
      tpu.wait_dma2 semaphore(%run_scoped3A : memref<!tpu.dma_semaphore, #tpu.memory_space<semaphore_mem>>) src(%arg11 : memref<10240xf32, #tpu.memory_space<vmem_shared>>) dst(%arg17 : memref<10240xf32, #tpu.memory_space<vmem>>)
      tpu.yield
    }) : () -> ()
    "tpu.trace_stop"() : () -> ()
    "tpu.trace_start"() <{level = 10 : i32, message = "ph_agg"}> : () -> ()
    %scan3A_374 = arith.constant 0 : i32
    %scan3A_375 = arith.constant 0 : i32
    %scan3A_376 = arith.constant 11 : i32
    %scan3A_377 = arith.addi %scan3A_375, %scan3A_376 : i32
    %scan3A_378 = arith.constant 1 : i32
    scf.for %scan3A_388 = %scan3A_375 to %scan3A_377 step %scan3A_378  : i32 {
      %mul3A_389 = arith.constant 88 : i32
      %mul3A_390 = arith.muli %add3A, %mul3A_389 : i32
      %mul3A_391 = arith.constant 8 : i32
      %mul3A_392 = arith.muli %scan3A_388, %mul3A_391 : i32
      %add3A_393 = arith.addi %mul3A_390, %mul3A_392 : i32
      "tpu.region"() ({
        %run_scoped3A = tpu.sem_alloc : memref<!tpu.dma_semaphore, #tpu.memory_space<semaphore_mem>>
        %dma_start3A_714 = arith.constant 0 : i32
        %dma_start3A_715 = tpu.memref_slice %arg3[%add3A_393, %dma_start3A_714] : memref<2816x128xi32, #tpu.memory_space<hbm>> -> memref<8x128xi32, #tpu.memory_space<hbm>>
        %dma_start3A_716 = arith.constant 0 : i32
        %dma_start3A_717 = tpu.memref_slice %arg3[%add3A_393, %dma_start3A_716] : memref<2816x128xi32, #tpu.memory_space<hbm>> -> memref<8x128xi32, #tpu.memory_space<hbm>>
        tpu.enqueue_dma source(%dma_start3A_717 : memref<8x128xi32, #tpu.memory_space<hbm>>) target(%arg12 : memref<8x128xi32, #tpu.memory_space<vmem>>) target_semaphore(%run_scoped3A : memref<!tpu.dma_semaphore, #tpu.memory_space<semaphore_mem>>)
        %dma_wait3A_718 = arith.constant 0 : i32
        %dma_wait3A_719 = tpu.memref_slice %arg3[%add3A_393, %dma_wait3A_718] : memref<2816x128xi32, #tpu.memory_space<hbm>> -> memref<8x128xi32, #tpu.memory_space<hbm>>
        %dma_wait3A_720 = arith.constant 0 : i32
        %dma_wait3A_721 = tpu.memref_slice %arg3[%add3A_393, %dma_wait3A_720] : memref<2816x128xi32, #tpu.memory_space<hbm>> -> memref<8x128xi32, #tpu.memory_space<hbm>>
        tpu.wait_dma2 semaphore(%run_scoped3A : memref<!tpu.dma_semaphore, #tpu.memory_space<semaphore_mem>>) src(%dma_wait3A_721 : memref<8x128xi32, #tpu.memory_space<hbm>>) dst(%arg12 : memref<8x128xi32, #tpu.memory_space<vmem>>)
        tpu.yield
      }) : () -> ()
      "tpu.region"() ({
        %run_scoped3A = tpu.sem_alloc : memref<!tpu.dma_semaphore, #tpu.memory_space<semaphore_mem>>
        %dma_start3A_714 = arith.constant 0 : i32
        %dma_start3A_715 = tpu.memref_slice %arg2[%add3A_393, %dma_start3A_714] : memref<2816x128xi32, #tpu.memory_space<hbm>> -> memref<8x128xi32, #tpu.memory_space<hbm>>
        %dma_start3A_716 = arith.constant 0 : i32
        %dma_start3A_717 = tpu.memref_slice %arg2[%add3A_393, %dma_start3A_716] : memref<2816x128xi32, #tpu.memory_space<hbm>> -> memref<8x128xi32, #tpu.memory_space<hbm>>
        tpu.enqueue_dma source(%dma_start3A_717 : memref<8x128xi32, #tpu.memory_space<hbm>>) target(%arg13 : memref<8x128xi32, #tpu.memory_space<vmem>>) target_semaphore(%run_scoped3A : memref<!tpu.dma_semaphore, #tpu.memory_space<semaphore_mem>>)
        %dma_wait3A_718 = arith.constant 0 : i32
        %dma_wait3A_719 = tpu.memref_slice %arg2[%add3A_393, %dma_wait3A_718] : memref<2816x128xi32, #tpu.memory_space<hbm>> -> memref<8x128xi32, #tpu.memory_space<hbm>>
        %dma_wait3A_720 = arith.constant 0 : i32
        %dma_wait3A_721 = tpu.memref_slice %arg2[%add3A_393, %dma_wait3A_720] : memref<2816x128xi32, #tpu.memory_space<hbm>> -> memref<8x128xi32, #tpu.memory_space<hbm>>
        tpu.wait_dma2 semaphore(%run_scoped3A : memref<!tpu.dma_semaphore, #tpu.memory_space<semaphore_mem>>) src(%dma_wait3A_721 : memref<8x128xi32, #tpu.memory_space<hbm>>) dst(%arg13 : memref<8x128xi32, #tpu.memory_space<vmem>>)
        tpu.yield
      }) : () -> ()
      "tpu.region"() ({
        %run_scoped3A = tpu.sem_alloc : memref<!tpu.dma_semaphore, #tpu.memory_space<semaphore_mem>>
        %dma_start3A_714 = arith.constant 0 : i32
        %dma_start3A_715 = tpu.memref_slice %arg4[%add3A_393, %dma_start3A_714] : memref<2816x128xf32, #tpu.memory_space<hbm>> -> memref<8x128xf32, #tpu.memory_space<hbm>>
        %dma_start3A_716 = arith.constant 0 : i32
        %dma_start3A_717 = tpu.memref_slice %arg4[%add3A_393, %dma_start3A_716] : memref<2816x128xf32, #tpu.memory_space<hbm>> -> memref<8x128xf32, #tpu.memory_space<hbm>>
        tpu.enqueue_dma source(%dma_start3A_717 : memref<8x128xf32, #tpu.memory_space<hbm>>) target(%arg14 : memref<8x128xf32, #tpu.memory_space<vmem>>) target_semaphore(%run_scoped3A : memref<!tpu.dma_semaphore, #tpu.memory_space<semaphore_mem>>)
        %dma_wait3A_718 = arith.constant 0 : i32
        %dma_wait3A_719 = tpu.memref_slice %arg4[%add3A_393, %dma_wait3A_718] : memref<2816x128xf32, #tpu.memory_space<hbm>> -> memref<8x128xf32, #tpu.memory_space<hbm>>
        %dma_wait3A_720 = arith.constant 0 : i32
        %dma_wait3A_721 = tpu.memref_slice %arg4[%add3A_393, %dma_wait3A_720] : memref<2816x128xf32, #tpu.memory_space<hbm>> -> memref<8x128xf32, #tpu.memory_space<hbm>>
        tpu.wait_dma2 semaphore(%run_scoped3A : memref<!tpu.dma_semaphore, #tpu.memory_space<semaphore_mem>>) src(%dma_wait3A_721 : memref<8x128xf32, #tpu.memory_space<hbm>>) dst(%arg14 : memref<8x128xf32, #tpu.memory_space<vmem>>)
        tpu.yield
      }) : () -> ()
      %dma_start3A_394 = arith.constant 0 : i32
      %dma_start3A_395 = arith.constant 0 : i32
      %dma_start3A_396 = tpu.memref_slice %arg13[%dma_start3A_394, %dma_start3A_395] : memref<8x128xi32, #tpu.memory_space<vmem>> -> memref<1x128xi32, #tpu.memory_space<vmem>>
      %dma_start3A_397 = tpu.memref_squeeze %dma_start3A_396 : memref<1x128xi32, #tpu.memory_space<vmem>> -> memref<128xi32, #tpu.memory_space<vmem>>
      %dma_start3A_398 = arith.constant 0 : i32
      %dma_start3A_399 = arith.constant 0 : i32
      %dma_start3A_400 = tpu.memref_slice %arg5[%dma_start3A_398, %dma_start3A_399] : memref<10240x128xf32, #tpu.memory_space<hbm>> -> memref<10240x128xf32, #tpu.memory_space<hbm>>
      tpu.enqueue_indirect_dma source(%dma_start3A_400 : memref<10240x128xf32, #tpu.memory_space<hbm>>) target(%arg15 : memref<128x128xf32, #tpu.memory_space<vmem>>) offsets(%dma_start3A_397 : memref<128xi32, #tpu.memory_space<vmem>>) semaphore(%arg20 : memref<!tpu.dma_semaphore, #tpu.memory_space<semaphore_mem>>)
      %dma_wait3A_401 = arith.constant 0 : i32
      %dma_wait3A_402 = arith.constant 0 : i32
      %dma_wait3A_403 = tpu.memref_slice %arg13[%dma_wait3A_401, %dma_wait3A_402] : memref<8x128xi32, #tpu.memory_space<vmem>> -> memref<1x128xi32, #tpu.memory_space<vmem>>
      %dma_wait3A_404 = tpu.memref_squeeze %dma_wait3A_403 : memref<1x128xi32, #tpu.memory_space<vmem>> -> memref<128xi32, #tpu.memory_space<vmem>>
      %dma_wait3A_405 = arith.constant 0 : i32
      %dma_wait3A_406 = arith.constant 0 : i32
      %dma_wait3A_407 = tpu.memref_slice %arg5[%dma_wait3A_405, %dma_wait3A_406] : memref<10240x128xf32, #tpu.memory_space<hbm>> -> memref<10240x128xf32, #tpu.memory_space<hbm>>
      tpu.wait_indirect_dma semaphore(%arg20 : memref<!tpu.dma_semaphore, #tpu.memory_space<semaphore_mem>>) src(%dma_wait3A_407 : memref<10240x128xf32, #tpu.memory_space<hbm>>) dst(%arg15 : memref<128x128xf32, #tpu.memory_space<vmem>>)
      %dma_start3A_408 = arith.constant 1 : i32
      %dma_start3A_409 = arith.constant 0 : i32
      %dma_start3A_410 = tpu.memref_slice %arg13[%dma_start3A_408, %dma_start3A_409] : memref<8x128xi32, #tpu.memory_space<vmem>> -> memref<1x128xi32, #tpu.memory_space<vmem>>
      %dma_start3A_411 = tpu.memref_squeeze %dma_start3A_410 : memref<1x128xi32, #tpu.memory_space<vmem>> -> memref<128xi32, #tpu.memory_space<vmem>>
      %dma_start3A_412 = arith.constant 0 : i32
      %dma_start3A_413 = arith.constant 0 : i32
      %dma_start3A_414 = tpu.memref_slice %arg5[%dma_start3A_412, %dma_start3A_413] : memref<10240x128xf32, #tpu.memory_space<hbm>> -> memref<10240x128xf32, #tpu.memory_space<hbm>>
      tpu.enqueue_indirect_dma source(%dma_start3A_414 : memref<10240x128xf32, #tpu.memory_space<hbm>>) target(%arg16 : memref<128x128xf32, #tpu.memory_space<vmem>>) offsets(%dma_start3A_411 : memref<128xi32, #tpu.memory_space<vmem>>) semaphore(%arg21 : memref<!tpu.dma_semaphore, #tpu.memory_space<semaphore_mem>>)
      %scan3A_415 = arith.constant 0 : i32
      %scan3A_416 = arith.constant 0 : i32
      %scan3A_417 = arith.constant 8 : i32
      %scan3A_418 = arith.addi %scan3A_416, %scan3A_417 : i32
      %scan3A_419 = arith.constant 1 : i32
      scf.for %scan3A_714 = %scan3A_416 to %scan3A_418 step %scan3A_419  : i32 {
        %mul3A_715 = arith.constant 16 : i32
        %mul3A_716 = arith.muli %scan3A_714, %mul3A_715 : i32
        %get3A = arith.constant 0 : i32
        %get3A_717 = arith.index_cast %get3A : i32 to index
        %get3A_718 = arith.index_cast %mul3A_716 : i32 to index
        %get3A_719 = tpu.vector_load %arg13[%get3A_717, %get3A_718] {strides = array<i32>} : memref<8x128xi32, #tpu.memory_space<vmem>>, vector<16xi32>,
        %mul3A_720 = arith.constant 16 : i32
        %mul3A_721 = arith.muli %scan3A_714, %mul3A_720 : i32
        %get3A_722 = arith.constant 0 : i32
        %get3A_723 = arith.index_cast %get3A_722 : i32 to index
        %get3A_724 = arith.index_cast %mul3A_721 : i32 to index
        %get3A_725 = tpu.vector_load %arg12[%get3A_723, %get3A_724] {strides = array<i32>} : memref<8x128xi32, #tpu.memory_space<vmem>>, vector<16xi32>,
        %mul3A_726 = arith.constant 16 : i32
        %mul3A_727 = arith.muli %scan3A_714, %mul3A_726 : i32
        %get3A_728 = arith.constant 0 : i32
        %get3A_729 = arith.index_cast %get3A_728 : i32 to index
        %get3A_730 = arith.index_cast %mul3A_727 : i32 to index
        %get3A_731 = tpu.vector_load %arg14[%get3A_729, %get3A_730] {strides = array<i32>} : memref<8x128xf32, #tpu.memory_space<vmem>>, vector<16xf32>,
        %gather3A = tpu.vector_load_idx %arg17[%get3A_719] : memref<10240xf32, #tpu.memory_space<vmem>>[vector<16xi32>], vector<16xf32>,
        %gather3A_732 = tpu.vector_load_idx %arg17[%get3A_725] : memref<10240xf32, #tpu.memory_space<vmem>>[vector<16xi32>], vector<16xf32>,
        %mul3A_733 = arith.mulf %gather3A, %get3A_731 : vector<16xf32>
        %mul3A_734 = arith.mulf %mul3A_733, %gather3A_732 : vector<16xf32>
        %mul3A_735 = arith.constant 16 : i32
        %mul3A_736 = arith.muli %scan3A_714, %mul3A_735 : i32
        %swap3A = arith.index_cast %mul3A_736 : i32 to index
        %swap3A_737 = tpu.vector_load %arg19[%swap3A] {strides = array<i32>} : memref<128xf32, #tpu.memory_space<vmem>>, vector<16xf32>,
        tpu.vector_store %arg19[%swap3A], %mul3A_734 {strides = array<i32>} : memref<128xf32, #tpu.memory_space<vmem>>, vector<16xf32>,
      }
      %scan3A_420 = arith.constant 8 : i32
      %scan3A_421 = arith.constant 0 : i32
      %scan3A_422 = arith.constant 0 : i32
      %scan3A_423 = arith.constant 128 : i32
      %scan3A_424 = arith.addi %scan3A_422, %scan3A_423 : i32
      %scan3A_425 = arith.constant 1 : i32
      scf.for %scan3A_714 = %scan3A_422 to %scan3A_424 step %scan3A_425  : i32 {
        %broadcast_in_dim3A = vector.broadcast %scan3A_714 : i32 to vector<16xi32>
        %gather3A = tpu.vector_load_idx %arg19[%broadcast_in_dim3A] : memref<128xf32, #tpu.memory_space<vmem>>[vector<16xi32>], vector<16xf32>,
        %get3A = arith.index_cast %scan3A_714 : i32 to index
        %get3A_715 = arith.constant 0 : index
        %get3A_716 = tpu.vector_load %arg15[%get3A, %get3A_715] {strides = array<i32>} : memref<128x128xf32, #tpu.memory_space<vmem>>, vector<16xf32>,
        %mul3A_717 = arith.mulf %get3A_716, %gather3A : vector<16xf32>
        %swap3A = arith.index_cast %scan3A_714 : i32 to index
        %swap3A_718 = arith.constant 0 : index
        %swap3A_719 = tpu.vector_load %arg15[%swap3A, %swap3A_718] {strides = array<i32>} : memref<128x128xf32, #tpu.memory_space<vmem>>, vector<16xf32>,
        tpu.vector_store %arg15[%swap3A, %swap3A_718], %mul3A_717 {strides = array<i32>} : memref<128x128xf32, #tpu.memory_space<vmem>>, vector<16xf32>,
        %get3A_720 = arith.index_cast %scan3A_714 : i32 to index
        %get3A_721 = arith.constant 16 : index
        %get3A_722 = tpu.vector_load %arg15[%get3A_720, %get3A_721] {strides = array<i32>} : memref<128x128xf32, #tpu.memory_space<vmem>>, vector<16xf32>,
        %mul3A_723 = arith.mulf %get3A_722, %gather3A : vector<16xf32>
        %swap3A_724 = arith.index_cast %scan3A_714 : i32 to index
        %swap3A_725 = arith.constant 16 : index
        %swap3A_726 = tpu.vector_load %arg15[%swap3A_724, %swap3A_725] {strides = array<i32>} : memref<128x128xf32, #tpu.memory_space<vmem>>, vector<16xf32>,
        tpu.vector_store %arg15[%swap3A_724, %swap3A_725], %mul3A_723 {strides = array<i32>} : memref<128x128xf32, #tpu.memory_space<vmem>>, vector<16xf32>,
        %get3A_727 = arith.index_cast %scan3A_714 : i32 to index
        %get3A_728 = arith.constant 32 : index
        %get3A_729 = tpu.vector_load %arg15[%get3A_727, %get3A_728] {strides = array<i32>} : memref<128x128xf32, #tpu.memory_space<vmem>>, vector<16xf32>,
        %mul3A_730 = arith.mulf %get3A_729, %gather3A : vector<16xf32>
        %swap3A_731 = arith.index_cast %scan3A_714 : i32 to index
        %swap3A_732 = arith.constant 32 : index
        %swap3A_733 = tpu.vector_load %arg15[%swap3A_731, %swap3A_732] {strides = array<i32>} : memref<128x128xf32, #tpu.memory_space<vmem>>, vector<16xf32>,
        tpu.vector_store %arg15[%swap3A_731, %swap3A_732], %mul3A_730 {strides = array<i32>} : memref<128x128xf32, #tpu.memory_space<vmem>>, vector<16xf32>,
        %get3A_734 = arith.index_cast %scan3A_714 : i32 to index
        %get3A_735 = arith.constant 48 : index
        %get3A_736 = tpu.vector_load %arg15[%get3A_734, %get3A_735] {strides = array<i32>} : memref<128x128xf32, #tpu.memory_space<vmem>>, vector<16xf32>,
        %mul3A_737 = arith.mulf %get3A_736, %gather3A : vector<16xf32>
        %swap3A_738 = arith.index_cast %scan3A_714 : i32 to index
        %swap3A_739 = arith.constant 48 : index
        %swap3A_740 = tpu.vector_load %arg15[%swap3A_738, %swap3A_739] {strides = array<i32>} : memref<128x128xf32, #tpu.memory_space<vmem>>, vector<16xf32>,
        tpu.vector_store %arg15[%swap3A_738, %swap3A_739], %mul3A_737 {strides = array<i32>} : memref<128x128xf32, #tpu.memory_space<vmem>>, vector<16xf32>,
        %get3A_741 = arith.index_cast %scan3A_714 : i32 to index
        %get3A_742 = arith.constant 64 : index
        %get3A_743 = tpu.vector_load %arg15[%get3A_741, %get3A_742] {strides = array<i32>} : memref<128x128xf32, #tpu.memory_space<vmem>>, vector<16xf32>,
        %mul3A_744 = arith.mulf %get3A_743, %gather3A : vector<16xf32>
        %swap3A_745 = arith.index_cast %scan3A_714 : i32 to index
        %swap3A_746 = arith.constant 64 : index
        %swap3A_747 = tpu.vector_load %arg15[%swap3A_745, %swap3A_746] {strides = array<i32>} : memref<128x128xf32, #tpu.memory_space<vmem>>, vector<16xf32>,
        tpu.vector_store %arg15[%swap3A_745, %swap3A_746], %mul3A_744 {strides = array<i32>} : memref<128x128xf32, #tpu.memory_space<vmem>>, vector<16xf32>,
        %get3A_748 = arith.index_cast %scan3A_714 : i32 to index
        %get3A_749 = arith.constant 80 : index
        %get3A_750 = tpu.vector_load %arg15[%get3A_748, %get3A_749] {strides = array<i32>} : memref<128x128xf32, #tpu.memory_space<vmem>>, vector<16xf32>,
        %mul3A_751 = arith.mulf %get3A_750, %gather3A : vector<16xf32>
        %swap3A_752 = arith.index_cast %scan3A_714 : i32 to index
        %swap3A_753 = arith.constant 80 : index
        %swap3A_754 = tpu.vector_load %arg15[%swap3A_752, %swap3A_753] {strides = array<i32>} : memref<128x128xf32, #tpu.memory_space<vmem>>, vector<16xf32>,
        tpu.vector_store %arg15[%swap3A_752, %swap3A_753], %mul3A_751 {strides = array<i32>} : memref<128x128xf32, #tpu.memory_space<vmem>>, vector<16xf32>,
        %get3A_755 = arith.index_cast %scan3A_714 : i32 to index
        %get3A_756 = arith.constant 96 : index
        %get3A_757 = tpu.vector_load %arg15[%get3A_755, %get3A_756] {strides = array<i32>} : memref<128x128xf32, #tpu.memory_space<vmem>>, vector<16xf32>,
        %mul3A_758 = arith.mulf %get3A_757, %gather3A : vector<16xf32>
        %swap3A_759 = arith.index_cast %scan3A_714 : i32 to index
        %swap3A_760 = arith.constant 96 : index
        %swap3A_761 = tpu.vector_load %arg15[%swap3A_759, %swap3A_760] {strides = array<i32>} : memref<128x128xf32, #tpu.memory_space<vmem>>, vector<16xf32>,
        tpu.vector_store %arg15[%swap3A_759, %swap3A_760], %mul3A_758 {strides = array<i32>} : memref<128x128xf32, #tpu.memory_space<vmem>>, vector<16xf32>,
        %get3A_762 = arith.index_cast %scan3A_714 : i32 to index
        %get3A_763 = arith.constant 112 : index
        %get3A_764 = tpu.vector_load %arg15[%get3A_762, %get3A_763] {strides = array<i32>} : memref<128x128xf32, #tpu.memory_space<vmem>>, vector<16xf32>,
        %mul3A_765 = arith.mulf %get3A_764, %gather3A : vector<16xf32>
        %swap3A_766 = arith.index_cast %scan3A_714 : i32 to index
        %swap3A_767 = arith.constant 112 : index
        %swap3A_768 = tpu.vector_load %arg15[%swap3A_766, %swap3A_767] {strides = array<i32>} : memref<128x128xf32, #tpu.memory_space<vmem>>, vector<16xf32>,
        tpu.vector_store %arg15[%swap3A_766, %swap3A_767], %mul3A_765 {strides = array<i32>} : memref<128x128xf32, #tpu.memory_space<vmem>>, vector<16xf32>,
      }
      %scan3A_426 = arith.constant 128 : i32
      %dma_start3A_427 = arith.constant 0 : i32
      %dma_start3A_428 = arith.constant 0 : i32
      %dma_start3A_429 = tpu.memref_slice %arg12[%dma_start3A_427, %dma_start3A_428] : memref<8x128xi32, #tpu.memory_space<vmem>> -> memref<1x128xi32, #tpu.memory_space<vmem>>
      %dma_start3A_430 = tpu.memref_squeeze %dma_start3A_429 : memref<1x128xi32, #tpu.memory_space<vmem>> -> memref<128xi32, #tpu.memory_space<vmem>>
      %dma_start3A_431 = arith.constant 0 : i32
      %dma_start3A_432 = arith.constant 0 : i32
      %dma_start3A_433 = tpu.memref_slice %arg10[%dma_start3A_431, %dma_start3A_432] : memref<10240x128xf32, #tpu.memory_space<vmem_shared>> -> memref<10240x128xf32, #tpu.memory_space<vmem_shared>>
      tpu.enqueue_indirect_dma source(%arg15 : memref<128x128xf32, #tpu.memory_space<vmem>>) target(%dma_start3A_433 : memref<10240x128xf32, #tpu.memory_space<vmem_shared>>) offsets(%dma_start3A_430 : memref<128xi32, #tpu.memory_space<vmem>>) semaphore(%arg22 : memref<!tpu.dma_semaphore, #tpu.memory_space<semaphore_mem>>) {add = true}
      %dma_wait3A_434 = arith.constant 1 : i32
      %dma_wait3A_435 = arith.constant 0 : i32
      %dma_wait3A_436 = tpu.memref_slice %arg13[%dma_wait3A_434, %dma_wait3A_435] : memref<8x128xi32, #tpu.memory_space<vmem>> -> memref<1x128xi32, #tpu.memory_space<vmem>>
      %dma_wait3A_437 = tpu.memref_squeeze %dma_wait3A_436 : memref<1x128xi32, #tpu.memory_space<vmem>> -> memref<128xi32, #tpu.memory_space<vmem>>
      %dma_wait3A_438 = arith.constant 0 : i32
      %dma_wait3A_439 = arith.constant 0 : i32
      %dma_wait3A_440 = tpu.memref_slice %arg5[%dma_wait3A_438, %dma_wait3A_439] : memref<10240x128xf32, #tpu.memory_space<hbm>> -> memref<10240x128xf32, #tpu.memory_space<hbm>>
      tpu.wait_indirect_dma semaphore(%arg21 : memref<!tpu.dma_semaphore, #tpu.memory_space<semaphore_mem>>) src(%dma_wait3A_440 : memref<10240x128xf32, #tpu.memory_space<hbm>>) dst(%arg16 : memref<128x128xf32, #tpu.memory_space<vmem>>)
      %dma_wait3A_441 = arith.constant 0 : i32
      %dma_wait3A_442 = arith.constant 0 : i32
      %dma_wait3A_443 = tpu.memref_slice %arg12[%dma_wait3A_441, %dma_wait3A_442] : memref<8x128xi32, #tpu.memory_space<vmem>> -> memref<1x128xi32, #tpu.memory_space<vmem>>
      %dma_wait3A_444 = tpu.memref_squeeze %dma_wait3A_443 : memref<1x128xi32, #tpu.memory_space<vmem>> -> memref<128xi32, #tpu.memory_space<vmem>>
      %dma_wait3A_445 = arith.constant 0 : i32
      %dma_wait3A_446 = arith.constant 0 : i32
      %dma_wait3A_447 = tpu.memref_slice %arg10[%dma_wait3A_445, %dma_wait3A_446] : memref<10240x128xf32, #tpu.memory_space<vmem_shared>> -> memref<10240x128xf32, #tpu.memory_space<vmem_shared>>
      tpu.wait_indirect_dma semaphore(%arg22 : memref<!tpu.dma_semaphore, #tpu.memory_space<semaphore_mem>>) src(%arg15 : memref<128x128xf32, #tpu.memory_space<vmem>>) dst(%dma_wait3A_447 : memref<10240x128xf32, #tpu.memory_space<vmem_shared>>)
      %dma_start3A_448 = arith.constant 2 : i32
      %dma_start3A_449 = arith.constant 0 : i32
      %dma_start3A_450 = tpu.memref_slice %arg13[%dma_start3A_448, %dma_start3A_449] : memref<8x128xi32, #tpu.memory_space<vmem>> -> memref<1x128xi32, #tpu.memory_space<vmem>>
      %dma_start3A_451 = tpu.memref_squeeze %dma_start3A_450 : memref<1x128xi32, #tpu.memory_space<vmem>> -> memref<128xi32, #tpu.memory_space<vmem>>
      %dma_start3A_452 = arith.constant 0 : i32
      %dma_start3A_453 = arith.constant 0 : i32
      %dma_start3A_454 = tpu.memref_slice %arg5[%dma_start3A_452, %dma_start3A_453] : memref<10240x128xf32, #tpu.memory_space<hbm>> -> memref<10240x128xf32, #tpu.memory_space<hbm>>
      tpu.enqueue_indirect_dma source(%dma_start3A_454 : memref<10240x128xf32, #tpu.memory_space<hbm>>) target(%arg15 : memref<128x128xf32, #tpu.memory_space<vmem>>) offsets(%dma_start3A_451 : memref<128xi32, #tpu.memory_space<vmem>>) semaphore(%arg20 : memref<!tpu.dma_semaphore, #tpu.memory_space<semaphore_mem>>)
      %scan3A_455 = arith.constant 0 : i32
      %scan3A_456 = arith.constant 0 : i32
      %scan3A_457 = arith.constant 8 : i32
      %scan3A_458 = arith.addi %scan3A_456, %scan3A_457 : i32
      %scan3A_459 = arith.constant 1 : i32
      scf.for %scan3A_714 = %scan3A_456 to %scan3A_458 step %scan3A_459  : i32 {
        %mul3A_715 = arith.constant 16 : i32
        %mul3A_716 = arith.muli %scan3A_714, %mul3A_715 : i32
        %get3A = arith.constant 1 : i32
        %get3A_717 = arith.index_cast %get3A : i32 to index
        %get3A_718 = arith.index_cast %mul3A_716 : i32 to index
        %get3A_719 = tpu.vector_load %arg13[%get3A_717, %get3A_718] {strides = array<i32>} : memref<8x128xi32, #tpu.memory_space<vmem>>, vector<16xi32>,
        %mul3A_720 = arith.constant 16 : i32
        %mul3A_721 = arith.muli %scan3A_714, %mul3A_720 : i32
        %get3A_722 = arith.constant 1 : i32
        %get3A_723 = arith.index_cast %get3A_722 : i32 to index
        %get3A_724 = arith.index_cast %mul3A_721 : i32 to index
        %get3A_725 = tpu.vector_load %arg12[%get3A_723, %get3A_724] {strides = array<i32>} : memref<8x128xi32, #tpu.memory_space<vmem>>, vector<16xi32>,
        %mul3A_726 = arith.constant 16 : i32
        %mul3A_727 = arith.muli %scan3A_714, %mul3A_726 : i32
        %get3A_728 = arith.constant 1 : i32
        %get3A_729 = arith.index_cast %get3A_728 : i32 to index
        %get3A_730 = arith.index_cast %mul3A_727 : i32 to index
        %get3A_731 = tpu.vector_load %arg14[%get3A_729, %get3A_730] {strides = array<i32>} : memref<8x128xf32, #tpu.memory_space<vmem>>, vector<16xf32>,
        %gather3A = tpu.vector_load_idx %arg17[%get3A_719] : memref<10240xf32, #tpu.memory_space<vmem>>[vector<16xi32>], vector<16xf32>,
        %gather3A_732 = tpu.vector_load_idx %arg17[%get3A_725] : memref<10240xf32, #tpu.memory_space<vmem>>[vector<16xi32>], vector<16xf32>,
        %mul3A_733 = arith.mulf %gather3A, %get3A_731 : vector<16xf32>
        %mul3A_734 = arith.mulf %mul3A_733, %gather3A_732 : vector<16xf32>
        %mul3A_735 = arith.constant 16 : i32
        %mul3A_736 = arith.muli %scan3A_714, %mul3A_735 : i32
        %swap3A = arith.index_cast %mul3A_736 : i32 to index
        %swap3A_737 = tpu.vector_load %arg19[%swap3A] {strides = array<i32>} : memref<128xf32, #tpu.memory_space<vmem>>, vector<16xf32>,
        tpu.vector_store %arg19[%swap3A], %mul3A_734 {strides = array<i32>} : memref<128xf32, #tpu.memory_space<vmem>>, vector<16xf32>,
      }
      %scan3A_460 = arith.constant 8 : i32
      %scan3A_461 = arith.constant 0 : i32
      %scan3A_462 = arith.constant 0 : i32
      %scan3A_463 = arith.constant 128 : i32
      %scan3A_464 = arith.addi %scan3A_462, %scan3A_463 : i32
      %scan3A_465 = arith.constant 1 : i32
      scf.for %scan3A_714 = %scan3A_462 to %scan3A_464 step %scan3A_465  : i32 {
        %broadcast_in_dim3A = vector.broadcast %scan3A_714 : i32 to vector<16xi32>
        %gather3A = tpu.vector_load_idx %arg19[%broadcast_in_dim3A] : memref<128xf32, #tpu.memory_space<vmem>>[vector<16xi32>], vector<16xf32>,
        %get3A = arith.index_cast %scan3A_714 : i32 to index
        %get3A_715 = arith.constant 0 : index
        %get3A_716 = tpu.vector_load %arg16[%get3A, %get3A_715] {strides = array<i32>} : memref<128x128xf32, #tpu.memory_space<vmem>>, vector<16xf32>,
        %mul3A_717 = arith.mulf %get3A_716, %gather3A : vector<16xf32>
        %swap3A = arith.index_cast %scan3A_714 : i32 to index
        %swap3A_718 = arith.constant 0 : index
        %swap3A_719 = tpu.vector_load %arg16[%swap3A, %swap3A_718] {strides = array<i32>} : memref<128x128xf32, #tpu.memory_space<vmem>>, vector<16xf32>,
        tpu.vector_store %arg16[%swap3A, %swap3A_718], %mul3A_717 {strides = array<i32>} : memref<128x128xf32, #tpu.memory_space<vmem>>, vector<16xf32>,
        %get3A_720 = arith.index_cast %scan3A_714 : i32 to index
        %get3A_721 = arith.constant 16 : index
        %get3A_722 = tpu.vector_load %arg16[%get3A_720, %get3A_721] {strides = array<i32>} : memref<128x128xf32, #tpu.memory_space<vmem>>, vector<16xf32>,
        %mul3A_723 = arith.mulf %get3A_722, %gather3A : vector<16xf32>
        %swap3A_724 = arith.index_cast %scan3A_714 : i32 to index
        %swap3A_725 = arith.constant 16 : index
        %swap3A_726 = tpu.vector_load %arg16[%swap3A_724, %swap3A_725] {strides = array<i32>} : memref<128x128xf32, #tpu.memory_space<vmem>>, vector<16xf32>,
        tpu.vector_store %arg16[%swap3A_724, %swap3A_725], %mul3A_723 {strides = array<i32>} : memref<128x128xf32, #tpu.memory_space<vmem>>, vector<16xf32>,
        %get3A_727 = arith.index_cast %scan3A_714 : i32 to index
        %get3A_728 = arith.constant 32 : index
        %get3A_729 = tpu.vector_load %arg16[%get3A_727, %get3A_728] {strides = array<i32>} : memref<128x128xf32, #tpu.memory_space<vmem>>, vector<16xf32>,
        %mul3A_730 = arith.mulf %get3A_729, %gather3A : vector<16xf32>
        %swap3A_731 = arith.index_cast %scan3A_714 : i32 to index
        %swap3A_732 = arith.constant 32 : index
        %swap3A_733 = tpu.vector_load %arg16[%swap3A_731, %swap3A_732] {strides = array<i32>} : memref<128x128xf32, #tpu.memory_space<vmem>>, vector<16xf32>,
        tpu.vector_store %arg16[%swap3A_731, %swap3A_732], %mul3A_730 {strides = array<i32>} : memref<128x128xf32, #tpu.memory_space<vmem>>, vector<16xf32>,
        %get3A_734 = arith.index_cast %scan3A_714 : i32 to index
        %get3A_735 = arith.constant 48 : index
        %get3A_736 = tpu.vector_load %arg16[%get3A_734, %get3A_735] {strides = array<i32>} : memref<128x128xf32, #tpu.memory_space<vmem>>, vector<16xf32>,
        %mul3A_737 = arith.mulf %get3A_736, %gather3A : vector<16xf32>
        %swap3A_738 = arith.index_cast %scan3A_714 : i32 to index
        %swap3A_739 = arith.constant 48 : index
        %swap3A_740 = tpu.vector_load %arg16[%swap3A_738, %swap3A_739] {strides = array<i32>} : memref<128x128xf32, #tpu.memory_space<vmem>>, vector<16xf32>,
        tpu.vector_store %arg16[%swap3A_738, %swap3A_739], %mul3A_737 {strides = array<i32>} : memref<128x128xf32, #tpu.memory_space<vmem>>, vector<16xf32>,
        %get3A_741 = arith.index_cast %scan3A_714 : i32 to index
        %get3A_742 = arith.constant 64 : index
        %get3A_743 = tpu.vector_load %arg16[%get3A_741, %get3A_742] {strides = array<i32>} : memref<128x128xf32, #tpu.memory_space<vmem>>, vector<16xf32>,
        %mul3A_744 = arith.mulf %get3A_743, %gather3A : vector<16xf32>
        %swap3A_745 = arith.index_cast %scan3A_714 : i32 to index
        %swap3A_746 = arith.constant 64 : index
        %swap3A_747 = tpu.vector_load %arg16[%swap3A_745, %swap3A_746] {strides = array<i32>} : memref<128x128xf32, #tpu.memory_space<vmem>>, vector<16xf32>,
        tpu.vector_store %arg16[%swap3A_745, %swap3A_746], %mul3A_744 {strides = array<i32>} : memref<128x128xf32, #tpu.memory_space<vmem>>, vector<16xf32>,
        %get3A_748 = arith.index_cast %scan3A_714 : i32 to index
        %get3A_749 = arith.constant 80 : index
        %get3A_750 = tpu.vector_load %arg16[%get3A_748, %get3A_749] {strides = array<i32>} : memref<128x128xf32, #tpu.memory_space<vmem>>, vector<16xf32>,
        %mul3A_751 = arith.mulf %get3A_750, %gather3A : vector<16xf32>
        %swap3A_752 = arith.index_cast %scan3A_714 : i32 to index
        %swap3A_753 = arith.constant 80 : index
        %swap3A_754 = tpu.vector_load %arg16[%swap3A_752, %swap3A_753] {strides = array<i32>} : memref<128x128xf32, #tpu.memory_space<vmem>>, vector<16xf32>,
        tpu.vector_store %arg16[%swap3A_752, %swap3A_753], %mul3A_751 {strides = array<i32>} : memref<128x128xf32, #tpu.memory_space<vmem>>, vector<16xf32>,
        %get3A_755 = arith.index_cast %scan3A_714 : i32 to index
        %get3A_756 = arith.constant 96 : index
        %get3A_757 = tpu.vector_load %arg16[%get3A_755, %get3A_756] {strides = array<i32>} : memref<128x128xf32, #tpu.memory_space<vmem>>, vector<16xf32>,
        %mul3A_758 = arith.mulf %get3A_757, %gather3A : vector<16xf32>
        %swap3A_759 = arith.index_cast %scan3A_714 : i32 to index
        %swap3A_760 = arith.constant 96 : index
        %swap3A_761 = tpu.vector_load %arg16[%swap3A_759, %swap3A_760] {strides = array<i32>} : memref<128x128xf32, #tpu.memory_space<vmem>>, vector<16xf32>,
        tpu.vector_store %arg16[%swap3A_759, %swap3A_760], %mul3A_758 {strides = array<i32>} : memref<128x128xf32, #tpu.memory_space<vmem>>, vector<16xf32>,
        %get3A_762 = arith.index_cast %scan3A_714 : i32 to index
        %get3A_763 = arith.constant 112 : index
        %get3A_764 = tpu.vector_load %arg16[%get3A_762, %get3A_763] {strides = array<i32>} : memref<128x128xf32, #tpu.memory_space<vmem>>, vector<16xf32>,
        %mul3A_765 = arith.mulf %get3A_764, %gather3A : vector<16xf32>
        %swap3A_766 = arith.index_cast %scan3A_714 : i32 to index
        %swap3A_767 = arith.constant 112 : index
        %swap3A_768 = tpu.vector_load %arg16[%swap3A_766, %swap3A_767] {strides = array<i32>} : memref<128x128xf32, #tpu.memory_space<vmem>>, vector<16xf32>,
        tpu.vector_store %arg16[%swap3A_766, %swap3A_767], %mul3A_765 {strides = array<i32>} : memref<128x128xf32, #tpu.memory_space<vmem>>, vector<16xf32>,
      }
      %scan3A_466 = arith.constant 128 : i32
      %dma_start3A_467 = arith.constant 1 : i32
      %dma_start3A_468 = arith.constant 0 : i32
      %dma_start3A_469 = tpu.memref_slice %arg12[%dma_start3A_467, %dma_start3A_468] : memref<8x128xi32, #tpu.memory_space<vmem>> -> memref<1x128xi32, #tpu.memory_space<vmem>>
      %dma_start3A_470 = tpu.memref_squeeze %dma_start3A_469 : memref<1x128xi32, #tpu.memory_space<vmem>> -> memref<128xi32, #tpu.memory_space<vmem>>
      %dma_start3A_471 = arith.constant 0 : i32
      %dma_start3A_472 = arith.constant 0 : i32
      %dma_start3A_473 = tpu.memref_slice %arg10[%dma_start3A_471, %dma_start3A_472] : memref<10240x128xf32, #tpu.memory_space<vmem_shared>> -> memref<10240x128xf32, #tpu.memory_space<vmem_shared>>
      tpu.enqueue_indirect_dma source(%arg16 : memref<128x128xf32, #tpu.memory_space<vmem>>) target(%dma_start3A_473 : memref<10240x128xf32, #tpu.memory_space<vmem_shared>>) offsets(%dma_start3A_470 : memref<128xi32, #tpu.memory_space<vmem>>) semaphore(%arg23 : memref<!tpu.dma_semaphore, #tpu.memory_space<semaphore_mem>>) {add = true}
      %dma_wait3A_474 = arith.constant 2 : i32
      %dma_wait3A_475 = arith.constant 0 : i32
      %dma_wait3A_476 = tpu.memref_slice %arg13[%dma_wait3A_474, %dma_wait3A_475] : memref<8x128xi32, #tpu.memory_space<vmem>> -> memref<1x128xi32, #tpu.memory_space<vmem>>
      %dma_wait3A_477 = tpu.memref_squeeze %dma_wait3A_476 : memref<1x128xi32, #tpu.memory_space<vmem>> -> memref<128xi32, #tpu.memory_space<vmem>>
      %dma_wait3A_478 = arith.constant 0 : i32
      %dma_wait3A_479 = arith.constant 0 : i32
      %dma_wait3A_480 = tpu.memref_slice %arg5[%dma_wait3A_478, %dma_wait3A_479] : memref<10240x128xf32, #tpu.memory_space<hbm>> -> memref<10240x128xf32, #tpu.memory_space<hbm>>
      tpu.wait_indirect_dma semaphore(%arg20 : memref<!tpu.dma_semaphore, #tpu.memory_space<semaphore_mem>>) src(%dma_wait3A_480 : memref<10240x128xf32, #tpu.memory_space<hbm>>) dst(%arg15 : memref<128x128xf32, #tpu.memory_space<vmem>>)
      %dma_wait3A_481 = arith.constant 1 : i32
      %dma_wait3A_482 = arith.constant 0 : i32
      %dma_wait3A_483 = tpu.memref_slice %arg12[%dma_wait3A_481, %dma_wait3A_482] : memref<8x128xi32, #tpu.memory_space<vmem>> -> memref<1x128xi32, #tpu.memory_space<vmem>>
      %dma_wait3A_484 = tpu.memref_squeeze %dma_wait3A_483 : memref<1x128xi32, #tpu.memory_space<vmem>> -> memref<128xi32, #tpu.memory_space<vmem>>
      %dma_wait3A_485 = arith.constant 0 : i32
      %dma_wait3A_486 = arith.constant 0 : i32
      %dma_wait3A_487 = tpu.memref_slice %arg10[%dma_wait3A_485, %dma_wait3A_486] : memref<10240x128xf32, #tpu.memory_space<vmem_shared>> -> memref<10240x128xf32, #tpu.memory_space<vmem_shared>>
      tpu.wait_indirect_dma semaphore(%arg23 : memref<!tpu.dma_semaphore, #tpu.memory_space<semaphore_mem>>) src(%arg16 : memref<128x128xf32, #tpu.memory_space<vmem>>) dst(%dma_wait3A_487 : memref<10240x128xf32, #tpu.memory_space<vmem_shared>>)
      %dma_start3A_488 = arith.constant 3 : i32
      %dma_start3A_489 = arith.constant 0 : i32
      %dma_start3A_490 = tpu.memref_slice %arg13[%dma_start3A_488, %dma_start3A_489] : memref<8x128xi32, #tpu.memory_space<vmem>> -> memref<1x128xi32, #tpu.memory_space<vmem>>
      %dma_start3A_491 = tpu.memref_squeeze %dma_start3A_490 : memref<1x128xi32, #tpu.memory_space<vmem>> -> memref<128xi32, #tpu.memory_space<vmem>>
      %dma_start3A_492 = arith.constant 0 : i32
      %dma_start3A_493 = arith.constant 0 : i32
      %dma_start3A_494 = tpu.memref_slice %arg5[%dma_start3A_492, %dma_start3A_493] : memref<10240x128xf32, #tpu.memory_space<hbm>> -> memref<10240x128xf32, #tpu.memory_space<hbm>>
      tpu.enqueue_indirect_dma source(%dma_start3A_494 : memref<10240x128xf32, #tpu.memory_space<hbm>>) target(%arg16 : memref<128x128xf32, #tpu.memory_space<vmem>>) offsets(%dma_start3A_491 : memref<128xi32, #tpu.memory_space<vmem>>) semaphore(%arg21 : memref<!tpu.dma_semaphore, #tpu.memory_space<semaphore_mem>>)
      %scan3A_495 = arith.constant 0 : i32
      %scan3A_496 = arith.constant 0 : i32
      %scan3A_497 = arith.constant 8 : i32
      %scan3A_498 = arith.addi %scan3A_496, %scan3A_497 : i32
      %scan3A_499 = arith.constant 1 : i32
      scf.for %scan3A_714 = %scan3A_496 to %scan3A_498 step %scan3A_499  : i32 {
        %mul3A_715 = arith.constant 16 : i32
        %mul3A_716 = arith.muli %scan3A_714, %mul3A_715 : i32
        %get3A = arith.constant 2 : i32
        %get3A_717 = arith.index_cast %get3A : i32 to index
        %get3A_718 = arith.index_cast %mul3A_716 : i32 to index
        %get3A_719 = tpu.vector_load %arg13[%get3A_717, %get3A_718] {strides = array<i32>} : memref<8x128xi32, #tpu.memory_space<vmem>>, vector<16xi32>,
        %mul3A_720 = arith.constant 16 : i32
        %mul3A_721 = arith.muli %scan3A_714, %mul3A_720 : i32
        %get3A_722 = arith.constant 2 : i32
        %get3A_723 = arith.index_cast %get3A_722 : i32 to index
        %get3A_724 = arith.index_cast %mul3A_721 : i32 to index
        %get3A_725 = tpu.vector_load %arg12[%get3A_723, %get3A_724] {strides = array<i32>} : memref<8x128xi32, #tpu.memory_space<vmem>>, vector<16xi32>,
        %mul3A_726 = arith.constant 16 : i32
        %mul3A_727 = arith.muli %scan3A_714, %mul3A_726 : i32
        %get3A_728 = arith.constant 2 : i32
        %get3A_729 = arith.index_cast %get3A_728 : i32 to index
        %get3A_730 = arith.index_cast %mul3A_727 : i32 to index
        %get3A_731 = tpu.vector_load %arg14[%get3A_729, %get3A_730] {strides = array<i32>} : memref<8x128xf32, #tpu.memory_space<vmem>>, vector<16xf32>,
        %gather3A = tpu.vector_load_idx %arg17[%get3A_719] : memref<10240xf32, #tpu.memory_space<vmem>>[vector<16xi32>], vector<16xf32>,
        %gather3A_732 = tpu.vector_load_idx %arg17[%get3A_725] : memref<10240xf32, #tpu.memory_space<vmem>>[vector<16xi32>], vector<16xf32>,
        %mul3A_733 = arith.mulf %gather3A, %get3A_731 : vector<16xf32>
        %mul3A_734 = arith.mulf %mul3A_733, %gather3A_732 : vector<16xf32>
        %mul3A_735 = arith.constant 16 : i32
        %mul3A_736 = arith.muli %scan3A_714, %mul3A_735 : i32
        %swap3A = arith.index_cast %mul3A_736 : i32 to index
        %swap3A_737 = tpu.vector_load %arg19[%swap3A] {strides = array<i32>} : memref<128xf32, #tpu.memory_space<vmem>>, vector<16xf32>,
        tpu.vector_store %arg19[%swap3A], %mul3A_734 {strides = array<i32>} : memref<128xf32, #tpu.memory_space<vmem>>, vector<16xf32>,
      }
      %scan3A_500 = arith.constant 8 : i32
      %scan3A_501 = arith.constant 0 : i32
      %scan3A_502 = arith.constant 0 : i32
      %scan3A_503 = arith.constant 128 : i32
      %scan3A_504 = arith.addi %scan3A_502, %scan3A_503 : i32
      %scan3A_505 = arith.constant 1 : i32
      scf.for %scan3A_714 = %scan3A_502 to %scan3A_504 step %scan3A_505  : i32 {
        %broadcast_in_dim3A = vector.broadcast %scan3A_714 : i32 to vector<16xi32>
        %gather3A = tpu.vector_load_idx %arg19[%broadcast_in_dim3A] : memref<128xf32, #tpu.memory_space<vmem>>[vector<16xi32>], vector<16xf32>,
        %get3A = arith.index_cast %scan3A_714 : i32 to index
        %get3A_715 = arith.constant 0 : index
        %get3A_716 = tpu.vector_load %arg15[%get3A, %get3A_715] {strides = array<i32>} : memref<128x128xf32, #tpu.memory_space<vmem>>, vector<16xf32>,
        %mul3A_717 = arith.mulf %get3A_716, %gather3A : vector<16xf32>
        %swap3A = arith.index_cast %scan3A_714 : i32 to index
        %swap3A_718 = arith.constant 0 : index
        %swap3A_719 = tpu.vector_load %arg15[%swap3A, %swap3A_718] {strides = array<i32>} : memref<128x128xf32, #tpu.memory_space<vmem>>, vector<16xf32>,
        tpu.vector_store %arg15[%swap3A, %swap3A_718], %mul3A_717 {strides = array<i32>} : memref<128x128xf32, #tpu.memory_space<vmem>>, vector<16xf32>,
        %get3A_720 = arith.index_cast %scan3A_714 : i32 to index
        %get3A_721 = arith.constant 16 : index
        %get3A_722 = tpu.vector_load %arg15[%get3A_720, %get3A_721] {strides = array<i32>} : memref<128x128xf32, #tpu.memory_space<vmem>>, vector<16xf32>,
        %mul3A_723 = arith.mulf %get3A_722, %gather3A : vector<16xf32>
        %swap3A_724 = arith.index_cast %scan3A_714 : i32 to index
        %swap3A_725 = arith.constant 16 : index
        %swap3A_726 = tpu.vector_load %arg15[%swap3A_724, %swap3A_725] {strides = array<i32>} : memref<128x128xf32, #tpu.memory_space<vmem>>, vector<16xf32>,
        tpu.vector_store %arg15[%swap3A_724, %swap3A_725], %mul3A_723 {strides = array<i32>} : memref<128x128xf32, #tpu.memory_space<vmem>>, vector<16xf32>,
        %get3A_727 = arith.index_cast %scan3A_714 : i32 to index
        %get3A_728 = arith.constant 32 : index
        %get3A_729 = tpu.vector_load %arg15[%get3A_727, %get3A_728] {strides = array<i32>} : memref<128x128xf32, #tpu.memory_space<vmem>>, vector<16xf32>,
        %mul3A_730 = arith.mulf %get3A_729, %gather3A : vector<16xf32>
        %swap3A_731 = arith.index_cast %scan3A_714 : i32 to index
        %swap3A_732 = arith.constant 32 : index
        %swap3A_733 = tpu.vector_load %arg15[%swap3A_731, %swap3A_732] {strides = array<i32>} : memref<128x128xf32, #tpu.memory_space<vmem>>, vector<16xf32>,
        tpu.vector_store %arg15[%swap3A_731, %swap3A_732], %mul3A_730 {strides = array<i32>} : memref<128x128xf32, #tpu.memory_space<vmem>>, vector<16xf32>,
        %get3A_734 = arith.index_cast %scan3A_714 : i32 to index
        %get3A_735 = arith.constant 48 : index
        %get3A_736 = tpu.vector_load %arg15[%get3A_734, %get3A_735] {strides = array<i32>} : memref<128x128xf32, #tpu.memory_space<vmem>>, vector<16xf32>,
        %mul3A_737 = arith.mulf %get3A_736, %gather3A : vector<16xf32>
        %swap3A_738 = arith.index_cast %scan3A_714 : i32 to index
        %swap3A_739 = arith.constant 48 : index
        %swap3A_740 = tpu.vector_load %arg15[%swap3A_738, %swap3A_739] {strides = array<i32>} : memref<128x128xf32, #tpu.memory_space<vmem>>, vector<16xf32>,
        tpu.vector_store %arg15[%swap3A_738, %swap3A_739], %mul3A_737 {strides = array<i32>} : memref<128x128xf32, #tpu.memory_space<vmem>>, vector<16xf32>,
        %get3A_741 = arith.index_cast %scan3A_714 : i32 to index
        %get3A_742 = arith.constant 64 : index
        %get3A_743 = tpu.vector_load %arg15[%get3A_741, %get3A_742] {strides = array<i32>} : memref<128x128xf32, #tpu.memory_space<vmem>>, vector<16xf32>,
        %mul3A_744 = arith.mulf %get3A_743, %gather3A : vector<16xf32>
        %swap3A_745 = arith.index_cast %scan3A_714 : i32 to index
        %swap3A_746 = arith.constant 64 : index
        %swap3A_747 = tpu.vector_load %arg15[%swap3A_745, %swap3A_746] {strides = array<i32>} : memref<128x128xf32, #tpu.memory_space<vmem>>, vector<16xf32>,
        tpu.vector_store %arg15[%swap3A_745, %swap3A_746], %mul3A_744 {strides = array<i32>} : memref<128x128xf32, #tpu.memory_space<vmem>>, vector<16xf32>,
        %get3A_748 = arith.index_cast %scan3A_714 : i32 to index
        %get3A_749 = arith.constant 80 : index
        %get3A_750 = tpu.vector_load %arg15[%get3A_748, %get3A_749] {strides = array<i32>} : memref<128x128xf32, #tpu.memory_space<vmem>>, vector<16xf32>,
        %mul3A_751 = arith.mulf %get3A_750, %gather3A : vector<16xf32>
        %swap3A_752 = arith.index_cast %scan3A_714 : i32 to index
        %swap3A_753 = arith.constant 80 : index
        %swap3A_754 = tpu.vector_load %arg15[%swap3A_752, %swap3A_753] {strides = array<i32>} : memref<128x128xf32, #tpu.memory_space<vmem>>, vector<16xf32>,
        tpu.vector_store %arg15[%swap3A_752, %swap3A_753], %mul3A_751 {strides = array<i32>} : memref<128x128xf32, #tpu.memory_space<vmem>>, vector<16xf32>,
        %get3A_755 = arith.index_cast %scan3A_714 : i32 to index
        %get3A_756 = arith.constant 96 : index
        %get3A_757 = tpu.vector_load %arg15[%get3A_755, %get3A_756] {strides = array<i32>} : memref<128x128xf32, #tpu.memory_space<vmem>>, vector<16xf32>,
        %mul3A_758 = arith.mulf %get3A_757, %gather3A : vector<16xf32>
        %swap3A_759 = arith.index_cast %scan3A_714 : i32 to index
        %swap3A_760 = arith.constant 96 : index
        %swap3A_761 = tpu.vector_load %arg15[%swap3A_759, %swap3A_760] {strides = array<i32>} : memref<128x128xf32, #tpu.memory_space<vmem>>, vector<16xf32>,
        tpu.vector_store %arg15[%swap3A_759, %swap3A_760], %mul3A_758 {strides = array<i32>} : memref<128x128xf32, #tpu.memory_space<vmem>>, vector<16xf32>,
        %get3A_762 = arith.index_cast %scan3A_714 : i32 to index
        %get3A_763 = arith.constant 112 : index
        %get3A_764 = tpu.vector_load %arg15[%get3A_762, %get3A_763] {strides = array<i32>} : memref<128x128xf32, #tpu.memory_space<vmem>>, vector<16xf32>,
        %mul3A_765 = arith.mulf %get3A_764, %gather3A : vector<16xf32>
        %swap3A_766 = arith.index_cast %scan3A_714 : i32 to index
        %swap3A_767 = arith.constant 112 : index
        %swap3A_768 = tpu.vector_load %arg15[%swap3A_766, %swap3A_767] {strides = array<i32>} : memref<128x128xf32, #tpu.memory_space<vmem>>, vector<16xf32>,
        tpu.vector_store %arg15[%swap3A_766, %swap3A_767], %mul3A_765 {strides = array<i32>} : memref<128x128xf32, #tpu.memory_space<vmem>>, vector<16xf32>,
      }
      %scan3A_506 = arith.constant 128 : i32
      %dma_start3A_507 = arith.constant 2 : i32
      %dma_start3A_508 = arith.constant 0 : i32
      %dma_start3A_509 = tpu.memref_slice %arg12[%dma_start3A_507, %dma_start3A_508] : memref<8x128xi32, #tpu.memory_space<vmem>> -> memref<1x128xi32, #tpu.memory_space<vmem>>
      %dma_start3A_510 = tpu.memref_squeeze %dma_start3A_509 : memref<1x128xi32, #tpu.memory_space<vmem>> -> memref<128xi32, #tpu.memory_space<vmem>>
      %dma_start3A_511 = arith.constant 0 : i32
      %dma_start3A_512 = arith.constant 0 : i32
      %dma_start3A_513 = tpu.memref_slice %arg10[%dma_start3A_511, %dma_start3A_512] : memref<10240x128xf32, #tpu.memory_space<vmem_shared>> -> memref<10240x128xf32, #tpu.memory_space<vmem_shared>>
      tpu.enqueue_indirect_dma source(%arg15 : memref<128x128xf32, #tpu.memory_space<vmem>>) target(%dma_start3A_513 : memref<10240x128xf32, #tpu.memory_space<vmem_shared>>) offsets(%dma_start3A_510 : memref<128xi32, #tpu.memory_space<vmem>>) semaphore(%arg22 : memref<!tpu.dma_semaphore, #tpu.memory_space<semaphore_mem>>) {add = true}
      %dma_wait3A_514 = arith.constant 3 : i32
      %dma_wait3A_515 = arith.constant 0 : i32
      %dma_wait3A_516 = tpu.memref_slice %arg13[%dma_wait3A_514, %dma_wait3A_515] : memref<8x128xi32, #tpu.memory_space<vmem>> -> memref<1x128xi32, #tpu.memory_space<vmem>>
      %dma_wait3A_517 = tpu.memref_squeeze %dma_wait3A_516 : memref<1x128xi32, #tpu.memory_space<vmem>> -> memref<128xi32, #tpu.memory_space<vmem>>
      %dma_wait3A_518 = arith.constant 0 : i32
      %dma_wait3A_519 = arith.constant 0 : i32
      %dma_wait3A_520 = tpu.memref_slice %arg5[%dma_wait3A_518, %dma_wait3A_519] : memref<10240x128xf32, #tpu.memory_space<hbm>> -> memref<10240x128xf32, #tpu.memory_space<hbm>>
      tpu.wait_indirect_dma semaphore(%arg21 : memref<!tpu.dma_semaphore, #tpu.memory_space<semaphore_mem>>) src(%dma_wait3A_520 : memref<10240x128xf32, #tpu.memory_space<hbm>>) dst(%arg16 : memref<128x128xf32, #tpu.memory_space<vmem>>)
      %dma_wait3A_521 = arith.constant 2 : i32
      %dma_wait3A_522 = arith.constant 0 : i32
      %dma_wait3A_523 = tpu.memref_slice %arg12[%dma_wait3A_521, %dma_wait3A_522] : memref<8x128xi32, #tpu.memory_space<vmem>> -> memref<1x128xi32, #tpu.memory_space<vmem>>
      %dma_wait3A_524 = tpu.memref_squeeze %dma_wait3A_523 : memref<1x128xi32, #tpu.memory_space<vmem>> -> memref<128xi32, #tpu.memory_space<vmem>>
      %dma_wait3A_525 = arith.constant 0 : i32
      %dma_wait3A_526 = arith.constant 0 : i32
      %dma_wait3A_527 = tpu.memref_slice %arg10[%dma_wait3A_525, %dma_wait3A_526] : memref<10240x128xf32, #tpu.memory_space<vmem_shared>> -> memref<10240x128xf32, #tpu.memory_space<vmem_shared>>
      tpu.wait_indirect_dma semaphore(%arg22 : memref<!tpu.dma_semaphore, #tpu.memory_space<semaphore_mem>>) src(%arg15 : memref<128x128xf32, #tpu.memory_space<vmem>>) dst(%dma_wait3A_527 : memref<10240x128xf32, #tpu.memory_space<vmem_shared>>)
      %dma_start3A_528 = arith.constant 4 : i32
      %dma_start3A_529 = arith.constant 0 : i32
      %dma_start3A_530 = tpu.memref_slice %arg13[%dma_start3A_528, %dma_start3A_529] : memref<8x128xi32, #tpu.memory_space<vmem>> -> memref<1x128xi32, #tpu.memory_space<vmem>>
      %dma_start3A_531 = tpu.memref_squeeze %dma_start3A_530 : memref<1x128xi32, #tpu.memory_space<vmem>> -> memref<128xi32, #tpu.memory_space<vmem>>
      %dma_start3A_532 = arith.constant 0 : i32
      %dma_start3A_533 = arith.constant 0 : i32
      %dma_start3A_534 = tpu.memref_slice %arg5[%dma_start3A_532, %dma_start3A_533] : memref<10240x128xf32, #tpu.memory_space<hbm>> -> memref<10240x128xf32, #tpu.memory_space<hbm>>
      tpu.enqueue_indirect_dma source(%dma_start3A_534 : memref<10240x128xf32, #tpu.memory_space<hbm>>) target(%arg15 : memref<128x128xf32, #tpu.memory_space<vmem>>) offsets(%dma_start3A_531 : memref<128xi32, #tpu.memory_space<vmem>>) semaphore(%arg20 : memref<!tpu.dma_semaphore, #tpu.memory_space<semaphore_mem>>)
      %scan3A_535 = arith.constant 0 : i32
      %scan3A_536 = arith.constant 0 : i32
      %scan3A_537 = arith.constant 8 : i32
      %scan3A_538 = arith.addi %scan3A_536, %scan3A_537 : i32
      %scan3A_539 = arith.constant 1 : i32
      scf.for %scan3A_714 = %scan3A_536 to %scan3A_538 step %scan3A_539  : i32 {
        %mul3A_715 = arith.constant 16 : i32
        %mul3A_716 = arith.muli %scan3A_714, %mul3A_715 : i32
        %get3A = arith.constant 3 : i32
        %get3A_717 = arith.index_cast %get3A : i32 to index
        %get3A_718 = arith.index_cast %mul3A_716 : i32 to index
        %get3A_719 = tpu.vector_load %arg13[%get3A_717, %get3A_718] {strides = array<i32>} : memref<8x128xi32, #tpu.memory_space<vmem>>, vector<16xi32>,
        %mul3A_720 = arith.constant 16 : i32
        %mul3A_721 = arith.muli %scan3A_714, %mul3A_720 : i32
        %get3A_722 = arith.constant 3 : i32
        %get3A_723 = arith.index_cast %get3A_722 : i32 to index
        %get3A_724 = arith.index_cast %mul3A_721 : i32 to index
        %get3A_725 = tpu.vector_load %arg12[%get3A_723, %get3A_724] {strides = array<i32>} : memref<8x128xi32, #tpu.memory_space<vmem>>, vector<16xi32>,
        %mul3A_726 = arith.constant 16 : i32
        %mul3A_727 = arith.muli %scan3A_714, %mul3A_726 : i32
        %get3A_728 = arith.constant 3 : i32
        %get3A_729 = arith.index_cast %get3A_728 : i32 to index
        %get3A_730 = arith.index_cast %mul3A_727 : i32 to index
        %get3A_731 = tpu.vector_load %arg14[%get3A_729, %get3A_730] {strides = array<i32>} : memref<8x128xf32, #tpu.memory_space<vmem>>, vector<16xf32>,
        %gather3A = tpu.vector_load_idx %arg17[%get3A_719] : memref<10240xf32, #tpu.memory_space<vmem>>[vector<16xi32>], vector<16xf32>,
        %gather3A_732 = tpu.vector_load_idx %arg17[%get3A_725] : memref<10240xf32, #tpu.memory_space<vmem>>[vector<16xi32>], vector<16xf32>,
        %mul3A_733 = arith.mulf %gather3A, %get3A_731 : vector<16xf32>
        %mul3A_734 = arith.mulf %mul3A_733, %gather3A_732 : vector<16xf32>
        %mul3A_735 = arith.constant 16 : i32
        %mul3A_736 = arith.muli %scan3A_714, %mul3A_735 : i32
        %swap3A = arith.index_cast %mul3A_736 : i32 to index
        %swap3A_737 = tpu.vector_load %arg19[%swap3A] {strides = array<i32>} : memref<128xf32, #tpu.memory_space<vmem>>, vector<16xf32>,
        tpu.vector_store %arg19[%swap3A], %mul3A_734 {strides = array<i32>} : memref<128xf32, #tpu.memory_space<vmem>>, vector<16xf32>,
      }
      %scan3A_540 = arith.constant 8 : i32
      %scan3A_541 = arith.constant 0 : i32
      %scan3A_542 = arith.constant 0 : i32
      %scan3A_543 = arith.constant 128 : i32
      %scan3A_544 = arith.addi %scan3A_542, %scan3A_543 : i32
      %scan3A_545 = arith.constant 1 : i32
      scf.for %scan3A_714 = %scan3A_542 to %scan3A_544 step %scan3A_545  : i32 {
        %broadcast_in_dim3A = vector.broadcast %scan3A_714 : i32 to vector<16xi32>
        %gather3A = tpu.vector_load_idx %arg19[%broadcast_in_dim3A] : memref<128xf32, #tpu.memory_space<vmem>>[vector<16xi32>], vector<16xf32>,
        %get3A = arith.index_cast %scan3A_714 : i32 to index
        %get3A_715 = arith.constant 0 : index
        %get3A_716 = tpu.vector_load %arg16[%get3A, %get3A_715] {strides = array<i32>} : memref<128x128xf32, #tpu.memory_space<vmem>>, vector<16xf32>,
        %mul3A_717 = arith.mulf %get3A_716, %gather3A : vector<16xf32>
        %swap3A = arith.index_cast %scan3A_714 : i32 to index
        %swap3A_718 = arith.constant 0 : index
        %swap3A_719 = tpu.vector_load %arg16[%swap3A, %swap3A_718] {strides = array<i32>} : memref<128x128xf32, #tpu.memory_space<vmem>>, vector<16xf32>,
        tpu.vector_store %arg16[%swap3A, %swap3A_718], %mul3A_717 {strides = array<i32>} : memref<128x128xf32, #tpu.memory_space<vmem>>, vector<16xf32>,
        %get3A_720 = arith.index_cast %scan3A_714 : i32 to index
        %get3A_721 = arith.constant 16 : index
        %get3A_722 = tpu.vector_load %arg16[%get3A_720, %get3A_721] {strides = array<i32>} : memref<128x128xf32, #tpu.memory_space<vmem>>, vector<16xf32>,
        %mul3A_723 = arith.mulf %get3A_722, %gather3A : vector<16xf32>
        %swap3A_724 = arith.index_cast %scan3A_714 : i32 to index
        %swap3A_725 = arith.constant 16 : index
        %swap3A_726 = tpu.vector_load %arg16[%swap3A_724, %swap3A_725] {strides = array<i32>} : memref<128x128xf32, #tpu.memory_space<vmem>>, vector<16xf32>,
        tpu.vector_store %arg16[%swap3A_724, %swap3A_725], %mul3A_723 {strides = array<i32>} : memref<128x128xf32, #tpu.memory_space<vmem>>, vector<16xf32>,
        %get3A_727 = arith.index_cast %scan3A_714 : i32 to index
        %get3A_728 = arith.constant 32 : index
        %get3A_729 = tpu.vector_load %arg16[%get3A_727, %get3A_728] {strides = array<i32>} : memref<128x128xf32, #tpu.memory_space<vmem>>, vector<16xf32>,
        %mul3A_730 = arith.mulf %get3A_729, %gather3A : vector<16xf32>
        %swap3A_731 = arith.index_cast %scan3A_714 : i32 to index
        %swap3A_732 = arith.constant 32 : index
        %swap3A_733 = tpu.vector_load %arg16[%swap3A_731, %swap3A_732] {strides = array<i32>} : memref<128x128xf32, #tpu.memory_space<vmem>>, vector<16xf32>,
        tpu.vector_store %arg16[%swap3A_731, %swap3A_732], %mul3A_730 {strides = array<i32>} : memref<128x128xf32, #tpu.memory_space<vmem>>, vector<16xf32>,
        %get3A_734 = arith.index_cast %scan3A_714 : i32 to index
        %get3A_735 = arith.constant 48 : index
        %get3A_736 = tpu.vector_load %arg16[%get3A_734, %get3A_735] {strides = array<i32>} : memref<128x128xf32, #tpu.memory_space<vmem>>, vector<16xf32>,
        %mul3A_737 = arith.mulf %get3A_736, %gather3A : vector<16xf32>
        %swap3A_738 = arith.index_cast %scan3A_714 : i32 to index
        %swap3A_739 = arith.constant 48 : index
        %swap3A_740 = tpu.vector_load %arg16[%swap3A_738, %swap3A_739] {strides = array<i32>} : memref<128x128xf32, #tpu.memory_space<vmem>>, vector<16xf32>,
        tpu.vector_store %arg16[%swap3A_738, %swap3A_739], %mul3A_737 {strides = array<i32>} : memref<128x128xf32, #tpu.memory_space<vmem>>, vector<16xf32>,
        %get3A_741 = arith.index_cast %scan3A_714 : i32 to index
        %get3A_742 = arith.constant 64 : index
        %get3A_743 = tpu.vector_load %arg16[%get3A_741, %get3A_742] {strides = array<i32>} : memref<128x128xf32, #tpu.memory_space<vmem>>, vector<16xf32>,
        %mul3A_744 = arith.mulf %get3A_743, %gather3A : vector<16xf32>
        %swap3A_745 = arith.index_cast %scan3A_714 : i32 to index
        %swap3A_746 = arith.constant 64 : index
        %swap3A_747 = tpu.vector_load %arg16[%swap3A_745, %swap3A_746] {strides = array<i32>} : memref<128x128xf32, #tpu.memory_space<vmem>>, vector<16xf32>,
        tpu.vector_store %arg16[%swap3A_745, %swap3A_746], %mul3A_744 {strides = array<i32>} : memref<128x128xf32, #tpu.memory_space<vmem>>, vector<16xf32>,
        %get3A_748 = arith.index_cast %scan3A_714 : i32 to index
        %get3A_749 = arith.constant 80 : index
        %get3A_750 = tpu.vector_load %arg16[%get3A_748, %get3A_749] {strides = array<i32>} : memref<128x128xf32, #tpu.memory_space<vmem>>, vector<16xf32>,
        %mul3A_751 = arith.mulf %get3A_750, %gather3A : vector<16xf32>
        %swap3A_752 = arith.index_cast %scan3A_714 : i32 to index
        %swap3A_753 = arith.constant 80 : index
        %swap3A_754 = tpu.vector_load %arg16[%swap3A_752, %swap3A_753] {strides = array<i32>} : memref<128x128xf32, #tpu.memory_space<vmem>>, vector<16xf32>,
        tpu.vector_store %arg16[%swap3A_752, %swap3A_753], %mul3A_751 {strides = array<i32>} : memref<128x128xf32, #tpu.memory_space<vmem>>, vector<16xf32>,
        %get3A_755 = arith.index_cast %scan3A_714 : i32 to index
        %get3A_756 = arith.constant 96 : index
        %get3A_757 = tpu.vector_load %arg16[%get3A_755, %get3A_756] {strides = array<i32>} : memref<128x128xf32, #tpu.memory_space<vmem>>, vector<16xf32>,
        %mul3A_758 = arith.mulf %get3A_757, %gather3A : vector<16xf32>
        %swap3A_759 = arith.index_cast %scan3A_714 : i32 to index
        %swap3A_760 = arith.constant 96 : index
        %swap3A_761 = tpu.vector_load %arg16[%swap3A_759, %swap3A_760] {strides = array<i32>} : memref<128x128xf32, #tpu.memory_space<vmem>>, vector<16xf32>,
        tpu.vector_store %arg16[%swap3A_759, %swap3A_760], %mul3A_758 {strides = array<i32>} : memref<128x128xf32, #tpu.memory_space<vmem>>, vector<16xf32>,
        %get3A_762 = arith.index_cast %scan3A_714 : i32 to index
        %get3A_763 = arith.constant 112 : index
        %get3A_764 = tpu.vector_load %arg16[%get3A_762, %get3A_763] {strides = array<i32>} : memref<128x128xf32, #tpu.memory_space<vmem>>, vector<16xf32>,
        %mul3A_765 = arith.mulf %get3A_764, %gather3A : vector<16xf32>
        %swap3A_766 = arith.index_cast %scan3A_714 : i32 to index
        %swap3A_767 = arith.constant 112 : index
        %swap3A_768 = tpu.vector_load %arg16[%swap3A_766, %swap3A_767] {strides = array<i32>} : memref<128x128xf32, #tpu.memory_space<vmem>>, vector<16xf32>,
        tpu.vector_store %arg16[%swap3A_766, %swap3A_767], %mul3A_765 {strides = array<i32>} : memref<128x128xf32, #tpu.memory_space<vmem>>, vector<16xf32>,
      }
      %scan3A_546 = arith.constant 128 : i32
      %dma_start3A_547 = arith.constant 3 : i32
      %dma_start3A_548 = arith.constant 0 : i32
      %dma_start3A_549 = tpu.memref_slice %arg12[%dma_start3A_547, %dma_start3A_548] : memref<8x128xi32, #tpu.memory_space<vmem>> -> memref<1x128xi32, #tpu.memory_space<vmem>>
      %dma_start3A_550 = tpu.memref_squeeze %dma_start3A_549 : memref<1x128xi32, #tpu.memory_space<vmem>> -> memref<128xi32, #tpu.memory_space<vmem>>
      %dma_start3A_551 = arith.constant 0 : i32
      %dma_start3A_552 = arith.constant 0 : i32
      %dma_start3A_553 = tpu.memref_slice %arg10[%dma_start3A_551, %dma_start3A_552] : memref<10240x128xf32, #tpu.memory_space<vmem_shared>> -> memref<10240x128xf32, #tpu.memory_space<vmem_shared>>
      tpu.enqueue_indirect_dma source(%arg16 : memref<128x128xf32, #tpu.memory_space<vmem>>) target(%dma_start3A_553 : memref<10240x128xf32, #tpu.memory_space<vmem_shared>>) offsets(%dma_start3A_550 : memref<128xi32, #tpu.memory_space<vmem>>) semaphore(%arg23 : memref<!tpu.dma_semaphore, #tpu.memory_space<semaphore_mem>>) {add = true}
      %dma_wait3A_554 = arith.constant 4 : i32
      %dma_wait3A_555 = arith.constant 0 : i32
      %dma_wait3A_556 = tpu.memref_slice %arg13[%dma_wait3A_554, %dma_wait3A_555] : memref<8x128xi32, #tpu.memory_space<vmem>> -> memref<1x128xi32, #tpu.memory_space<vmem>>
      %dma_wait3A_557 = tpu.memref_squeeze %dma_wait3A_556 : memref<1x128xi32, #tpu.memory_space<vmem>> -> memref<128xi32, #tpu.memory_space<vmem>>
      %dma_wait3A_558 = arith.constant 0 : i32
      %dma_wait3A_559 = arith.constant 0 : i32
      %dma_wait3A_560 = tpu.memref_slice %arg5[%dma_wait3A_558, %dma_wait3A_559] : memref<10240x128xf32, #tpu.memory_space<hbm>> -> memref<10240x128xf32, #tpu.memory_space<hbm>>
      tpu.wait_indirect_dma semaphore(%arg20 : memref<!tpu.dma_semaphore, #tpu.memory_space<semaphore_mem>>) src(%dma_wait3A_560 : memref<10240x128xf32, #tpu.memory_space<hbm>>) dst(%arg15 : memref<128x128xf32, #tpu.memory_space<vmem>>)
      %dma_wait3A_561 = arith.constant 3 : i32
      %dma_wait3A_562 = arith.constant 0 : i32
      %dma_wait3A_563 = tpu.memref_slice %arg12[%dma_wait3A_561, %dma_wait3A_562] : memref<8x128xi32, #tpu.memory_space<vmem>> -> memref<1x128xi32, #tpu.memory_space<vmem>>
      %dma_wait3A_564 = tpu.memref_squeeze %dma_wait3A_563 : memref<1x128xi32, #tpu.memory_space<vmem>> -> memref<128xi32, #tpu.memory_space<vmem>>
      %dma_wait3A_565 = arith.constant 0 : i32
      %dma_wait3A_566 = arith.constant 0 : i32
      %dma_wait3A_567 = tpu.memref_slice %arg10[%dma_wait3A_565, %dma_wait3A_566] : memref<10240x128xf32, #tpu.memory_space<vmem_shared>> -> memref<10240x128xf32, #tpu.memory_space<vmem_shared>>
      tpu.wait_indirect_dma semaphore(%arg23 : memref<!tpu.dma_semaphore, #tpu.memory_space<semaphore_mem>>) src(%arg16 : memref<128x128xf32, #tpu.memory_space<vmem>>) dst(%dma_wait3A_567 : memref<10240x128xf32, #tpu.memory_space<vmem_shared>>)
      %dma_start3A_568 = arith.constant 5 : i32
      %dma_start3A_569 = arith.constant 0 : i32
      %dma_start3A_570 = tpu.memref_slice %arg13[%dma_start3A_568, %dma_start3A_569] : memref<8x128xi32, #tpu.memory_space<vmem>> -> memref<1x128xi32, #tpu.memory_space<vmem>>
      %dma_start3A_571 = tpu.memref_squeeze %dma_start3A_570 : memref<1x128xi32, #tpu.memory_space<vmem>> -> memref<128xi32, #tpu.memory_space<vmem>>
      %dma_start3A_572 = arith.constant 0 : i32
      %dma_start3A_573 = arith.constant 0 : i32
      %dma_start3A_574 = tpu.memref_slice %arg5[%dma_start3A_572, %dma_start3A_573] : memref<10240x128xf32, #tpu.memory_space<hbm>> -> memref<10240x128xf32, #tpu.memory_space<hbm>>
      tpu.enqueue_indirect_dma source(%dma_start3A_574 : memref<10240x128xf32, #tpu.memory_space<hbm>>) target(%arg16 : memref<128x128xf32, #tpu.memory_space<vmem>>) offsets(%dma_start3A_571 : memref<128xi32, #tpu.memory_space<vmem>>) semaphore(%arg21 : memref<!tpu.dma_semaphore, #tpu.memory_space<semaphore_mem>>)
      %scan3A_575 = arith.constant 0 : i32
      %scan3A_576 = arith.constant 0 : i32
      %scan3A_577 = arith.constant 8 : i32
      %scan3A_578 = arith.addi %scan3A_576, %scan3A_577 : i32
      %scan3A_579 = arith.constant 1 : i32
      scf.for %scan3A_714 = %scan3A_576 to %scan3A_578 step %scan3A_579  : i32 {
        %mul3A_715 = arith.constant 16 : i32
        %mul3A_716 = arith.muli %scan3A_714, %mul3A_715 : i32
        %get3A = arith.constant 4 : i32
        %get3A_717 = arith.index_cast %get3A : i32 to index
        %get3A_718 = arith.index_cast %mul3A_716 : i32 to index
        %get3A_719 = tpu.vector_load %arg13[%get3A_717, %get3A_718] {strides = array<i32>} : memref<8x128xi32, #tpu.memory_space<vmem>>, vector<16xi32>,
        %mul3A_720 = arith.constant 16 : i32
        %mul3A_721 = arith.muli %scan3A_714, %mul3A_720 : i32
        %get3A_722 = arith.constant 4 : i32
        %get3A_723 = arith.index_cast %get3A_722 : i32 to index
        %get3A_724 = arith.index_cast %mul3A_721 : i32 to index
        %get3A_725 = tpu.vector_load %arg12[%get3A_723, %get3A_724] {strides = array<i32>} : memref<8x128xi32, #tpu.memory_space<vmem>>, vector<16xi32>,
        %mul3A_726 = arith.constant 16 : i32
        %mul3A_727 = arith.muli %scan3A_714, %mul3A_726 : i32
        %get3A_728 = arith.constant 4 : i32
        %get3A_729 = arith.index_cast %get3A_728 : i32 to index
        %get3A_730 = arith.index_cast %mul3A_727 : i32 to index
        %get3A_731 = tpu.vector_load %arg14[%get3A_729, %get3A_730] {strides = array<i32>} : memref<8x128xf32, #tpu.memory_space<vmem>>, vector<16xf32>,
        %gather3A = tpu.vector_load_idx %arg17[%get3A_719] : memref<10240xf32, #tpu.memory_space<vmem>>[vector<16xi32>], vector<16xf32>,
        %gather3A_732 = tpu.vector_load_idx %arg17[%get3A_725] : memref<10240xf32, #tpu.memory_space<vmem>>[vector<16xi32>], vector<16xf32>,
        %mul3A_733 = arith.mulf %gather3A, %get3A_731 : vector<16xf32>
        %mul3A_734 = arith.mulf %mul3A_733, %gather3A_732 : vector<16xf32>
        %mul3A_735 = arith.constant 16 : i32
        %mul3A_736 = arith.muli %scan3A_714, %mul3A_735 : i32
        %swap3A = arith.index_cast %mul3A_736 : i32 to index
        %swap3A_737 = tpu.vector_load %arg19[%swap3A] {strides = array<i32>} : memref<128xf32, #tpu.memory_space<vmem>>, vector<16xf32>,
        tpu.vector_store %arg19[%swap3A], %mul3A_734 {strides = array<i32>} : memref<128xf32, #tpu.memory_space<vmem>>, vector<16xf32>,
      }
      %scan3A_580 = arith.constant 8 : i32
      %scan3A_581 = arith.constant 0 : i32
      %scan3A_582 = arith.constant 0 : i32
      %scan3A_583 = arith.constant 128 : i32
      %scan3A_584 = arith.addi %scan3A_582, %scan3A_583 : i32
      %scan3A_585 = arith.constant 1 : i32
      scf.for %scan3A_714 = %scan3A_582 to %scan3A_584 step %scan3A_585  : i32 {
        %broadcast_in_dim3A = vector.broadcast %scan3A_714 : i32 to vector<16xi32>
        %gather3A = tpu.vector_load_idx %arg19[%broadcast_in_dim3A] : memref<128xf32, #tpu.memory_space<vmem>>[vector<16xi32>], vector<16xf32>,
        %get3A = arith.index_cast %scan3A_714 : i32 to index
        %get3A_715 = arith.constant 0 : index
        %get3A_716 = tpu.vector_load %arg15[%get3A, %get3A_715] {strides = array<i32>} : memref<128x128xf32, #tpu.memory_space<vmem>>, vector<16xf32>,
        %mul3A_717 = arith.mulf %get3A_716, %gather3A : vector<16xf32>
        %swap3A = arith.index_cast %scan3A_714 : i32 to index
        %swap3A_718 = arith.constant 0 : index
        %swap3A_719 = tpu.vector_load %arg15[%swap3A, %swap3A_718] {strides = array<i32>} : memref<128x128xf32, #tpu.memory_space<vmem>>, vector<16xf32>,
        tpu.vector_store %arg15[%swap3A, %swap3A_718], %mul3A_717 {strides = array<i32>} : memref<128x128xf32, #tpu.memory_space<vmem>>, vector<16xf32>,
        %get3A_720 = arith.index_cast %scan3A_714 : i32 to index
        %get3A_721 = arith.constant 16 : index
        %get3A_722 = tpu.vector_load %arg15[%get3A_720, %get3A_721] {strides = array<i32>} : memref<128x128xf32, #tpu.memory_space<vmem>>, vector<16xf32>,
        %mul3A_723 = arith.mulf %get3A_722, %gather3A : vector<16xf32>
        %swap3A_724 = arith.index_cast %scan3A_714 : i32 to index
        %swap3A_725 = arith.constant 16 : index
        %swap3A_726 = tpu.vector_load %arg15[%swap3A_724, %swap3A_725] {strides = array<i32>} : memref<128x128xf32, #tpu.memory_space<vmem>>, vector<16xf32>,
        tpu.vector_store %arg15[%swap3A_724, %swap3A_725], %mul3A_723 {strides = array<i32>} : memref<128x128xf32, #tpu.memory_space<vmem>>, vector<16xf32>,
        %get3A_727 = arith.index_cast %scan3A_714 : i32 to index
        %get3A_728 = arith.constant 32 : index
        %get3A_729 = tpu.vector_load %arg15[%get3A_727, %get3A_728] {strides = array<i32>} : memref<128x128xf32, #tpu.memory_space<vmem>>, vector<16xf32>,
        %mul3A_730 = arith.mulf %get3A_729, %gather3A : vector<16xf32>
        %swap3A_731 = arith.index_cast %scan3A_714 : i32 to index
        %swap3A_732 = arith.constant 32 : index
        %swap3A_733 = tpu.vector_load %arg15[%swap3A_731, %swap3A_732] {strides = array<i32>} : memref<128x128xf32, #tpu.memory_space<vmem>>, vector<16xf32>,
        tpu.vector_store %arg15[%swap3A_731, %swap3A_732], %mul3A_730 {strides = array<i32>} : memref<128x128xf32, #tpu.memory_space<vmem>>, vector<16xf32>,
        %get3A_734 = arith.index_cast %scan3A_714 : i32 to index
        %get3A_735 = arith.constant 48 : index
        %get3A_736 = tpu.vector_load %arg15[%get3A_734, %get3A_735] {strides = array<i32>} : memref<128x128xf32, #tpu.memory_space<vmem>>, vector<16xf32>,
        %mul3A_737 = arith.mulf %get3A_736, %gather3A : vector<16xf32>
        %swap3A_738 = arith.index_cast %scan3A_714 : i32 to index
        %swap3A_739 = arith.constant 48 : index
        %swap3A_740 = tpu.vector_load %arg15[%swap3A_738, %swap3A_739] {strides = array<i32>} : memref<128x128xf32, #tpu.memory_space<vmem>>, vector<16xf32>,
        tpu.vector_store %arg15[%swap3A_738, %swap3A_739], %mul3A_737 {strides = array<i32>} : memref<128x128xf32, #tpu.memory_space<vmem>>, vector<16xf32>,
        %get3A_741 = arith.index_cast %scan3A_714 : i32 to index
        %get3A_742 = arith.constant 64 : index
        %get3A_743 = tpu.vector_load %arg15[%get3A_741, %get3A_742] {strides = array<i32>} : memref<128x128xf32, #tpu.memory_space<vmem>>, vector<16xf32>,
        %mul3A_744 = arith.mulf %get3A_743, %gather3A : vector<16xf32>
        %swap3A_745 = arith.index_cast %scan3A_714 : i32 to index
        %swap3A_746 = arith.constant 64 : index
        %swap3A_747 = tpu.vector_load %arg15[%swap3A_745, %swap3A_746] {strides = array<i32>} : memref<128x128xf32, #tpu.memory_space<vmem>>, vector<16xf32>,
        tpu.vector_store %arg15[%swap3A_745, %swap3A_746], %mul3A_744 {strides = array<i32>} : memref<128x128xf32, #tpu.memory_space<vmem>>, vector<16xf32>,
        %get3A_748 = arith.index_cast %scan3A_714 : i32 to index
        %get3A_749 = arith.constant 80 : index
        %get3A_750 = tpu.vector_load %arg15[%get3A_748, %get3A_749] {strides = array<i32>} : memref<128x128xf32, #tpu.memory_space<vmem>>, vector<16xf32>,
        %mul3A_751 = arith.mulf %get3A_750, %gather3A : vector<16xf32>
        %swap3A_752 = arith.index_cast %scan3A_714 : i32 to index
        %swap3A_753 = arith.constant 80 : index
        %swap3A_754 = tpu.vector_load %arg15[%swap3A_752, %swap3A_753] {strides = array<i32>} : memref<128x128xf32, #tpu.memory_space<vmem>>, vector<16xf32>,
        tpu.vector_store %arg15[%swap3A_752, %swap3A_753], %mul3A_751 {strides = array<i32>} : memref<128x128xf32, #tpu.memory_space<vmem>>, vector<16xf32>,
        %get3A_755 = arith.index_cast %scan3A_714 : i32 to index
        %get3A_756 = arith.constant 96 : index
        %get3A_757 = tpu.vector_load %arg15[%get3A_755, %get3A_756] {strides = array<i32>} : memref<128x128xf32, #tpu.memory_space<vmem>>, vector<16xf32>,
        %mul3A_758 = arith.mulf %get3A_757, %gather3A : vector<16xf32>
        %swap3A_759 = arith.index_cast %scan3A_714 : i32 to index
        %swap3A_760 = arith.constant 96 : index
        %swap3A_761 = tpu.vector_load %arg15[%swap3A_759, %swap3A_760] {strides = array<i32>} : memref<128x128xf32, #tpu.memory_space<vmem>>, vector<16xf32>,
        tpu.vector_store %arg15[%swap3A_759, %swap3A_760], %mul3A_758 {strides = array<i32>} : memref<128x128xf32, #tpu.memory_space<vmem>>, vector<16xf32>,
        %get3A_762 = arith.index_cast %scan3A_714 : i32 to index
        %get3A_763 = arith.constant 112 : index
        %get3A_764 = tpu.vector_load %arg15[%get3A_762, %get3A_763] {strides = array<i32>} : memref<128x128xf32, #tpu.memory_space<vmem>>, vector<16xf32>,
        %mul3A_765 = arith.mulf %get3A_764, %gather3A : vector<16xf32>
        %swap3A_766 = arith.index_cast %scan3A_714 : i32 to index
        %swap3A_767 = arith.constant 112 : index
        %swap3A_768 = tpu.vector_load %arg15[%swap3A_766, %swap3A_767] {strides = array<i32>} : memref<128x128xf32, #tpu.memory_space<vmem>>, vector<16xf32>,
        tpu.vector_store %arg15[%swap3A_766, %swap3A_767], %mul3A_765 {strides = array<i32>} : memref<128x128xf32, #tpu.memory_space<vmem>>, vector<16xf32>,
      }
      %scan3A_586 = arith.constant 128 : i32
      %dma_start3A_587 = arith.constant 4 : i32
      %dma_start3A_588 = arith.constant 0 : i32
      %dma_start3A_589 = tpu.memref_slice %arg12[%dma_start3A_587, %dma_start3A_588] : memref<8x128xi32, #tpu.memory_space<vmem>> -> memref<1x128xi32, #tpu.memory_space<vmem>>
      %dma_start3A_590 = tpu.memref_squeeze %dma_start3A_589 : memref<1x128xi32, #tpu.memory_space<vmem>> -> memref<128xi32, #tpu.memory_space<vmem>>
      %dma_start3A_591 = arith.constant 0 : i32
      %dma_start3A_592 = arith.constant 0 : i32
      %dma_start3A_593 = tpu.memref_slice %arg10[%dma_start3A_591, %dma_start3A_592] : memref<10240x128xf32, #tpu.memory_space<vmem_shared>> -> memref<10240x128xf32, #tpu.memory_space<vmem_shared>>
      tpu.enqueue_indirect_dma source(%arg15 : memref<128x128xf32, #tpu.memory_space<vmem>>) target(%dma_start3A_593 : memref<10240x128xf32, #tpu.memory_space<vmem_shared>>) offsets(%dma_start3A_590 : memref<128xi32, #tpu.memory_space<vmem>>) semaphore(%arg22 : memref<!tpu.dma_semaphore, #tpu.memory_space<semaphore_mem>>) {add = true}
      %dma_wait3A_594 = arith.constant 5 : i32
      %dma_wait3A_595 = arith.constant 0 : i32
      %dma_wait3A_596 = tpu.memref_slice %arg13[%dma_wait3A_594, %dma_wait3A_595] : memref<8x128xi32, #tpu.memory_space<vmem>> -> memref<1x128xi32, #tpu.memory_space<vmem>>
      %dma_wait3A_597 = tpu.memref_squeeze %dma_wait3A_596 : memref<1x128xi32, #tpu.memory_space<vmem>> -> memref<128xi32, #tpu.memory_space<vmem>>
      %dma_wait3A_598 = arith.constant 0 : i32
      %dma_wait3A_599 = arith.constant 0 : i32
      %dma_wait3A_600 = tpu.memref_slice %arg5[%dma_wait3A_598, %dma_wait3A_599] : memref<10240x128xf32, #tpu.memory_space<hbm>> -> memref<10240x128xf32, #tpu.memory_space<hbm>>
      tpu.wait_indirect_dma semaphore(%arg21 : memref<!tpu.dma_semaphore, #tpu.memory_space<semaphore_mem>>) src(%dma_wait3A_600 : memref<10240x128xf32, #tpu.memory_space<hbm>>) dst(%arg16 : memref<128x128xf32, #tpu.memory_space<vmem>>)
      %dma_wait3A_601 = arith.constant 4 : i32
      %dma_wait3A_602 = arith.constant 0 : i32
      %dma_wait3A_603 = tpu.memref_slice %arg12[%dma_wait3A_601, %dma_wait3A_602] : memref<8x128xi32, #tpu.memory_space<vmem>> -> memref<1x128xi32, #tpu.memory_space<vmem>>
      %dma_wait3A_604 = tpu.memref_squeeze %dma_wait3A_603 : memref<1x128xi32, #tpu.memory_space<vmem>> -> memref<128xi32, #tpu.memory_space<vmem>>
      %dma_wait3A_605 = arith.constant 0 : i32
      %dma_wait3A_606 = arith.constant 0 : i32
      %dma_wait3A_607 = tpu.memref_slice %arg10[%dma_wait3A_605, %dma_wait3A_606] : memref<10240x128xf32, #tpu.memory_space<vmem_shared>> -> memref<10240x128xf32, #tpu.memory_space<vmem_shared>>
      tpu.wait_indirect_dma semaphore(%arg22 : memref<!tpu.dma_semaphore, #tpu.memory_space<semaphore_mem>>) src(%arg15 : memref<128x128xf32, #tpu.memory_space<vmem>>) dst(%dma_wait3A_607 : memref<10240x128xf32, #tpu.memory_space<vmem_shared>>)
      %dma_start3A_608 = arith.constant 6 : i32
      %dma_start3A_609 = arith.constant 0 : i32
      %dma_start3A_610 = tpu.memref_slice %arg13[%dma_start3A_608, %dma_start3A_609] : memref<8x128xi32, #tpu.memory_space<vmem>> -> memref<1x128xi32, #tpu.memory_space<vmem>>
      %dma_start3A_611 = tpu.memref_squeeze %dma_start3A_610 : memref<1x128xi32, #tpu.memory_space<vmem>> -> memref<128xi32, #tpu.memory_space<vmem>>
      %dma_start3A_612 = arith.constant 0 : i32
      %dma_start3A_613 = arith.constant 0 : i32
      %dma_start3A_614 = tpu.memref_slice %arg5[%dma_start3A_612, %dma_start3A_613] : memref<10240x128xf32, #tpu.memory_space<hbm>> -> memref<10240x128xf32, #tpu.memory_space<hbm>>
      tpu.enqueue_indirect_dma source(%dma_start3A_614 : memref<10240x128xf32, #tpu.memory_space<hbm>>) target(%arg15 : memref<128x128xf32, #tpu.memory_space<vmem>>) offsets(%dma_start3A_611 : memref<128xi32, #tpu.memory_space<vmem>>) semaphore(%arg20 : memref<!tpu.dma_semaphore, #tpu.memory_space<semaphore_mem>>)
      %scan3A_615 = arith.constant 0 : i32
      %scan3A_616 = arith.constant 0 : i32
      %scan3A_617 = arith.constant 8 : i32
      %scan3A_618 = arith.addi %scan3A_616, %scan3A_617 : i32
      %scan3A_619 = arith.constant 1 : i32
      scf.for %scan3A_714 = %scan3A_616 to %scan3A_618 step %scan3A_619  : i32 {
        %mul3A_715 = arith.constant 16 : i32
        %mul3A_716 = arith.muli %scan3A_714, %mul3A_715 : i32
        %get3A = arith.constant 5 : i32
        %get3A_717 = arith.index_cast %get3A : i32 to index
        %get3A_718 = arith.index_cast %mul3A_716 : i32 to index
        %get3A_719 = tpu.vector_load %arg13[%get3A_717, %get3A_718] {strides = array<i32>} : memref<8x128xi32, #tpu.memory_space<vmem>>, vector<16xi32>,
        %mul3A_720 = arith.constant 16 : i32
        %mul3A_721 = arith.muli %scan3A_714, %mul3A_720 : i32
        %get3A_722 = arith.constant 5 : i32
        %get3A_723 = arith.index_cast %get3A_722 : i32 to index
        %get3A_724 = arith.index_cast %mul3A_721 : i32 to index
        %get3A_725 = tpu.vector_load %arg12[%get3A_723, %get3A_724] {strides = array<i32>} : memref<8x128xi32, #tpu.memory_space<vmem>>, vector<16xi32>,
        %mul3A_726 = arith.constant 16 : i32
        %mul3A_727 = arith.muli %scan3A_714, %mul3A_726 : i32
        %get3A_728 = arith.constant 5 : i32
        %get3A_729 = arith.index_cast %get3A_728 : i32 to index
        %get3A_730 = arith.index_cast %mul3A_727 : i32 to index
        %get3A_731 = tpu.vector_load %arg14[%get3A_729, %get3A_730] {strides = array<i32>} : memref<8x128xf32, #tpu.memory_space<vmem>>, vector<16xf32>,
        %gather3A = tpu.vector_load_idx %arg17[%get3A_719] : memref<10240xf32, #tpu.memory_space<vmem>>[vector<16xi32>], vector<16xf32>,
        %gather3A_732 = tpu.vector_load_idx %arg17[%get3A_725] : memref<10240xf32, #tpu.memory_space<vmem>>[vector<16xi32>], vector<16xf32>,
        %mul3A_733 = arith.mulf %gather3A, %get3A_731 : vector<16xf32>
        %mul3A_734 = arith.mulf %mul3A_733, %gather3A_732 : vector<16xf32>
        %mul3A_735 = arith.constant 16 : i32
        %mul3A_736 = arith.muli %scan3A_714, %mul3A_735 : i32
        %swap3A = arith.index_cast %mul3A_736 : i32 to index
        %swap3A_737 = tpu.vector_load %arg19[%swap3A] {strides = array<i32>} : memref<128xf32, #tpu.memory_space<vmem>>, vector<16xf32>,
        tpu.vector_store %arg19[%swap3A], %mul3A_734 {strides = array<i32>} : memref<128xf32, #tpu.memory_space<vmem>>, vector<16xf32>,
      }
      %scan3A_620 = arith.constant 8 : i32
      %scan3A_621 = arith.constant 0 : i32
      %scan3A_622 = arith.constant 0 : i32
      %scan3A_623 = arith.constant 128 : i32
      %scan3A_624 = arith.addi %scan3A_622, %scan3A_623 : i32
      %scan3A_625 = arith.constant 1 : i32
      scf.for %scan3A_714 = %scan3A_622 to %scan3A_624 step %scan3A_625  : i32 {
        %broadcast_in_dim3A = vector.broadcast %scan3A_714 : i32 to vector<16xi32>
        %gather3A = tpu.vector_load_idx %arg19[%broadcast_in_dim3A] : memref<128xf32, #tpu.memory_space<vmem>>[vector<16xi32>], vector<16xf32>,
        %get3A = arith.index_cast %scan3A_714 : i32 to index
        %get3A_715 = arith.constant 0 : index
        %get3A_716 = tpu.vector_load %arg16[%get3A, %get3A_715] {strides = array<i32>} : memref<128x128xf32, #tpu.memory_space<vmem>>, vector<16xf32>,
        %mul3A_717 = arith.mulf %get3A_716, %gather3A : vector<16xf32>
        %swap3A = arith.index_cast %scan3A_714 : i32 to index
        %swap3A_718 = arith.constant 0 : index
        %swap3A_719 = tpu.vector_load %arg16[%swap3A, %swap3A_718] {strides = array<i32>} : memref<128x128xf32, #tpu.memory_space<vmem>>, vector<16xf32>,
        tpu.vector_store %arg16[%swap3A, %swap3A_718], %mul3A_717 {strides = array<i32>} : memref<128x128xf32, #tpu.memory_space<vmem>>, vector<16xf32>,
        %get3A_720 = arith.index_cast %scan3A_714 : i32 to index
        %get3A_721 = arith.constant 16 : index
        %get3A_722 = tpu.vector_load %arg16[%get3A_720, %get3A_721] {strides = array<i32>} : memref<128x128xf32, #tpu.memory_space<vmem>>, vector<16xf32>,
        %mul3A_723 = arith.mulf %get3A_722, %gather3A : vector<16xf32>
        %swap3A_724 = arith.index_cast %scan3A_714 : i32 to index
        %swap3A_725 = arith.constant 16 : index
        %swap3A_726 = tpu.vector_load %arg16[%swap3A_724, %swap3A_725] {strides = array<i32>} : memref<128x128xf32, #tpu.memory_space<vmem>>, vector<16xf32>,
        tpu.vector_store %arg16[%swap3A_724, %swap3A_725], %mul3A_723 {strides = array<i32>} : memref<128x128xf32, #tpu.memory_space<vmem>>, vector<16xf32>,
        %get3A_727 = arith.index_cast %scan3A_714 : i32 to index
        %get3A_728 = arith.constant 32 : index
        %get3A_729 = tpu.vector_load %arg16[%get3A_727, %get3A_728] {strides = array<i32>} : memref<128x128xf32, #tpu.memory_space<vmem>>, vector<16xf32>,
        %mul3A_730 = arith.mulf %get3A_729, %gather3A : vector<16xf32>
        %swap3A_731 = arith.index_cast %scan3A_714 : i32 to index
        %swap3A_732 = arith.constant 32 : index
        %swap3A_733 = tpu.vector_load %arg16[%swap3A_731, %swap3A_732] {strides = array<i32>} : memref<128x128xf32, #tpu.memory_space<vmem>>, vector<16xf32>,
        tpu.vector_store %arg16[%swap3A_731, %swap3A_732], %mul3A_730 {strides = array<i32>} : memref<128x128xf32, #tpu.memory_space<vmem>>, vector<16xf32>,
        %get3A_734 = arith.index_cast %scan3A_714 : i32 to index
        %get3A_735 = arith.constant 48 : index
        %get3A_736 = tpu.vector_load %arg16[%get3A_734, %get3A_735] {strides = array<i32>} : memref<128x128xf32, #tpu.memory_space<vmem>>, vector<16xf32>,
        %mul3A_737 = arith.mulf %get3A_736, %gather3A : vector<16xf32>
        %swap3A_738 = arith.index_cast %scan3A_714 : i32 to index
        %swap3A_739 = arith.constant 48 : index
        %swap3A_740 = tpu.vector_load %arg16[%swap3A_738, %swap3A_739] {strides = array<i32>} : memref<128x128xf32, #tpu.memory_space<vmem>>, vector<16xf32>,
        tpu.vector_store %arg16[%swap3A_738, %swap3A_739], %mul3A_737 {strides = array<i32>} : memref<128x128xf32, #tpu.memory_space<vmem>>, vector<16xf32>,
        %get3A_741 = arith.index_cast %scan3A_714 : i32 to index
        %get3A_742 = arith.constant 64 : index
        %get3A_743 = tpu.vector_load %arg16[%get3A_741, %get3A_742] {strides = array<i32>} : memref<128x128xf32, #tpu.memory_space<vmem>>, vector<16xf32>,
        %mul3A_744 = arith.mulf %get3A_743, %gather3A : vector<16xf32>
        %swap3A_745 = arith.index_cast %scan3A_714 : i32 to index
        %swap3A_746 = arith.constant 64 : index
        %swap3A_747 = tpu.vector_load %arg16[%swap3A_745, %swap3A_746] {strides = array<i32>} : memref<128x128xf32, #tpu.memory_space<vmem>>, vector<16xf32>,
        tpu.vector_store %arg16[%swap3A_745, %swap3A_746], %mul3A_744 {strides = array<i32>} : memref<128x128xf32, #tpu.memory_space<vmem>>, vector<16xf32>,
        %get3A_748 = arith.index_cast %scan3A_714 : i32 to index
        %get3A_749 = arith.constant 80 : index
        %get3A_750 = tpu.vector_load %arg16[%get3A_748, %get3A_749] {strides = array<i32>} : memref<128x128xf32, #tpu.memory_space<vmem>>, vector<16xf32>,
        %mul3A_751 = arith.mulf %get3A_750, %gather3A : vector<16xf32>
        %swap3A_752 = arith.index_cast %scan3A_714 : i32 to index
        %swap3A_753 = arith.constant 80 : index
        %swap3A_754 = tpu.vector_load %arg16[%swap3A_752, %swap3A_753] {strides = array<i32>} : memref<128x128xf32, #tpu.memory_space<vmem>>, vector<16xf32>,
        tpu.vector_store %arg16[%swap3A_752, %swap3A_753], %mul3A_751 {strides = array<i32>} : memref<128x128xf32, #tpu.memory_space<vmem>>, vector<16xf32>,
        %get3A_755 = arith.index_cast %scan3A_714 : i32 to index
        %get3A_756 = arith.constant 96 : index
        %get3A_757 = tpu.vector_load %arg16[%get3A_755, %get3A_756] {strides = array<i32>} : memref<128x128xf32, #tpu.memory_space<vmem>>, vector<16xf32>,
        %mul3A_758 = arith.mulf %get3A_757, %gather3A : vector<16xf32>
        %swap3A_759 = arith.index_cast %scan3A_714 : i32 to index
        %swap3A_760 = arith.constant 96 : index
        %swap3A_761 = tpu.vector_load %arg16[%swap3A_759, %swap3A_760] {strides = array<i32>} : memref<128x128xf32, #tpu.memory_space<vmem>>, vector<16xf32>,
        tpu.vector_store %arg16[%swap3A_759, %swap3A_760], %mul3A_758 {strides = array<i32>} : memref<128x128xf32, #tpu.memory_space<vmem>>, vector<16xf32>,
        %get3A_762 = arith.index_cast %scan3A_714 : i32 to index
        %get3A_763 = arith.constant 112 : index
        %get3A_764 = tpu.vector_load %arg16[%get3A_762, %get3A_763] {strides = array<i32>} : memref<128x128xf32, #tpu.memory_space<vmem>>, vector<16xf32>,
        %mul3A_765 = arith.mulf %get3A_764, %gather3A : vector<16xf32>
        %swap3A_766 = arith.index_cast %scan3A_714 : i32 to index
        %swap3A_767 = arith.constant 112 : index
        %swap3A_768 = tpu.vector_load %arg16[%swap3A_766, %swap3A_767] {strides = array<i32>} : memref<128x128xf32, #tpu.memory_space<vmem>>, vector<16xf32>,
        tpu.vector_store %arg16[%swap3A_766, %swap3A_767], %mul3A_765 {strides = array<i32>} : memref<128x128xf32, #tpu.memory_space<vmem>>, vector<16xf32>,
      }
      %scan3A_626 = arith.constant 128 : i32
      %dma_start3A_627 = arith.constant 5 : i32
      %dma_start3A_628 = arith.constant 0 : i32
      %dma_start3A_629 = tpu.memref_slice %arg12[%dma_start3A_627, %dma_start3A_628] : memref<8x128xi32, #tpu.memory_space<vmem>> -> memref<1x128xi32, #tpu.memory_space<vmem>>
      %dma_start3A_630 = tpu.memref_squeeze %dma_start3A_629 : memref<1x128xi32, #tpu.memory_space<vmem>> -> memref<128xi32, #tpu.memory_space<vmem>>
      %dma_start3A_631 = arith.constant 0 : i32
      %dma_start3A_632 = arith.constant 0 : i32
      %dma_start3A_633 = tpu.memref_slice %arg10[%dma_start3A_631, %dma_start3A_632] : memref<10240x128xf32, #tpu.memory_space<vmem_shared>> -> memref<10240x128xf32, #tpu.memory_space<vmem_shared>>
      tpu.enqueue_indirect_dma source(%arg16 : memref<128x128xf32, #tpu.memory_space<vmem>>) target(%dma_start3A_633 : memref<10240x128xf32, #tpu.memory_space<vmem_shared>>) offsets(%dma_start3A_630 : memref<128xi32, #tpu.memory_space<vmem>>) semaphore(%arg23 : memref<!tpu.dma_semaphore, #tpu.memory_space<semaphore_mem>>) {add = true}
      %dma_wait3A_634 = arith.constant 6 : i32
      %dma_wait3A_635 = arith.constant 0 : i32
      %dma_wait3A_636 = tpu.memref_slice %arg13[%dma_wait3A_634, %dma_wait3A_635] : memref<8x128xi32, #tpu.memory_space<vmem>> -> memref<1x128xi32, #tpu.memory_space<vmem>>
      %dma_wait3A_637 = tpu.memref_squeeze %dma_wait3A_636 : memref<1x128xi32, #tpu.memory_space<vmem>> -> memref<128xi32, #tpu.memory_space<vmem>>
      %dma_wait3A_638 = arith.constant 0 : i32
      %dma_wait3A_639 = arith.constant 0 : i32
      %dma_wait3A_640 = tpu.memref_slice %arg5[%dma_wait3A_638, %dma_wait3A_639] : memref<10240x128xf32, #tpu.memory_space<hbm>> -> memref<10240x128xf32, #tpu.memory_space<hbm>>
      tpu.wait_indirect_dma semaphore(%arg20 : memref<!tpu.dma_semaphore, #tpu.memory_space<semaphore_mem>>) src(%dma_wait3A_640 : memref<10240x128xf32, #tpu.memory_space<hbm>>) dst(%arg15 : memref<128x128xf32, #tpu.memory_space<vmem>>)
      %dma_wait3A_641 = arith.constant 5 : i32
      %dma_wait3A_642 = arith.constant 0 : i32
      %dma_wait3A_643 = tpu.memref_slice %arg12[%dma_wait3A_641, %dma_wait3A_642] : memref<8x128xi32, #tpu.memory_space<vmem>> -> memref<1x128xi32, #tpu.memory_space<vmem>>
      %dma_wait3A_644 = tpu.memref_squeeze %dma_wait3A_643 : memref<1x128xi32, #tpu.memory_space<vmem>> -> memref<128xi32, #tpu.memory_space<vmem>>
      %dma_wait3A_645 = arith.constant 0 : i32
      %dma_wait3A_646 = arith.constant 0 : i32
      %dma_wait3A_647 = tpu.memref_slice %arg10[%dma_wait3A_645, %dma_wait3A_646] : memref<10240x128xf32, #tpu.memory_space<vmem_shared>> -> memref<10240x128xf32, #tpu.memory_space<vmem_shared>>
      tpu.wait_indirect_dma semaphore(%arg23 : memref<!tpu.dma_semaphore, #tpu.memory_space<semaphore_mem>>) src(%arg16 : memref<128x128xf32, #tpu.memory_space<vmem>>) dst(%dma_wait3A_647 : memref<10240x128xf32, #tpu.memory_space<vmem_shared>>)
      %dma_start3A_648 = arith.constant 7 : i32
      %dma_start3A_649 = arith.constant 0 : i32
      %dma_start3A_650 = tpu.memref_slice %arg13[%dma_start3A_648, %dma_start3A_649] : memref<8x128xi32, #tpu.memory_space<vmem>> -> memref<1x128xi32, #tpu.memory_space<vmem>>
      %dma_start3A_651 = tpu.memref_squeeze %dma_start3A_650 : memref<1x128xi32, #tpu.memory_space<vmem>> -> memref<128xi32, #tpu.memory_space<vmem>>
      %dma_start3A_652 = arith.constant 0 : i32
      %dma_start3A_653 = arith.constant 0 : i32
      %dma_start3A_654 = tpu.memref_slice %arg5[%dma_start3A_652, %dma_start3A_653] : memref<10240x128xf32, #tpu.memory_space<hbm>> -> memref<10240x128xf32, #tpu.memory_space<hbm>>
      tpu.enqueue_indirect_dma source(%dma_start3A_654 : memref<10240x128xf32, #tpu.memory_space<hbm>>) target(%arg16 : memref<128x128xf32, #tpu.memory_space<vmem>>) offsets(%dma_start3A_651 : memref<128xi32, #tpu.memory_space<vmem>>) semaphore(%arg21 : memref<!tpu.dma_semaphore, #tpu.memory_space<semaphore_mem>>)
      %scan3A_655 = arith.constant 0 : i32
      %scan3A_656 = arith.constant 0 : i32
      %scan3A_657 = arith.constant 8 : i32
      %scan3A_658 = arith.addi %scan3A_656, %scan3A_657 : i32
      %scan3A_659 = arith.constant 1 : i32
      scf.for %scan3A_714 = %scan3A_656 to %scan3A_658 step %scan3A_659  : i32 {
        %mul3A_715 = arith.constant 16 : i32
        %mul3A_716 = arith.muli %scan3A_714, %mul3A_715 : i32
        %get3A = arith.constant 6 : i32
        %get3A_717 = arith.index_cast %get3A : i32 to index
        %get3A_718 = arith.index_cast %mul3A_716 : i32 to index
        %get3A_719 = tpu.vector_load %arg13[%get3A_717, %get3A_718] {strides = array<i32>} : memref<8x128xi32, #tpu.memory_space<vmem>>, vector<16xi32>,
        %mul3A_720 = arith.constant 16 : i32
        %mul3A_721 = arith.muli %scan3A_714, %mul3A_720 : i32
        %get3A_722 = arith.constant 6 : i32
        %get3A_723 = arith.index_cast %get3A_722 : i32 to index
        %get3A_724 = arith.index_cast %mul3A_721 : i32 to index
        %get3A_725 = tpu.vector_load %arg12[%get3A_723, %get3A_724] {strides = array<i32>} : memref<8x128xi32, #tpu.memory_space<vmem>>, vector<16xi32>,
        %mul3A_726 = arith.constant 16 : i32
        %mul3A_727 = arith.muli %scan3A_714, %mul3A_726 : i32
        %get3A_728 = arith.constant 6 : i32
        %get3A_729 = arith.index_cast %get3A_728 : i32 to index
        %get3A_730 = arith.index_cast %mul3A_727 : i32 to index
        %get3A_731 = tpu.vector_load %arg14[%get3A_729, %get3A_730] {strides = array<i32>} : memref<8x128xf32, #tpu.memory_space<vmem>>, vector<16xf32>,
        %gather3A = tpu.vector_load_idx %arg17[%get3A_719] : memref<10240xf32, #tpu.memory_space<vmem>>[vector<16xi32>], vector<16xf32>,
        %gather3A_732 = tpu.vector_load_idx %arg17[%get3A_725] : memref<10240xf32, #tpu.memory_space<vmem>>[vector<16xi32>], vector<16xf32>,
        %mul3A_733 = arith.mulf %gather3A, %get3A_731 : vector<16xf32>
        %mul3A_734 = arith.mulf %mul3A_733, %gather3A_732 : vector<16xf32>
        %mul3A_735 = arith.constant 16 : i32
        %mul3A_736 = arith.muli %scan3A_714, %mul3A_735 : i32
        %swap3A = arith.index_cast %mul3A_736 : i32 to index
        %swap3A_737 = tpu.vector_load %arg19[%swap3A] {strides = array<i32>} : memref<128xf32, #tpu.memory_space<vmem>>, vector<16xf32>,
        tpu.vector_store %arg19[%swap3A], %mul3A_734 {strides = array<i32>} : memref<128xf32, #tpu.memory_space<vmem>>, vector<16xf32>,
      }
      %scan3A_660 = arith.constant 8 : i32
      %scan3A_661 = arith.constant 0 : i32
      %scan3A_662 = arith.constant 0 : i32
      %scan3A_663 = arith.constant 128 : i32
      %scan3A_664 = arith.addi %scan3A_662, %scan3A_663 : i32
      %scan3A_665 = arith.constant 1 : i32
      scf.for %scan3A_714 = %scan3A_662 to %scan3A_664 step %scan3A_665  : i32 {
        %broadcast_in_dim3A = vector.broadcast %scan3A_714 : i32 to vector<16xi32>
        %gather3A = tpu.vector_load_idx %arg19[%broadcast_in_dim3A] : memref<128xf32, #tpu.memory_space<vmem>>[vector<16xi32>], vector<16xf32>,
        %get3A = arith.index_cast %scan3A_714 : i32 to index
        %get3A_715 = arith.constant 0 : index
        %get3A_716 = tpu.vector_load %arg15[%get3A, %get3A_715] {strides = array<i32>} : memref<128x128xf32, #tpu.memory_space<vmem>>, vector<16xf32>,
        %mul3A_717 = arith.mulf %get3A_716, %gather3A : vector<16xf32>
        %swap3A = arith.index_cast %scan3A_714 : i32 to index
        %swap3A_718 = arith.constant 0 : index
        %swap3A_719 = tpu.vector_load %arg15[%swap3A, %swap3A_718] {strides = array<i32>} : memref<128x128xf32, #tpu.memory_space<vmem>>, vector<16xf32>,
        tpu.vector_store %arg15[%swap3A, %swap3A_718], %mul3A_717 {strides = array<i32>} : memref<128x128xf32, #tpu.memory_space<vmem>>, vector<16xf32>,
        %get3A_720 = arith.index_cast %scan3A_714 : i32 to index
        %get3A_721 = arith.constant 16 : index
        %get3A_722 = tpu.vector_load %arg15[%get3A_720, %get3A_721] {strides = array<i32>} : memref<128x128xf32, #tpu.memory_space<vmem>>, vector<16xf32>,
        %mul3A_723 = arith.mulf %get3A_722, %gather3A : vector<16xf32>
        %swap3A_724 = arith.index_cast %scan3A_714 : i32 to index
        %swap3A_725 = arith.constant 16 : index
        %swap3A_726 = tpu.vector_load %arg15[%swap3A_724, %swap3A_725] {strides = array<i32>} : memref<128x128xf32, #tpu.memory_space<vmem>>, vector<16xf32>,
        tpu.vector_store %arg15[%swap3A_724, %swap3A_725], %mul3A_723 {strides = array<i32>} : memref<128x128xf32, #tpu.memory_space<vmem>>, vector<16xf32>,
        %get3A_727 = arith.index_cast %scan3A_714 : i32 to index
        %get3A_728 = arith.constant 32 : index
        %get3A_729 = tpu.vector_load %arg15[%get3A_727, %get3A_728] {strides = array<i32>} : memref<128x128xf32, #tpu.memory_space<vmem>>, vector<16xf32>,
        %mul3A_730 = arith.mulf %get3A_729, %gather3A : vector<16xf32>
        %swap3A_731 = arith.index_cast %scan3A_714 : i32 to index
        %swap3A_732 = arith.constant 32 : index
        %swap3A_733 = tpu.vector_load %arg15[%swap3A_731, %swap3A_732] {strides = array<i32>} : memref<128x128xf32, #tpu.memory_space<vmem>>, vector<16xf32>,
        tpu.vector_store %arg15[%swap3A_731, %swap3A_732], %mul3A_730 {strides = array<i32>} : memref<128x128xf32, #tpu.memory_space<vmem>>, vector<16xf32>,
        %get3A_734 = arith.index_cast %scan3A_714 : i32 to index
        %get3A_735 = arith.constant 48 : index
        %get3A_736 = tpu.vector_load %arg15[%get3A_734, %get3A_735] {strides = array<i32>} : memref<128x128xf32, #tpu.memory_space<vmem>>, vector<16xf32>,
        %mul3A_737 = arith.mulf %get3A_736, %gather3A : vector<16xf32>
        %swap3A_738 = arith.index_cast %scan3A_714 : i32 to index
        %swap3A_739 = arith.constant 48 : index
        %swap3A_740 = tpu.vector_load %arg15[%swap3A_738, %swap3A_739] {strides = array<i32>} : memref<128x128xf32, #tpu.memory_space<vmem>>, vector<16xf32>,
        tpu.vector_store %arg15[%swap3A_738, %swap3A_739], %mul3A_737 {strides = array<i32>} : memref<128x128xf32, #tpu.memory_space<vmem>>, vector<16xf32>,
        %get3A_741 = arith.index_cast %scan3A_714 : i32 to index
        %get3A_742 = arith.constant 64 : index
        %get3A_743 = tpu.vector_load %arg15[%get3A_741, %get3A_742] {strides = array<i32>} : memref<128x128xf32, #tpu.memory_space<vmem>>, vector<16xf32>,
        %mul3A_744 = arith.mulf %get3A_743, %gather3A : vector<16xf32>
        %swap3A_745 = arith.index_cast %scan3A_714 : i32 to index
        %swap3A_746 = arith.constant 64 : index
        %swap3A_747 = tpu.vector_load %arg15[%swap3A_745, %swap3A_746] {strides = array<i32>} : memref<128x128xf32, #tpu.memory_space<vmem>>, vector<16xf32>,
        tpu.vector_store %arg15[%swap3A_745, %swap3A_746], %mul3A_744 {strides = array<i32>} : memref<128x128xf32, #tpu.memory_space<vmem>>, vector<16xf32>,
        %get3A_748 = arith.index_cast %scan3A_714 : i32 to index
        %get3A_749 = arith.constant 80 : index
        %get3A_750 = tpu.vector_load %arg15[%get3A_748, %get3A_749] {strides = array<i32>} : memref<128x128xf32, #tpu.memory_space<vmem>>, vector<16xf32>,
        %mul3A_751 = arith.mulf %get3A_750, %gather3A : vector<16xf32>
        %swap3A_752 = arith.index_cast %scan3A_714 : i32 to index
        %swap3A_753 = arith.constant 80 : index
        %swap3A_754 = tpu.vector_load %arg15[%swap3A_752, %swap3A_753] {strides = array<i32>} : memref<128x128xf32, #tpu.memory_space<vmem>>, vector<16xf32>,
        tpu.vector_store %arg15[%swap3A_752, %swap3A_753], %mul3A_751 {strides = array<i32>} : memref<128x128xf32, #tpu.memory_space<vmem>>, vector<16xf32>,
        %get3A_755 = arith.index_cast %scan3A_714 : i32 to index
        %get3A_756 = arith.constant 96 : index
        %get3A_757 = tpu.vector_load %arg15[%get3A_755, %get3A_756] {strides = array<i32>} : memref<128x128xf32, #tpu.memory_space<vmem>>, vector<16xf32>,
        %mul3A_758 = arith.mulf %get3A_757, %gather3A : vector<16xf32>
        %swap3A_759 = arith.index_cast %scan3A_714 : i32 to index
        %swap3A_760 = arith.constant 96 : index
        %swap3A_761 = tpu.vector_load %arg15[%swap3A_759, %swap3A_760] {strides = array<i32>} : memref<128x128xf32, #tpu.memory_space<vmem>>, vector<16xf32>,
        tpu.vector_store %arg15[%swap3A_759, %swap3A_760], %mul3A_758 {strides = array<i32>} : memref<128x128xf32, #tpu.memory_space<vmem>>, vector<16xf32>,
        %get3A_762 = arith.index_cast %scan3A_714 : i32 to index
        %get3A_763 = arith.constant 112 : index
        %get3A_764 = tpu.vector_load %arg15[%get3A_762, %get3A_763] {strides = array<i32>} : memref<128x128xf32, #tpu.memory_space<vmem>>, vector<16xf32>,
        %mul3A_765 = arith.mulf %get3A_764, %gather3A : vector<16xf32>
        %swap3A_766 = arith.index_cast %scan3A_714 : i32 to index
        %swap3A_767 = arith.constant 112 : index
        %swap3A_768 = tpu.vector_load %arg15[%swap3A_766, %swap3A_767] {strides = array<i32>} : memref<128x128xf32, #tpu.memory_space<vmem>>, vector<16xf32>,
        tpu.vector_store %arg15[%swap3A_766, %swap3A_767], %mul3A_765 {strides = array<i32>} : memref<128x128xf32, #tpu.memory_space<vmem>>, vector<16xf32>,
      }
      %scan3A_666 = arith.constant 128 : i32
      %dma_start3A_667 = arith.constant 6 : i32
      %dma_start3A_668 = arith.constant 0 : i32
      %dma_start3A_669 = tpu.memref_slice %arg12[%dma_start3A_667, %dma_start3A_668] : memref<8x128xi32, #tpu.memory_space<vmem>> -> memref<1x128xi32, #tpu.memory_space<vmem>>
      %dma_start3A_670 = tpu.memref_squeeze %dma_start3A_669 : memref<1x128xi32, #tpu.memory_space<vmem>> -> memref<128xi32, #tpu.memory_space<vmem>>
      %dma_start3A_671 = arith.constant 0 : i32
      %dma_start3A_672 = arith.constant 0 : i32
      %dma_start3A_673 = tpu.memref_slice %arg10[%dma_start3A_671, %dma_start3A_672] : memref<10240x128xf32, #tpu.memory_space<vmem_shared>> -> memref<10240x128xf32, #tpu.memory_space<vmem_shared>>
      tpu.enqueue_indirect_dma source(%arg15 : memref<128x128xf32, #tpu.memory_space<vmem>>) target(%dma_start3A_673 : memref<10240x128xf32, #tpu.memory_space<vmem_shared>>) offsets(%dma_start3A_670 : memref<128xi32, #tpu.memory_space<vmem>>) semaphore(%arg22 : memref<!tpu.dma_semaphore, #tpu.memory_space<semaphore_mem>>) {add = true}
      %dma_wait3A_674 = arith.constant 7 : i32
      %dma_wait3A_675 = arith.constant 0 : i32
      %dma_wait3A_676 = tpu.memref_slice %arg13[%dma_wait3A_674, %dma_wait3A_675] : memref<8x128xi32, #tpu.memory_space<vmem>> -> memref<1x128xi32, #tpu.memory_space<vmem>>
      %dma_wait3A_677 = tpu.memref_squeeze %dma_wait3A_676 : memref<1x128xi32, #tpu.memory_space<vmem>> -> memref<128xi32, #tpu.memory_space<vmem>>
      %dma_wait3A_678 = arith.constant 0 : i32
      %dma_wait3A_679 = arith.constant 0 : i32
      %dma_wait3A_680 = tpu.memref_slice %arg5[%dma_wait3A_678, %dma_wait3A_679] : memref<10240x128xf32, #tpu.memory_space<hbm>> -> memref<10240x128xf32, #tpu.memory_space<hbm>>
      tpu.wait_indirect_dma semaphore(%arg21 : memref<!tpu.dma_semaphore, #tpu.memory_space<semaphore_mem>>) src(%dma_wait3A_680 : memref<10240x128xf32, #tpu.memory_space<hbm>>) dst(%arg16 : memref<128x128xf32, #tpu.memory_space<vmem>>)
      %scan3A_681 = arith.constant 0 : i32
      %scan3A_682 = arith.constant 0 : i32
      %scan3A_683 = arith.constant 8 : i32
      %scan3A_684 = arith.addi %scan3A_682, %scan3A_683 : i32
      %scan3A_685 = arith.constant 1 : i32
      scf.for %scan3A_714 = %scan3A_682 to %scan3A_684 step %scan3A_685  : i32 {
        %mul3A_715 = arith.constant 16 : i32
        %mul3A_716 = arith.muli %scan3A_714, %mul3A_715 : i32
        %get3A = arith.constant 7 : i32
        %get3A_717 = arith.index_cast %get3A : i32 to index
        %get3A_718 = arith.index_cast %mul3A_716 : i32 to index
        %get3A_719 = tpu.vector_load %arg13[%get3A_717, %get3A_718] {strides = array<i32>} : memref<8x128xi32, #tpu.memory_space<vmem>>, vector<16xi32>,
        %mul3A_720 = arith.constant 16 : i32
        %mul3A_721 = arith.muli %scan3A_714, %mul3A_720 : i32
        %get3A_722 = arith.constant 7 : i32
        %get3A_723 = arith.index_cast %get3A_722 : i32 to index
        %get3A_724 = arith.index_cast %mul3A_721 : i32 to index
        %get3A_725 = tpu.vector_load %arg12[%get3A_723, %get3A_724] {strides = array<i32>} : memref<8x128xi32, #tpu.memory_space<vmem>>, vector<16xi32>,
        %mul3A_726 = arith.constant 16 : i32
        %mul3A_727 = arith.muli %scan3A_714, %mul3A_726 : i32
        %get3A_728 = arith.constant 7 : i32
        %get3A_729 = arith.index_cast %get3A_728 : i32 to index
        %get3A_730 = arith.index_cast %mul3A_727 : i32 to index
        %get3A_731 = tpu.vector_load %arg14[%get3A_729, %get3A_730] {strides = array<i32>} : memref<8x128xf32, #tpu.memory_space<vmem>>, vector<16xf32>,
        %gather3A = tpu.vector_load_idx %arg17[%get3A_719] : memref<10240xf32, #tpu.memory_space<vmem>>[vector<16xi32>], vector<16xf32>,
        %gather3A_732 = tpu.vector_load_idx %arg17[%get3A_725] : memref<10240xf32, #tpu.memory_space<vmem>>[vector<16xi32>], vector<16xf32>,
        %mul3A_733 = arith.mulf %gather3A, %get3A_731 : vector<16xf32>
        %mul3A_734 = arith.mulf %mul3A_733, %gather3A_732 : vector<16xf32>
        %mul3A_735 = arith.constant 16 : i32
        %mul3A_736 = arith.muli %scan3A_714, %mul3A_735 : i32
        %swap3A = arith.index_cast %mul3A_736 : i32 to index
        %swap3A_737 = tpu.vector_load %arg19[%swap3A] {strides = array<i32>} : memref<128xf32, #tpu.memory_space<vmem>>, vector<16xf32>,
        tpu.vector_store %arg19[%swap3A], %mul3A_734 {strides = array<i32>} : memref<128xf32, #tpu.memory_space<vmem>>, vector<16xf32>,
      }
      %scan3A_686 = arith.constant 8 : i32
      %scan3A_687 = arith.constant 0 : i32
      %scan3A_688 = arith.constant 0 : i32
      %scan3A_689 = arith.constant 128 : i32
      %scan3A_690 = arith.addi %scan3A_688, %scan3A_689 : i32
      %scan3A_691 = arith.constant 1 : i32
      scf.for %scan3A_714 = %scan3A_688 to %scan3A_690 step %scan3A_691  : i32 {
        %broadcast_in_dim3A = vector.broadcast %scan3A_714 : i32 to vector<16xi32>
        %gather3A = tpu.vector_load_idx %arg19[%broadcast_in_dim3A] : memref<128xf32, #tpu.memory_space<vmem>>[vector<16xi32>], vector<16xf32>,
        %get3A = arith.index_cast %scan3A_714 : i32 to index
        %get3A_715 = arith.constant 0 : index
        %get3A_716 = tpu.vector_load %arg16[%get3A, %get3A_715] {strides = array<i32>} : memref<128x128xf32, #tpu.memory_space<vmem>>, vector<16xf32>,
        %mul3A_717 = arith.mulf %get3A_716, %gather3A : vector<16xf32>
        %swap3A = arith.index_cast %scan3A_714 : i32 to index
        %swap3A_718 = arith.constant 0 : index
        %swap3A_719 = tpu.vector_load %arg16[%swap3A, %swap3A_718] {strides = array<i32>} : memref<128x128xf32, #tpu.memory_space<vmem>>, vector<16xf32>,
        tpu.vector_store %arg16[%swap3A, %swap3A_718], %mul3A_717 {strides = array<i32>} : memref<128x128xf32, #tpu.memory_space<vmem>>, vector<16xf32>,
        %get3A_720 = arith.index_cast %scan3A_714 : i32 to index
        %get3A_721 = arith.constant 16 : index
        %get3A_722 = tpu.vector_load %arg16[%get3A_720, %get3A_721] {strides = array<i32>} : memref<128x128xf32, #tpu.memory_space<vmem>>, vector<16xf32>,
        %mul3A_723 = arith.mulf %get3A_722, %gather3A : vector<16xf32>
        %swap3A_724 = arith.index_cast %scan3A_714 : i32 to index
        %swap3A_725 = arith.constant 16 : index
        %swap3A_726 = tpu.vector_load %arg16[%swap3A_724, %swap3A_725] {strides = array<i32>} : memref<128x128xf32, #tpu.memory_space<vmem>>, vector<16xf32>,
        tpu.vector_store %arg16[%swap3A_724, %swap3A_725], %mul3A_723 {strides = array<i32>} : memref<128x128xf32, #tpu.memory_space<vmem>>, vector<16xf32>,
        %get3A_727 = arith.index_cast %scan3A_714 : i32 to index
        %get3A_728 = arith.constant 32 : index
        %get3A_729 = tpu.vector_load %arg16[%get3A_727, %get3A_728] {strides = array<i32>} : memref<128x128xf32, #tpu.memory_space<vmem>>, vector<16xf32>,
        %mul3A_730 = arith.mulf %get3A_729, %gather3A : vector<16xf32>
        %swap3A_731 = arith.index_cast %scan3A_714 : i32 to index
        %swap3A_732 = arith.constant 32 : index
        %swap3A_733 = tpu.vector_load %arg16[%swap3A_731, %swap3A_732] {strides = array<i32>} : memref<128x128xf32, #tpu.memory_space<vmem>>, vector<16xf32>,
        tpu.vector_store %arg16[%swap3A_731, %swap3A_732], %mul3A_730 {strides = array<i32>} : memref<128x128xf32, #tpu.memory_space<vmem>>, vector<16xf32>,
        %get3A_734 = arith.index_cast %scan3A_714 : i32 to index
        %get3A_735 = arith.constant 48 : index
        %get3A_736 = tpu.vector_load %arg16[%get3A_734, %get3A_735] {strides = array<i32>} : memref<128x128xf32, #tpu.memory_space<vmem>>, vector<16xf32>,
        %mul3A_737 = arith.mulf %get3A_736, %gather3A : vector<16xf32>
        %swap3A_738 = arith.index_cast %scan3A_714 : i32 to index
        %swap3A_739 = arith.constant 48 : index
        %swap3A_740 = tpu.vector_load %arg16[%swap3A_738, %swap3A_739] {strides = array<i32>} : memref<128x128xf32, #tpu.memory_space<vmem>>, vector<16xf32>,
        tpu.vector_store %arg16[%swap3A_738, %swap3A_739], %mul3A_737 {strides = array<i32>} : memref<128x128xf32, #tpu.memory_space<vmem>>, vector<16xf32>,
        %get3A_741 = arith.index_cast %scan3A_714 : i32 to index
        %get3A_742 = arith.constant 64 : index
        %get3A_743 = tpu.vector_load %arg16[%get3A_741, %get3A_742] {strides = array<i32>} : memref<128x128xf32, #tpu.memory_space<vmem>>, vector<16xf32>,
        %mul3A_744 = arith.mulf %get3A_743, %gather3A : vector<16xf32>
        %swap3A_745 = arith.index_cast %scan3A_714 : i32 to index
        %swap3A_746 = arith.constant 64 : index
        %swap3A_747 = tpu.vector_load %arg16[%swap3A_745, %swap3A_746] {strides = array<i32>} : memref<128x128xf32, #tpu.memory_space<vmem>>, vector<16xf32>,
        tpu.vector_store %arg16[%swap3A_745, %swap3A_746], %mul3A_744 {strides = array<i32>} : memref<128x128xf32, #tpu.memory_space<vmem>>, vector<16xf32>,
        %get3A_748 = arith.index_cast %scan3A_714 : i32 to index
        %get3A_749 = arith.constant 80 : index
        %get3A_750 = tpu.vector_load %arg16[%get3A_748, %get3A_749] {strides = array<i32>} : memref<128x128xf32, #tpu.memory_space<vmem>>, vector<16xf32>,
        %mul3A_751 = arith.mulf %get3A_750, %gather3A : vector<16xf32>
        %swap3A_752 = arith.index_cast %scan3A_714 : i32 to index
        %swap3A_753 = arith.constant 80 : index
        %swap3A_754 = tpu.vector_load %arg16[%swap3A_752, %swap3A_753] {strides = array<i32>} : memref<128x128xf32, #tpu.memory_space<vmem>>, vector<16xf32>,
        tpu.vector_store %arg16[%swap3A_752, %swap3A_753], %mul3A_751 {strides = array<i32>} : memref<128x128xf32, #tpu.memory_space<vmem>>, vector<16xf32>,
        %get3A_755 = arith.index_cast %scan3A_714 : i32 to index
        %get3A_756 = arith.constant 96 : index
        %get3A_757 = tpu.vector_load %arg16[%get3A_755, %get3A_756] {strides = array<i32>} : memref<128x128xf32, #tpu.memory_space<vmem>>, vector<16xf32>,
        %mul3A_758 = arith.mulf %get3A_757, %gather3A : vector<16xf32>
        %swap3A_759 = arith.index_cast %scan3A_714 : i32 to index
        %swap3A_760 = arith.constant 96 : index
        %swap3A_761 = tpu.vector_load %arg16[%swap3A_759, %swap3A_760] {strides = array<i32>} : memref<128x128xf32, #tpu.memory_space<vmem>>, vector<16xf32>,
        tpu.vector_store %arg16[%swap3A_759, %swap3A_760], %mul3A_758 {strides = array<i32>} : memref<128x128xf32, #tpu.memory_space<vmem>>, vector<16xf32>,
        %get3A_762 = arith.index_cast %scan3A_714 : i32 to index
        %get3A_763 = arith.constant 112 : index
        %get3A_764 = tpu.vector_load %arg16[%get3A_762, %get3A_763] {strides = array<i32>} : memref<128x128xf32, #tpu.memory_space<vmem>>, vector<16xf32>,
        %mul3A_765 = arith.mulf %get3A_764, %gather3A : vector<16xf32>
        %swap3A_766 = arith.index_cast %scan3A_714 : i32 to index
        %swap3A_767 = arith.constant 112 : index
        %swap3A_768 = tpu.vector_load %arg16[%swap3A_766, %swap3A_767] {strides = array<i32>} : memref<128x128xf32, #tpu.memory_space<vmem>>, vector<16xf32>,
        tpu.vector_store %arg16[%swap3A_766, %swap3A_767], %mul3A_765 {strides = array<i32>} : memref<128x128xf32, #tpu.memory_space<vmem>>, vector<16xf32>,
      }
      %scan3A_692 = arith.constant 128 : i32
      %dma_start3A_693 = arith.constant 7 : i32
      %dma_start3A_694 = arith.constant 0 : i32
      %dma_start3A_695 = tpu.memref_slice %arg12[%dma_start3A_693, %dma_start3A_694] : memref<8x128xi32, #tpu.memory_space<vmem>> -> memref<1x128xi32, #tpu.memory_space<vmem>>
      %dma_start3A_696 = tpu.memref_squeeze %dma_start3A_695 : memref<1x128xi32, #tpu.memory_space<vmem>> -> memref<128xi32, #tpu.memory_space<vmem>>
      %dma_start3A_697 = arith.constant 0 : i32
      %dma_start3A_698 = arith.constant 0 : i32
      %dma_start3A_699 = tpu.memref_slice %arg10[%dma_start3A_697, %dma_start3A_698] : memref<10240x128xf32, #tpu.memory_space<vmem_shared>> -> memref<10240x128xf32, #tpu.memory_space<vmem_shared>>
      tpu.enqueue_indirect_dma source(%arg16 : memref<128x128xf32, #tpu.memory_space<vmem>>) target(%dma_start3A_699 : memref<10240x128xf32, #tpu.memory_space<vmem_shared>>) offsets(%dma_start3A_696 : memref<128xi32, #tpu.memory_space<vmem>>) semaphore(%arg23 : memref<!tpu.dma_semaphore, #tpu.memory_space<semaphore_mem>>) {add = true}
      %dma_wait3A_700 = arith.constant 6 : i32
      %dma_wait3A_701 = arith.constant 0 : i32
      %dma_wait3A_702 = tpu.memref_slice %arg12[%dma_wait3A_700, %dma_wait3A_701] : memref<8x128xi32, #tpu.memory_space<vmem>> -> memref<1x128xi32, #tpu.memory_space<vmem>>
      %dma_wait3A_703 = tpu.memref_squeeze %dma_wait3A_702 : memref<1x128xi32, #tpu.memory_space<vmem>> -> memref<128xi32, #tpu.memory_space<vmem>>
      %dma_wait3A_704 = arith.constant 0 : i32
      %dma_wait3A_705 = arith.constant 0 : i32
      %dma_wait3A_706 = tpu.memref_slice %arg10[%dma_wait3A_704, %dma_wait3A_705] : memref<10240x128xf32, #tpu.memory_space<vmem_shared>> -> memref<10240x128xf32, #tpu.memory_space<vmem_shared>>
      tpu.wait_indirect_dma semaphore(%arg22 : memref<!tpu.dma_semaphore, #tpu.memory_space<semaphore_mem>>) src(%arg15 : memref<128x128xf32, #tpu.memory_space<vmem>>) dst(%dma_wait3A_706 : memref<10240x128xf32, #tpu.memory_space<vmem_shared>>)
      %dma_wait3A_707 = arith.constant 7 : i32
      %dma_wait3A_708 = arith.constant 0 : i32
      %dma_wait3A_709 = tpu.memref_slice %arg12[%dma_wait3A_707, %dma_wait3A_708] : memref<8x128xi32, #tpu.memory_space<vmem>> -> memref<1x128xi32, #tpu.memory_space<vmem>>
      %dma_wait3A_710 = tpu.memref_squeeze %dma_wait3A_709 : memref<1x128xi32, #tpu.memory_space<vmem>> -> memref<128xi32, #tpu.memory_space<vmem>>
      %dma_wait3A_711 = arith.constant 0 : i32
      %dma_wait3A_712 = arith.constant 0 : i32
      %dma_wait3A_713 = tpu.memref_slice %arg10[%dma_wait3A_711, %dma_wait3A_712] : memref<10240x128xf32, #tpu.memory_space<vmem_shared>> -> memref<10240x128xf32, #tpu.memory_space<vmem_shared>>
      tpu.wait_indirect_dma semaphore(%arg23 : memref<!tpu.dma_semaphore, #tpu.memory_space<semaphore_mem>>) src(%arg16 : memref<128x128xf32, #tpu.memory_space<vmem>>) dst(%dma_wait3A_713 : memref<10240x128xf32, #tpu.memory_space<vmem_shared>>)
    }
    %scan3A_379 = arith.constant 11 : i32
    %barrier3A_380 = arith.constant 0 : index
    tpu.barrier barrier_id(%barrier3A_380)
    "tpu.trace_stop"() : () -> ()
    "tpu.trace_start"() <{level = 10 : i32, message = "ph_out"}> : () -> ()
    %mul3A_381 = arith.constant 640 : i32
    %mul3A_382 = arith.muli %arg1, %mul3A_381 : i32
    %mul3A_383 = arith.constant 10240 : i32
    %mul3A_384 = arith.muli %arg0, %mul3A_383 : i32
    %mul3A_385 = arith.constant 640 : i32
    %mul3A_386 = arith.muli %arg1, %mul3A_385 : i32
    %add3A_387 = arith.addi %mul3A_384, %mul3A_386 : i32
    "tpu.region"() ({
      %run_scoped3A = tpu.sem_alloc : memref<!tpu.dma_semaphore, #tpu.memory_space<semaphore_mem>>
      %dma_start3A_388 = arith.constant 0 : i32
      %dma_start3A_389 = tpu.memref_slice %arg8[%add3A_387, %dma_start3A_388] : memref<20480x128xf32, #tpu.memory_space<hbm>> -> memref<640x128xf32, #tpu.memory_space<hbm>>
      %dma_start3A_390 = arith.constant 0 : i32
      %dma_start3A_391 = tpu.memref_slice %arg10[%mul3A_382, %dma_start3A_390] : memref<10240x128xf32, #tpu.memory_space<vmem_shared>> -> memref<640x128xf32, #tpu.memory_space<vmem_shared>>
      tpu.enqueue_dma source(%dma_start3A_391 : memref<640x128xf32, #tpu.memory_space<vmem_shared>>) target(%dma_start3A_389 : memref<640x128xf32, #tpu.memory_space<hbm>>) target_semaphore(%run_scoped3A : memref<!tpu.dma_semaphore, #tpu.memory_space<semaphore_mem>>)
      %dma_wait3A_392 = arith.constant 0 : i32
      %dma_wait3A_393 = tpu.memref_slice %arg8[%add3A_387, %dma_wait3A_392] : memref<20480x128xf32, #tpu.memory_space<hbm>> -> memref<640x128xf32, #tpu.memory_space<hbm>>
      %dma_wait3A_394 = arith.constant 0 : i32
      %dma_wait3A_395 = tpu.memref_slice %arg10[%mul3A_382, %dma_wait3A_394] : memref<10240x128xf32, #tpu.memory_space<vmem_shared>> -> memref<640x128xf32, #tpu.memory_space<vmem_shared>>
      tpu.wait_dma2 semaphore(%run_scoped3A : memref<!tpu.dma_semaphore, #tpu.memory_space<semaphore_mem>>) src(%dma_wait3A_395 : memref<640x128xf32, #tpu.memory_space<vmem_shared>>) dst(%dma_wait3A_393 : memref<640x128xf32, #tpu.memory_space<hbm>>)
      tpu.yield
    }) : () -> ()
    "tpu.trace_stop"() : () -> ()
    return
  }
}

module attributes {stable_mosaic.version = 14 : i64} {
  func.func @_hw_body(%arg0: i32, %arg1: memref<128x128xf32, #tpu.memory_space<vmem>>, %arg2: memref<128x128xf32, #tpu.memory_space<vmem>>, %arg3: memref<1x128xf32, #tpu.memory_space<vmem>>, %arg4: memref<128x128xf32, #tpu.memory_space<vmem>>, %arg5: memref<128x128xf32, #tpu.memory_space<vmem>>) attributes {dimension_semantics = [#tpu.dimension_semantics<arbitrary>], iteration_bounds = array<i64: 80>, scalar_prefetch = 0 : i64, scratch_operands = 0 : i64, tpu.core_type = #tpu.core_type<tc>, window_params = [{transform_indices = @transform_0, window_bounds = array<i64: 128, 128>}, {pipeline_mode = #tpu.pipeline_mode<synchronous>, transform_indices = @transform_1, window_bounds = array<i64: 128, 128>}, {pipeline_mode = #tpu.pipeline_mode<synchronous>, transform_indices = @transform_2, window_bounds = array<i64: 1, 128>}, {pipeline_mode = #tpu.pipeline_mode<synchronous>, transform_indices = @transform_3, window_bounds = array<i64: 128, 128>}, {transform_indices = @transform_4, window_bounds = array<i64: 128, 128>}]} {
    %get3A = arith.constant 0 : index
    %get3A_0 = arith.constant 0 : index
    %get3A_1 = vector.load %arg1[%get3A, %get3A_0] : memref<128x128xf32, #tpu.memory_space<vmem>>, vector<128x128xf32>
    %get3A_2 = arith.constant 0 : index
    %get3A_3 = arith.constant 0 : index
    %get3A_4 = vector.load %arg2[%get3A_2, %get3A_3] : memref<128x128xf32, #tpu.memory_space<vmem>>, vector<128x128xf32>
    %dot_general3A = arith.constant dense<0.000000e+00> : vector<128x128xf32>
    %dot_general3A_5 = tpu.matmul %get3A_1, %get3A_4, %dot_general3A {dimension_numbers = #tpu.dot_dimension_numbers<[1], [0], [0], [1], [0, 0, 1, 1], [], []>, transpose_lhs_hint = false} : vector<128x128xf32>, vector<128x128xf32>, vector<128x128xf32> -> vector<128x128xf32>
    %get3A_6 = arith.constant 0 : index
    %get3A_7 = arith.constant 0 : index
    %get3A_8 = vector.load %arg3[%get3A_6, %get3A_7] : memref<1x128xf32, #tpu.memory_space<vmem>>, vector<1x128xf32>
    %add3A = vector.broadcast %get3A_8 : vector<1x128xf32> to vector<128x128xf32>
    %add3A_9 = arith.addf %dot_general3A_5, %add3A : vector<128x128xf32>
    %max3A = arith.constant 0.000000e+00 : f32
    %max3A_10 = vector.broadcast %max3A : f32 to vector<128x128xf32>
    %max3A_11 = arith.maximumf %add3A_9, %max3A_10 : vector<128x128xf32>
    %get3A_12 = arith.constant 0 : index
    %get3A_13 = arith.constant 0 : index
    %get3A_14 = vector.load %arg4[%get3A_12, %get3A_13] : memref<128x128xf32, #tpu.memory_space<vmem>>, vector<128x128xf32>
    %dot_general3A_15 = arith.constant dense<0.000000e+00> : vector<128x128xf32>
    %dot_general3A_16 = tpu.matmul %max3A_11, %get3A_14, %dot_general3A_15 {dimension_numbers = #tpu.dot_dimension_numbers<[1], [0], [0], [1], [0, 0, 1, 1], [], []>, transpose_lhs_hint = false} : vector<128x128xf32>, vector<128x128xf32>, vector<128x128xf32> -> vector<128x128xf32>
    %swap3A = arith.constant 0 : index
    %swap3A_17 = arith.constant 0 : index
    %swap3A_18 = vector.load %arg5[%swap3A, %swap3A_17] : memref<128x128xf32, #tpu.memory_space<vmem>>, vector<128x128xf32>
    tpu.vector_store %arg5[%swap3A, %swap3A_17], %dot_general3A_16 {strides = array<i32>} : memref<128x128xf32, #tpu.memory_space<vmem>>, vector<128x128xf32>,
    return
  }
  func.func @transform_0(%arg0: i32) -> (i32, i32) {
    %c0_i32 = arith.constant 0 : i32
    %c0_i32_0 = arith.constant 0 : i32
    return %arg0, %c0_i32 : i32, i32
  }
  func.func @transform_1(%arg0: i32) -> (i32, i32) {
    %c0_i32 = arith.constant 0 : i32
    %c0_i32_0 = arith.constant 0 : i32
    %c0_i32_1 = arith.constant 0 : i32
    return %c0_i32, %c0_i32_0 : i32, i32
  }
  func.func @transform_2(%arg0: i32) -> (i32, i32) {
    %c0_i32 = arith.constant 0 : i32
    %c0_i32_0 = arith.constant 0 : i32
    %c0_i32_1 = arith.constant 0 : i32
    return %c0_i32, %c0_i32_0 : i32, i32
  }
  func.func @transform_3(%arg0: i32) -> (i32, i32) {
    %c0_i32 = arith.constant 0 : i32
    %c0_i32_0 = arith.constant 0 : i32
    %c0_i32_1 = arith.constant 0 : i32
    return %c0_i32, %c0_i32_0 : i32, i32
  }
  func.func @transform_4(%arg0: i32) -> (i32, i32) {
    %c0_i32 = arith.constant 0 : i32
    %c0_i32_0 = arith.constant 0 : i32
    return %arg0, %c0_i32 : i32, i32
  }
}

module attributes {stable_mosaic.version = 14 : i64} {
  func.func @_expm_body(%arg0: memref<128x128xf32, #tpu.memory_space<vmem>>, %arg1: memref<128x128xf32, #tpu.memory_space<vmem>>) attributes {dimension_semantics = [], scalar_prefetch = 0 : i64, scratch_operands = 0 : i64, tpu.core_type = #tpu.core_type<tc>} {
    %get3A = arith.constant 0 : index
    %get3A_0 = arith.constant 0 : index
    %get3A_1 = vector.load %arg0[%get3A, %get3A_0] : memref<128x128xf32, #tpu.memory_space<vmem>>, vector<128x128xf32>
    %mul3A = arith.constant 6.250000e-02 : f32
    %mul3A_2 = vector.broadcast %mul3A : f32 to vector<128x128xf32>
    %mul3A_3 = arith.mulf %get3A_1, %mul3A_2 : vector<128x128xf32>
    %iota3A = tpu.iota {dimensions = array<i32: 0>} : vector<128x128xi32>
    %iota3A_4 = tpu.iota {dimensions = array<i32: 1>} : vector<128x128xi32>
    %add3A = arith.constant 0 : i32
    %add3A_5 = vector.broadcast %add3A : i32 to vector<128x128xi32>
    %add3A_6 = arith.addi %iota3A, %add3A_5 : vector<128x128xi32>
    %eq3A = arith.cmpi eq, %add3A_6, %iota3A_4 : vector<128x128xi32>
    %convert_element_type3A = arith.extui %eq3A : vector<128x128xi1> to vector<128x128xi32>
    %convert_element_type3A_7 = arith.sitofp %convert_element_type3A : vector<128x128xi32> to vector<128x128xf32>
    %add3A_8 = arith.addf %convert_element_type3A_7, %mul3A_3 : vector<128x128xf32>
    %dot_general3A = arith.constant dense<0.000000e+00> : vector<128x128xf32>
    %dot_general3A_9 = tpu.matmul %mul3A_3, %mul3A_3, %dot_general3A {dimension_numbers = #tpu.dot_dimension_numbers<[1], [0], [0], [1], [0, 0, 1, 1], [], []>, precision = #tpu.contract_precision<fp32>, transpose_lhs_hint = false} : vector<128x128xf32>, vector<128x128xf32>, vector<128x128xf32> -> vector<128x128xf32>
    %mul3A_10 = arith.constant 5.000000e-01 : f32
    %mul3A_11 = vector.broadcast %mul3A_10 : f32 to vector<128x128xf32>
    %mul3A_12 = arith.mulf %dot_general3A_9, %mul3A_11 : vector<128x128xf32>
    %add3A_13 = arith.addf %add3A_8, %mul3A_12 : vector<128x128xf32>
    %dot_general3A_14 = arith.constant dense<0.000000e+00> : vector<128x128xf32>
    %dot_general3A_15 = tpu.matmul %mul3A_12, %mul3A_3, %dot_general3A_14 {dimension_numbers = #tpu.dot_dimension_numbers<[1], [0], [0], [1], [0, 0, 1, 1], [], []>, precision = #tpu.contract_precision<fp32>, transpose_lhs_hint = false} : vector<128x128xf32>, vector<128x128xf32>, vector<128x128xf32> -> vector<128x128xf32>
    %mul3A_16 = arith.constant 0.333333343 : f32
    %mul3A_17 = vector.broadcast %mul3A_16 : f32 to vector<128x128xf32>
    %mul3A_18 = arith.mulf %dot_general3A_15, %mul3A_17 : vector<128x128xf32>
    %add3A_19 = arith.addf %add3A_13, %mul3A_18 : vector<128x128xf32>
    %dot_general3A_20 = arith.constant dense<0.000000e+00> : vector<128x128xf32>
    %dot_general3A_21 = tpu.matmul %mul3A_18, %mul3A_3, %dot_general3A_20 {dimension_numbers = #tpu.dot_dimension_numbers<[1], [0], [0], [1], [0, 0, 1, 1], [], []>, precision = #tpu.contract_precision<fp32>, transpose_lhs_hint = false} : vector<128x128xf32>, vector<128x128xf32>, vector<128x128xf32> -> vector<128x128xf32>
    %mul3A_22 = arith.constant 2.500000e-01 : f32
    %mul3A_23 = vector.broadcast %mul3A_22 : f32 to vector<128x128xf32>
    %mul3A_24 = arith.mulf %dot_general3A_21, %mul3A_23 : vector<128x128xf32>
    %add3A_25 = arith.addf %add3A_19, %mul3A_24 : vector<128x128xf32>
    %dot_general3A_26 = arith.constant dense<0.000000e+00> : vector<128x128xf32>
    %dot_general3A_27 = tpu.matmul %mul3A_24, %mul3A_3, %dot_general3A_26 {dimension_numbers = #tpu.dot_dimension_numbers<[1], [0], [0], [1], [0, 0, 1, 1], [], []>, precision = #tpu.contract_precision<fp32>, transpose_lhs_hint = false} : vector<128x128xf32>, vector<128x128xf32>, vector<128x128xf32> -> vector<128x128xf32>
    %mul3A_28 = arith.constant 2.000000e-01 : f32
    %mul3A_29 = vector.broadcast %mul3A_28 : f32 to vector<128x128xf32>
    %mul3A_30 = arith.mulf %dot_general3A_27, %mul3A_29 : vector<128x128xf32>
    %add3A_31 = arith.addf %add3A_25, %mul3A_30 : vector<128x128xf32>
    %dot_general3A_32 = arith.constant dense<0.000000e+00> : vector<128x128xf32>
    %dot_general3A_33 = tpu.matmul %mul3A_30, %mul3A_3, %dot_general3A_32 {dimension_numbers = #tpu.dot_dimension_numbers<[1], [0], [0], [1], [0, 0, 1, 1], [], []>, precision = #tpu.contract_precision<fp32>, transpose_lhs_hint = false} : vector<128x128xf32>, vector<128x128xf32>, vector<128x128xf32> -> vector<128x128xf32>
    %mul3A_34 = arith.constant 0.166666672 : f32
    %mul3A_35 = vector.broadcast %mul3A_34 : f32 to vector<128x128xf32>
    %mul3A_36 = arith.mulf %dot_general3A_33, %mul3A_35 : vector<128x128xf32>
    %add3A_37 = arith.addf %add3A_31, %mul3A_36 : vector<128x128xf32>
    %dot_general3A_38 = arith.constant dense<0.000000e+00> : vector<128x128xf32>
    %dot_general3A_39 = tpu.matmul %mul3A_36, %mul3A_3, %dot_general3A_38 {dimension_numbers = #tpu.dot_dimension_numbers<[1], [0], [0], [1], [0, 0, 1, 1], [], []>, precision = #tpu.contract_precision<fp32>, transpose_lhs_hint = false} : vector<128x128xf32>, vector<128x128xf32>, vector<128x128xf32> -> vector<128x128xf32>
    %mul3A_40 = arith.constant 0.142857149 : f32
    %mul3A_41 = vector.broadcast %mul3A_40 : f32 to vector<128x128xf32>
    %mul3A_42 = arith.mulf %dot_general3A_39, %mul3A_41 : vector<128x128xf32>
    %add3A_43 = arith.addf %add3A_37, %mul3A_42 : vector<128x128xf32>
    %dot_general3A_44 = arith.constant dense<0.000000e+00> : vector<128x128xf32>
    %dot_general3A_45 = tpu.matmul %mul3A_42, %mul3A_3, %dot_general3A_44 {dimension_numbers = #tpu.dot_dimension_numbers<[1], [0], [0], [1], [0, 0, 1, 1], [], []>, precision = #tpu.contract_precision<fp32>, transpose_lhs_hint = false} : vector<128x128xf32>, vector<128x128xf32>, vector<128x128xf32> -> vector<128x128xf32>
    %mul3A_46 = arith.constant 1.250000e-01 : f32
    %mul3A_47 = vector.broadcast %mul3A_46 : f32 to vector<128x128xf32>
    %mul3A_48 = arith.mulf %dot_general3A_45, %mul3A_47 : vector<128x128xf32>
    %add3A_49 = arith.addf %add3A_43, %mul3A_48 : vector<128x128xf32>
    %dot_general3A_50 = arith.constant dense<0.000000e+00> : vector<128x128xf32>
    %dot_general3A_51 = tpu.matmul %mul3A_48, %mul3A_3, %dot_general3A_50 {dimension_numbers = #tpu.dot_dimension_numbers<[1], [0], [0], [1], [0, 0, 1, 1], [], []>, precision = #tpu.contract_precision<fp32>, transpose_lhs_hint = false} : vector<128x128xf32>, vector<128x128xf32>, vector<128x128xf32> -> vector<128x128xf32>
    %mul3A_52 = arith.constant 0.111111112 : f32
    %mul3A_53 = vector.broadcast %mul3A_52 : f32 to vector<128x128xf32>
    %mul3A_54 = arith.mulf %dot_general3A_51, %mul3A_53 : vector<128x128xf32>
    %add3A_55 = arith.addf %add3A_49, %mul3A_54 : vector<128x128xf32>
    %dot_general3A_56 = arith.constant dense<0.000000e+00> : vector<128x128xf32>
    %dot_general3A_57 = tpu.matmul %mul3A_54, %mul3A_3, %dot_general3A_56 {dimension_numbers = #tpu.dot_dimension_numbers<[1], [0], [0], [1], [0, 0, 1, 1], [], []>, precision = #tpu.contract_precision<fp32>, transpose_lhs_hint = false} : vector<128x128xf32>, vector<128x128xf32>, vector<128x128xf32> -> vector<128x128xf32>
    %mul3A_58 = arith.constant 1.000000e-01 : f32
    %mul3A_59 = vector.broadcast %mul3A_58 : f32 to vector<128x128xf32>
    %mul3A_60 = arith.mulf %dot_general3A_57, %mul3A_59 : vector<128x128xf32>
    %add3A_61 = arith.addf %add3A_55, %mul3A_60 : vector<128x128xf32>
    %dot_general3A_62 = arith.constant dense<0.000000e+00> : vector<128x128xf32>
    %dot_general3A_63 = tpu.matmul %mul3A_60, %mul3A_3, %dot_general3A_62 {dimension_numbers = #tpu.dot_dimension_numbers<[1], [0], [0], [1], [0, 0, 1, 1], [], []>, precision = #tpu.contract_precision<fp32>, transpose_lhs_hint = false} : vector<128x128xf32>, vector<128x128xf32>, vector<128x128xf32> -> vector<128x128xf32>
    %mul3A_64 = arith.constant 0.0909090936 : f32
    %mul3A_65 = vector.broadcast %mul3A_64 : f32 to vector<128x128xf32>
    %mul3A_66 = arith.mulf %dot_general3A_63, %mul3A_65 : vector<128x128xf32>
    %add3A_67 = arith.addf %add3A_61, %mul3A_66 : vector<128x128xf32>
    %dot_general3A_68 = arith.constant dense<0.000000e+00> : vector<128x128xf32>
    %dot_general3A_69 = tpu.matmul %mul3A_66, %mul3A_3, %dot_general3A_68 {dimension_numbers = #tpu.dot_dimension_numbers<[1], [0], [0], [1], [0, 0, 1, 1], [], []>, precision = #tpu.contract_precision<fp32>, transpose_lhs_hint = false} : vector<128x128xf32>, vector<128x128xf32>, vector<128x128xf32> -> vector<128x128xf32>
    %mul3A_70 = arith.constant 0.0833333358 : f32
    %mul3A_71 = vector.broadcast %mul3A_70 : f32 to vector<128x128xf32>
    %mul3A_72 = arith.mulf %dot_general3A_69, %mul3A_71 : vector<128x128xf32>
    %add3A_73 = arith.addf %add3A_67, %mul3A_72 : vector<128x128xf32>
    %dot_general3A_74 = arith.constant dense<0.000000e+00> : vector<128x128xf32>
    %dot_general3A_75 = tpu.matmul %add3A_73, %add3A_73, %dot_general3A_74 {dimension_numbers = #tpu.dot_dimension_numbers<[1], [0], [0], [1], [0, 0, 1, 1], [], []>, precision = #tpu.contract_precision<fp32>, transpose_lhs_hint = false} : vector<128x128xf32>, vector<128x128xf32>, vector<128x128xf32> -> vector<128x128xf32>
    %dot_general3A_76 = arith.constant dense<0.000000e+00> : vector<128x128xf32>
    %dot_general3A_77 = tpu.matmul %dot_general3A_75, %dot_general3A_75, %dot_general3A_76 {dimension_numbers = #tpu.dot_dimension_numbers<[1], [0], [0], [1], [0, 0, 1, 1], [], []>, precision = #tpu.contract_precision<fp32>, transpose_lhs_hint = false} : vector<128x128xf32>, vector<128x128xf32>, vector<128x128xf32> -> vector<128x128xf32>
    %dot_general3A_78 = arith.constant dense<0.000000e+00> : vector<128x128xf32>
    %dot_general3A_79 = tpu.matmul %dot_general3A_77, %dot_general3A_77, %dot_general3A_78 {dimension_numbers = #tpu.dot_dimension_numbers<[1], [0], [0], [1], [0, 0, 1, 1], [], []>, precision = #tpu.contract_precision<fp32>, transpose_lhs_hint = false} : vector<128x128xf32>, vector<128x128xf32>, vector<128x128xf32> -> vector<128x128xf32>
    %dot_general3A_80 = arith.constant dense<0.000000e+00> : vector<128x128xf32>
    %dot_general3A_81 = tpu.matmul %dot_general3A_79, %dot_general3A_79, %dot_general3A_80 {dimension_numbers = #tpu.dot_dimension_numbers<[1], [0], [0], [1], [0, 0, 1, 1], [], []>, precision = #tpu.contract_precision<fp32>, transpose_lhs_hint = false} : vector<128x128xf32>, vector<128x128xf32>, vector<128x128xf32> -> vector<128x128xf32>
    %swap3A = arith.constant 0 : index
    %swap3A_82 = arith.constant 0 : index
    %swap3A_83 = vector.load %arg1[%swap3A, %swap3A_82] : memref<128x128xf32, #tpu.memory_space<vmem>>, vector<128x128xf32>
    tpu.vector_store %arg1[%swap3A, %swap3A_82], %dot_general3A_81 {strides = array<i32>} : memref<128x128xf32, #tpu.memory_space<vmem>>, vector<128x128xf32>,
    return
  }
}

module attributes {stable_mosaic.version = 14 : i64} {
  func.func @_out_body(%arg0: i32, %arg1: memref<128x128xf32, #tpu.memory_space<vmem>>, %arg2: memref<128x128xf32, #tpu.memory_space<vmem>>, %arg3: memref<128x128xf32, #tpu.memory_space<vmem>>, %arg4: memref<1x128xf32, #tpu.memory_space<vmem>>, %arg5: memref<1x1xf32, #tpu.memory_space<smem>>, %arg6: memref<128xf32, #tpu.memory_space<vmem>>) attributes {dimension_semantics = [#tpu.dimension_semantics<arbitrary>], iteration_bounds = array<i64: 80>, scalar_prefetch = 0 : i64, scratch_operands = 0 : i64, tpu.core_type = #tpu.core_type<tc>, window_params = [{transform_indices = @transform_0, window_bounds = array<i64: 128, 128>}, {transform_indices = @transform_1, window_bounds = array<i64: 128, 128>}, {pipeline_mode = #tpu.pipeline_mode<synchronous>, transform_indices = @transform_2, window_bounds = array<i64: 128, 128>}, {pipeline_mode = #tpu.pipeline_mode<synchronous>, transform_indices = @transform_3, window_bounds = array<i64: 1, 128>}, {transform_indices = @transform_4, window_bounds = array<i64: 1, 1>}, {transform_indices = @transform_5, window_bounds = array<i64: 128>}]} {
    %get3A = arith.constant 0 : index
    %get3A_0 = arith.constant 0 : index
    %get3A_1 = vector.load %arg1[%get3A, %get3A_0] : memref<128x128xf32, #tpu.memory_space<vmem>>, vector<128x128xf32>
    %get3A_2 = arith.constant 0 : index
    %get3A_3 = arith.constant 0 : index
    %get3A_4 = vector.load %arg2[%get3A_2, %get3A_3] : memref<128x128xf32, #tpu.memory_space<vmem>>, vector<128x128xf32>
    %add3A = arith.addf %get3A_1, %get3A_4 : vector<128x128xf32>
    %max3A = arith.constant 0.000000e+00 : f32
    %max3A_5 = vector.broadcast %max3A : f32 to vector<128x128xf32>
    %max3A_6 = arith.maximumf %add3A, %max3A_5 : vector<128x128xf32>
    %get3A_7 = arith.constant 0 : index
    %get3A_8 = arith.constant 0 : index
    %get3A_9 = vector.load %arg3[%get3A_7, %get3A_8] : memref<128x128xf32, #tpu.memory_space<vmem>>, vector<128x128xf32>
    %dot_general3A = arith.constant dense<0.000000e+00> : vector<128x128xf32>
    %dot_general3A_10 = tpu.matmul %max3A_6, %get3A_9, %dot_general3A {dimension_numbers = #tpu.dot_dimension_numbers<[1], [0], [0], [1], [0, 0, 1, 1], [], []>, transpose_lhs_hint = false} : vector<128x128xf32>, vector<128x128xf32>, vector<128x128xf32> -> vector<128x128xf32>
    %get3A_11 = arith.constant 0 : index
    %get3A_12 = arith.constant 0 : index
    %get3A_13 = vector.load %arg4[%get3A_11, %get3A_12] : memref<1x128xf32, #tpu.memory_space<vmem>>, vector<1x128xf32>
    %mul3A = vector.broadcast %get3A_13 : vector<1x128xf32> to vector<128x128xf32>
    %mul3A_14 = arith.mulf %dot_general3A_10, %mul3A : vector<128x128xf32>
    %reduce_sum3A = arith.constant dense<0.000000e+00> : vector<128xf32>
    %reduce_sum3A_15 = vector.multi_reduction <add>, %mul3A_14, %reduce_sum3A [1] : vector<128x128xf32> to vector<128xf32>
    %get3A_16 = arith.constant 0 : index
    %get3A_17 = arith.constant 0 : index
    %get3A_18 = memref.load %arg5[%get3A_16, %get3A_17] : memref<1x1xf32, #tpu.memory_space<smem>>
    %add3A_19 = vector.broadcast %get3A_18 : f32 to vector<128xf32>
    %add3A_20 = arith.addf %reduce_sum3A_15, %add3A_19 : vector<128xf32>
    %swap3A = arith.constant 0 : index
    %swap3A_21 = vector.load %arg6[%swap3A] : memref<128xf32, #tpu.memory_space<vmem>>, vector<128xf32>
    tpu.vector_store %arg6[%swap3A], %add3A_20 {strides = array<i32>} : memref<128xf32, #tpu.memory_space<vmem>>, vector<128xf32>,
    return
  }
  func.func @transform_0(%arg0: i32) -> (i32, i32) {
    %c0_i32 = arith.constant 0 : i32
    %c0_i32_0 = arith.constant 0 : i32
    return %arg0, %c0_i32 : i32, i32
  }
  func.func @transform_1(%arg0: i32) -> (i32, i32) {
    %add3A = arith.constant 80 : i32
    %add3A_0 = arith.addi %arg0, %add3A : i32
    %c0_i32 = arith.constant 0 : i32
    %c0_i32_1 = arith.constant 0 : i32
    return %add3A_0, %c0_i32 : i32, i32
  }
  func.func @transform_2(%arg0: i32) -> (i32, i32) {
    %c0_i32 = arith.constant 0 : i32
    %c0_i32_0 = arith.constant 0 : i32
    %c0_i32_1 = arith.constant 0 : i32
    return %c0_i32, %c0_i32_0 : i32, i32
  }
  func.func @transform_3(%arg0: i32) -> (i32, i32) {
    %c0_i32 = arith.constant 0 : i32
    %c0_i32_0 = arith.constant 0 : i32
    %c0_i32_1 = arith.constant 0 : i32
    return %c0_i32, %c0_i32_0 : i32, i32
  }
  func.func @transform_4(%arg0: i32) -> (i32, i32) {
    %c0_i32 = arith.constant 0 : i32
    %c0_i32_0 = arith.constant 0 : i32
    %c0_i32_1 = arith.constant 0 : i32
    return %c0_i32, %c0_i32_0 : i32, i32
  }
  func.func @transform_5(%arg0: i32) -> i32 {
    %c0_i32 = arith.constant 0 : i32
    return %arg0 : i32
  }
}

</mosaic_0001>

<sc_bundles>
// kernel: kernel.6.cloned.1.call-start
scs
__scs_entry_jumppad:
0x0: {  	(pc) =	sbr.rel $0x88, $3  }
0x1: {  	(tag) =	ssettag $0x0;
	lr =	simm.s32 $0x1  }
0x2: {  	[smem:$0x3F98] =	sst lr;
	_ =	strace $0xD0000000  }
0x3: {  	_ = 	snop  }
0x4: {  	_ = 	snop  }
0x5: {  	_ = 	snop  }
0x6: {  	_ = 	snop  }
0x7: {  	_ = 	snop  }
__scs_overlays_trampoline_lowered:
0x8: {  	[smem:$0x3FA7] =	sst s0  }
0x9: {  	[smem:$0x3FA8] =	sst s1  }
0xa: {  	[smem:$0x3FA9] =	sst s2  }
0xb: {  	[smem:$0x3FAA] =	sst s3  }
0xc: {  	[smem:$0x3FAB] =	sst s4  }
0xd: {  	[smem:$0x3FAC] =	sst s5  }
0xe: {  	[smem:$0x3FAD] =	sst s6  }
0xf: {  	[smem:$0x3FAE] =	sst s7  }
0x10: {  	[smem:$0x3FAF] =	sst s8  }
0x11: {  	[smem:$0x3FB0] =	sst s9;
	s0 =	simm.s32 @!p0 $0x0  }
0x12: {  	s1 =	sld [smem:$0x3F96];
	s0 =	simm.s32 @p0 $0x1  }
0x13: {  	[smem:$0x3FB1] =	sst s0;
	s0 =	simm.s32 @!p1 $0x0  }
0x14: {  	s2 =	sld [smem:$0x3F95];
	s0 =	simm.s32 @p1 $0x1  }
0x15: {  	[smem:$0x3FB2] =	sst s0;
	s0 =	simm.s32 @!p2 $0x0  }
0x16: {  	s3 =	sld [smem:$0x3FDB];
	s0 =	simm.s32 @p2 $0x1  }
0x17: {  	s4 =	simm.s32 $0x1BF5;
	[smem:$0x3FB4] =	sst s0  }
0x18: {  	s0 =	sld [smem:$0x3F97];
	_ =	swait.ge [sflag:s4], $0x0  }
0x19: {  	s7 =	sld [smem:$0x3F98]  }
0x1a: {  	s8 =	sadd.s32 $0xFFFFE003, lr  }
0x1b: {  	s9 =	sadd.s32 $0xFFFFFEF7, lr;
	s5 =	simm.s32 $0xFFFFFFFF;
	p2 =	slt.u32 s8, $0xFFFFF086  }
0x1c: {  	p1 =	slt.u32 s9, $0xF7A;
	s5 =	simm.s32 @!p2 $0x0  }
0x1d: {  	s5 =	simm.s32 @p1 $0x1;
	p0 =	seq.s32 s7, s2  }
0x1e: {  	s7 =	smul.u32 @!p0 $0xF7A, s2;
	p2 =	seq.s32 @!p0 s5, $0x0  }
0x1f: {  	s9 =	smul.u32 $0xF7A, s1;
	s8 =	simm.s32 @!p0 $0x1BF5;
	p2 =	por !p2, p0  }
0x20: {  	[sflag:s8] =	ssyncset.s32 @!p0 $0xFFFFF086;
	s6 =	sadd.s32 @!p0 s3, s7;
	s7 =	simm.s32 @!p0 $0x108  }
0x21: {  	s3 =	sadd.s32 s3, s9;
	s6 =	sadd.s32 @!p0 $0x88, s6;
	s7 =	simm.s32 @p2 $0x1082  }
0x22: {  	[simem:s7], [sflag:s8] =	dma.local @!p0 [hbm:s6], $0xF7A  }
0x23: {  	s9 =	sor.u32 $0xD0000000, s2;
	s6 =	simm.s32 $0x108;
	_ =	swait.ge @!p0 [sflag:s8], $0x0  }
0x24: {  	s3 =	sadd.s32 $0x88, s3;
	s6 =	simm.s32 @!p1 $0x1082;
	[sflag:s4] =	ssyncset.s32 $0xFFFFF086  }
0x25: {  	[simem:s6], [sflag:s4] =	dma.local [hbm:s3], $0xF7A  }
0x26: {  	[smem:$0x3F98] =	sst s1;
	(tag) =	ssettag s2;
	_ =	strace s9  }
0x27: {  	s1 =	sld [smem:$0x3FA8]  }
0x28: {  	s2 =	sld [smem:$0x3FA9]  }
0x29: {  	s4 =	sld [smem:$0x3FAB]  }
0x2a: {  	p0 =	seq.s32 s5, $0x0;
	s5 =	sld [smem:$0x3FAC]  }
0x2b: {  	s6 =	sld [smem:$0x3FAD]  }
0x2c: {  	s7 =	sld [smem:$0x3FAE]  }
0x2d: {  	s3 =	simm.s32 $0x108;
	s8 =	sld [smem:$0x3FAF]  }
0x2e: {  	s3 =	simm.s32 @!p0 $0x1082;
	s9 =	sld [smem:$0x3FB0]  }
0x2f: {  	lr =	sadd.s32 s0, s3;
	s0 =	sld [smem:$0x3FA7]  }
0x30: {  	s3 =	sld [smem:$0x3FAA]  }
0x31: {  	[smem:$0x3FB3] =	sst s10  }
0x32: {  	s10 =	sld [smem:$0x3FB1];
	_ =	sdelay $0x3  }
0x33: {  	p0 =	seq.s32 s10, $0x1;
	s10 =	sld [smem:$0x3FB3];
	_ =	sdelay $0x3  }
0x34: {  	[smem:$0x3FB3] =	sst s10  }
0x35: {  	s10 =	sld [smem:$0x3FB2];
	_ =	sdelay $0x3  }
0x36: {  	p1 =	seq.s32 s10, $0x1;
	s10 =	sld [smem:$0x3FB3];
	_ =	sdelay $0x3  }
0x37: {  	[smem:$0x3FB3] =	sst s10  }
0x38: {  	s10 =	sld [smem:$0x3FB4]  }
0x39: {  	_ = 	snop;
	(pc) =	sbr.ind lr, $3  }
0x3a: {  	_ = 	snop  }
0x3b: {  	_ = 	snop  }
0x3c: {  	p2 =	seq.s32 s10, $0x1;
	s10 =	sld [smem:$0x3FB3]  }
0x3d: {  	_ =	shalt  }
0x3e: {  	_ =	shalt  }
0x3f: {  	_ =	shalt  }
0x40: {  	_ =	shalt  }
0x41: {  	_ =	shalt  }
0x42: {  	_ =	shalt  }
0x43: {  	_ =	shalt  }
0x44: {  	_ =	shalt  }
0x45: {  	_ =	shalt  }
0x46: {  	_ =	shalt  }
0x47: {  	_ =	shalt  }
0x48: {  	_ =	shalt  }
0x49: {  	_ =	shalt  }
0x4a: {  	_ =	shalt  }
0x4b: {  	_ =	shalt  }
0x4c: {  	_ =	shalt  }
0x4d: {  	_ =	shalt  }
0x4e: {  	_ =	shalt  }
0x4f: {  	_ =	shalt  }
0x50: {  	_ =	shalt  }
0x51: {  	_ =	shalt  }
0x52: {  	_ =	shalt  }
0x53: {  	_ =	shalt  }
0x54: {  	_ =	shalt  }
0x55: {  	_ =	shalt  }
0x56: {  	_ =	shalt  }
0x57: {  	_ =	shalt  }
0x58: {  	_ =	shalt  }
0x59: {  	_ =	shalt  }
0x5a: {  	_ =	shalt  }
0x5b: {  	_ =	shalt  }
0x5c: {  	_ =	shalt  }
0x5d: {  	_ =	shalt  }
0x5e: {  	_ =	shalt  }
0x5f: {  	_ =	shalt  }
0x60: {  	_ =	shalt  }
0x61: {  	_ =	shalt  }
0x62: {  	_ =	shalt  }
0x63: {  	_ =	shalt  }
0x64: {  	_ =	shalt  }
0x65: {  	_ =	shalt  }
0x66: {  	_ =	shalt  }
0x67: {  	_ =	shalt  }
0x68: {  	_ =	shalt  }
0x69: {  	_ =	shalt  }
0x6a: {  	_ =	shalt  }
0x6b: {  	_ =	shalt  }
0x6c: {  	_ =	shalt  }
0x6d: {  	_ =	shalt  }
0x6e: {  	_ =	shalt  }
0x6f: {  	_ =	shalt  }
0x70: {  	_ =	shalt  }
0x71: {  	_ =	shalt  }
0x72: {  	_ =	shalt  }
0x73: {  	_ =	shalt  }
0x74: {  	_ =	shalt  }
0x75: {  	_ =	shalt  }
0x76: {  	_ =	shalt  }
0x77: {  	_ =	shalt  }
0x78: {  	_ =	shalt  }
0x79: {  	_ =	shalt  }
0x7a: {  	_ =	shalt  }
0x7b: {  	_ =	shalt  }
0x7c: {  	_ =	shalt  }
0x7d: {  	_ =	shalt  }
0x7e: {  	_ =	shalt  }
0x7f: {  	_ =	shalt  }
0x80: {  	_ =	shalt  }
0x81: {  	_ =	shalt  }
0x82: {  	_ =	shalt  }
0x83: {  	_ =	shalt  }
0x84: {  	_ =	shalt  }
0x85: {  	_ =	shalt  }
0x86: {  	_ =	shalt  }
0x87: {  	_ =	shalt  }
.Lfunc_end0:
.L_simem_size_0:
called_computation_lowered:
.L_overlay_start_0:
0x88: {  	s2 =	sld [smem:$0x3FD9]  }
0x89: {  	s3 =	sld [smem:$0x3FFE];
	_ =	sdelay $0x1  }
0x8a: {  	s1 =	srdreg.scid  }
0x8b: {  	s0 =	sand.u32 $0x1, s1  }
0x8c: {  	s17 =	sshll.u32 s0, $0xA;
	s2 =	sadd.s32 s3, s2  }
0x8d: {  	s2 =	sadd.s32 s2, s17  }
0x8e: {  	[smem:$0x3FBF] =	sst s2  }
0x8f: {  	_ = 	snop  }
0x90: {  	s2 =	sld [smem:$0x3FD0];
	(tm) =	ssettm $0x1  }
0x91: {  	s18 =	sld [smem:$0x3FFB];
	_ =	sdelay $0x3  }
0x92: {  	_ =	strace s18  }
0x93: {  	s3 =	sld [smem:$0x3FFC];
	_ =	sdelay $0x3  }
0x94: {  	_ =	strace s3  }
0x95: {  	s3 =	sld [smem:$0x3FFD];
	_ =	sdelay $0x3  }
0x96: {  	_ =	strace s3  }
0x97: {  	_ =	strace $0x8FFFFFFF  }
0x98: {  	s19 =	sld [smem:$0x3FDB];
	_ =	sdelay $0x1  }
0x99: {  	s4 =	simm.s32 $_scs_section_size  }
0x9a: {  	s5 =	simm.s32 $_size__tile_overlayer_lowered;
	s6 =	simm.s32 $_tile_overlayer_lowered  }
0x9b: {  	s22 =	simm.s32 $0x1BFF;
	s21 =	sshll.u32 s6, $0x1;
	s3 =	sadd.s32 s4, s19  }
0x9c: {  	s7 =	simm.s32 $0x0;
	s20 =	sshll.u32 s5, $0x1;
	s5 =	sadd.s32 s21, s3  }
0x9d: {  	[timem:s7], [sflag:s22] =	dma.local [hbm:s5], s20  }
0x9e: {  	_ =	swait.ge [sflag:s22], s20  }
0x9f: {  	s4 =	ssub.s32 $0x0, s20;
	[sflag:s22] =	ssyncset.done $0x0  }
0xa0: {  	[sflag:s22] =	ssyncadd.s32 s4;
	_ =	sdelay $0x1  }
0xa1: {  	s23 =	simm.s32 $0x1B8B  }
0xa2: {  	_ =	swait.ge [sflag:s23], $0x1  }
0xa3: {  	[sflag:s23] =	ssyncset.done $0x0  }
0xa4: {  	s25 =	simm.s32 $0x1B8E;
	s24 =	sld [smem:$0x3FFE];
	[sflag:s23] =	ssyncadd.s32 $0xFFFFFFFF  }
0xa5: {  	s26 =	simm.s32 $execute0_lowered;
	[smem:$0x3FD2] =	sst s25  }
0xa6: {  	s5 =	sshll.u32 s26, $0x1;
	_ =	strace $0x80000046;
	[dreg:$0x1] =	wrdreg $0xFFFFFFFF  }
0xa7: {  	s28 =	simm.s32 $_size_execute0_lowered;
	s3 =	sadd.s32 s3, s5;
	[dreg:$0x0] =	wrdreg $0x0  }
0xa8: {  	s5 =	sshll.u32 s28, $0x1;
	[dreg:$0x2] =	wrdreg s3  }
0xa9: {  	[dreg:$0x3] =	wrdreg s5  }
0xaa: {  	[dreg:$0x4] =	wrdreg $0xC0  }
0xab: {  	_ =	task [dreg:s7], $0x5FFFF  }
0xac: {  	[dreg:$0x1] =	wrdreg $0xFFFFFFFF  }
0xad: {  	[dreg:$0x0] =	wrdreg $0x60  }
0xae: {  	[dreg:$0x2] =	wrdreg s24  }
0xaf: {  	[dreg:$0x3] =	wrdreg s2  }
0xb0: {  	[dreg:$0x4] =	wrdreg $0x0  }
0xb1: {  	[dreg:$0x5] =	wrdreg $0x140000  }
0xb2: {  	[dreg:$0x6] =	wrdreg $0x9  }
0xb3: {  	_ =	task.clear_ibuf [dreg:s7], $0x7FFFF;
	_ =	strace $0x90000046  }
0xb4: {  	s29 =	simm.s32 $0x9;
	_ =	strace $0x8000004D  }
0xb5: {  	_ =	swait.ge [sflag:s29], $0x1  }
0xb6: {  	[sflag:s29] =	ssyncadd.s32 $0xFFFFFFFF  }
0xb7: {  	_ =	strace $0x9000004D  }
0xb8: {  	_ =	sfence  }
0xb9: {  	s30 =	sld [smem:$0x0];
	_ =	sdelay $0x2  }
0xba: {  	s31 =	sshll.u32 s1, $0xD;
	s1 =	sshrl.u32 s1, $0x2  }
0xbb: {  	s3 =	sand.u32 $0x4000, s31;
	s1 =	sadd.s32 s1, s30  }
0xbc: {  	s0 =	sor.u32 s3, s0;
	s1 =	sshll.u32 s1, $0x11  }
0xbd: {  	s0 =	sor.u32 s1, s0  }
0xbe: {  	s0 =	sadd.s32 $0x8F2B, s0  }
0xbf: {  	[sflag:s0] =	ssyncadd.remote.s32 $0x1  }
0xc0: {  	_ =	sfence.sel $0xFFFF  }
0xc1: {  	[dreg:$0x0] =	wrdreg $0xFFFFFFFF;
	(pc) =	sbr.abs _section_cstart, $3  }
0xc2: {  	[dreg:$0x1] =	wrdreg $0xFFFFFFFF  }
0xc3: {  	_ =	task.clear_ibuf [dreg:s7], $0x2FFFF;
	_ =	strace $0x9FFFFFFF  }
0xc4: {  	(tm) =	ssettm $0x7FFFFFFF  }
0xc5: {  	_ =	shalt  }
tec
execute0_lowered:
.L_overlay_start_1:
0x0: {  	(tag) =	ssettag $0x1  }
0x1: {  	s0 =	srdreg.scid  }
0x2: {  	s1 =	rddreg [dreg:$0x0];
	s15 =	stileid.u32;
	s28 =	simm.s32 $0x4  }
0x3: {  	s30 =	simm.s32 $0x14580;
	s0 =	sand.u32 $0x1, s0;
	s3 =	smul.u32 $0x280, s15  }
0x4: {  	s7 =	sshll.u32 s15, $0x7;
	s8 =	smul.u32 $0x1400, s15;
	s10 =	sadd.s32 $0x4CA00, s1  }
0x5: {  	s17 =	sadd.s32 $0x4CA10, s1;
	s20 =	sadd.s32 $0x4CA20, s1;
	s5 =	smul.u32 $0x2800, s0  }
0x6: {  	s2 =	sshll.u32 s0, $0x4;
	s9 =	ssub.s32 $0x2, s0;
	s0 =	smul.u32 $0x28000, s0  }
0x7: {  	s22 =	sadd.s32 $0x4CA30, s1;
	s23 =	sadd.s32 $0x4CA40, s1;
	s25 =	sadd.s32 $0x4CA50, s1  }
0x8: {  	s26 =	sadd.s32 $0x4CA60, s1;
	s14 =	sadd.s32 $0x4CA70, s1;
	s0 =	sadd.s32 s8, s0  }
0x9: {  	s4 =	sor.u32 s15, s2;
	s2 =	simm.s32 $0x0;
	s0 =	sshrl.u32 s0, $0x3  }
0xa: {  	s7 =	sand.u32 $0x380, s7;
	[smem:$0x7FF] =	sst s2;
	s18 =	sadd.s32 s10, s0  }
0xb: {  	s11 =	sshrl.u32 s9, $0x1;
	s19 =	sadd.s32 s0, s17;
	[dreg:$0x6] =	wrdreg s18  }
0xc: {  	s6 =	sshrl.u32 s4, $0x3;
	s21 =	sadd.s32 s0, s20;
	[dreg:$0x7] =	wrdreg s19  }
0xd: {  	s5 =	sadd.s32 s3, s5;
	s12 =	sadd.s32 s0, s22;
	[dreg:$0x8] =	wrdreg s21  }
0xe: {  	s31 =	smul.u32 $0xB, s4;
	s24 =	sadd.s32 s0, s23;
	[dreg:$0x9] =	wrdreg s12  }
0xf: {  	s4 =	simm.s32 $0x1CE80;
	s13 =	sadd.s32 s0, s25;
	[dreg:$0xa] =	wrdreg s24  }
0x10: {  	s6 =	smul.u32 $0x14000, s6;
	s16 =	sadd.s32 s0, s26;
	[dreg:$0xb] =	wrdreg s13  }
0x11: {  	s29 =	sadd.s32 s0, s14;
	s0 =	sadd.s32 $0x2800, s0;
	[dreg:$0xc] =	wrdreg s16  }
0x12: {  	s6 =	sor.u32 s7, s6;
	s7 =	ssub.s32 s9, s11;
	[dreg:$0xd] =	wrdreg s29  }
0x13: {  	s8 =	sadd.s32 s0, s20;
	s11 =	sadd.s32 s0, s23;
	s18 =	rddreg [dreg:$0x2]  }
0x14: {  	s12 =	sadd.s32 s0, s25;
	s13 =	sadd.s32 s0, s26;
	s16 =	rddreg [dreg:$0x3]  }
0x15: {  	s19 =	smul.u32 $0x50000, s15;
	s23 =	sadd.s32 $0x1200, s1;
	[dreg:$0x10] =	wrdreg s8  }
0x16: {  	s24 =	sadd.s32 $0xC200, s1;
	s25 =	sadd.s32 $0x17200, s1;
	[dreg:$0x12] =	wrdreg s11  }
0x17: {  	s26 =	sadd.s32 $0x22200, s1;
	s9 =	simm.s32 $0x5;
	[dreg:$0x13] =	wrdreg s12  }
0x18: {  	s6 =	sshrl.u32 s6, $0x3;
	[dreg:$0x14] =	wrdreg s13;
	s21 =	sadd.s32 s3, s16  }
0x19: {  	s29 =	smax.u32 s7, $0x1;
	s3 =	simm.s32 $0x6;
	s7 =	simm.s32 $0x80  }
0x1a: {  	s11 =	simm.s32 $0x14E80;
	s12 =	simm.s32 $0x1;
	s16 =	simm.s32 $0x2  }
0x1b: {  	s8 =	simm.s32 $0x0;
	s6 =	sadd.s32 s10, s6;
	s10 =	sadd.s32 s10, s0  }
0x1c: {  	s20 =	sshrl.u32 s19, $0x2;
	s19 =	simm.s32 $0x3;
	[dreg:$0x5] =	wrdreg s6  }
0x1d: {  	[dreg:$0xe] =	wrdreg s10;
	s6 =	sadd.s32 s0, s17;
	s10 =	sadd.s32 s0, s22  }
0x1e: {  	s0 =	sadd.s32 s0, s14;
	s17 =	sshll.u32 s5, $0x4;
	[dreg:$0xf] =	wrdreg s6  }
0x1f: {  	s22 =	smul.u32 $0xB00, s15;
	s5 =	simm.s32 $0x14280;
	[dreg:$0x11] =	wrdreg s10  }
0x20: {  	[dreg:$0x15] =	wrdreg s0;
	s0 =	sadd.s32 s17, s1;
	s1 =	sadd.s32 $0x4A200, s1  }
0x21: {  	s14 =	simm.s32 $0x18E80;
	_ =	strace $0x80000047;
	[dreg:$0x16] =	wrdreg s1  }
0x22: {  	s15 =	simm.s32 $0x1F900;
	s6 =	simm.s32 $0x14A80;
	[dreg:$0x18] =	wrdreg s21  }
0x23: {  	s10 =	simm.s32 $0x14680;
	s1 =	sadd.s32 s20, s18;
	[dreg:$0x1a] =	wrdreg s29  }
0x24: {  	s17 =	simm.s32 $0x14600;
	s0 =	sadd.s32 $0x56A00, s0;
	[dreg:$0x17] =	wrdreg s1  }
0x25: {  	s21 =	sadd.s32 s22, s25;
	[dreg:$0x19] =	wrdreg s0;
	s0 =	sadd.s32 s22, s24  }
.LBB2_1:
0x26: {  	[dreg:$0x1b] =	wrdreg s8  }
0x27: {  	s1 =	stileid.u32;
	_ =	strace $0x80000048  }
0x28: {  	s1 =	sshll.u32 s1, $0x6;
	s20 =	rddreg [dreg:$0x17]  }
0x29: {  	s29 =	sor.u32 $0x1C06, s1;
	s22 =	rddreg [dreg:$0x16]  }
0x2a: {  	s13 =	sshrl.u32 s20, $0x3;
	[dreg:$0x1c] =	wrdreg s29  }
0x2b: {  	[dreg:$0x1d] =	wrdreg s13  }
0x2c: {  	[spmem:s13], [sflag:s29] =	dma.local [hbm:s22], $0x2800  }
0x2d: {  	_ =	swait.ge [sflag:s3], $0x2800  }
0x2e: {  	[sflag:s3] =	ssyncset.done $0x0  }
0x2f: {  	[sflag:s3] =	ssyncadd.s32 $0xFFFFD800  }
0x30: {  	s29 =	rddreg [dreg:$0x1]  }
0x31: {  	[tilespmem:s4], [sflag:$0x6] =	stream.linear.gather [hbm4b:s29+s2], $0x2800, $0x200038;
	[tilespmem:$0x1F980] =	vst v63  }
0x32: {  	_ =	swait.ge [sflag:s3], $0x2800  }
0x33: {  	[sflag:s3] =	ssyncset.done $0x0  }
0x34: {  	[sflag:s3] =	ssyncadd.s32 $0xFFFFD800  }
0x35: {  	[bflag:$0x0] =	sbarrier.arrive $0xFFFF  }
0x36: {  	_ =	strace $0x90000048  }
0x37: {  	s1 =	simm.s32 $0x0;
	_ =	strace $0x80000049  }
.LBB2_2:
0x38: {  	s8 =	sadd.s32 s1, s0  }
0x39: {  	[tilespmem:s5], [sflag:$0x6] =	stream.linear.gather [hbm4b:s8+s2], $0x400, $0x200038;
	[tilespmem:$0x1F980] =	vst v63  }
0x3a: {  	_ =	swait.ge [sflag:s3], $0x400  }
0x3b: {  	[sflag:s3] =	ssyncset.done $0x0  }
0x3c: {  	s29 =	sadd.s32 s1, s21;
	[sflag:s3] =	ssyncadd.s32 $0xFFFFFC00  }
0x3d: {  	[tilespmem:s6], [sflag:$0x6] =	stream.linear.gather [hbm4b:s29+s2], $0x400, $0x200038;
	[tilespmem:$0x1F980] =	vst v63  }
0x3e: {  	_ =	swait.ge [sflag:s3], $0x400  }
0x3f: {  	[sflag:s3] =	ssyncset.done $0x0  }
0x40: {  	[sflag:s3] =	ssyncadd.s32 $0xFFFFFC00  }
0x41: {  	v0 =	vld [tilespmem:$0x14280];
	_ =	sdelay $0x2  }
0x42: {  	v1 =	vld [tilespmem:$0x14A80];
	_ =	sdelay $0x4  }
0x43: {  	[tilespmem:v0+s4+$0x0] =	vst.idx.add.f32.msk $0xffff, v1  }
0x44: {  	v0 =	vld [tilespmem:$0x14290];
	_ =	sdelay $0x2  }
0x45: {  	v1 =	vld [tilespmem:$0x14A90];
	_ =	sdelay $0x4  }
0x46: {  	[tilespmem:v0+s4+$0x0] =	vst.idx.add.f32.msk $0xffff, v1  }
0x47: {  	v0 =	vld [tilespmem:$0x142A0];
	_ =	sdelay $0x2  }
0x48: {  	v1 =	vld [tilespmem:$0x14AA0];
	_ =	sdelay $0x4  }
0x49: {  	[tilespmem:v0+s4+$0x0] =	vst.idx.add.f32.msk $0xffff, v1  }
0x4a: {  	v0 =	vld [tilespmem:$0x142B0];
	_ =	sdelay $0x2  }
0x4b: {  	v1 =	vld [tilespmem:$0x14AB0];
	_ =	sdelay $0x4  }
0x4c: {  	[tilespmem:v0+s4+$0x0] =	vst.idx.add.f32.msk $0xffff, v1  }
0x4d: {  	v0 =	vld [tilespmem:$0x142C0];
	_ =	sdelay $0x2  }
0x4e: {  	v1 =	vld [tilespmem:$0x14AC0];
	_ =	sdelay $0x4  }
0x4f: {  	[tilespmem:v0+s4+$0x0] =	vst.idx.add.f32.msk $0xffff, v1  }
0x50: {  	v0 =	vld [tilespmem:$0x142D0];
	_ =	sdelay $0x2  }
0x51: {  	v1 =	vld [tilespmem:$0x14AD0];
	_ =	sdelay $0x4  }
0x52: {  	[tilespmem:v0+s4+$0x0] =	vst.idx.add.f32.msk $0xffff, v1  }
0x53: {  	v0 =	vld [tilespmem:$0x142E0];
	_ =	sdelay $0x2  }
0x54: {  	v1 =	vld [tilespmem:$0x14AE0];
	_ =	sdelay $0x4  }
0x55: {  	[tilespmem:v0+s4+$0x0] =	vst.idx.add.f32.msk $0xffff, v1  }
0x56: {  	v0 =	vld [tilespmem:$0x142F0];
	_ =	sdelay $0x2  }
0x57: {  	v1 =	vld [tilespmem:$0x14AF0];
	_ =	sdelay $0x4  }
0x58: {  	[tilespmem:v0+s4+$0x0] =	vst.idx.add.f32.msk $0xffff, v1  }
0x59: {  	v0 =	vld [tilespmem:$0x14300];
	_ =	sdelay $0x2  }
0x5a: {  	v1 =	vld [tilespmem:$0x14B00];
	_ =	sdelay $0x4  }
0x5b: {  	[tilespmem:v0+s4+$0x0] =	vst.idx.add.f32.msk $0xffff, v1  }
0x5c: {  	v0 =	vld [tilespmem:$0x14310];
	_ =	sdelay $0x2  }
0x5d: {  	v1 =	vld [tilespmem:$0x14B10];
	_ =	sdelay $0x4  }
0x5e: {  	[tilespmem:v0+s4+$0x0] =	vst.idx.add.f32.msk $0xffff, v1  }
0x5f: {  	v0 =	vld [tilespmem:$0x14320];
	_ =	sdelay $0x2  }
0x60: {  	v1 =	vld [tilespmem:$0x14B20];
	_ =	sdelay $0x4  }
0x61: {  	[tilespmem:v0+s4+$0x0] =	vst.idx.add.f32.msk $0xffff, v1  }
0x62: {  	v0 =	vld [tilespmem:$0x14330];
	_ =	sdelay $0x2  }
0x63: {  	v1 =	vld [tilespmem:$0x14B30];
	_ =	sdelay $0x4  }
0x64: {  	[tilespmem:v0+s4+$0x0] =	vst.idx.add.f32.msk $0xffff, v1  }
0x65: {  	v0 =	vld [tilespmem:$0x14340];
	_ =	sdelay $0x2  }
0x66: {  	v1 =	vld [tilespmem:$0x14B40];
	_ =	sdelay $0x4  }
0x67: {  	[tilespmem:v0+s4+$0x0] =	vst.idx.add.f32.msk $0xffff, v1  }
0x68: {  	v0 =	vld [tilespmem:$0x14350];
	_ =	sdelay $0x2  }
0x69: {  	v1 =	vld [tilespmem:$0x14B50];
	_ =	sdelay $0x4  }
0x6a: {  	[tilespmem:v0+s4+$0x0] =	vst.idx.add.f32.msk $0xffff, v1  }
0x6b: {  	v0 =	vld [tilespmem:$0x14360];
	_ =	sdelay $0x2  }
0x6c: {  	v1 =	vld [tilespmem:$0x14B60];
	_ =	sdelay $0x4  }
0x6d: {  	[tilespmem:v0+s4+$0x0] =	vst.idx.add.f32.msk $0xffff, v1  }
0x6e: {  	v0 =	vld [tilespmem:$0x14370];
	_ =	sdelay $0x2  }
0x6f: {  	v1 =	vld [tilespmem:$0x14B70];
	_ =	sdelay $0x4  }
0x70: {  	[tilespmem:v0+s4+$0x0] =	vst.idx.add.f32.msk $0xffff, v1  }
0x71: {  	v0 =	vld [tilespmem:$0x14380];
	_ =	sdelay $0x2  }
0x72: {  	v1 =	vld [tilespmem:$0x14B80];
	_ =	sdelay $0x4  }
0x73: {  	[tilespmem:v0+s4+$0x0] =	vst.idx.add.f32.msk $0xffff, v1  }
0x74: {  	v0 =	vld [tilespmem:$0x14390];
	_ =	sdelay $0x2  }
0x75: {  	v1 =	vld [tilespmem:$0x14B90];
	_ =	sdelay $0x4  }
0x76: {  	[tilespmem:v0+s4+$0x0] =	vst.idx.add.f32.msk $0xffff, v1  }
0x77: {  	v0 =	vld [tilespmem:$0x143A0];
	_ =	sdelay $0x2  }
0x78: {  	v1 =	vld [tilespmem:$0x14BA0];
	_ =	sdelay $0x4  }
0x79: {  	[tilespmem:v0+s4+$0x0] =	vst.idx.add.f32.msk $0xffff, v1  }
0x7a: {  	v0 =	vld [tilespmem:$0x143B0];
	_ =	sdelay $0x2  }
0x7b: {  	v1 =	vld [tilespmem:$0x14BB0];
	_ =	sdelay $0x4  }
0x7c: {  	[tilespmem:v0+s4+$0x0] =	vst.idx.add.f32.msk $0xffff, v1  }
0x7d: {  	v0 =	vld [tilespmem:$0x143C0];
	_ =	sdelay $0x2  }
0x7e: {  	v1 =	vld [tilespmem:$0x14BC0];
	_ =	sdelay $0x4  }
0x7f: {  	[tilespmem:v0+s4+$0x0] =	vst.idx.add.f32.msk $0xffff, v1  }
0x80: {  	v0 =	vld [tilespmem:$0x143D0];
	_ =	sdelay $0x2  }
0x81: {  	v1 =	vld [tilespmem:$0x14BD0];
	_ =	sdelay $0x4  }
0x82: {  	[tilespmem:v0+s4+$0x0] =	vst.idx.add.f32.msk $0xffff, v1  }
0x83: {  	v0 =	vld [tilespmem:$0x143E0];
	_ =	sdelay $0x2  }
0x84: {  	v1 =	vld [tilespmem:$0x14BE0];
	_ =	sdelay $0x4  }
0x85: {  	[tilespmem:v0+s4+$0x0] =	vst.idx.add.f32.msk $0xffff, v1  }
0x86: {  	v0 =	vld [tilespmem:$0x143F0];
	_ =	sdelay $0x2  }
0x87: {  	v1 =	vld [tilespmem:$0x14BF0];
	_ =	sdelay $0x4  }
0x88: {  	[tilespmem:v0+s4+$0x0] =	vst.idx.add.f32.msk $0xffff, v1  }
0x89: {  	v0 =	vld [tilespmem:$0x14400];
	_ =	sdelay $0x2  }
0x8a: {  	v1 =	vld [tilespmem:$0x14C00];
	_ =	sdelay $0x4  }
0x8b: {  	[tilespmem:v0+s4+$0x0] =	vst.idx.add.f32.msk $0xffff, v1  }
0x8c: {  	v0 =	vld [tilespmem:$0x14410];
	_ =	sdelay $0x2  }
0x8d: {  	v1 =	vld [tilespmem:$0x14C10];
	_ =	sdelay $0x4  }
0x8e: {  	[tilespmem:v0+s4+$0x0] =	vst.idx.add.f32.msk $0xffff, v1  }
0x8f: {  	v0 =	vld [tilespmem:$0x14420];
	_ =	sdelay $0x2  }
0x90: {  	v1 =	vld [tilespmem:$0x14C20];
	_ =	sdelay $0x4  }
0x91: {  	[tilespmem:v0+s4+$0x0] =	vst.idx.add.f32.msk $0xffff, v1  }
0x92: {  	v0 =	vld [tilespmem:$0x14430];
	_ =	sdelay $0x2  }
0x93: {  	v1 =	vld [tilespmem:$0x14C30];
	_ =	sdelay $0x4  }
0x94: {  	[tilespmem:v0+s4+$0x0] =	vst.idx.add.f32.msk $0xffff, v1  }
0x95: {  	v0 =	vld [tilespmem:$0x14440];
	_ =	sdelay $0x2  }
0x96: {  	v1 =	vld [tilespmem:$0x14C40];
	_ =	sdelay $0x4  }
0x97: {  	[tilespmem:v0+s4+$0x0] =	vst.idx.add.f32.msk $0xffff, v1  }
0x98: {  	v0 =	vld [tilespmem:$0x14450];
	_ =	sdelay $0x2  }
0x99: {  	v1 =	vld [tilespmem:$0x14C50];
	_ =	sdelay $0x4  }
0x9a: {  	[tilespmem:v0+s4+$0x0] =	vst.idx.add.f32.msk $0xffff, v1  }
0x9b: {  	v0 =	vld [tilespmem:$0x14460];
	_ =	sdelay $0x2  }
0x9c: {  	v1 =	vld [tilespmem:$0x14C60];
	_ =	sdelay $0x4  }
0x9d: {  	[tilespmem:v0+s4+$0x0] =	vst.idx.add.f32.msk $0xffff, v1  }
0x9e: {  	v0 =	vld [tilespmem:$0x14470];
	_ =	sdelay $0x2  }
0x9f: {  	v1 =	vld [tilespmem:$0x14C70];
	_ =	sdelay $0x4  }
0xa0: {  	[tilespmem:v0+s4+$0x0] =	vst.idx.add.f32.msk $0xffff, v1  }
0xa1: {  	v0 =	vld [tilespmem:$0x14480];
	_ =	sdelay $0x2  }
0xa2: {  	v1 =	vld [tilespmem:$0x14C80];
	_ =	sdelay $0x4  }
0xa3: {  	[tilespmem:v0+s4+$0x0] =	vst.idx.add.f32.msk $0xffff, v1  }
0xa4: {  	v0 =	vld [tilespmem:$0x14490];
	_ =	sdelay $0x2  }
0xa5: {  	v1 =	vld [tilespmem:$0x14C90];
	_ =	sdelay $0x4  }
0xa6: {  	[tilespmem:v0+s4+$0x0] =	vst.idx.add.f32.msk $0xffff, v1  }
0xa7: {  	v0 =	vld [tilespmem:$0x144A0];
	_ =	sdelay $0x2  }
0xa8: {  	v1 =	vld [tilespmem:$0x14CA0];
	_ =	sdelay $0x4  }
0xa9: {  	[tilespmem:v0+s4+$0x0] =	vst.idx.add.f32.msk $0xffff, v1  }
0xaa: {  	v0 =	vld [tilespmem:$0x144B0];
	_ =	sdelay $0x2  }
0xab: {  	v1 =	vld [tilespmem:$0x14CB0];
	_ =	sdelay $0x4  }
0xac: {  	[tilespmem:v0+s4+$0x0] =	vst.idx.add.f32.msk $0xffff, v1  }
0xad: {  	v0 =	vld [tilespmem:$0x144C0];
	_ =	sdelay $0x2  }
0xae: {  	v1 =	vld [tilespmem:$0x14CC0];
	_ =	sdelay $0x4  }
0xaf: {  	[tilespmem:v0+s4+$0x0] =	vst.idx.add.f32.msk $0xffff, v1  }
0xb0: {  	v0 =	vld [tilespmem:$0x144D0];
	_ =	sdelay $0x2  }
0xb1: {  	v1 =	vld [tilespmem:$0x14CD0];
	_ =	sdelay $0x4  }
0xb2: {  	[tilespmem:v0+s4+$0x0] =	vst.idx.add.f32.msk $0xffff, v1  }
0xb3: {  	v0 =	vld [tilespmem:$0x144E0];
	_ =	sdelay $0x2  }
0xb4: {  	v1 =	vld [tilespmem:$0x14CE0];
	_ =	sdelay $0x4  }
0xb5: {  	[tilespmem:v0+s4+$0x0] =	vst.idx.add.f32.msk $0xffff, v1  }
0xb6: {  	v0 =	vld [tilespmem:$0x144F0];
	_ =	sdelay $0x2  }
0xb7: {  	v1 =	vld [tilespmem:$0x14CF0];
	_ =	sdelay $0x4  }
0xb8: {  	[tilespmem:v0+s4+$0x0] =	vst.idx.add.f32.msk $0xffff, v1  }
0xb9: {  	v0 =	vld [tilespmem:$0x14500];
	_ =	sdelay $0x2  }
0xba: {  	v1 =	vld [tilespmem:$0x14D00];
	_ =	sdelay $0x4  }
0xbb: {  	[tilespmem:v0+s4+$0x0] =	vst.idx.add.f32.msk $0xffff, v1  }
0xbc: {  	v0 =	vld [tilespmem:$0x14510];
	_ =	sdelay $0x2  }
0xbd: {  	v1 =	vld [tilespmem:$0x14D10];
	_ =	sdelay $0x4  }
0xbe: {  	[tilespmem:v0+s4+$0x0] =	vst.idx.add.f32.msk $0xffff, v1  }
0xbf: {  	v0 =	vld [tilespmem:$0x14520];
	_ =	sdelay $0x2  }
0xc0: {  	v1 =	vld [tilespmem:$0x14D20];
	_ =	sdelay $0x4  }
0xc1: {  	[tilespmem:v0+s4+$0x0] =	vst.idx.add.f32.msk $0xffff, v1  }
0xc2: {  	v0 =	vld [tilespmem:$0x14530];
	_ =	sdelay $0x2  }
0xc3: {  	v1 =	vld [tilespmem:$0x14D30];
	_ =	sdelay $0x4  }
0xc4: {  	[tilespmem:v0+s4+$0x0] =	vst.idx.add.f32.msk $0xffff, v1  }
0xc5: {  	v0 =	vld [tilespmem:$0x14540];
	_ =	sdelay $0x2  }
0xc6: {  	v1 =	vld [tilespmem:$0x14D40];
	_ =	sdelay $0x4  }
0xc7: {  	[tilespmem:v0+s4+$0x0] =	vst.idx.add.f32.msk $0xffff, v1  }
0xc8: {  	v0 =	vld [tilespmem:$0x14550];
	_ =	sdelay $0x2  }
0xc9: {  	v1 =	vld [tilespmem:$0x14D50];
	_ =	sdelay $0x4  }
0xca: {  	[tilespmem:v0+s4+$0x0] =	vst.idx.add.f32.msk $0xffff, v1  }
0xcb: {  	v0 =	vld [tilespmem:$0x14560];
	_ =	sdelay $0x2  }
0xcc: {  	v1 =	vld [tilespmem:$0x14D60];
	_ =	sdelay $0x4  }
0xcd: {  	[tilespmem:v0+s4+$0x0] =	vst.idx.add.f32.msk $0xffff, v1  }
0xce: {  	v0 =	vld [tilespmem:$0x14570];
	_ =	sdelay $0x2  }
0xcf: {  	v1 =	vld [tilespmem:$0x14D70];
	_ =	sdelay $0x4  }
0xd0: {  	[tilespmem:v0+s4+$0x0] =	vst.idx.add.f32.msk $0xffff, v1  }
0xd1: {  	v0 =	vld [tilespmem:$0x14580];
	_ =	sdelay $0x2  }
0xd2: {  	v1 =	vld [tilespmem:$0x14D80];
	_ =	sdelay $0x4  }
0xd3: {  	[tilespmem:v0+s4+$0x0] =	vst.idx.add.f32.msk $0xffff, v1  }
0xd4: {  	v0 =	vld [tilespmem:$0x14590];
	_ =	sdelay $0x2  }
0xd5: {  	v1 =	vld [tilespmem:$0x14D90];
	_ =	sdelay $0x4  }
0xd6: {  	[tilespmem:v0+s4+$0x0] =	vst.idx.add.f32.msk $0xffff, v1  }
0xd7: {  	v0 =	vld [tilespmem:$0x145A0];
	_ =	sdelay $0x2  }
0xd8: {  	v1 =	vld [tilespmem:$0x14DA0];
	_ =	sdelay $0x4  }
0xd9: {  	[tilespmem:v0+s4+$0x0] =	vst.idx.add.f32.msk $0xffff, v1  }
0xda: {  	v0 =	vld [tilespmem:$0x145B0];
	_ =	sdelay $0x2  }
0xdb: {  	v1 =	vld [tilespmem:$0x14DB0];
	_ =	sdelay $0x4  }
0xdc: {  	[tilespmem:v0+s4+$0x0] =	vst.idx.add.f32.msk $0xffff, v1  }
0xdd: {  	v0 =	vld [tilespmem:$0x145C0];
	_ =	sdelay $0x2  }
0xde: {  	v1 =	vld [tilespmem:$0x14DC0];
	_ =	sdelay $0x4  }
0xdf: {  	[tilespmem:v0+s4+$0x0] =	vst.idx.add.f32.msk $0xffff, v1  }
0xe0: {  	v0 =	vld [tilespmem:$0x145D0];
	_ =	sdelay $0x2  }
0xe1: {  	v1 =	vld [tilespmem:$0x14DD0];
	_ =	sdelay $0x4  }
0xe2: {  	[tilespmem:v0+s4+$0x0] =	vst.idx.add.f32.msk $0xffff, v1  }
0xe3: {  	v0 =	vld [tilespmem:$0x145E0];
	_ =	sdelay $0x2  }
0xe4: {  	v1 =	vld [tilespmem:$0x14DE0];
	_ =	sdelay $0x4  }
0xe5: {  	[tilespmem:v0+s4+$0x0] =	vst.idx.add.f32.msk $0xffff, v1  }
0xe6: {  	v0 =	vld [tilespmem:$0x145F0];
	_ =	sdelay $0x2  }
0xe7: {  	v1 =	vld [tilespmem:$0x14DF0];
	_ =	sdelay $0x4  }
0xe8: {  	[tilespmem:v0+s4+$0x0] =	vst.idx.add.f32.msk $0xffff, v1  }
0xe9: {  	v0 =	vld [tilespmem:$0x14600];
	_ =	sdelay $0x2  }
0xea: {  	v1 =	vld [tilespmem:$0x14E00];
	_ =	sdelay $0x4  }
0xeb: {  	[tilespmem:v0+s4+$0x0] =	vst.idx.add.f32.msk $0xffff, v1  }
0xec: {  	v0 =	vld [tilespmem:$0x14610];
	_ =	sdelay $0x2  }
0xed: {  	v1 =	vld [tilespmem:$0x14E10];
	_ =	sdelay $0x4  }
0xee: {  	[tilespmem:v0+s4+$0x0] =	vst.idx.add.f32.msk $0xffff, v1  }
0xef: {  	v0 =	vld [tilespmem:$0x14620];
	_ =	sdelay $0x2  }
0xf0: {  	v1 =	vld [tilespmem:$0x14E20];
	_ =	sdelay $0x4  }
0xf1: {  	[tilespmem:v0+s4+$0x0] =	vst.idx.add.f32.msk $0xffff, v1  }
0xf2: {  	v0 =	vld [tilespmem:$0x14630];
	_ =	sdelay $0x2  }
0xf3: {  	v1 =	vld [tilespmem:$0x14E30];
	_ =	sdelay $0x4  }
0xf4: {  	[tilespmem:v0+s4+$0x0] =	vst.idx.add.f32.msk $0xffff, v1  }
0xf5: {  	v0 =	vld [tilespmem:$0x14640];
	_ =	sdelay $0x2  }
0xf6: {  	v1 =	vld [tilespmem:$0x14E40];
	_ =	sdelay $0x4  }
0xf7: {  	[tilespmem:v0+s4+$0x0] =	vst.idx.add.f32.msk $0xffff, v1  }
0xf8: {  	v0 =	vld [tilespmem:$0x14650];
	_ =	sdelay $0x2  }
0xf9: {  	v1 =	vld [tilespmem:$0x14E50];
	_ =	sdelay $0x4  }
0xfa: {  	[tilespmem:v0+s4+$0x0] =	vst.idx.add.f32.msk $0xffff, v1  }
0xfb: {  	v0 =	vld [tilespmem:$0x14660];
	_ =	sdelay $0x2  }
0xfc: {  	v1 =	vld [tilespmem:$0x14E60];
	_ =	sdelay $0x4  }
0xfd: {  	[tilespmem:v0+s4+$0x0] =	vst.idx.add.f32.msk $0xffff, v1  }
0xfe: {  	v0 =	vld [tilespmem:$0x14670];
	_ =	sdelay $0x2  }
0xff: {  	p0 =	sne.s32 s1, $0xA80;
	v1 =	vld [tilespmem:$0x14E70]  }
.Ltmp0:
0x100: {  	_ = 	snop;
	(pc) =	sbr.rel @p0 .LBB2_2-.Ltmp0, $2  }
0x101: {  	_ =	sdelay $0x2  }
0x102: {  	s1 =	sadd.s32 $0x80, s1;
	[tilespmem:v0+s4+$0x0] =	vst.idx.add.f32.msk $0xffff, v1  }
0x103: {  	s1 =	simm.s32 $0x1CE80;
	s8 =	rddreg [dreg:$0x5];
	s13 =	simm.s32 $0x400  }
0x104: {  	[hbm4b:s8+s7] =	stream.strided.scatter [tilespmem:s1], [sflag:$0x6], $0x2800, s13, s7, $0x200038;
	[tilespmem:$0x1F980] =	vst v63  }
0x105: {  	_ =	swait.ge [sflag:s3], $0x2800  }
0x106: {  	[sflag:s3] =	ssyncset.done $0x0  }
0x107: {  	[sflag:s3] =	ssyncadd.s32 $0xFFFFD800  }
0x108: {  	[bflag:$0x0] =	sbarrier.arrive $0xFFFF  }
0x109: {  	_ =	strace $0x90000049  }
0x10a: {  	s22 =	rddreg [dreg:$0x6]  }
0x10b: {  	[tilespmem:s1], [sflag:$0x5] =	stream.strided.gather [hbm4b:s22+s7], $0x280, s13, s7, $0x38;
	[tilespmem:$0x1F980] =	vst v63  }
0x10c: {  	s20 =	simm.s32 $0x1D100;
	s29 =	rddreg [dreg:$0x7]  }
0x10d: {  	[tilespmem:s20], [sflag:$0x5] =	stream.strided.gather [hbm4b:s29+s7], $0x280, s13, s7, $0x38;
	[tilespmem:$0x1F980] =	vst v63  }
0x10e: {  	s22 =	rddreg [dreg:$0x8];
	s29 =	simm.s32 $0x1D380  }
0x10f: {  	[tilespmem:s29], [sflag:$0x5] =	stream.strided.gather [hbm4b:s22+s7], $0x280, s13, s7, $0x38;
	[tilespmem:$0x1F980] =	vst v63  }
0x110: {  	s22 =	rddreg [dreg:$0x9];
	s29 =	simm.s32 $0x1D600  }
0x111: {  	[tilespmem:s29], [sflag:$0x5] =	stream.strided.gather [hbm4b:s22+s7], $0x280, s13, s7, $0x38;
	[tilespmem:$0x1F980] =	vst v63  }
0x112: {  	s22 =	rddreg [dreg:$0xa];
	s29 =	simm.s32 $0x1D880  }
0x113: {  	[tilespmem:s29], [sflag:$0x5] =	stream.strided.gather [hbm4b:s22+s7], $0x280, s13, s7, $0x38;
	[tilespmem:$0x1F980] =	vst v63  }
0x114: {  	s22 =	rddreg [dreg:$0xb];
	s29 =	simm.s32 $0x1DB00  }
0x115: {  	[tilespmem:s29], [sflag:$0x5] =	stream.strided.gather [hbm4b:s22+s7], $0x280, s13, s7, $0x38;
	[tilespmem:$0x1F980] =	vst v63  }
0x116: {  	s22 =	rddreg [dreg:$0xc];
	s29 =	simm.s32 $0x1DD80  }
0x117: {  	[tilespmem:s29], [sflag:$0x5] =	stream.strided.gather [hbm4b:s22+s7], $0x280, s13, s7, $0x38;
	[tilespmem:$0x1F980] =	vst v63  }
0x118: {  	s22 =	rddreg [dreg:$0xd];
	s29 =	simm.s32 $0x1E000  }
0x119: {  	[tilespmem:s29], [sflag:$0x5] =	stream.strided.gather [hbm4b:s22+s7], $0x280, s13, s7, $0x38;
	[tilespmem:$0x1F980] =	vst v63  }
0x11a: {  	s22 =	rddreg [dreg:$0xe];
	s29 =	simm.s32 $0x1E280  }
0x11b: {  	[tilespmem:s29], [sflag:$0x5] =	stream.strided.gather [hbm4b:s22+s7], $0x280, s13, s7, $0x38;
	[tilespmem:$0x1F980] =	vst v63  }
0x11c: {  	s22 =	rddreg [dreg:$0xf];
	s29 =	simm.s32 $0x1E500  }
0x11d: {  	[tilespmem:s29], [sflag:$0x5] =	stream.strided.gather [hbm4b:s22+s7], $0x280, s13, s7, $0x38;
	[tilespmem:$0x1F980] =	vst v63  }
0x11e: {  	s22 =	rddreg [dreg:$0x10];
	s29 =	simm.s32 $0x1E780  }
0x11f: {  	[tilespmem:s29], [sflag:$0x5] =	stream.strided.gather [hbm4b:s22+s7], $0x280, s13, s7, $0x38;
	[tilespmem:$0x1F980] =	vst v63  }
0x120: {  	s22 =	rddreg [dreg:$0x11];
	s29 =	simm.s32 $0x1EA00  }
0x121: {  	[tilespmem:s29], [sflag:$0x5] =	stream.strided.gather [hbm4b:s22+s7], $0x280, s13, s7, $0x38;
	[tilespmem:$0x1F980] =	vst v63  }
0x122: {  	s22 =	rddreg [dreg:$0x12];
	s29 =	simm.s32 $0x1EC80  }
0x123: {  	[tilespmem:s29], [sflag:$0x5] =	stream.strided.gather [hbm4b:s22+s7], $0x280, s13, s7, $0x38;
	[tilespmem:$0x1F980] =	vst v63  }
0x124: {  	s22 =	rddreg [dreg:$0x13];
	s29 =	simm.s32 $0x1EF00  }
0x125: {  	[tilespmem:s29], [sflag:$0x5] =	stream.strided.gather [hbm4b:s22+s7], $0x280, s13, s7, $0x38;
	[tilespmem:$0x1F980] =	vst v63  }
0x126: {  	s22 =	rddreg [dreg:$0x14];
	s29 =	simm.s32 $0x1F180  }
0x127: {  	[tilespmem:s29], [sflag:$0x5] =	stream.strided.gather [hbm4b:s22+s7], $0x280, s13, s7, $0x38;
	[tilespmem:$0x1F980] =	vst v63  }
0x128: {  	s22 =	rddreg [dreg:$0x15];
	s29 =	simm.s32 $0x1F400  }
0x129: {  	[tilespmem:s29], [sflag:$0x5] =	stream.strided.gather [hbm4b:s22+s7], $0x280, s13, s7, $0x38;
	[tilespmem:$0x1F980] =	vst v63  }
0x12a: {  	_ =	swait.ge [sflag:s9], $0x280  }
0x12b: {  	[sflag:s9] =	ssyncset.done $0x0  }
0x12c: {  	[sflag:s9] =	ssyncadd.s32 $0xFFFFFD80  }
0x12d: {  	_ =	swait.ge [sflag:s9], $0x280  }
0x12e: {  	[sflag:s9] =	ssyncset.done $0x0  }
0x12f: {  	[sflag:s9] =	ssyncadd.s32 $0xFFFFFD80  }
0x130: {  	_ =	swait.ge [sflag:s9], $0x280  }
0x131: {  	[sflag:s9] =	ssyncset.done $0x0  }
0x132: {  	[sflag:s9] =	ssyncadd.s32 $0xFFFFFD80  }
0x133: {  	_ =	swait.ge [sflag:s9], $0x280  }
0x134: {  	[sflag:s9] =	ssyncset.done $0x0  }
0x135: {  	[sflag:s9] =	ssyncadd.s32 $0xFFFFFD80  }
0x136: {  	_ =	swait.ge [sflag:s9], $0x280  }
0x137: {  	[sflag:s9] =	ssyncset.done $0x0  }
0x138: {  	[sflag:s9] =	ssyncadd.s32 $0xFFFFFD80  }
0x139: {  	_ =	swait.ge [sflag:s9], $0x280  }
0x13a: {  	[sflag:s9] =	ssyncset.done $0x0  }
0x13b: {  	[sflag:s9] =	ssyncadd.s32 $0xFFFFFD80  }
0x13c: {  	_ =	swait.ge [sflag:s9], $0x280  }
0x13d: {  	[sflag:s9] =	ssyncset.done $0x0  }
0x13e: {  	[sflag:s9] =	ssyncadd.s32 $0xFFFFFD80  }
0x13f: {  	_ =	swait.ge [sflag:s9], $0x280  }
0x140: {  	[sflag:s9] =	ssyncset.done $0x0  }
0x141: {  	[sflag:s9] =	ssyncadd.s32 $0xFFFFFD80  }
0x142: {  	_ =	swait.ge [sflag:s9], $0x280  }
0x143: {  	[sflag:s9] =	ssyncset.done $0x0  }
0x144: {  	[sflag:s9] =	ssyncadd.s32 $0xFFFFFD80  }
0x145: {  	_ =	swait.ge [sflag:s9], $0x280  }
0x146: {  	[sflag:s9] =	ssyncset.done $0x0  }
0x147: {  	[sflag:s9] =	ssyncadd.s32 $0xFFFFFD80  }
0x148: {  	_ =	swait.ge [sflag:s9], $0x280  }
0x149: {  	[sflag:s9] =	ssyncset.done $0x0  }
0x14a: {  	[sflag:s9] =	ssyncadd.s32 $0xFFFFFD80  }
0x14b: {  	_ =	swait.ge [sflag:s9], $0x280  }
0x14c: {  	[sflag:s9] =	ssyncset.done $0x0  }
0x14d: {  	[sflag:s9] =	ssyncadd.s32 $0xFFFFFD80  }
0x14e: {  	_ =	swait.ge [sflag:s9], $0x280  }
0x14f: {  	[sflag:s9] =	ssyncset.done $0x0  }
0x150: {  	[sflag:s9] =	ssyncadd.s32 $0xFFFFFD80  }
0x151: {  	_ =	swait.ge [sflag:s9], $0x280  }
0x152: {  	[sflag:s9] =	ssyncset.done $0x0  }
0x153: {  	[sflag:s9] =	ssyncadd.s32 $0xFFFFFD80  }
0x154: {  	_ =	swait.ge [sflag:s9], $0x280  }
0x155: {  	[sflag:s9] =	ssyncset.done $0x0  }
0x156: {  	[sflag:s9] =	ssyncadd.s32 $0xFFFFFD80  }
0x157: {  	_ =	swait.ge [sflag:s9], $0x280  }
0x158: {  	s22 =	simm.s32 $0x0;
	[sflag:s9] =	ssyncset.done $0x0  }
0x159: {  	s8 =	sand.u32 $0x3F0, s22;
	[sflag:s9] =	ssyncadd.s32 $0xFFFFFD80  }
0x15a: {  	v0 =	vld [tilespmem:s8+$0x1D100]  }
0x15b: {  	v1 =	vld [tilespmem:s1+$0x0];
	_ =	sdelay $0x1  }
0x15c: {  	v2 =	vld [tilespmem:s8+$0x1D380];
	_ =	sdelay $0x1  }
0x15d: {  	v3 =	vld [tilespmem:s8+$0x1D600]  }
0x15e: {  	v0 =	vadd.f32 v0, v1  }
0x15f: {  	v1 =	vld [tilespmem:s8+$0x1D880]  }
0x160: {  	v0 =	vadd.f32 v2, v0  }
0x161: {  	v2 =	vld [tilespmem:s8+$0x1DB00]  }
0x162: {  	v0 =	vadd.f32 v3, v0  }
0x163: {  	v3 =	vld [tilespmem:s8+$0x1DD80]  }
0x164: {  	v0 =	vadd.f32 v1, v0  }
0x165: {  	v1 =	vld [tilespmem:s8+$0x1E000]  }
0x166: {  	v0 =	vadd.f32 v2, v0  }
0x167: {  	v2 =	vld [tilespmem:s8+$0x1E280]  }
0x168: {  	v0 =	vadd.f32 v3, v0  }
0x169: {  	v3 =	vld [tilespmem:s8+$0x1E500]  }
0x16a: {  	v0 =	vadd.f32 v1, v0  }
0x16b: {  	v1 =	vld [tilespmem:s8+$0x1E780]  }
0x16c: {  	v0 =	vadd.f32 v2, v0  }
0x16d: {  	v2 =	vld [tilespmem:s8+$0x1EA00]  }
0x16e: {  	v0 =	vadd.f32 v3, v0  }
0x16f: {  	v3 =	vld [tilespmem:s8+$0x1EC80]  }
0x170: {  	v0 =	vadd.f32 v1, v0  }
0x171: {  	v1 =	vld [tilespmem:s8+$0x1EF00]  }
0x172: {  	v0 =	vadd.f32 v2, v0  }
0x173: {  	v2 =	vld [tilespmem:s8+$0x1F180]  }
0x174: {  	v0 =	vadd.f32 v3, v0  }
0x175: {  	v3 =	vld [tilespmem:s8+$0x1F400]  }
0x176: {  	v0 =	vadd.f32 v1, v0;
	_ =	sdelay $0x1  }
0x177: {  	v0 =	vadd.f32 v2, v0;
	_ =	sdelay $0x1  }
0x178: {  	v0 =	vadd.f32 v3, v0  }
0x179: {  	s29 =	simm.s32 $0x10;
	s1 =	simm.s32 $0x1F680  }
0x17a: {  	s8 =	sand.u32 $0x3F0, s29;
	[tilespmem:s1+$0x0] =	vst v0  }
0x17b: {  	s20 =	simm.s32 $0x20;
	s13 =	simm.s32 $0x1CE90;
	v0 =	vld [tilespmem:s8+$0x1D100]  }
.LBB2_4:
0x17c: {  	p0 =	sne.s32 s20, $0x270;
	v1 =	vld [tilespmem:s13+$0x0];
	_ =	sdelay $0x1  }
0x17d: {  	v2 =	vld [tilespmem:s8+$0x1D380];
	_ =	sdelay $0x1  }
0x17e: {  	v3 =	vld [tilespmem:s8+$0x1D600]  }
0x17f: {  	v0 =	vadd.f32 v0, v1  }
0x180: {  	v1 =	vld [tilespmem:s8+$0x1D880]  }
0x181: {  	v0 =	vadd.f32 v2, v0  }
0x182: {  	v2 =	vld [tilespmem:s8+$0x1DB00]  }
0x183: {  	v0 =	vadd.f32 v3, v0  }
0x184: {  	v3 =	vld [tilespmem:s8+$0x1DD80]  }
0x185: {  	v0 =	vadd.f32 v1, v0  }
0x186: {  	v1 =	vld [tilespmem:s8+$0x1E000]  }
0x187: {  	v0 =	vadd.f32 v2, v0  }
0x188: {  	v2 =	vld [tilespmem:s8+$0x1E280]  }
0x189: {  	v0 =	vadd.f32 v3, v0  }
0x18a: {  	v3 =	vld [tilespmem:s8+$0x1E500]  }
0x18b: {  	v0 =	vadd.f32 v1, v0  }
0x18c: {  	v1 =	vld [tilespmem:s8+$0x1E780]  }
0x18d: {  	v0 =	vadd.f32 v2, v0  }
0x18e: {  	v2 =	vld [tilespmem:s8+$0x1EA00]  }
0x18f: {  	v0 =	vadd.f32 v3, v0  }
0x190: {  	v3 =	vld [tilespmem:s8+$0x1EC80]  }
0x191: {  	v0 =	vadd.f32 v1, v0  }
0x192: {  	v1 =	vld [tilespmem:s8+$0x1EF00]  }
0x193: {  	v0 =	vadd.f32 v2, v0  }
0x194: {  	v2 =	vld [tilespmem:s8+$0x1F180]  }
0x195: {  	v0 =	vadd.f32 v3, v0  }
0x196: {  	v3 =	vld [tilespmem:s8+$0x1F400]  }
0x197: {  	v0 =	vadd.f32 v1, v0;
	_ =	sdelay $0x1  }
0x198: {  	v0 =	vadd.f32 v2, v0  }
.Ltmp1:
0x199: {  	(pc) =	sbr.rel @p0 .LBB2_4-.Ltmp1, $4  }
0x19a: {  	v0 =	vadd.f32 v3, v0  }
0x19b: {  	s1 =	sadd.s32 $0x10, s1  }
0x19c: {  	s8 =	sand.u32 $0x3F0, s20;
	[tilespmem:s1+$0x0] =	vst v0  }
0x19d: {  	s13 =	sadd.s32 $0x10, s13;
	s20 =	sadd.s32 $0x10, s20;
	v0 =	vld [tilespmem:s8+$0x1D100]  }
0x19e: {  	v1 =	vld [tilespmem:s13+$0x0];
	_ =	sdelay $0x1  }
0x19f: {  	v2 =	vld [tilespmem:s8+$0x1D380];
	_ =	sdelay $0x1  }
0x1a0: {  	v3 =	vld [tilespmem:s8+$0x1D600]  }
0x1a1: {  	v0 =	vadd.f32 v0, v1  }
0x1a2: {  	v52 =	vld [tilespmem:s8+$0x1D880]  }
0x1a3: {  	v0 =	vadd.f32 v2, v0  }
0x1a4: {  	v53 =	vld [tilespmem:s8+$0x1DB00]  }
0x1a5: {  	v0 =	vadd.f32 v3, v0  }
0x1a6: {  	v54 =	vld [tilespmem:s8+$0x1DD80]  }
0x1a7: {  	v0 =	vadd.f32 v52, v0  }
0x1a8: {  	v55 =	vld [tilespmem:s8+$0x1E000]  }
0x1a9: {  	v0 =	vadd.f32 v53, v0  }
0x1aa: {  	v56 =	vld [tilespmem:s8+$0x1E280]  }
0x1ab: {  	v0 =	vadd.f32 v54, v0  }
0x1ac: {  	v57 =	vld [tilespmem:s8+$0x1E500]  }
0x1ad: {  	v0 =	vadd.f32 v55, v0  }
0x1ae: {  	v58 =	vld [tilespmem:s8+$0x1E780]  }
0x1af: {  	v0 =	vadd.f32 v56, v0  }
0x1b0: {  	v59 =	vld [tilespmem:s8+$0x1EA00]  }
0x1b1: {  	v0 =	vadd.f32 v57, v0  }
0x1b2: {  	v60 =	vld [tilespmem:s8+$0x1EC80]  }
0x1b3: {  	v0 =	vadd.f32 v58, v0  }
0x1b4: {  	v61 =	vld [tilespmem:s8+$0x1EF00]  }
0x1b5: {  	v0 =	vadd.f32 v59, v0  }
0x1b6: {  	v62 =	vld [tilespmem:s8+$0x1F180]  }
0x1b7: {  	v0 =	vadd.f32 v60, v0  }
0x1b8: {  	v63 =	vld [tilespmem:s8+$0x1F400]  }
0x1b9: {  	v0 =	vadd.f32 v61, v0;
	_ =	sdelay $0x1  }
0x1ba: {  	v0 =	vadd.f32 v62, v0;
	_ =	sdelay $0x1  }
0x1bb: {  	v0 =	vadd.f32 v63, v0  }
0x1bc: {  	s1 =	sadd.s32 $0x10, s1  }
0x1bd: {  	[tilespmem:s1+$0x0] =	vst v0  }
0x1be: {  	s8 =	simm.s32 $0x40;
	s1 =	simm.s32 $0x0;
	_ =	strace $0x8000004A  }
.LBB2_6:
0x1bf: {  	p0 =	sne.s32 s8, $0x9C0;
	v0 =	vld [tilespmem:s1+$0x1F680];
	_ =	sdelay $0x4  }
0x1c0: {  	v1 =	vadd.f32 $1.000000000e+00, v0;
	_ =	sdelay $0x1  }
0x1c1: {  	v1 =	vmul.f32 $5.000000000e-01, v1;
	_ =	sdelay $0x1  }
0x1c2: {  	(erf) = vrcp.f32 v1;
	_ =	sdelay $0x8  }
0x1c3: {  	v2 =	vpop (erf)  }
0x1c4: {  	v2 =	vmul.f32 v2, v0;
	_ =	sdelay $0x1  }
0x1c5: {  	v1 =	vadd.f32 v2, v1;
	_ =	sdelay $0x1  }
0x1c6: {  	v1 =	vmul.f32 $5.000000000e-01, v1;
	_ =	sdelay $0x1  }
0x1c7: {  	(erf) = vrcp.f32 v1;
	_ =	sdelay $0x8  }
0x1c8: {  	v2 =	vpop (erf)  }
0x1c9: {  	v2 =	vmul.f32 v2, v0;
	_ =	sdelay $0x1  }
0x1ca: {  	v1 =	vadd.f32 v2, v1;
	_ =	sdelay $0x1  }
0x1cb: {  	v1 =	vmul.f32 $5.000000000e-01, v1;
	_ =	sdelay $0x1  }
0x1cc: {  	(erf) = vrcp.f32 v1;
	_ =	sdelay $0x8  }
0x1cd: {  	v2 =	vpop (erf)  }
0x1ce: {  	v2 =	vmul.f32 v2, v0;
	_ =	sdelay $0x1  }
0x1cf: {  	v1 =	vadd.f32 v2, v1;
	_ =	sdelay $0x1  }
0x1d0: {  	v1 =	vmul.f32 $5.000000000e-01, v1;
	_ =	sdelay $0x1  }
0x1d1: {  	(erf) = vrcp.f32 v1;
	_ =	sdelay $0x8  }
0x1d2: {  	v2 =	vpop (erf)  }
0x1d3: {  	v2 =	vmul.f32 v2, v0;
	_ =	sdelay $0x1  }
0x1d4: {  	v1 =	vadd.f32 v2, v1;
	_ =	sdelay $0x1  }
0x1d5: {  	v1 =	vmul.f32 $5.000000000e-01, v1;
	_ =	sdelay $0x1  }
0x1d6: {  	(erf) = vrcp.f32 v1;
	_ =	sdelay $0x8  }
0x1d7: {  	v2 =	vpop (erf)  }
0x1d8: {  	v2 =	vmul.f32 v2, v0;
	_ =	sdelay $0x1  }
0x1d9: {  	v1 =	vadd.f32 v2, v1;
	_ =	sdelay $0x1  }
0x1da: {  	v1 =	vmul.f32 $5.000000000e-01, v1;
	_ =	sdelay $0x1  }
0x1db: {  	(erf) = vrcp.f32 v1;
	_ =	sdelay $0x8  }
0x1dc: {  	v2 =	vpop (erf)  }
0x1dd: {  	v2 =	vmul.f32 v2, v0;
	_ =	sdelay $0x1  }
0x1de: {  	v1 =	vadd.f32 v2, v1;
	_ =	sdelay $0x1  }
0x1df: {  	v1 =	vmul.f32 $5.000000000e-01, v1;
	_ =	sdelay $0x1  }
0x1e0: {  	(erf) = vrcp.f32 v1;
	_ =	sdelay $0x8  }
0x1e1: {  	v2 =	vpop (erf)  }
0x1e2: {  	v0 =	vmul.f32 v2, v0;
	_ =	sdelay $0x1  }
0x1e3: {  	v0 =	vadd.f32 v0, v1;
	_ =	sdelay $0x1  }
0x1e4: {  	v0 =	vmul.f32 $5.000000000e-01, v0;
	_ =	sdelay $0x1  }
0x1e5: {  	(erf) = vrcp.f32 v0;
	_ =	sdelay $0x5  }
.Ltmp2:
0x1e6: {  	(pc) =	sbr.rel @p0 .LBB2_6-.Ltmp2, $3  }
0x1e7: {  	_ =	sdelay $0x1  }
0x1e8: {  	v0 =	vpop (erf)  }
0x1e9: {  	[tilespmem:s1+$0x1F680] =	vst v0;
	s1 =	sshra.s32 s8, $0x2;
	s8 =	sadd.s32 $0x40, s8  }
0x1ea: {  	v0 =	vld [tilespmem:s1+$0x1F680];
	_ =	sdelay $0x4  }
0x1eb: {  	v1 =	vadd.f32 $1.000000000e+00, v0;
	_ =	sdelay $0x1  }
0x1ec: {  	v1 =	vmul.f32 $5.000000000e-01, v1;
	_ =	sdelay $0x1  }
0x1ed: {  	(erf) = vrcp.f32 v1;
	_ =	sdelay $0x8  }
0x1ee: {  	v2 =	vpop (erf)  }
0x1ef: {  	v2 =	vmul.f32 v2, v0;
	_ =	sdelay $0x1  }
0x1f0: {  	v1 =	vadd.f32 v2, v1;
	_ =	sdelay $0x1  }
0x1f1: {  	v1 =	vmul.f32 $5.000000000e-01, v1;
	_ =	sdelay $0x1  }
0x1f2: {  	(erf) = vrcp.f32 v1;
	_ =	sdelay $0x8  }
0x1f3: {  	v58 =	vpop (erf)  }
0x1f4: {  	v2 =	vmul.f32 v58, v0;
	_ =	sdelay $0x1  }
0x1f5: {  	v1 =	vadd.f32 v2, v1;
	_ =	sdelay $0x1  }
0x1f6: {  	v1 =	vmul.f32 $5.000000000e-01, v1;
	_ =	sdelay $0x1  }
0x1f7: {  	(erf) = vrcp.f32 v1;
	_ =	sdelay $0x8  }
0x1f8: {  	v59 =	vpop (erf)  }
0x1f9: {  	v2 =	vmul.f32 v59, v0;
	_ =	sdelay $0x1  }
0x1fa: {  	v1 =	vadd.f32 v2, v1;
	_ =	sdelay $0x1  }
0x1fb: {  	v1 =	vmul.f32 $5.000000000e-01, v1;
	_ =	sdelay $0x1  }
0x1fc: {  	(erf) = vrcp.f32 v1;
	_ =	sdelay $0x8  }
0x1fd: {  	v60 =	vpop (erf)  }
0x1fe: {  	v2 =	vmul.f32 v60, v0;
	_ =	sdelay $0x1  }
0x1ff: {  	v1 =	vadd.f32 v2, v1;
	_ =	sdelay $0x1  }
0x200: {  	v1 =	vmul.f32 $5.000000000e-01, v1;
	_ =	sdelay $0x1  }
0x201: {  	(erf) = vrcp.f32 v1;
	_ =	sdelay $0x8  }
0x202: {  	v61 =	vpop (erf)  }
0x203: {  	v2 =	vmul.f32 v61, v0;
	_ =	sdelay $0x1  }
0x204: {  	v1 =	vadd.f32 v2, v1;
	_ =	sdelay $0x1  }
0x205: {  	v1 =	vmul.f32 $5.000000000e-01, v1;
	_ =	sdelay $0x1  }
0x206: {  	(erf) = vrcp.f32 v1;
	_ =	sdelay $0x8  }
0x207: {  	v62 =	vpop (erf)  }
0x208: {  	v2 =	vmul.f32 v62, v0;
	_ =	sdelay $0x1  }
0x209: {  	v1 =	vadd.f32 v2, v1;
	_ =	sdelay $0x1  }
0x20a: {  	v1 =	vmul.f32 $5.000000000e-01, v1;
	_ =	sdelay $0x1  }
0x20b: {  	(erf) = vrcp.f32 v1;
	_ =	sdelay $0x8  }
0x20c: {  	v63 =	vpop (erf)  }
0x20d: {  	v0 =	vmul.f32 v63, v0;
	_ =	sdelay $0x1  }
0x20e: {  	v0 =	vadd.f32 v0, v1;
	_ =	sdelay $0x1  }
0x20f: {  	v0 =	vmul.f32 $5.000000000e-01, v0;
	_ =	sdelay $0x1  }
0x210: {  	(erf) = vrcp.f32 v0;
	_ =	sdelay $0x8  }
0x211: {  	v0 =	vpop (erf)  }
0x212: {  	s22 =	rddreg [dreg:$0x18];
	s8 =	simm.s32 $0x1F680;
	[tilespmem:s1+$0x1F680] =	vst v0  }
0x213: {  	[spmem:s22] =	stream.linear.scatter [tilespmem:s8], [sflag:$0x6], $0x280, $0x200038;
	[tilespmem:$0x1F980] =	vst v63  }
0x214: {  	_ =	swait.ge [sflag:s3], $0x280  }
0x215: {  	[sflag:s3] =	ssyncset.done $0x0  }
0x216: {  	[sflag:s3] =	ssyncadd.s32 $0xFFFFFD80  }
0x217: {  	[bflag:$0x0] =	sbarrier.arrive $0xFFFF  }
0x218: {  	s29 =	rddreg [dreg:$0x3]  }
0x219: {  	[tilespmem:s4], [sflag:$0x6] =	stream.linear.gather [spmem:s29], $0x2800, $0x200038;
	[tilespmem:$0x1F980] =	vst v63  }
0x21a: {  	_ =	swait.ge [sflag:s3], $0x2800  }
0x21b: {  	[sflag:s3] =	ssyncset.done $0x0  }
0x21c: {  	[sflag:s3] =	ssyncadd.s32 $0xFFFFD800  }
0x21d: {  	_ =	strace $0x9000004A  }
0x21e: {  	s1 =	simm.s32 $0x0;
	s8 =	simm.s32 $0x0;
	_ =	strace $0x8000004B  }
.LBB2_8:
0x21f: {  	s13 =	sadd.s32 s31, s8  }
0x220: {  	s13 =	sshll.u32 s13, $0x7  }
0x221: {  	s20 =	sadd.s32 s24, s13  }
0x222: {  	[tilespmem:s5], [sflag:$0x6] =	stream.linear.gather [hbm4b:s20+s1], $0x400, $0x200038;
	[tilespmem:$0x1F980] =	vst v63  }
0x223: {  	_ =	swait.ge [sflag:s3], $0x400  }
0x224: {  	[sflag:s3] =	ssyncset.done $0x0  }
0x225: {  	s22 =	sadd.s32 s23, s13;
	[sflag:s3] =	ssyncadd.s32 $0xFFFFFC00  }
0x226: {  	[tilespmem:s10], [sflag:$0x6] =	stream.linear.gather [hbm4b:s22+s1], $0x400, $0x200038;
	[tilespmem:$0x1F980] =	vst v63  }
0x227: {  	_ =	swait.ge [sflag:s3], $0x400  }
0x228: {  	[sflag:s3] =	ssyncset.done $0x0  }
0x229: {  	s13 =	sadd.s32 s25, s13;
	[sflag:s3] =	ssyncadd.s32 $0xFFFFFC00  }
0x22a: {  	[tilespmem:s6], [sflag:$0x6] =	stream.linear.gather [hbm4b:s13+s1], $0x400, $0x200038;
	[tilespmem:$0x1F980] =	vst v63  }
0x22b: {  	_ =	swait.ge [sflag:s3], $0x400  }
0x22c: {  	[sflag:s3] =	ssyncset.done $0x0  }
0x22d: {  	[sflag:s3] =	ssyncadd.s32 $0xFFFFFC00  }
0x22e: {  	[tilespmem:s11], [sflag:$0x1] =	stream.indirect.gather [hbm4b:s26+s7], $0x80, s10, s7, $0x2000b8;
	[tilespmem:$0x1F980] =	vst v63  }
0x22f: {  	_ =	swait.ge [sflag:s12], $0x4000  }
0x230: {  	[sflag:s12] =	ssyncset.done $0x0  }
0x231: {  	s29 =	simm.s32 $0x14700;
	[sflag:s12] =	ssyncadd.s32 $0xFFFFC000  }
0x232: {  	[tilespmem:s14], [sflag:$0x2] =	stream.indirect.gather [hbm4b:s26+s7], $0x80, s29, s7, $0x2000b8;
	[tilespmem:$0x1F980] =	vst v63  }
0x233: {  	v0 =	vld [tilespmem:$0x14680];
	_ =	sdelay $0x1  }
0x234: {  	v1 =	vld [tilespmem:$0x14280];
	_ =	sdelay $0x4  }
0x235: {  	v2 =	vld [tilespmem:$0x14A80]  }
0x236: {  	v0 =	vld.idx.msk [tilespmem:v0+s4+$0x0], $0xffff  }
0x237: {  	v3 =	vld [tilespmem:$0x14690]  }
0x238: {  	v1 =	vld.idx.msk [tilespmem:v1+s4+$0x0], $0xffff  }
0x239: {  	v4 =	vld [tilespmem:$0x14290];
	_ =	sdelay $0x1  }
0x23a: {  	v0 =	vmul.f32 v0, v2;
	_ =	sdelay $0x1  }
0x23b: {  	v0 =	vmul.f32 v1, v0;
	_ =	sdelay $0x1  }
0x23c: {  	[tilespmem:$0x1F900] =	vst v0;
	v0 =	vld [tilespmem:$0x14A90]  }
0x23d: {  	v1 =	vld.idx.msk [tilespmem:v3+s4+$0x0], $0xffff  }
0x23e: {  	v2 =	vld.idx.msk [tilespmem:v4+s4+$0x0], $0xffff  }
0x23f: {  	v3 =	vld [tilespmem:$0x146A0]  }
0x240: {  	v4 =	vld [tilespmem:$0x142A0];
	_ =	sdelay $0x1  }
0x241: {  	v0 =	vmul.f32 v1, v0;
	_ =	sdelay $0x1  }
0x242: {  	v0 =	vmul.f32 v2, v0;
	_ =	sdelay $0x1  }
0x243: {  	[tilespmem:$0x1F910] =	vst v0;
	v0 =	vld [tilespmem:$0x14AA0]  }
0x244: {  	v1 =	vld.idx.msk [tilespmem:v3+s4+$0x0], $0xffff  }
0x245: {  	v2 =	vld.idx.msk [tilespmem:v4+s4+$0x0], $0xffff  }
0x246: {  	v3 =	vld [tilespmem:$0x146B0]  }
0x247: {  	v4 =	vld [tilespmem:$0x142B0];
	_ =	sdelay $0x1  }
0x248: {  	v0 =	vmul.f32 v1, v0;
	_ =	sdelay $0x1  }
0x249: {  	v0 =	vmul.f32 v2, v0;
	_ =	sdelay $0x1  }
0x24a: {  	[tilespmem:$0x1F920] =	vst v0;
	v0 =	vld [tilespmem:$0x14AB0]  }
0x24b: {  	v1 =	vld.idx.msk [tilespmem:v3+s4+$0x0], $0xffff  }
0x24c: {  	v2 =	vld.idx.msk [tilespmem:v4+s4+$0x0], $0xffff  }
0x24d: {  	v3 =	vld [tilespmem:$0x146C0]  }
0x24e: {  	v4 =	vld [tilespmem:$0x142C0];
	_ =	sdelay $0x1  }
0x24f: {  	v0 =	vmul.f32 v1, v0;
	_ =	sdelay $0x1  }
0x250: {  	v0 =	vmul.f32 v2, v0;
	_ =	sdelay $0x1  }
0x251: {  	[tilespmem:$0x1F930] =	vst v0;
	v0 =	vld [tilespmem:$0x14AC0]  }
0x252: {  	v1 =	vld.idx.msk [tilespmem:v3+s4+$0x0], $0xffff  }
0x253: {  	v2 =	vld.idx.msk [tilespmem:v4+s4+$0x0], $0xffff  }
0x254: {  	v3 =	vld [tilespmem:$0x146D0]  }
0x255: {  	v4 =	vld [tilespmem:$0x142D0];
	_ =	sdelay $0x1  }
0x256: {  	v0 =	vmul.f32 v1, v0;
	_ =	sdelay $0x1  }
0x257: {  	v0 =	vmul.f32 v2, v0;
	_ =	sdelay $0x1  }
0x258: {  	[tilespmem:$0x1F940] =	vst v0;
	v0 =	vld [tilespmem:$0x14AD0]  }
0x259: {  	v1 =	vld.idx.msk [tilespmem:v3+s4+$0x0], $0xffff  }
0x25a: {  	v2 =	vld.idx.msk [tilespmem:v4+s4+$0x0], $0xffff  }
0x25b: {  	v3 =	vld [tilespmem:$0x146E0]  }
0x25c: {  	v4 =	vld [tilespmem:$0x142E0];
	_ =	sdelay $0x1  }
0x25d: {  	v0 =	vmul.f32 v1, v0;
	_ =	sdelay $0x1  }
0x25e: {  	v0 =	vmul.f32 v2, v0;
	_ =	sdelay $0x1  }
0x25f: {  	[tilespmem:$0x1F950] =	vst v0;
	v0 =	vld [tilespmem:$0x14AE0]  }
0x260: {  	v1 =	vld.idx.msk [tilespmem:v3+s4+$0x0], $0xffff  }
0x261: {  	v2 =	vld.idx.msk [tilespmem:v4+s4+$0x0], $0xffff  }
0x262: {  	v3 =	vld [tilespmem:$0x146F0];
	_ =	sdelay $0x1  }
0x263: {  	v4 =	vld [tilespmem:$0x142F0]  }
0x264: {  	v0 =	vmul.f32 v1, v0;
	_ =	sdelay $0x1  }
0x265: {  	v0 =	vmul.f32 v2, v0;
	_ =	sdelay $0x1  }
0x266: {  	[tilespmem:$0x1F960] =	vst v0;
	v0 =	vld [tilespmem:$0x14AF0]  }
0x267: {  	v1 =	vld.idx.msk [tilespmem:v3+s4+$0x0], $0xffff;
	_ =	sdelay $0x1  }
0x268: {  	v2 =	vld.idx.msk [tilespmem:v4+s4+$0x0], $0xffff;
	_ =	sdelay $0x2  }
0x269: {  	v0 =	vmul.f32 v1, v0;
	_ =	sdelay $0x1  }
0x26a: {  	v0 =	vmul.f32 v2, v0  }
0x26b: {  	v1 =	vmov s1  }
0x26c: {  	s13 =	simm.s32 $0x14EC0;
	[tilespmem:$0x1F970] =	vst v0  }
0x26d: {  	v4 =	vld [tilespmem:s13+$0x30]  }
0x26e: {  	v7 =	vld [tilespmem:s13+$0x10]  }
0x26f: {  	v5 =	vld [tilespmem:s13+$0xFFFFFFC0]  }
0x270: {  	v1 =	vld.idx.msk [tilespmem:v1+s15+$0x0], $0xffff  }
0x271: {  	v9 =	vld [tilespmem:s13+$0xFFFFFFE0]  }
0x272: {  	v0 =	vld [tilespmem:s13+$0xFFFFFFF0]  }
0x273: {  	v2 =	vld [tilespmem:s13+$0x20]  }
0x274: {  	v3 =	vld [tilespmem:s13+$0xFFFFFFD0]  }
0x275: {  	v8 =	vmul.f32 v4, v1;
	v4 =	vld [tilespmem:s13+$0x0]  }
0x276: {  	v6 =	vmul.f32 v5, v1  }
0x277: {  	s20 =	simm.s32 $0x1;
	s22 =	simm.s32 $0x14EC0;
	v5 =	vmul.f32 v9, v1;
	v7 =	vmul.f32 v7, v1  }
.LBB2_9:
0x278: {  	p0 =	sne.s32 s20, $0x7F  }
0x279: {  	v3 =	vmul.f32 v3, v1;
	v2 =	vmul.f32 v2, v1;
	[tilespmem:s13+$0x30] =	vst v8;
	s22 =	sadd.s32 $0x80, s22;
	s29 =	smov.u32 s20;
	s20 =	sadd.s32 $0x1, s20  }
0x27a: {  	[tilespmem:s13+$0xFFFFFFC0] =	vst v6;
	v6 =	vmul.f32 v0, v1;
	v1 =	vmul.f32 v4, v1  }
0x27b: {  	[tilespmem:s13+$0x10] =	vst v7  }
0x27c: {  	v4 =	vmov s29;
	[tilespmem:s13+$0xFFFFFFE0] =	vst v5  }
0x27d: {  	v0 =	vld [tilespmem:s22+$0xFFFFFFF0];
	[tilespmem:s13+$0xFFFFFFF0] =	vst v6  }
0x27e: {  	v5 =	vld [tilespmem:s22+$0x30];
	[tilespmem:s13+$0x0] =	vst v1  }
0x27f: {  	v7 =	vld [tilespmem:s22+$0x10];
	[tilespmem:s13+$0x20] =	vst v2  }
0x280: {  	v6 =	vld [tilespmem:s22+$0xFFFFFFC0];
	[tilespmem:s13+$0xFFFFFFD0] =	vst v3;
	s13 =	smov.u32 s22  }
0x281: {  	v1 =	vld.idx.msk [tilespmem:v4+s15+$0x0], $0xffff  }
0x282: {  	v9 =	vld [tilespmem:s22+$0xFFFFFFE0]  }
0x283: {  	v2 =	vld [tilespmem:s22+$0x20]  }
.Ltmp3:
0x284: {  	v3 =	vld [tilespmem:s22+$0xFFFFFFD0];
	(pc) =	sbr.rel @p0 .LBB2_9-.Ltmp3, $3  }
0x285: {  	v4 =	vld [tilespmem:s22+$0x0];
	_ =	sdelay $0x1  }
0x286: {  	v6 =	vmul.f32 v6, v1;
	v8 =	vmul.f32 v5, v1  }
0x287: {  	v7 =	vmul.f32 v7, v1;
	v5 =	vmul.f32 v9, v1  }
0x288: {  	[tilespmem:s13+$0x30] =	vst v8  }
0x289: {  	[tilespmem:s13+$0xFFFFFFC0] =	vst v6  }
0x28a: {  	v0 =	vmul.f32 v0, v1;
	[tilespmem:s13+$0x10] =	vst v7  }
0x28b: {  	v2 =	vmul.f32 v2, v1;
	[tilespmem:s13+$0xFFFFFFE0] =	vst v5  }
0x28c: {  	v4 =	vmul.f32 v4, v1;
	[tilespmem:s13+$0xFFFFFFF0] =	vst v0  }
0x28d: {  	v0 =	vmul.f32 v3, v1;
	[tilespmem:s13+$0x20] =	vst v2  }
0x28e: {  	[tilespmem:s13+$0x0] =	vst v4  }
0x28f: {  	[tilespmem:s13+$0xFFFFFFD0] =	vst v0  }
0x290: {  	[spmem:s18] =	stream.indirect.scatter.add.f32 [tilespmem:s11], [sflag:$0x3], $0x80, s5, s7, $0x2000b8;
	[tilespmem:$0x1F980] =	vst v63  }
0x291: {  	_ =	swait.ge [sflag:s16], $0x4000  }
0x292: {  	[sflag:s16] =	ssyncset.done $0x0  }
0x293: {  	[sflag:s16] =	ssyncadd.s32 $0xFFFFC000  }
0x294: {  	_ =	swait.ge [sflag:s19], $0x4000  }
0x295: {  	[sflag:s19] =	ssyncset.done $0x0  }
0x296: {  	s22 =	simm.s32 $0x14780;
	[sflag:s19] =	ssyncadd.s32 $0xFFFFC000  }
0x297: {  	[tilespmem:s11], [sflag:$0x1] =	stream.indirect.gather [hbm4b:s26+s7], $0x80, s22, s7, $0x2000b8;
	[tilespmem:$0x1F980] =	vst v63  }
0x298: {  	v0 =	vld [tilespmem:$0x14700];
	_ =	sdelay $0x1  }
0x299: {  	v1 =	vld [tilespmem:$0x14300];
	_ =	sdelay $0x4  }
0x29a: {  	v2 =	vld [tilespmem:$0x14B00]  }
0x29b: {  	v0 =	vld.idx.msk [tilespmem:v0+s4+$0x0], $0xffff  }
0x29c: {  	v3 =	vld [tilespmem:$0x14710]  }
0x29d: {  	v1 =	vld.idx.msk [tilespmem:v1+s4+$0x0], $0xffff  }
0x29e: {  	v4 =	vld [tilespmem:$0x14310];
	_ =	sdelay $0x1  }
0x29f: {  	v0 =	vmul.f32 v0, v2;
	_ =	sdelay $0x1  }
0x2a0: {  	v0 =	vmul.f32 v1, v0;
	_ =	sdelay $0x1  }
0x2a1: {  	[tilespmem:$0x1F900] =	vst v0;
	v0 =	vld [tilespmem:$0x14B10]  }
0x2a2: {  	v1 =	vld.idx.msk [tilespmem:v3+s4+$0x0], $0xffff  }
0x2a3: {  	v2 =	vld.idx.msk [tilespmem:v4+s4+$0x0], $0xffff  }
0x2a4: {  	v3 =	vld [tilespmem:$0x14720]  }
0x2a5: {  	v4 =	vld [tilespmem:$0x14320];
	_ =	sdelay $0x1  }
0x2a6: {  	v0 =	vmul.f32 v1, v0;
	_ =	sdelay $0x1  }
0x2a7: {  	v0 =	vmul.f32 v2, v0;
	_ =	sdelay $0x1  }
0x2a8: {  	[tilespmem:$0x1F910] =	vst v0;
	v0 =	vld [tilespmem:$0x14B20]  }
0x2a9: {  	v1 =	vld.idx.msk [tilespmem:v3+s4+$0x0], $0xffff  }
0x2aa: {  	v2 =	vld.idx.msk [tilespmem:v4+s4+$0x0], $0xffff  }
0x2ab: {  	v3 =	vld [tilespmem:$0x14730]  }
0x2ac: {  	v4 =	vld [tilespmem:$0x14330];
	_ =	sdelay $0x1  }
0x2ad: {  	v0 =	vmul.f32 v1, v0;
	_ =	sdelay $0x1  }
0x2ae: {  	v0 =	vmul.f32 v2, v0;
	_ =	sdelay $0x1  }
0x2af: {  	[tilespmem:$0x1F920] =	vst v0;
	v0 =	vld [tilespmem:$0x14B30]  }
0x2b0: {  	v1 =	vld.idx.msk [tilespmem:v3+s4+$0x0], $0xffff  }
0x2b1: {  	v2 =	vld.idx.msk [tilespmem:v4+s4+$0x0], $0xffff  }
0x2b2: {  	v3 =	vld [tilespmem:$0x14740]  }
0x2b3: {  	v4 =	vld [tilespmem:$0x14340];
	_ =	sdelay $0x1  }
0x2b4: {  	v0 =	vmul.f32 v1, v0;
	_ =	sdelay $0x1  }
0x2b5: {  	v0 =	vmul.f32 v2, v0;
	_ =	sdelay $0x1  }
0x2b6: {  	[tilespmem:$0x1F930] =	vst v0;
	v0 =	vld [tilespmem:$0x14B40]  }
0x2b7: {  	v1 =	vld.idx.msk [tilespmem:v3+s4+$0x0], $0xffff  }
0x2b8: {  	v2 =	vld.idx.msk [tilespmem:v4+s4+$0x0], $0xffff  }
0x2b9: {  	v3 =	vld [tilespmem:$0x14750]  }
0x2ba: {  	v4 =	vld [tilespmem:$0x14350];
	_ =	sdelay $0x1  }
0x2bb: {  	v0 =	vmul.f32 v1, v0;
	_ =	sdelay $0x1  }
0x2bc: {  	v0 =	vmul.f32 v2, v0;
	_ =	sdelay $0x1  }
0x2bd: {  	[tilespmem:$0x1F940] =	vst v0;
	v0 =	vld [tilespmem:$0x14B50]  }
0x2be: {  	v1 =	vld.idx.msk [tilespmem:v3+s4+$0x0], $0xffff  }
0x2bf: {  	v2 =	vld.idx.msk [tilespmem:v4+s4+$0x0], $0xffff  }
0x2c0: {  	v3 =	vld [tilespmem:$0x14760]  }
0x2c1: {  	v4 =	vld [tilespmem:$0x14360];
	_ =	sdelay $0x1  }
0x2c2: {  	v0 =	vmul.f32 v1, v0;
	_ =	sdelay $0x1  }
0x2c3: {  	v0 =	vmul.f32 v2, v0;
	_ =	sdelay $0x1  }
0x2c4: {  	[tilespmem:$0x1F950] =	vst v0;
	v0 =	vld [tilespmem:$0x14B60]  }
0x2c5: {  	v1 =	vld.idx.msk [tilespmem:v3+s4+$0x0], $0xffff  }
0x2c6: {  	v2 =	vld.idx.msk [tilespmem:v4+s4+$0x0], $0xffff  }
0x2c7: {  	v3 =	vld [tilespmem:$0x14770];
	_ =	sdelay $0x1  }
0x2c8: {  	v4 =	vld [tilespmem:$0x14370]  }
0x2c9: {  	v0 =	vmul.f32 v1, v0;
	_ =	sdelay $0x1  }
0x2ca: {  	v0 =	vmul.f32 v2, v0;
	_ =	sdelay $0x1  }
0x2cb: {  	[tilespmem:$0x1F960] =	vst v0;
	v0 =	vld [tilespmem:$0x14B70]  }
0x2cc: {  	v1 =	vld.idx.msk [tilespmem:v3+s4+$0x0], $0xffff;
	_ =	sdelay $0x1  }
0x2cd: {  	v2 =	vld.idx.msk [tilespmem:v4+s4+$0x0], $0xffff;
	_ =	sdelay $0x2  }
0x2ce: {  	v0 =	vmul.f32 v1, v0;
	_ =	sdelay $0x1  }
0x2cf: {  	s29 =	simm.s32 $0x0;
	v0 =	vmul.f32 v2, v0  }
0x2d0: {  	v1 =	vmov s29  }
0x2d1: {  	s13 =	simm.s32 $0x18EC0;
	[tilespmem:$0x1F970] =	vst v0  }
0x2d2: {  	v4 =	vld [tilespmem:s13+$0x30]  }
0x2d3: {  	v7 =	vld [tilespmem:s13+$0x10]  }
0x2d4: {  	v5 =	vld [tilespmem:s13+$0xFFFFFFC0]  }
0x2d5: {  	v1 =	vld.idx.msk [tilespmem:v1+s15+$0x0], $0xffff  }
0x2d6: {  	v9 =	vld [tilespmem:s13+$0xFFFFFFE0]  }
0x2d7: {  	v0 =	vld [tilespmem:s13+$0xFFFFFFF0]  }
0x2d8: {  	v2 =	vld [tilespmem:s13+$0x20]  }
0x2d9: {  	v3 =	vld [tilespmem:s13+$0xFFFFFFD0]  }
0x2da: {  	v8 =	vmul.f32 v4, v1;
	v4 =	vld [tilespmem:s13+$0x0]  }
0x2db: {  	v6 =	vmul.f32 v5, v1  }
0x2dc: {  	s20 =	simm.s32 $0x1;
	s22 =	simm.s32 $0x18EC0;
	v5 =	vmul.f32 v9, v1;
	v7 =	vmul.f32 v7, v1  }
.LBB2_11:
0x2dd: {  	p0 =	sne.s32 s20, $0x7F  }
0x2de: {  	v3 =	vmul.f32 v3, v1;
	v2 =	vmul.f32 v2, v1;
	[tilespmem:s13+$0x30] =	vst v8;
	s22 =	sadd.s32 $0x80, s22;
	s29 =	smov.u32 s20;
	s20 =	sadd.s32 $0x1, s20  }
0x2df: {  	[tilespmem:s13+$0xFFFFFFC0] =	vst v6;
	v6 =	vmul.f32 v0, v1;
	v1 =	vmul.f32 v4, v1  }
0x2e0: {  	[tilespmem:s13+$0x10] =	vst v7  }
0x2e1: {  	v4 =	vmov s29;
	[tilespmem:s13+$0xFFFFFFE0] =	vst v5  }
0x2e2: {  	v0 =	vld [tilespmem:s22+$0xFFFFFFF0];
	[tilespmem:s13+$0xFFFFFFF0] =	vst v6  }
0x2e3: {  	v5 =	vld [tilespmem:s22+$0x30];
	[tilespmem:s13+$0x0] =	vst v1  }
0x2e4: {  	v7 =	vld [tilespmem:s22+$0x10];
	[tilespmem:s13+$0x20] =	vst v2  }
0x2e5: {  	v6 =	vld [tilespmem:s22+$0xFFFFFFC0];
	[tilespmem:s13+$0xFFFFFFD0] =	vst v3;
	s13 =	smov.u32 s22  }
0x2e6: {  	v1 =	vld.idx.msk [tilespmem:v4+s15+$0x0], $0xffff  }
0x2e7: {  	v9 =	vld [tilespmem:s22+$0xFFFFFFE0]  }
0x2e8: {  	v2 =	vld [tilespmem:s22+$0x20]  }
.Ltmp4:
0x2e9: {  	v3 =	vld [tilespmem:s22+$0xFFFFFFD0];
	(pc) =	sbr.rel @p0 .LBB2_11-.Ltmp4, $3  }
0x2ea: {  	v4 =	vld [tilespmem:s22+$0x0];
	_ =	sdelay $0x1  }
0x2eb: {  	v6 =	vmul.f32 v6, v1;
	v8 =	vmul.f32 v5, v1  }
0x2ec: {  	v7 =	vmul.f32 v7, v1;
	v5 =	vmul.f32 v9, v1  }
0x2ed: {  	[tilespmem:s13+$0x30] =	vst v8  }
0x2ee: {  	[tilespmem:s13+$0xFFFFFFC0] =	vst v6  }
0x2ef: {  	v0 =	vmul.f32 v0, v1;
	[tilespmem:s13+$0x10] =	vst v7  }
0x2f0: {  	v2 =	vmul.f32 v2, v1;
	[tilespmem:s13+$0xFFFFFFE0] =	vst v5  }
0x2f1: {  	v4 =	vmul.f32 v4, v1;
	[tilespmem:s13+$0xFFFFFFF0] =	vst v0  }
0x2f2: {  	v0 =	vmul.f32 v3, v1;
	[tilespmem:s13+$0x20] =	vst v2  }
0x2f3: {  	[tilespmem:s13+$0x0] =	vst v4  }
0x2f4: {  	s20 =	simm.s32 $0x14300;
	[tilespmem:s13+$0xFFFFFFD0] =	vst v0  }
0x2f5: {  	[spmem:s18] =	stream.indirect.scatter.add.f32 [tilespmem:s14], [sflag:$0x4], $0x80, s20, s7, $0x2000b8;
	[tilespmem:$0x1F980] =	vst v63  }
0x2f6: {  	_ =	swait.ge [sflag:s12], $0x4000  }
0x2f7: {  	[sflag:s12] =	ssyncset.done $0x0  }
0x2f8: {  	[sflag:s12] =	ssyncadd.s32 $0xFFFFC000  }
0x2f9: {  	_ =	swait.ge [sflag:s28], $0x4000  }
0x2fa: {  	[sflag:s28] =	ssyncset.done $0x0  }
0x2fb: {  	s22 =	simm.s32 $0x14800;
	[sflag:s28] =	ssyncadd.s32 $0xFFFFC000  }
0x2fc: {  	[tilespmem:s14], [sflag:$0x2] =	stream.indirect.gather [hbm4b:s26+s7], $0x80, s22, s7, $0x2000b8;
	[tilespmem:$0x1F980] =	vst v63  }
0x2fd: {  	v0 =	vld [tilespmem:$0x14780];
	_ =	sdelay $0x1  }
0x2fe: {  	v1 =	vld [tilespmem:$0x14380];
	_ =	sdelay $0x4  }
0x2ff: {  	v2 =	vld [tilespmem:$0x14B80]  }
0x300: {  	v0 =	vld.idx.msk [tilespmem:v0+s4+$0x0], $0xffff  }
0x301: {  	v3 =	vld [tilespmem:$0x14790]  }
0x302: {  	v1 =	vld.idx.msk [tilespmem:v1+s4+$0x0], $0xffff  }
0x303: {  	v4 =	vld [tilespmem:$0x14390];
	_ =	sdelay $0x1  }
0x304: {  	v0 =	vmul.f32 v0, v2;
	_ =	sdelay $0x1  }
0x305: {  	v0 =	vmul.f32 v1, v0;
	_ =	sdelay $0x1  }
0x306: {  	[tilespmem:$0x1F900] =	vst v0;
	v0 =	vld [tilespmem:$0x14B90]  }
0x307: {  	v1 =	vld.idx.msk [tilespmem:v3+s4+$0x0], $0xffff  }
0x308: {  	v2 =	vld.idx.msk [tilespmem:v4+s4+$0x0], $0xffff  }
0x309: {  	v3 =	vld [tilespmem:$0x147A0]  }
0x30a: {  	v4 =	vld [tilespmem:$0x143A0];
	_ =	sdelay $0x1  }
0x30b: {  	v0 =	vmul.f32 v1, v0;
	_ =	sdelay $0x1  }
0x30c: {  	v0 =	vmul.f32 v2, v0;
	_ =	sdelay $0x1  }
0x30d: {  	[tilespmem:$0x1F910] =	vst v0;
	v0 =	vld [tilespmem:$0x14BA0]  }
0x30e: {  	v1 =	vld.idx.msk [tilespmem:v3+s4+$0x0], $0xffff  }
0x30f: {  	v2 =	vld.idx.msk [tilespmem:v4+s4+$0x0], $0xffff  }
0x310: {  	v3 =	vld [tilespmem:$0x147B0]  }
0x311: {  	v4 =	vld [tilespmem:$0x143B0];
	_ =	sdelay $0x1  }
0x312: {  	v0 =	vmul.f32 v1, v0;
	_ =	sdelay $0x1  }
0x313: {  	v0 =	vmul.f32 v2, v0;
	_ =	sdelay $0x1  }
0x314: {  	[tilespmem:$0x1F920] =	vst v0;
	v0 =	vld [tilespmem:$0x14BB0]  }
0x315: {  	v1 =	vld.idx.msk [tilespmem:v3+s4+$0x0], $0xffff  }
0x316: {  	v2 =	vld.idx.msk [tilespmem:v4+s4+$0x0], $0xffff  }
0x317: {  	v3 =	vld [tilespmem:$0x147C0]  }
0x318: {  	v4 =	vld [tilespmem:$0x143C0];
	_ =	sdelay $0x1  }
0x319: {  	v0 =	vmul.f32 v1, v0;
	_ =	sdelay $0x1  }
0x31a: {  	v0 =	vmul.f32 v2, v0;
	_ =	sdelay $0x1  }
0x31b: {  	[tilespmem:$0x1F930] =	vst v0;
	v0 =	vld [tilespmem:$0x14BC0]  }
0x31c: {  	v1 =	vld.idx.msk [tilespmem:v3+s4+$0x0], $0xffff  }
0x31d: {  	v2 =	vld.idx.msk [tilespmem:v4+s4+$0x0], $0xffff  }
0x31e: {  	v3 =	vld [tilespmem:$0x147D0]  }
0x31f: {  	v4 =	vld [tilespmem:$0x143D0];
	_ =	sdelay $0x1  }
0x320: {  	v0 =	vmul.f32 v1, v0;
	_ =	sdelay $0x1  }
0x321: {  	v0 =	vmul.f32 v2, v0;
	_ =	sdelay $0x1  }
0x322: {  	[tilespmem:$0x1F940] =	vst v0;
	v0 =	vld [tilespmem:$0x14BD0]  }
0x323: {  	v1 =	vld.idx.msk [tilespmem:v3+s4+$0x0], $0xffff  }
0x324: {  	v2 =	vld.idx.msk [tilespmem:v4+s4+$0x0], $0xffff  }
0x325: {  	v3 =	vld [tilespmem:$0x147E0]  }
0x326: {  	v4 =	vld [tilespmem:$0x143E0];
	_ =	sdelay $0x1  }
0x327: {  	v0 =	vmul.f32 v1, v0;
	_ =	sdelay $0x1  }
0x328: {  	v0 =	vmul.f32 v2, v0;
	_ =	sdelay $0x1  }
0x329: {  	[tilespmem:$0x1F950] =	vst v0;
	v0 =	vld [tilespmem:$0x14BE0]  }
0x32a: {  	v1 =	vld.idx.msk [tilespmem:v3+s4+$0x0], $0xffff  }
0x32b: {  	v2 =	vld.idx.msk [tilespmem:v4+s4+$0x0], $0xffff  }
0x32c: {  	v3 =	vld [tilespmem:$0x147F0];
	_ =	sdelay $0x1  }
0x32d: {  	v4 =	vld [tilespmem:$0x143F0]  }
0x32e: {  	v0 =	vmul.f32 v1, v0;
	_ =	sdelay $0x1  }
0x32f: {  	v0 =	vmul.f32 v2, v0;
	_ =	sdelay $0x1  }
0x330: {  	[tilespmem:$0x1F960] =	vst v0;
	v0 =	vld [tilespmem:$0x14BF0]  }
0x331: {  	v1 =	vld.idx.msk [tilespmem:v3+s4+$0x0], $0xffff;
	_ =	sdelay $0x1  }
0x332: {  	v2 =	vld.idx.msk [tilespmem:v4+s4+$0x0], $0xffff;
	_ =	sdelay $0x2  }
0x333: {  	v0 =	vmul.f32 v1, v0;
	_ =	sdelay $0x1  }
0x334: {  	s29 =	simm.s32 $0x0;
	v0 =	vmul.f32 v2, v0  }
0x335: {  	v1 =	vmov s29  }
0x336: {  	s13 =	simm.s32 $0x14EC0;
	[tilespmem:$0x1F970] =	vst v0  }
0x337: {  	v4 =	vld [tilespmem:s13+$0x30]  }
0x338: {  	v7 =	vld [tilespmem:s13+$0x10]  }
0x339: {  	v5 =	vld [tilespmem:s13+$0xFFFFFFC0]  }
0x33a: {  	v1 =	vld.idx.msk [tilespmem:v1+s15+$0x0], $0xffff  }
0x33b: {  	v9 =	vld [tilespmem:s13+$0xFFFFFFE0]  }
0x33c: {  	v0 =	vld [tilespmem:s13+$0xFFFFFFF0]  }
0x33d: {  	v2 =	vld [tilespmem:s13+$0x20]  }
0x33e: {  	v3 =	vld [tilespmem:s13+$0xFFFFFFD0]  }
0x33f: {  	v8 =	vmul.f32 v4, v1;
	v4 =	vld [tilespmem:s13+$0x0]  }
0x340: {  	v6 =	vmul.f32 v5, v1  }
0x341: {  	s20 =	simm.s32 $0x1;
	s22 =	simm.s32 $0x14EC0;
	v5 =	vmul.f32 v9, v1;
	v7 =	vmul.f32 v7, v1  }
.LBB2_13:
0x342: {  	p0 =	sne.s32 s20, $0x7F  }
0x343: {  	v3 =	vmul.f32 v3, v1;
	v2 =	vmul.f32 v2, v1;
	[tilespmem:s13+$0x30] =	vst v8;
	s22 =	sadd.s32 $0x80, s22;
	s29 =	smov.u32 s20;
	s20 =	sadd.s32 $0x1, s20  }
0x344: {  	[tilespmem:s13+$0xFFFFFFC0] =	vst v6;
	v6 =	vmul.f32 v0, v1;
	v1 =	vmul.f32 v4, v1  }
0x345: {  	[tilespmem:s13+$0x10] =	vst v7  }
0x346: {  	v4 =	vmov s29;
	[tilespmem:s13+$0xFFFFFFE0] =	vst v5  }
0x347: {  	v0 =	vld [tilespmem:s22+$0xFFFFFFF0];
	[tilespmem:s13+$0xFFFFFFF0] =	vst v6  }
0x348: {  	v5 =	vld [tilespmem:s22+$0x30];
	[tilespmem:s13+$0x0] =	vst v1  }
0x349: {  	v7 =	vld [tilespmem:s22+$0x10];
	[tilespmem:s13+$0x20] =	vst v2  }
0x34a: {  	v6 =	vld [tilespmem:s22+$0xFFFFFFC0];
	[tilespmem:s13+$0xFFFFFFD0] =	vst v3;
	s13 =	smov.u32 s22  }
0x34b: {  	v1 =	vld.idx.msk [tilespmem:v4+s15+$0x0], $0xffff  }
0x34c: {  	v9 =	vld [tilespmem:s22+$0xFFFFFFE0]  }
0x34d: {  	v2 =	vld [tilespmem:s22+$0x20]  }
.Ltmp5:
0x34e: {  	v3 =	vld [tilespmem:s22+$0xFFFFFFD0];
	(pc) =	sbr.rel @p0 .LBB2_13-.Ltmp5, $3  }
0x34f: {  	v4 =	vld [tilespmem:s22+$0x0];
	_ =	sdelay $0x1  }
0x350: {  	v6 =	vmul.f32 v6, v1;
	v8 =	vmul.f32 v5, v1  }
0x351: {  	v7 =	vmul.f32 v7, v1;
	v5 =	vmul.f32 v9, v1  }
0x352: {  	[tilespmem:s13+$0x30] =	vst v8  }
0x353: {  	[tilespmem:s13+$0xFFFFFFC0] =	vst v6  }
0x354: {  	v0 =	vmul.f32 v0, v1;
	[tilespmem:s13+$0x10] =	vst v7  }
0x355: {  	v2 =	vmul.f32 v2, v1;
	[tilespmem:s13+$0xFFFFFFE0] =	vst v5  }
0x356: {  	v4 =	vmul.f32 v4, v1;
	[tilespmem:s13+$0xFFFFFFF0] =	vst v0  }
0x357: {  	v0 =	vmul.f32 v3, v1;
	[tilespmem:s13+$0x20] =	vst v2  }
0x358: {  	[tilespmem:s13+$0x0] =	vst v4  }
0x359: {  	s20 =	simm.s32 $0x14380;
	[tilespmem:s13+$0xFFFFFFD0] =	vst v0  }
0x35a: {  	[spmem:s18] =	stream.indirect.scatter.add.f32 [tilespmem:s11], [sflag:$0x3], $0x80, s20, s7, $0x2000b8;
	[tilespmem:$0x1F980] =	vst v63  }
0x35b: {  	_ =	swait.ge [sflag:s16], $0x4000  }
0x35c: {  	[sflag:s16] =	ssyncset.done $0x0  }
0x35d: {  	[sflag:s16] =	ssyncadd.s32 $0xFFFFC000  }
0x35e: {  	_ =	swait.ge [sflag:s19], $0x4000  }
0x35f: {  	[sflag:s19] =	ssyncset.done $0x0  }
0x360: {  	s22 =	simm.s32 $0x14880;
	[sflag:s19] =	ssyncadd.s32 $0xFFFFC000  }
0x361: {  	[tilespmem:s11], [sflag:$0x1] =	stream.indirect.gather [hbm4b:s26+s7], $0x80, s22, s7, $0x2000b8;
	[tilespmem:$0x1F980] =	vst v63  }
0x362: {  	v0 =	vld [tilespmem:$0x14800];
	_ =	sdelay $0x1  }
0x363: {  	v1 =	vld [tilespmem:$0x14400];
	_ =	sdelay $0x4  }
0x364: {  	v2 =	vld [tilespmem:$0x14C00]  }
0x365: {  	v0 =	vld.idx.msk [tilespmem:v0+s4+$0x0], $0xffff  }
0x366: {  	v3 =	vld [tilespmem:$0x14810]  }
0x367: {  	v1 =	vld.idx.msk [tilespmem:v1+s4+$0x0], $0xffff  }
0x368: {  	v4 =	vld [tilespmem:$0x14410];
	_ =	sdelay $0x1  }
0x369: {  	v0 =	vmul.f32 v0, v2;
	_ =	sdelay $0x1  }
0x36a: {  	v0 =	vmul.f32 v1, v0;
	_ =	sdelay $0x1  }
0x36b: {  	[tilespmem:$0x1F900] =	vst v0;
	v0 =	vld [tilespmem:$0x14C10]  }
0x36c: {  	v1 =	vld.idx.msk [tilespmem:v3+s4+$0x0], $0xffff  }
0x36d: {  	v2 =	vld.idx.msk [tilespmem:v4+s4+$0x0], $0xffff  }
0x36e: {  	v3 =	vld [tilespmem:$0x14820]  }
0x36f: {  	v4 =	vld [tilespmem:$0x14420];
	_ =	sdelay $0x1  }
0x370: {  	v0 =	vmul.f32 v1, v0;
	_ =	sdelay $0x1  }
0x371: {  	v0 =	vmul.f32 v2, v0;
	_ =	sdelay $0x1  }
0x372: {  	[tilespmem:$0x1F910] =	vst v0;
	v0 =	vld [tilespmem:$0x14C20]  }
0x373: {  	v1 =	vld.idx.msk [tilespmem:v3+s4+$0x0], $0xffff  }
0x374: {  	v2 =	vld.idx.msk [tilespmem:v4+s4+$0x0], $0xffff  }
0x375: {  	v3 =	vld [tilespmem:$0x14830]  }
0x376: {  	v4 =	vld [tilespmem:$0x14430];
	_ =	sdelay $0x1  }
0x377: {  	v0 =	vmul.f32 v1, v0;
	_ =	sdelay $0x1  }
0x378: {  	v0 =	vmul.f32 v2, v0;
	_ =	sdelay $0x1  }
0x379: {  	[tilespmem:$0x1F920] =	vst v0;
	v0 =	vld [tilespmem:$0x14C30]  }
0x37a: {  	v1 =	vld.idx.msk [tilespmem:v3+s4+$0x0], $0xffff  }
0x37b: {  	v2 =	vld.idx.msk [tilespmem:v4+s4+$0x0], $0xffff  }
0x37c: {  	v3 =	vld [tilespmem:$0x14840]  }
0x37d: {  	v4 =	vld [tilespmem:$0x14440];
	_ =	sdelay $0x1  }
0x37e: {  	v0 =	vmul.f32 v1, v0;
	_ =	sdelay $0x1  }
0x37f: {  	v0 =	vmul.f32 v2, v0;
	_ =	sdelay $0x1  }
0x380: {  	[tilespmem:$0x1F930] =	vst v0;
	v0 =	vld [tilespmem:$0x14C40]  }
0x381: {  	v1 =	vld.idx.msk [tilespmem:v3+s4+$0x0], $0xffff  }
0x382: {  	v2 =	vld.idx.msk [tilespmem:v4+s4+$0x0], $0xffff  }
0x383: {  	v3 =	vld [tilespmem:$0x14850]  }
0x384: {  	v4 =	vld [tilespmem:$0x14450];
	_ =	sdelay $0x1  }
0x385: {  	v0 =	vmul.f32 v1, v0;
	_ =	sdelay $0x1  }
0x386: {  	v0 =	vmul.f32 v2, v0;
	_ =	sdelay $0x1  }
0x387: {  	[tilespmem:$0x1F940] =	vst v0;
	v0 =	vld [tilespmem:$0x14C50]  }
0x388: {  	v1 =	vld.idx.msk [tilespmem:v3+s4+$0x0], $0xffff  }
0x389: {  	v2 =	vld.idx.msk [tilespmem:v4+s4+$0x0], $0xffff  }
0x38a: {  	v3 =	vld [tilespmem:$0x14860]  }
0x38b: {  	v4 =	vld [tilespmem:$0x14460];
	_ =	sdelay $0x1  }
0x38c: {  	v0 =	vmul.f32 v1, v0;
	_ =	sdelay $0x1  }
0x38d: {  	v0 =	vmul.f32 v2, v0;
	_ =	sdelay $0x1  }
0x38e: {  	[tilespmem:$0x1F950] =	vst v0;
	v0 =	vld [tilespmem:$0x14C60]  }
0x38f: {  	v1 =	vld.idx.msk [tilespmem:v3+s4+$0x0], $0xffff  }
0x390: {  	v2 =	vld.idx.msk [tilespmem:v4+s4+$0x0], $0xffff  }
0x391: {  	v3 =	vld [tilespmem:$0x14870];
	_ =	sdelay $0x1  }
0x392: {  	v4 =	vld [tilespmem:$0x14470]  }
0x393: {  	v0 =	vmul.f32 v1, v0;
	_ =	sdelay $0x1  }
0x394: {  	v0 =	vmul.f32 v2, v0;
	_ =	sdelay $0x1  }
0x395: {  	[tilespmem:$0x1F960] =	vst v0;
	v0 =	vld [tilespmem:$0x14C70]  }
0x396: {  	v1 =	vld.idx.msk [tilespmem:v3+s4+$0x0], $0xffff;
	_ =	sdelay $0x1  }
0x397: {  	v2 =	vld.idx.msk [tilespmem:v4+s4+$0x0], $0xffff;
	_ =	sdelay $0x2  }
0x398: {  	v0 =	vmul.f32 v1, v0;
	_ =	sdelay $0x1  }
0x399: {  	s29 =	simm.s32 $0x0;
	v0 =	vmul.f32 v2, v0  }
0x39a: {  	v1 =	vmov s29  }
0x39b: {  	s13 =	simm.s32 $0x18EC0;
	[tilespmem:$0x1F970] =	vst v0  }
0x39c: {  	v4 =	vld [tilespmem:s13+$0x30]  }
0x39d: {  	v7 =	vld [tilespmem:s13+$0x10]  }
0x39e: {  	v5 =	vld [tilespmem:s13+$0xFFFFFFC0]  }
0x39f: {  	v1 =	vld.idx.msk [tilespmem:v1+s15+$0x0], $0xffff  }
0x3a0: {  	v9 =	vld [tilespmem:s13+$0xFFFFFFE0]  }
0x3a1: {  	v0 =	vld [tilespmem:s13+$0xFFFFFFF0]  }
0x3a2: {  	v2 =	vld [tilespmem:s13+$0x20]  }
0x3a3: {  	v3 =	vld [tilespmem:s13+$0xFFFFFFD0]  }
0x3a4: {  	v8 =	vmul.f32 v4, v1;
	v4 =	vld [tilespmem:s13+$0x0]  }
0x3a5: {  	v6 =	vmul.f32 v5, v1  }
0x3a6: {  	s20 =	simm.s32 $0x1;
	s22 =	simm.s32 $0x18EC0;
	v5 =	vmul.f32 v9, v1;
	v7 =	vmul.f32 v7, v1  }
.LBB2_15:
0x3a7: {  	p0 =	sne.s32 s20, $0x7F  }
0x3a8: {  	v3 =	vmul.f32 v3, v1;
	v2 =	vmul.f32 v2, v1;
	[tilespmem:s13+$0x30] =	vst v8;
	s22 =	sadd.s32 $0x80, s22;
	s29 =	smov.u32 s20;
	s20 =	sadd.s32 $0x1, s20  }
0x3a9: {  	[tilespmem:s13+$0xFFFFFFC0] =	vst v6;
	v6 =	vmul.f32 v0, v1;
	v1 =	vmul.f32 v4, v1  }
0x3aa: {  	[tilespmem:s13+$0x10] =	vst v7  }
0x3ab: {  	v4 =	vmov s29;
	[tilespmem:s13+$0xFFFFFFE0] =	vst v5  }
0x3ac: {  	v0 =	vld [tilespmem:s22+$0xFFFFFFF0];
	[tilespmem:s13+$0xFFFFFFF0] =	vst v6  }
0x3ad: {  	v5 =	vld [tilespmem:s22+$0x30];
	[tilespmem:s13+$0x0] =	vst v1  }
0x3ae: {  	v7 =	vld [tilespmem:s22+$0x10];
	[tilespmem:s13+$0x20] =	vst v2  }
0x3af: {  	v6 =	vld [tilespmem:s22+$0xFFFFFFC0];
	[tilespmem:s13+$0xFFFFFFD0] =	vst v3;
	s13 =	smov.u32 s22  }
0x3b0: {  	v1 =	vld.idx.msk [tilespmem:v4+s15+$0x0], $0xffff  }
0x3b1: {  	v9 =	vld [tilespmem:s22+$0xFFFFFFE0]  }
0x3b2: {  	v2 =	vld [tilespmem:s22+$0x20]  }
.Ltmp6:
0x3b3: {  	v3 =	vld [tilespmem:s22+$0xFFFFFFD0];
	(pc) =	sbr.rel @p0 .LBB2_15-.Ltmp6, $3  }
0x3b4: {  	v4 =	vld [tilespmem:s22+$0x0];
	_ =	sdelay $0x1  }
0x3b5: {  	v6 =	vmul.f32 v6, v1;
	v8 =	vmul.f32 v5, v1  }
0x3b6: {  	v7 =	vmul.f32 v7, v1;
	v5 =	vmul.f32 v9, v1  }
0x3b7: {  	[tilespmem:s13+$0x30] =	vst v8  }
0x3b8: {  	[tilespmem:s13+$0xFFFFFFC0] =	vst v6  }
0x3b9: {  	v0 =	vmul.f32 v0, v1;
	[tilespmem:s13+$0x10] =	vst v7  }
0x3ba: {  	v2 =	vmul.f32 v2, v1;
	[tilespmem:s13+$0xFFFFFFE0] =	vst v5  }
0x3bb: {  	v4 =	vmul.f32 v4, v1;
	[tilespmem:s13+$0xFFFFFFF0] =	vst v0  }
0x3bc: {  	v0 =	vmul.f32 v3, v1;
	[tilespmem:s13+$0x20] =	vst v2  }
0x3bd: {  	[tilespmem:s13+$0x0] =	vst v4  }
0x3be: {  	s20 =	simm.s32 $0x14400;
	[tilespmem:s13+$0xFFFFFFD0] =	vst v0  }
0x3bf: {  	[spmem:s18] =	stream.indirect.scatter.add.f32 [tilespmem:s14], [sflag:$0x4], $0x80, s20, s7, $0x2000b8;
	[tilespmem:$0x1F980] =	vst v63  }
0x3c0: {  	_ =	swait.ge [sflag:s12], $0x4000  }
0x3c1: {  	[sflag:s12] =	ssyncset.done $0x0  }
0x3c2: {  	[sflag:s12] =	ssyncadd.s32 $0xFFFFC000  }
0x3c3: {  	_ =	swait.ge [sflag:s28], $0x4000  }
0x3c4: {  	[sflag:s28] =	ssyncset.done $0x0  }
0x3c5: {  	s22 =	simm.s32 $0x14900;
	[sflag:s28] =	ssyncadd.s32 $0xFFFFC000  }
0x3c6: {  	[tilespmem:s14], [sflag:$0x2] =	stream.indirect.gather [hbm4b:s26+s7], $0x80, s22, s7, $0x2000b8;
	[tilespmem:$0x1F980] =	vst v63  }
0x3c7: {  	v0 =	vld [tilespmem:$0x14880];
	_ =	sdelay $0x1  }
0x3c8: {  	v1 =	vld [tilespmem:$0x14480];
	_ =	sdelay $0x4  }
0x3c9: {  	v2 =	vld [tilespmem:$0x14C80]  }
0x3ca: {  	v0 =	vld.idx.msk [tilespmem:v0+s4+$0x0], $0xffff  }
0x3cb: {  	v3 =	vld [tilespmem:$0x14890]  }
0x3cc: {  	v1 =	vld.idx.msk [tilespmem:v1+s4+$0x0], $0xffff  }
0x3cd: {  	v4 =	vld [tilespmem:$0x14490];
	_ =	sdelay $0x1  }
0x3ce: {  	v0 =	vmul.f32 v0, v2;
	_ =	sdelay $0x1  }
0x3cf: {  	v0 =	vmul.f32 v1, v0;
	_ =	sdelay $0x1  }
0x3d0: {  	[tilespmem:$0x1F900] =	vst v0;
	v0 =	vld [tilespmem:$0x14C90]  }
0x3d1: {  	v1 =	vld.idx.msk [tilespmem:v3+s4+$0x0], $0xffff  }
0x3d2: {  	v2 =	vld.idx.msk [tilespmem:v4+s4+$0x0], $0xffff  }
0x3d3: {  	v3 =	vld [tilespmem:$0x148A0]  }
0x3d4: {  	v4 =	vld [tilespmem:$0x144A0];
	_ =	sdelay $0x1  }
0x3d5: {  	v0 =	vmul.f32 v1, v0;
	_ =	sdelay $0x1  }
0x3d6: {  	v0 =	vmul.f32 v2, v0;
	_ =	sdelay $0x1  }
0x3d7: {  	[tilespmem:$0x1F910] =	vst v0;
	v0 =	vld [tilespmem:$0x14CA0]  }
0x3d8: {  	v1 =	vld.idx.msk [tilespmem:v3+s4+$0x0], $0xffff  }
0x3d9: {  	v2 =	vld.idx.msk [tilespmem:v4+s4+$0x0], $0xffff  }
0x3da: {  	v3 =	vld [tilespmem:$0x148B0]  }
0x3db: {  	v4 =	vld [tilespmem:$0x144B0];
	_ =	sdelay $0x1  }
0x3dc: {  	v0 =	vmul.f32 v1, v0;
	_ =	sdelay $0x1  }
0x3dd: {  	v0 =	vmul.f32 v2, v0;
	_ =	sdelay $0x1  }
0x3de: {  	[tilespmem:$0x1F920] =	vst v0;
	v0 =	vld [tilespmem:$0x14CB0]  }
0x3df: {  	v1 =	vld.idx.msk [tilespmem:v3+s4+$0x0], $0xffff  }
0x3e0: {  	v2 =	vld.idx.msk [tilespmem:v4+s4+$0x0], $0xffff  }
0x3e1: {  	v3 =	vld [tilespmem:$0x148C0]  }
0x3e2: {  	v4 =	vld [tilespmem:$0x144C0];
	_ =	sdelay $0x1  }
0x3e3: {  	v0 =	vmul.f32 v1, v0;
	_ =	sdelay $0x1  }
0x3e4: {  	v0 =	vmul.f32 v2, v0;
	_ =	sdelay $0x1  }
0x3e5: {  	[tilespmem:$0x1F930] =	vst v0;
	v0 =	vld [tilespmem:$0x14CC0]  }
0x3e6: {  	v1 =	vld.idx.msk [tilespmem:v3+s4+$0x0], $0xffff  }
0x3e7: {  	v2 =	vld.idx.msk [tilespmem:v4+s4+$0x0], $0xffff  }
0x3e8: {  	v3 =	vld [tilespmem:$0x148D0]  }
0x3e9: {  	v4 =	vld [tilespmem:$0x144D0];
	_ =	sdelay $0x1  }
0x3ea: {  	v0 =	vmul.f32 v1, v0;
	_ =	sdelay $0x1  }
0x3eb: {  	v0 =	vmul.f32 v2, v0;
	_ =	sdelay $0x1  }
0x3ec: {  	[tilespmem:$0x1F940] =	vst v0;
	v0 =	vld [tilespmem:$0x14CD0]  }
0x3ed: {  	v1 =	vld.idx.msk [tilespmem:v3+s4+$0x0], $0xffff  }
0x3ee: {  	v2 =	vld.idx.msk [tilespmem:v4+s4+$0x0], $0xffff  }
0x3ef: {  	v3 =	vld [tilespmem:$0x148E0]  }
0x3f0: {  	v4 =	vld [tilespmem:$0x144E0];
	_ =	sdelay $0x1  }
0x3f1: {  	v0 =	vmul.f32 v1, v0;
	_ =	sdelay $0x1  }
0x3f2: {  	v0 =	vmul.f32 v2, v0;
	_ =	sdelay $0x1  }
0x3f3: {  	[tilespmem:$0x1F950] =	vst v0;
	v0 =	vld [tilespmem:$0x14CE0]  }
0x3f4: {  	v1 =	vld.idx.msk [tilespmem:v3+s4+$0x0], $0xffff  }
0x3f5: {  	v2 =	vld.idx.msk [tilespmem:v4+s4+$0x0], $0xffff  }
0x3f6: {  	v3 =	vld [tilespmem:$0x148F0];
	_ =	sdelay $0x1  }
0x3f7: {  	v4 =	vld [tilespmem:$0x144F0]  }
0x3f8: {  	v0 =	vmul.f32 v1, v0;
	_ =	sdelay $0x1  }
0x3f9: {  	v0 =	vmul.f32 v2, v0;
	_ =	sdelay $0x1  }
0x3fa: {  	[tilespmem:$0x1F960] =	vst v0;
	v0 =	vld [tilespmem:$0x14CF0]  }
0x3fb: {  	v1 =	vld.idx.msk [tilespmem:v3+s4+$0x0], $0xffff;
	_ =	sdelay $0x1  }
0x3fc: {  	v2 =	vld.idx.msk [tilespmem:v4+s4+$0x0], $0xffff;
	_ =	sdelay $0x2  }
0x3fd: {  	v0 =	vmul.f32 v1, v0;
	_ =	sdelay $0x1  }
0x3fe: {  	s29 =	simm.s32 $0x0;
	v0 =	vmul.f32 v2, v0  }
0x3ff: {  	v1 =	vmov s29  }
0x400: {  	s13 =	simm.s32 $0x14EC0;
	[tilespmem:$0x1F970] =	vst v0  }
0x401: {  	v4 =	vld [tilespmem:s13+$0x30]  }
0x402: {  	v7 =	vld [tilespmem:s13+$0x10]  }
0x403: {  	v5 =	vld [tilespmem:s13+$0xFFFFFFC0]  }
0x404: {  	v1 =	vld.idx.msk [tilespmem:v1+s15+$0x0], $0xffff  }
0x405: {  	v9 =	vld [tilespmem:s13+$0xFFFFFFE0]  }
0x406: {  	v0 =	vld [tilespmem:s13+$0xFFFFFFF0]  }
0x407: {  	v2 =	vld [tilespmem:s13+$0x20]  }
0x408: {  	v3 =	vld [tilespmem:s13+$0xFFFFFFD0]  }
0x409: {  	v8 =	vmul.f32 v4, v1;
	v4 =	vld [tilespmem:s13+$0x0]  }
0x40a: {  	v6 =	vmul.f32 v5, v1  }
0x40b: {  	s20 =	simm.s32 $0x1;
	s22 =	simm.s32 $0x14EC0;
	v5 =	vmul.f32 v9, v1;
	v7 =	vmul.f32 v7, v1  }
.LBB2_17:
0x40c: {  	p0 =	sne.s32 s20, $0x7F  }
0x40d: {  	v3 =	vmul.f32 v3, v1;
	v2 =	vmul.f32 v2, v1;
	[tilespmem:s13+$0x30] =	vst v8;
	s22 =	sadd.s32 $0x80, s22;
	s29 =	smov.u32 s20;
	s20 =	sadd.s32 $0x1, s20  }
0x40e: {  	[tilespmem:s13+$0xFFFFFFC0] =	vst v6;
	v6 =	vmul.f32 v0, v1;
	v1 =	vmul.f32 v4, v1  }
0x40f: {  	[tilespmem:s13+$0x10] =	vst v7  }
0x410: {  	v4 =	vmov s29;
	[tilespmem:s13+$0xFFFFFFE0] =	vst v5  }
0x411: {  	v0 =	vld [tilespmem:s22+$0xFFFFFFF0];
	[tilespmem:s13+$0xFFFFFFF0] =	vst v6  }
0x412: {  	v5 =	vld [tilespmem:s22+$0x30];
	[tilespmem:s13+$0x0] =	vst v1  }
0x413: {  	v7 =	vld [tilespmem:s22+$0x10];
	[tilespmem:s13+$0x20] =	vst v2  }
0x414: {  	v6 =	vld [tilespmem:s22+$0xFFFFFFC0];
	[tilespmem:s13+$0xFFFFFFD0] =	vst v3;
	s13 =	smov.u32 s22  }
0x415: {  	v1 =	vld.idx.msk [tilespmem:v4+s15+$0x0], $0xffff  }
0x416: {  	v9 =	vld [tilespmem:s22+$0xFFFFFFE0]  }
0x417: {  	v2 =	vld [tilespmem:s22+$0x20]  }
.Ltmp7:
0x418: {  	v3 =	vld [tilespmem:s22+$0xFFFFFFD0];
	(pc) =	sbr.rel @p0 .LBB2_17-.Ltmp7, $3  }
0x419: {  	v4 =	vld [tilespmem:s22+$0x0];
	_ =	sdelay $0x1  }
0x41a: {  	v6 =	vmul.f32 v6, v1;
	v8 =	vmul.f32 v5, v1  }
0x41b: {  	v7 =	vmul.f32 v7, v1;
	v5 =	vmul.f32 v9, v1  }
0x41c: {  	[tilespmem:s13+$0x30] =	vst v8  }
0x41d: {  	[tilespmem:s13+$0xFFFFFFC0] =	vst v6  }
0x41e: {  	v0 =	vmul.f32 v0, v1;
	[tilespmem:s13+$0x10] =	vst v7  }
0x41f: {  	v2 =	vmul.f32 v2, v1;
	[tilespmem:s13+$0xFFFFFFE0] =	vst v5  }
0x420: {  	v4 =	vmul.f32 v4, v1;
	[tilespmem:s13+$0xFFFFFFF0] =	vst v0  }
0x421: {  	v0 =	vmul.f32 v3, v1;
	[tilespmem:s13+$0x20] =	vst v2  }
0x422: {  	[tilespmem:s13+$0x0] =	vst v4  }
0x423: {  	s20 =	simm.s32 $0x14480;
	[tilespmem:s13+$0xFFFFFFD0] =	vst v0  }
0x424: {  	[spmem:s18] =	stream.indirect.scatter.add.f32 [tilespmem:s11], [sflag:$0x3], $0x80, s20, s7, $0x2000b8;
	[tilespmem:$0x1F980] =	vst v63  }
0x425: {  	_ =	swait.ge [sflag:s16], $0x4000  }
0x426: {  	[sflag:s16] =	ssyncset.done $0x0  }
0x427: {  	[sflag:s16] =	ssyncadd.s32 $0xFFFFC000  }
0x428: {  	_ =	swait.ge [sflag:s19], $0x4000  }
0x429: {  	[sflag:s19] =	ssyncset.done $0x0  }
0x42a: {  	s22 =	simm.s32 $0x14980;
	[sflag:s19] =	ssyncadd.s32 $0xFFFFC000  }
0x42b: {  	[tilespmem:s11], [sflag:$0x1] =	stream.indirect.gather [hbm4b:s26+s7], $0x80, s22, s7, $0x2000b8;
	[tilespmem:$0x1F980] =	vst v63  }
0x42c: {  	v0 =	vld [tilespmem:$0x14900];
	_ =	sdelay $0x1  }
0x42d: {  	v1 =	vld [tilespmem:$0x14500];
	_ =	sdelay $0x4  }
0x42e: {  	v2 =	vld [tilespmem:$0x14D00]  }
0x42f: {  	v0 =	vld.idx.msk [tilespmem:v0+s4+$0x0], $0xffff  }
0x430: {  	v3 =	vld [tilespmem:$0x14910]  }
0x431: {  	v1 =	vld.idx.msk [tilespmem:v1+s4+$0x0], $0xffff  }
0x432: {  	v4 =	vld [tilespmem:$0x14510];
	_ =	sdelay $0x1  }
0x433: {  	v0 =	vmul.f32 v0, v2;
	_ =	sdelay $0x1  }
0x434: {  	v0 =	vmul.f32 v1, v0;
	_ =	sdelay $0x1  }
0x435: {  	[tilespmem:$0x1F900] =	vst v0;
	v0 =	vld [tilespmem:$0x14D10]  }
0x436: {  	v1 =	vld.idx.msk [tilespmem:v3+s4+$0x0], $0xffff  }
0x437: {  	v2 =	vld.idx.msk [tilespmem:v4+s4+$0x0], $0xffff  }
0x438: {  	v3 =	vld [tilespmem:$0x14920]  }
0x439: {  	v4 =	vld [tilespmem:$0x14520];
	_ =	sdelay $0x1  }
0x43a: {  	v0 =	vmul.f32 v1, v0;
	_ =	sdelay $0x1  }
0x43b: {  	v0 =	vmul.f32 v2, v0;
	_ =	sdelay $0x1  }
0x43c: {  	[tilespmem:$0x1F910] =	vst v0;
	v0 =	vld [tilespmem:$0x14D20]  }
0x43d: {  	v1 =	vld.idx.msk [tilespmem:v3+s4+$0x0], $0xffff  }
0x43e: {  	v2 =	vld.idx.msk [tilespmem:v4+s4+$0x0], $0xffff  }
0x43f: {  	v3 =	vld [tilespmem:$0x14930]  }
0x440: {  	v4 =	vld [tilespmem:$0x14530];
	_ =	sdelay $0x1  }
0x441: {  	v0 =	vmul.f32 v1, v0;
	_ =	sdelay $0x1  }
0x442: {  	v0 =	vmul.f32 v2, v0;
	_ =	sdelay $0x1  }
0x443: {  	[tilespmem:$0x1F920] =	vst v0;
	v0 =	vld [tilespmem:$0x14D30]  }
0x444: {  	v1 =	vld.idx.msk [tilespmem:v3+s4+$0x0], $0xffff  }
0x445: {  	v2 =	vld.idx.msk [tilespmem:v4+s4+$0x0], $0xffff  }
0x446: {  	v3 =	vld [tilespmem:$0x14940]  }
0x447: {  	v4 =	vld [tilespmem:$0x14540];
	_ =	sdelay $0x1  }
0x448: {  	v0 =	vmul.f32 v1, v0;
	_ =	sdelay $0x1  }
0x449: {  	v0 =	vmul.f32 v2, v0;
	_ =	sdelay $0x1  }
0x44a: {  	[tilespmem:$0x1F930] =	vst v0;
	v0 =	vld [tilespmem:$0x14D40]  }
0x44b: {  	v1 =	vld.idx.msk [tilespmem:v3+s4+$0x0], $0xffff  }
0x44c: {  	v2 =	vld.idx.msk [tilespmem:v4+s4+$0x0], $0xffff  }
0x44d: {  	v3 =	vld [tilespmem:$0x14950]  }
0x44e: {  	v4 =	vld [tilespmem:$0x14550];
	_ =	sdelay $0x1  }
0x44f: {  	v0 =	vmul.f32 v1, v0;
	_ =	sdelay $0x1  }
0x450: {  	v0 =	vmul.f32 v2, v0;
	_ =	sdelay $0x1  }
0x451: {  	[tilespmem:$0x1F940] =	vst v0;
	v0 =	vld [tilespmem:$0x14D50]  }
0x452: {  	v1 =	vld.idx.msk [tilespmem:v3+s4+$0x0], $0xffff  }
0x453: {  	v2 =	vld.idx.msk [tilespmem:v4+s4+$0x0], $0xffff  }
0x454: {  	v3 =	vld [tilespmem:$0x14960]  }
0x455: {  	v4 =	vld [tilespmem:$0x14560];
	_ =	sdelay $0x1  }
0x456: {  	v0 =	vmul.f32 v1, v0;
	_ =	sdelay $0x1  }
0x457: {  	v0 =	vmul.f32 v2, v0;
	_ =	sdelay $0x1  }
0x458: {  	[tilespmem:$0x1F950] =	vst v0;
	v0 =	vld [tilespmem:$0x14D60]  }
0x459: {  	v1 =	vld.idx.msk [tilespmem:v3+s4+$0x0], $0xffff  }
0x45a: {  	v2 =	vld.idx.msk [tilespmem:v4+s4+$0x0], $0xffff  }
0x45b: {  	v3 =	vld [tilespmem:$0x14970];
	_ =	sdelay $0x1  }
0x45c: {  	v4 =	vld [tilespmem:$0x14570]  }
0x45d: {  	v0 =	vmul.f32 v1, v0;
	_ =	sdelay $0x1  }
0x45e: {  	v0 =	vmul.f32 v2, v0;
	_ =	sdelay $0x1  }
0x45f: {  	[tilespmem:$0x1F960] =	vst v0;
	v0 =	vld [tilespmem:$0x14D70]  }
0x460: {  	v1 =	vld.idx.msk [tilespmem:v3+s4+$0x0], $0xffff;
	_ =	sdelay $0x1  }
0x461: {  	v2 =	vld.idx.msk [tilespmem:v4+s4+$0x0], $0xffff;
	_ =	sdelay $0x2  }
0x462: {  	v0 =	vmul.f32 v1, v0;
	_ =	sdelay $0x1  }
0x463: {  	s29 =	simm.s32 $0x0;
	v0 =	vmul.f32 v2, v0  }
0x464: {  	v1 =	vmov s29  }
0x465: {  	s13 =	simm.s32 $0x18EC0;
	[tilespmem:$0x1F970] =	vst v0  }
0x466: {  	v4 =	vld [tilespmem:s13+$0x30]  }
0x467: {  	v7 =	vld [tilespmem:s13+$0x10]  }
0x468: {  	v5 =	vld [tilespmem:s13+$0xFFFFFFC0]  }
0x469: {  	v1 =	vld.idx.msk [tilespmem:v1+s15+$0x0], $0xffff  }
0x46a: {  	v9 =	vld [tilespmem:s13+$0xFFFFFFE0]  }
0x46b: {  	v0 =	vld [tilespmem:s13+$0xFFFFFFF0]  }
0x46c: {  	v2 =	vld [tilespmem:s13+$0x20]  }
0x46d: {  	v3 =	vld [tilespmem:s13+$0xFFFFFFD0]  }
0x46e: {  	v8 =	vmul.f32 v4, v1;
	v4 =	vld [tilespmem:s13+$0x0]  }
0x46f: {  	v6 =	vmul.f32 v5, v1  }
0x470: {  	s20 =	simm.s32 $0x1;
	s22 =	simm.s32 $0x18EC0;
	v5 =	vmul.f32 v9, v1;
	v7 =	vmul.f32 v7, v1  }
.LBB2_19:
0x471: {  	p0 =	sne.s32 s20, $0x7F  }
0x472: {  	v3 =	vmul.f32 v3, v1;
	v2 =	vmul.f32 v2, v1;
	[tilespmem:s13+$0x30] =	vst v8;
	s22 =	sadd.s32 $0x80, s22;
	s29 =	smov.u32 s20;
	s20 =	sadd.s32 $0x1, s20  }
0x473: {  	[tilespmem:s13+$0xFFFFFFC0] =	vst v6;
	v6 =	vmul.f32 v0, v1;
	v1 =	vmul.f32 v4, v1  }
0x474: {  	[tilespmem:s13+$0x10] =	vst v7  }
0x475: {  	v4 =	vmov s29;
	[tilespmem:s13+$0xFFFFFFE0] =	vst v5  }
0x476: {  	v0 =	vld [tilespmem:s22+$0xFFFFFFF0];
	[tilespmem:s13+$0xFFFFFFF0] =	vst v6  }
0x477: {  	v5 =	vld [tilespmem:s22+$0x30];
	[tilespmem:s13+$0x0] =	vst v1  }
0x478: {  	v7 =	vld [tilespmem:s22+$0x10];
	[tilespmem:s13+$0x20] =	vst v2  }
0x479: {  	v6 =	vld [tilespmem:s22+$0xFFFFFFC0];
	[tilespmem:s13+$0xFFFFFFD0] =	vst v3;
	s13 =	smov.u32 s22  }
0x47a: {  	v1 =	vld.idx.msk [tilespmem:v4+s15+$0x0], $0xffff  }
0x47b: {  	v9 =	vld [tilespmem:s22+$0xFFFFFFE0]  }
0x47c: {  	v2 =	vld [tilespmem:s22+$0x20]  }
.Ltmp8:
0x47d: {  	v3 =	vld [tilespmem:s22+$0xFFFFFFD0];
	(pc) =	sbr.rel @p0 .LBB2_19-.Ltmp8, $3  }
0x47e: {  	v4 =	vld [tilespmem:s22+$0x0];
	_ =	sdelay $0x1  }
0x47f: {  	v6 =	vmul.f32 v6, v1;
	v8 =	vmul.f32 v5, v1  }
0x480: {  	v7 =	vmul.f32 v7, v1;
	v5 =	vmul.f32 v9, v1  }
0x481: {  	[tilespmem:s13+$0x30] =	vst v8  }
0x482: {  	[tilespmem:s13+$0xFFFFFFC0] =	vst v6  }
0x483: {  	v0 =	vmul.f32 v0, v1;
	[tilespmem:s13+$0x10] =	vst v7  }
0x484: {  	v2 =	vmul.f32 v2, v1;
	[tilespmem:s13+$0xFFFFFFE0] =	vst v5  }
0x485: {  	v4 =	vmul.f32 v4, v1;
	[tilespmem:s13+$0xFFFFFFF0] =	vst v0  }
0x486: {  	v0 =	vmul.f32 v3, v1;
	[tilespmem:s13+$0x20] =	vst v2  }
0x487: {  	[tilespmem:s13+$0x0] =	vst v4  }
0x488: {  	s20 =	simm.s32 $0x14500;
	[tilespmem:s13+$0xFFFFFFD0] =	vst v0  }
0x489: {  	[spmem:s18] =	stream.indirect.scatter.add.f32 [tilespmem:s14], [sflag:$0x4], $0x80, s20, s7, $0x2000b8;
	[tilespmem:$0x1F980] =	vst v63  }
0x48a: {  	_ =	swait.ge [sflag:s12], $0x4000  }
0x48b: {  	[sflag:s12] =	ssyncset.done $0x0  }
0x48c: {  	[sflag:s12] =	ssyncadd.s32 $0xFFFFC000  }
0x48d: {  	_ =	swait.ge [sflag:s28], $0x4000  }
0x48e: {  	[sflag:s28] =	ssyncset.done $0x0  }
0x48f: {  	s22 =	simm.s32 $0x14A00;
	[sflag:s28] =	ssyncadd.s32 $0xFFFFC000  }
0x490: {  	[tilespmem:s14], [sflag:$0x2] =	stream.indirect.gather [hbm4b:s26+s7], $0x80, s22, s7, $0x2000b8;
	[tilespmem:$0x1F980] =	vst v63  }
0x491: {  	v0 =	vld [tilespmem:$0x14980];
	_ =	sdelay $0x1  }
0x492: {  	v1 =	vld [tilespmem:$0x14580];
	_ =	sdelay $0x4  }
0x493: {  	v2 =	vld [tilespmem:$0x14D80]  }
0x494: {  	v0 =	vld.idx.msk [tilespmem:v0+s4+$0x0], $0xffff  }
0x495: {  	v3 =	vld [tilespmem:$0x14990]  }
0x496: {  	v1 =	vld.idx.msk [tilespmem:v1+s4+$0x0], $0xffff  }
0x497: {  	v4 =	vld [tilespmem:$0x14590];
	_ =	sdelay $0x1  }
0x498: {  	v0 =	vmul.f32 v0, v2;
	_ =	sdelay $0x1  }
0x499: {  	v0 =	vmul.f32 v1, v0;
	_ =	sdelay $0x1  }
0x49a: {  	[tilespmem:$0x1F900] =	vst v0;
	v0 =	vld [tilespmem:$0x14D90]  }
0x49b: {  	v1 =	vld.idx.msk [tilespmem:v3+s4+$0x0], $0xffff  }
0x49c: {  	v2 =	vld.idx.msk [tilespmem:v4+s4+$0x0], $0xffff  }
0x49d: {  	v3 =	vld [tilespmem:$0x149A0]  }
0x49e: {  	v4 =	vld [tilespmem:$0x145A0];
	_ =	sdelay $0x1  }
0x49f: {  	v0 =	vmul.f32 v1, v0;
	_ =	sdelay $0x1  }
0x4a0: {  	v0 =	vmul.f32 v2, v0;
	_ =	sdelay $0x1  }
0x4a1: {  	[tilespmem:$0x1F910] =	vst v0;
	v0 =	vld [tilespmem:$0x14DA0]  }
0x4a2: {  	v1 =	vld.idx.msk [tilespmem:v3+s4+$0x0], $0xffff  }
0x4a3: {  	v2 =	vld.idx.msk [tilespmem:v4+s4+$0x0], $0xffff  }
0x4a4: {  	v3 =	vld [tilespmem:$0x149B0]  }
0x4a5: {  	v4 =	vld [tilespmem:$0x145B0];
	_ =	sdelay $0x1  }
0x4a6: {  	v0 =	vmul.f32 v1, v0;
	_ =	sdelay $0x1  }
0x4a7: {  	v0 =	vmul.f32 v2, v0;
	_ =	sdelay $0x1  }
0x4a8: {  	[tilespmem:$0x1F920] =	vst v0;
	v0 =	vld [tilespmem:$0x14DB0]  }
0x4a9: {  	v1 =	vld.idx.msk [tilespmem:v3+s4+$0x0], $0xffff  }
0x4aa: {  	v2 =	vld.idx.msk [tilespmem:v4+s4+$0x0], $0xffff  }
0x4ab: {  	v3 =	vld [tilespmem:$0x149C0]  }
0x4ac: {  	v4 =	vld [tilespmem:$0x145C0];
	_ =	sdelay $0x1  }
0x4ad: {  	v0 =	vmul.f32 v1, v0;
	_ =	sdelay $0x1  }
0x4ae: {  	v0 =	vmul.f32 v2, v0;
	_ =	sdelay $0x1  }
0x4af: {  	[tilespmem:$0x1F930] =	vst v0;
	v0 =	vld [tilespmem:$0x14DC0]  }
0x4b0: {  	v1 =	vld.idx.msk [tilespmem:v3+s4+$0x0], $0xffff  }
0x4b1: {  	v2 =	vld.idx.msk [tilespmem:v4+s4+$0x0], $0xffff  }
0x4b2: {  	v3 =	vld [tilespmem:$0x149D0]  }
0x4b3: {  	v4 =	vld [tilespmem:$0x145D0];
	_ =	sdelay $0x1  }
0x4b4: {  	v0 =	vmul.f32 v1, v0;
	_ =	sdelay $0x1  }
0x4b5: {  	v0 =	vmul.f32 v2, v0;
	_ =	sdelay $0x1  }
0x4b6: {  	[tilespmem:$0x1F940] =	vst v0;
	v0 =	vld [tilespmem:$0x14DD0]  }
0x4b7: {  	v1 =	vld.idx.msk [tilespmem:v3+s4+$0x0], $0xffff  }
0x4b8: {  	v2 =	vld.idx.msk [tilespmem:v4+s4+$0x0], $0xffff  }
0x4b9: {  	v3 =	vld [tilespmem:$0x149E0]  }
0x4ba: {  	v4 =	vld [tilespmem:$0x145E0];
	_ =	sdelay $0x1  }
0x4bb: {  	v0 =	vmul.f32 v1, v0;
	_ =	sdelay $0x1  }
0x4bc: {  	v0 =	vmul.f32 v2, v0;
	_ =	sdelay $0x1  }
0x4bd: {  	[tilespmem:$0x1F950] =	vst v0;
	v0 =	vld [tilespmem:$0x14DE0]  }
0x4be: {  	v1 =	vld.idx.msk [tilespmem:v3+s4+$0x0], $0xffff  }
0x4bf: {  	v2 =	vld.idx.msk [tilespmem:v4+s4+$0x0], $0xffff  }
0x4c0: {  	v3 =	vld [tilespmem:$0x149F0];
	_ =	sdelay $0x1  }
0x4c1: {  	v4 =	vld [tilespmem:$0x145F0]  }
0x4c2: {  	v0 =	vmul.f32 v1, v0;
	_ =	sdelay $0x1  }
0x4c3: {  	v0 =	vmul.f32 v2, v0;
	_ =	sdelay $0x1  }
0x4c4: {  	[tilespmem:$0x1F960] =	vst v0;
	v0 =	vld [tilespmem:$0x14DF0]  }
0x4c5: {  	v1 =	vld.idx.msk [tilespmem:v3+s4+$0x0], $0xffff;
	_ =	sdelay $0x1  }
0x4c6: {  	v2 =	vld.idx.msk [tilespmem:v4+s4+$0x0], $0xffff;
	_ =	sdelay $0x2  }
0x4c7: {  	v0 =	vmul.f32 v1, v0;
	_ =	sdelay $0x1  }
0x4c8: {  	s29 =	simm.s32 $0x0;
	v0 =	vmul.f32 v2, v0  }
0x4c9: {  	v1 =	vmov s29  }
0x4ca: {  	s13 =	simm.s32 $0x14EC0;
	[tilespmem:$0x1F970] =	vst v0  }
0x4cb: {  	v4 =	vld [tilespmem:s13+$0x30]  }
0x4cc: {  	v7 =	vld [tilespmem:s13+$0x10]  }
0x4cd: {  	v5 =	vld [tilespmem:s13+$0xFFFFFFC0]  }
0x4ce: {  	v1 =	vld.idx.msk [tilespmem:v1+s15+$0x0], $0xffff  }
0x4cf: {  	v9 =	vld [tilespmem:s13+$0xFFFFFFE0]  }
0x4d0: {  	v0 =	vld [tilespmem:s13+$0xFFFFFFF0]  }
0x4d1: {  	v2 =	vld [tilespmem:s13+$0x20]  }
0x4d2: {  	v3 =	vld [tilespmem:s13+$0xFFFFFFD0]  }
0x4d3: {  	v8 =	vmul.f32 v4, v1;
	v4 =	vld [tilespmem:s13+$0x0]  }
0x4d4: {  	v6 =	vmul.f32 v5, v1  }
0x4d5: {  	s20 =	simm.s32 $0x1;
	s22 =	simm.s32 $0x14EC0;
	v5 =	vmul.f32 v9, v1;
	v7 =	vmul.f32 v7, v1  }
.LBB2_21:
0x4d6: {  	p0 =	sne.s32 s20, $0x7F  }
0x4d7: {  	v3 =	vmul.f32 v3, v1;
	v2 =	vmul.f32 v2, v1;
	[tilespmem:s13+$0x30] =	vst v8;
	s22 =	sadd.s32 $0x80, s22;
	s29 =	smov.u32 s20;
	s20 =	sadd.s32 $0x1, s20  }
0x4d8: {  	[tilespmem:s13+$0xFFFFFFC0] =	vst v6;
	v6 =	vmul.f32 v0, v1;
	v1 =	vmul.f32 v4, v1  }
0x4d9: {  	[tilespmem:s13+$0x10] =	vst v7  }
0x4da: {  	v4 =	vmov s29;
	[tilespmem:s13+$0xFFFFFFE0] =	vst v5  }
0x4db: {  	v0 =	vld [tilespmem:s22+$0xFFFFFFF0];
	[tilespmem:s13+$0xFFFFFFF0] =	vst v6  }
0x4dc: {  	v5 =	vld [tilespmem:s22+$0x30];
	[tilespmem:s13+$0x0] =	vst v1  }
0x4dd: {  	v7 =	vld [tilespmem:s22+$0x10];
	[tilespmem:s13+$0x20] =	vst v2  }
0x4de: {  	v6 =	vld [tilespmem:s22+$0xFFFFFFC0];
	[tilespmem:s13+$0xFFFFFFD0] =	vst v3;
	s13 =	smov.u32 s22  }
0x4df: {  	v1 =	vld.idx.msk [tilespmem:v4+s15+$0x0], $0xffff  }
0x4e0: {  	v9 =	vld [tilespmem:s22+$0xFFFFFFE0]  }
0x4e1: {  	v2 =	vld [tilespmem:s22+$0x20]  }
.Ltmp9:
0x4e2: {  	v3 =	vld [tilespmem:s22+$0xFFFFFFD0];
	(pc) =	sbr.rel @p0 .LBB2_21-.Ltmp9, $3  }
0x4e3: {  	v4 =	vld [tilespmem:s22+$0x0];
	_ =	sdelay $0x1  }
0x4e4: {  	v6 =	vmul.f32 v6, v1;
	v8 =	vmul.f32 v5, v1  }
0x4e5: {  	v7 =	vmul.f32 v7, v1;
	v5 =	vmul.f32 v9, v1  }
0x4e6: {  	[tilespmem:s13+$0x30] =	vst v8  }
0x4e7: {  	[tilespmem:s13+$0xFFFFFFC0] =	vst v6  }
0x4e8: {  	v0 =	vmul.f32 v0, v1;
	[tilespmem:s13+$0x10] =	vst v7  }
0x4e9: {  	v2 =	vmul.f32 v2, v1;
	[tilespmem:s13+$0xFFFFFFE0] =	vst v5  }
0x4ea: {  	v4 =	vmul.f32 v4, v1;
	[tilespmem:s13+$0xFFFFFFF0] =	vst v0  }
0x4eb: {  	v0 =	vmul.f32 v3, v1;
	[tilespmem:s13+$0x20] =	vst v2  }
0x4ec: {  	[tilespmem:s13+$0x0] =	vst v4  }
0x4ed: {  	[tilespmem:s13+$0xFFFFFFD0] =	vst v0  }
0x4ee: {  	[spmem:s18] =	stream.indirect.scatter.add.f32 [tilespmem:s11], [sflag:$0x3], $0x80, s30, s7, $0x2000b8;
	[tilespmem:$0x1F980] =	vst v63  }
0x4ef: {  	_ =	swait.ge [sflag:s16], $0x4000  }
0x4f0: {  	[sflag:s16] =	ssyncset.done $0x0  }
0x4f1: {  	[sflag:s16] =	ssyncadd.s32 $0xFFFFC000  }
0x4f2: {  	v0 =	vld [tilespmem:$0x14A00];
	_ =	sdelay $0x1  }
0x4f3: {  	v1 =	vld [tilespmem:$0x14600];
	_ =	sdelay $0x4  }
0x4f4: {  	v2 =	vld [tilespmem:$0x14E00]  }
0x4f5: {  	v0 =	vld.idx.msk [tilespmem:v0+s4+$0x0], $0xffff  }
0x4f6: {  	v3 =	vld [tilespmem:$0x14A10]  }
0x4f7: {  	v1 =	vld.idx.msk [tilespmem:v1+s4+$0x0], $0xffff  }
0x4f8: {  	v4 =	vld [tilespmem:$0x14610];
	_ =	sdelay $0x1  }
0x4f9: {  	v0 =	vmul.f32 v0, v2;
	_ =	sdelay $0x1  }
0x4fa: {  	v0 =	vmul.f32 v1, v0;
	_ =	sdelay $0x1  }
0x4fb: {  	[tilespmem:$0x1F900] =	vst v0;
	v0 =	vld [tilespmem:$0x14E10]  }
0x4fc: {  	v1 =	vld.idx.msk [tilespmem:v3+s4+$0x0], $0xffff  }
0x4fd: {  	v2 =	vld.idx.msk [tilespmem:v4+s4+$0x0], $0xffff  }
0x4fe: {  	v3 =	vld [tilespmem:$0x14A20]  }
0x4ff: {  	v4 =	vld [tilespmem:$0x14620];
	_ =	sdelay $0x1  }
0x500: {  	v0 =	vmul.f32 v1, v0;
	_ =	sdelay $0x1  }
0x501: {  	v0 =	vmul.f32 v2, v0;
	_ =	sdelay $0x1  }
0x502: {  	[tilespmem:$0x1F910] =	vst v0;
	v0 =	vld [tilespmem:$0x14E20]  }
0x503: {  	v1 =	vld.idx.msk [tilespmem:v3+s4+$0x0], $0xffff  }
0x504: {  	v2 =	vld.idx.msk [tilespmem:v4+s4+$0x0], $0xffff  }
0x505: {  	v3 =	vld [tilespmem:$0x14A30]  }
0x506: {  	v4 =	vld [tilespmem:$0x14630];
	_ =	sdelay $0x1  }
0x507: {  	v0 =	vmul.f32 v1, v0;
	_ =	sdelay $0x1  }
0x508: {  	v0 =	vmul.f32 v2, v0;
	_ =	sdelay $0x1  }
0x509: {  	[tilespmem:$0x1F920] =	vst v0;
	v0 =	vld [tilespmem:$0x14E30]  }
0x50a: {  	v1 =	vld.idx.msk [tilespmem:v3+s4+$0x0], $0xffff  }
0x50b: {  	v2 =	vld.idx.msk [tilespmem:v4+s4+$0x0], $0xffff  }
0x50c: {  	v3 =	vld [tilespmem:$0x14A40]  }
0x50d: {  	v4 =	vld [tilespmem:$0x14640];
	_ =	sdelay $0x1  }
0x50e: {  	v0 =	vmul.f32 v1, v0;
	_ =	sdelay $0x1  }
0x50f: {  	v0 =	vmul.f32 v2, v0;
	_ =	sdelay $0x1  }
0x510: {  	[tilespmem:$0x1F930] =	vst v0;
	v0 =	vld [tilespmem:$0x14E40]  }
0x511: {  	v1 =	vld.idx.msk [tilespmem:v3+s4+$0x0], $0xffff  }
0x512: {  	v2 =	vld.idx.msk [tilespmem:v4+s4+$0x0], $0xffff  }
0x513: {  	v3 =	vld [tilespmem:$0x14A50]  }
0x514: {  	v4 =	vld [tilespmem:$0x14650];
	_ =	sdelay $0x1  }
0x515: {  	v0 =	vmul.f32 v1, v0;
	_ =	sdelay $0x1  }
0x516: {  	v0 =	vmul.f32 v2, v0;
	_ =	sdelay $0x1  }
0x517: {  	[tilespmem:$0x1F940] =	vst v0;
	v0 =	vld [tilespmem:$0x14E50]  }
0x518: {  	v1 =	vld.idx.msk [tilespmem:v3+s4+$0x0], $0xffff  }
0x519: {  	v2 =	vld.idx.msk [tilespmem:v4+s4+$0x0], $0xffff  }
0x51a: {  	v3 =	vld [tilespmem:$0x14A60]  }
0x51b: {  	v4 =	vld [tilespmem:$0x14660];
	_ =	sdelay $0x1  }
0x51c: {  	v0 =	vmul.f32 v1, v0;
	_ =	sdelay $0x1  }
0x51d: {  	v0 =	vmul.f32 v2, v0;
	_ =	sdelay $0x1  }
0x51e: {  	[tilespmem:$0x1F950] =	vst v0;
	v0 =	vld [tilespmem:$0x14E60]  }
0x51f: {  	v1 =	vld.idx.msk [tilespmem:v3+s4+$0x0], $0xffff  }
0x520: {  	v2 =	vld.idx.msk [tilespmem:v4+s4+$0x0], $0xffff  }
0x521: {  	v3 =	vld [tilespmem:$0x14A70];
	_ =	sdelay $0x1  }
0x522: {  	v4 =	vld [tilespmem:$0x14670]  }
0x523: {  	v0 =	vmul.f32 v1, v0;
	_ =	sdelay $0x1  }
0x524: {  	v0 =	vmul.f32 v2, v0;
	_ =	sdelay $0x1  }
0x525: {  	[tilespmem:$0x1F960] =	vst v0;
	v0 =	vld [tilespmem:$0x14E70]  }
0x526: {  	v1 =	vld.idx.msk [tilespmem:v3+s4+$0x0], $0xffff;
	_ =	sdelay $0x1  }
0x527: {  	v2 =	vld.idx.msk [tilespmem:v4+s4+$0x0], $0xffff;
	_ =	sdelay $0x2  }
0x528: {  	v0 =	vmul.f32 v1, v0;
	_ =	sdelay $0x1  }
0x529: {  	s29 =	simm.s32 $0x0;
	v0 =	vmul.f32 v2, v0  }
0x52a: {  	v1 =	vmov s29  }
0x52b: {  	s13 =	simm.s32 $0x18EC0;
	[tilespmem:$0x1F970] =	vst v0  }
0x52c: {  	v4 =	vld [tilespmem:s13+$0x30]  }
0x52d: {  	v7 =	vld [tilespmem:s13+$0x10]  }
0x52e: {  	v5 =	vld [tilespmem:s13+$0xFFFFFFC0]  }
0x52f: {  	v1 =	vld.idx.msk [tilespmem:v1+s15+$0x0], $0xffff  }
0x530: {  	v9 =	vld [tilespmem:s13+$0xFFFFFFE0]  }
0x531: {  	v0 =	vld [tilespmem:s13+$0xFFFFFFF0]  }
0x532: {  	v2 =	vld [tilespmem:s13+$0x20]  }
0x533: {  	v3 =	vld [tilespmem:s13+$0xFFFFFFD0]  }
0x534: {  	v8 =	vmul.f32 v4, v1;
	v4 =	vld [tilespmem:s13+$0x0]  }
0x535: {  	v6 =	vmul.f32 v5, v1  }
0x536: {  	s20 =	simm.s32 $0x1;
	s22 =	simm.s32 $0x18EC0;
	v5 =	vmul.f32 v9, v1;
	v7 =	vmul.f32 v7, v1  }
.LBB2_23:
0x537: {  	p0 =	sne.s32 s20, $0x7F  }
0x538: {  	v3 =	vmul.f32 v3, v1;
	v2 =	vmul.f32 v2, v1;
	[tilespmem:s13+$0x30] =	vst v8;
	s22 =	sadd.s32 $0x80, s22;
	s29 =	smov.u32 s20;
	s20 =	sadd.s32 $0x1, s20  }
0x539: {  	[tilespmem:s13+$0xFFFFFFC0] =	vst v6;
	v6 =	vmul.f32 v0, v1;
	v1 =	vmul.f32 v4, v1  }
0x53a: {  	[tilespmem:s13+$0x10] =	vst v7  }
0x53b: {  	v4 =	vmov s29;
	[tilespmem:s13+$0xFFFFFFE0] =	vst v5  }
0x53c: {  	v0 =	vld [tilespmem:s22+$0xFFFFFFF0];
	[tilespmem:s13+$0xFFFFFFF0] =	vst v6  }
0x53d: {  	v5 =	vld [tilespmem:s22+$0x30];
	[tilespmem:s13+$0x0] =	vst v1  }
0x53e: {  	v7 =	vld [tilespmem:s22+$0x10];
	[tilespmem:s13+$0x20] =	vst v2  }
0x53f: {  	v6 =	vld [tilespmem:s22+$0xFFFFFFC0];
	[tilespmem:s13+$0xFFFFFFD0] =	vst v3;
	s13 =	smov.u32 s22  }
0x540: {  	v1 =	vld.idx.msk [tilespmem:v4+s15+$0x0], $0xffff  }
0x541: {  	v9 =	vld [tilespmem:s22+$0xFFFFFFE0]  }
0x542: {  	v2 =	vld [tilespmem:s22+$0x20]  }
.Ltmp10:
0x543: {  	v3 =	vld [tilespmem:s22+$0xFFFFFFD0];
	(pc) =	sbr.rel @p0 .LBB2_23-.Ltmp10, $3  }
0x544: {  	v4 =	vld [tilespmem:s22+$0x0];
	_ =	sdelay $0x1  }
0x545: {  	v6 =	vmul.f32 v6, v1;
	v8 =	vmul.f32 v5, v1  }
0x546: {  	v7 =	vmul.f32 v7, v1;
	v5 =	vmul.f32 v9, v1  }
0x547: {  	[tilespmem:s13+$0x30] =	vst v8  }
0x548: {  	[tilespmem:s13+$0xFFFFFFC0] =	vst v6  }
0x549: {  	v0 =	vmul.f32 v0, v1;
	[tilespmem:s13+$0x10] =	vst v7  }
0x54a: {  	v2 =	vmul.f32 v2, v1;
	[tilespmem:s13+$0xFFFFFFE0] =	vst v5  }
0x54b: {  	v63 =	vmul.f32 v3, v1;
	[tilespmem:s13+$0xFFFFFFF0] =	vst v0  }
0x54c: {  	v4 =	vmul.f32 v4, v1;
	[tilespmem:s13+$0x20] =	vst v2  }
0x54d: {  	[tilespmem:s13+$0xFFFFFFD0] =	vst v63  }
0x54e: {  	s8 =	sadd.s32 $0x1, s8;
	[tilespmem:s13+$0x0] =	vst v4  }
0x54f: {  	[spmem:s18] =	stream.indirect.scatter.add.f32 [tilespmem:s14], [sflag:$0x4], $0x80, s17, s7, $0x2000b8;
	[tilespmem:$0x1F980] =	vst v63  }
0x550: {  	p0 =	sne.s32 s8, $0xB;
	_ =	swait.ge [sflag:s19], $0x4000  }
.Ltmp11:
0x551: {  	[sflag:s19] =	ssyncset.done $0x0;
	(pc) =	sbr.rel @p0 .LBB2_8-.Ltmp11, $4  }
0x552: {  	[sflag:s19] =	ssyncadd.s32 $0xFFFFC000  }
0x553: {  	_ =	swait.ge [sflag:s28], $0x4000  }
0x554: {  	[sflag:s28] =	ssyncset.done $0x0  }
0x555: {  	[sflag:s28] =	ssyncadd.s32 $0xFFFFC000  }
0x556: {  	[bflag:$0x0] =	sbarrier.arrive $0xFFFF  }
0x557: {  	_ =	strace $0x9000004B  }
0x558: {  	_ =	strace $0x8000004C  }
0x559: {  	s1 =	rddreg [dreg:$0x19]  }
0x55a: {  	s8 =	rddreg [dreg:$0x1c]  }
0x55b: {  	s13 =	rddreg [dreg:$0x1d]  }
0x55c: {  	[hbm:s1], [sflag:s8] =	dma.local [spmem:s13], $0x2800  }
0x55d: {  	_ =	swait.ge [sflag:s3], $0x2800  }
0x55e: {  	s22 =	rddreg [dreg:$0x1b]  }
0x55f: {  	s29 =	rddreg [dreg:$0x1a];
	s8 =	sadd.s32 $0x1, s22  }
0x560: {  	p0 =	sne.s32 s8, s29  }
.Ltmp12:
0x561: {  	_ = 	snop;
	(pc) =	sbr.rel @p0 .LBB2_1-.Ltmp12, $4  }
0x562: {  	_ = 	snop  }
0x563: {  	[sflag:s3] =	ssyncset.done $0x0  }
0x564: {  	[sflag:s3] =	ssyncadd.s32 $0xFFFFD800  }
0x565: {  	_ =	strace $0x9000004C  }
0x566: {  	_ =	sfence.sel $0x180000  }
0x567: {  	[bflag:$0x0] =	sbarrier.arrive $0xFFFF  }
0x568: {  	_ =	strace $0x90000047  }
0x569: {  	s0 =	stileid.u32;
	[bflag:$0x2] =	sbarrier.arrive $0xFFFF  }
0x56a: {  	p0 =	sne.s32 s0, $0x0;
	s0 =	rddreg [dreg:$0x4]  }
0x56b: {  	s0 =	sadd.s32 @!p0 $0x100000, s0  }
0x56c: {  	[sflag:s0] =	ssyncadd.tile.s32 @!p0 $0x1;
	_ =	shalt  }
.Lfunc_end2:
_tile_overlayer_lowered:
.L_overlay_start_2:
0x56d: {  	(tag) =	ssettag $0x2  }
0x56e: {  	s0 =	rddreg [dreg:$0x0];
	s2 =	stileid.u32  }
0x56f: {  	s1 =	rddreg [dreg:$0x1];
	p0 =	sne.s32 s2, $0x0  }
0x570: {  	s3 =	rddreg [dreg:$0x2];
	[bflag:$0x3] =	sbarrier.arrive $0xFFFF;
	s2 =	simm.s32 @!p0 $0x1C06  }
0x571: {  	[timem:s3], [sflag:s2] =	dma.local @!p0 [hbm:s0], s1  }
0x572: {  	s0 =	simm.s32 @!p0 $0x6  }
0x573: {  	_ =	swait.ge @!p0 [sflag:s0], s1  }
0x574: {  	s1 =	ssub.s32 @!p0 $0x0, s1;
	[sflag:s0] =	ssyncset.done @!p0 $0x0  }
0x575: {  	[sflag:s0] =	ssyncadd.s32 @!p0 s1  }
0x576: {  	[bflag:$0x3] =	sbarrier.arrive $0xFFFF  }
0x577: {  	_ =	shalt  }

</sc_bundles>
